<compile_context>
chip_gen: v7x
topology: tpu7x:2x2x1
jax: 0.10.2.dev20260603
libtpu: 0.0.44.dev20260713+nightly
codegen_flags: <defaults>
</compile_context>

<pallas_src>
import functools

import jax
import jax.numpy as jnp
from jax import lax
from jax.experimental import pallas as pl
from jax.experimental.pallas import tpu as pltpu
from jax.experimental.pallas import tpu_sc as plsc

N_NODES = 10000
IN_CH = 128
HID_CH = 128
OUT_CH = 64
D = 64

NPAD = 10240
NTILES = 32
CHUNK = 128
NCHUNK = 80
EPT = CHUNK * NCHUNK
EPAD = EPT * NTILES
ROWS_PER_TILE = NPAD // 16

AGG_NCH1 = (160, 0)
AGG_NCH2 = (152, 8)
AGG_MAX = 160


@functools.lru_cache(maxsize=1)
def _sc_mesh():
    return plsc.VectorSubcoreMesh(core_axis_name="c", subcore_axis_name="s")


def _deg_body(dstp_hbm, out_hbm, dst_v, ones_v, zero_v, acc):
    c = lax.axis_index("c")
    s = lax.axis_index("s")
    tid = c * 16 + s
    pltpu.sync_copy(dstp_hbm.at[tid], dst_v)

    one16 = jnp.full((16,), 1.0, dtype=jnp.float32)
    zer16 = jnp.zeros((16,), dtype=jnp.float32)

    def fill(r, _):
        ones_v[r] = one16
        zero_v[r] = zer16
        return ()
    lax.fori_loop(0, CHUNK, fill, ())

    for i in range(ROWS_PER_TILE // CHUNK):
        pltpu.sync_copy(zero_v, acc.at[pl.ds(s * ROWS_PER_TILE + i * CHUNK, CHUNK)])
    plsc.subcore_barrier()

    def body(j, _):
        pltpu.sync_copy(ones_v, acc.at[dst_v.at[j]], add=True)
        return ()
    lax.fori_loop(0, NCHUNK, body, ())
    plsc.subcore_barrier()

    pltpu.sync_copy(acc.at[pl.ds(s * ROWS_PER_TILE, ROWS_PER_TILE)],
                    out_hbm.at[c, pl.ds(s * ROWS_PER_TILE, ROWS_PER_TILE)])


@functools.lru_cache(maxsize=1)
def _deg_kernel():
    return pl.kernel(
        _deg_body,
        out_type=jax.ShapeDtypeStruct((2, NPAD, 16), jnp.float32),
        mesh=_sc_mesh(),
        scratch_types=[
            pltpu.VMEM((NCHUNK, CHUNK), jnp.int32),
            pltpu.VMEM((CHUNK, 16), jnp.float32),
            pltpu.VMEM((CHUNK, 16), jnp.float32),
            pltpu.VMEM_SHARED((NPAD, 16), jnp.float32),
        ],
        compiler_params=pltpu.CompilerParams(use_tc_tiling_on_sc=False),
    )


NBUF = 4


def _make_agg_body(nt, nch_pair):
    def _agg_body(h_hbm, srcp_hbm, dstp_hbm, out_hbm,
                  src_v, dst_v, rows_v, zero_v, acc, *sems):
        c = lax.axis_index("c")
        s = lax.axis_index("s")
        tid = c * 16 + s
        pltpu.sync_copy(srcp_hbm.at[tid], src_v)
        pltpu.sync_copy(dstp_hbm.at[tid], dst_v)

        nch = jnp.where(c == 0, nch_pair[0], nch_pair[1])

        zer16 = jnp.zeros((16,), dtype=jnp.float32)

        def fill(r, _):
            for l in range(D // 16):
                zero_v[r, pl.ds(l * 16, 16)] = zer16
            return ()
        lax.fori_loop(0, CHUNK, fill, ())

        for t in range(nt):
            for i in range(ROWS_PER_TILE // CHUNK):
                pltpu.sync_copy(
                    zero_v, acc.at[pl.ds(s * ROWS_PER_TILE + i * CHUNK, CHUNK)])
            plsc.subcore_barrier()

            ht = h_hbm.at[t]
            for b in range(NBUF):
                @pl.when(b < nch)
                def _():
                    pltpu.make_async_copy(
                        ht.at[src_v.at[b]], rows_v.at[b], sems[b]).start()

            def body(it, _):
                jj = it * NBUF
                for b in range(NBUF):
                    j = jj + b
                    pltpu.make_async_copy(
                        ht.at[src_v.at[j]], rows_v.at[b], sems[b]).wait()
                    pltpu.sync_copy(rows_v.at[b], acc.at[dst_v.at[j]], add=True)

                    @pl.when(j + NBUF < nch)
                    def _():
                        pltpu.make_async_copy(
                            ht.at[src_v.at[j + NBUF]], rows_v.at[b],
                            sems[b]).start()
                return ()
            lax.fori_loop(0, nch // NBUF, body, ())
            plsc.subcore_barrier()

            pltpu.sync_copy(
                acc.at[pl.ds(s * ROWS_PER_TILE, ROWS_PER_TILE)],
                out_hbm.at[t, c, pl.ds(s * ROWS_PER_TILE, ROWS_PER_TILE)])
    return _agg_body


def _make_agg(nt, nch_pair):
    return pl.kernel(
        _make_agg_body(nt, nch_pair),
        out_type=jax.ShapeDtypeStruct((nt, 2, NPAD, D), jnp.float32),
        mesh=_sc_mesh(),
        scratch_types=[
            pltpu.VMEM((AGG_MAX, CHUNK), jnp.int32),
            pltpu.VMEM((AGG_MAX, CHUNK), jnp.int32),
            pltpu.VMEM((NBUF, CHUNK, D), jnp.float32),
            pltpu.VMEM((CHUNK, D), jnp.float32),
            pltpu.VMEM_SHARED((NPAD, D), jnp.float32),
        ] + [pltpu.SemaphoreType.DMA] * NBUF,
        compiler_params=pltpu.CompilerParams(use_tc_tiling_on_sc=False),
    )


@functools.lru_cache(maxsize=None)
def _agg_kernel(nt, nch_pair):
    return _make_agg(nt, nch_pair)


_BR = 512


def _dinv_of(dp_ref):
    return lax.rsqrt(dp_ref[0, :, 0:1] + dp_ref[1, :, 0:1] + 1.0)


def _prep_body(x_ref, w1_ref, dp_ref, o_ref):
    dinv = _dinv_of(dp_ref)
    h = jnp.dot(x_ref[...], w1_ref[...], preferred_element_type=jnp.float32)
    h = h * dinv
    o_ref[0] = h[:, :D]
    o_ref[1] = h[:, D:]


def _mid_body(pa_ref, pb_ref, h_ref, dp_ref, b1_ref, w2_ref, o_ref):
    dinv = _dinv_of(dp_ref)
    left = pa_ref[0] + pa_ref[1] + h_ref[0]
    right = pb_ref[0] + pb_ref[1] + h_ref[1]
    a = jnp.concatenate([left, right], axis=1) * dinv + b1_ref[...]
    a = jnp.maximum(a, 0.0)
    h2 = jnp.dot(a, w2_ref[...], preferred_element_type=jnp.float32)
    o_ref[...] = h2 * dinv


def _fin_body(q_ref, h_ref, dp_ref, b2_ref, o_ref):
    dinv = _dinv_of(dp_ref)
    o_ref[...] = (q_ref[0] + q_ref[1] + h_ref[...]) * dinv + b2_ref[...]


_GRID = (NPAD // _BR,)
_dp_spec = pl.BlockSpec((2, _BR, 16), lambda i: (0, i, 0))


def _row_spec(d):
    return pl.BlockSpec((_BR, d), lambda i: (i, 0))


def _full_spec(a, b):
    return pl.BlockSpec((a, b), lambda i: (0, 0))


def _part_spec(d):
    return pl.BlockSpec((2, _BR, d), lambda i: (0, i, 0))


_prep_call = pl.pallas_call(
    _prep_body, grid=_GRID,
    in_specs=[_row_spec(IN_CH), _full_spec(IN_CH, HID_CH), _dp_spec],
    out_specs=_part_spec(D),
    out_shape=jax.ShapeDtypeStruct((2, NPAD, D), jnp.float32))

_mid_call = pl.pallas_call(
    _mid_body, grid=_GRID,
    in_specs=[_part_spec(D), _part_spec(D), _part_spec(D), _dp_spec,
              _full_spec(1, HID_CH), _full_spec(HID_CH, OUT_CH)],
    out_specs=_row_spec(OUT_CH),
    out_shape=jax.ShapeDtypeStruct((NPAD, OUT_CH), jnp.float32))

_fin_call = pl.pallas_call(
    _fin_body, grid=_GRID,
    in_specs=[_part_spec(OUT_CH), _row_spec(OUT_CH), _dp_spec,
              _full_spec(1, OUT_CH)],
    out_specs=_row_spec(OUT_CH),
    out_shape=jax.ShapeDtypeStruct((NPAD, OUT_CH), jnp.float32))


def kernel(x, edge_index, W1, b1, W2, b2):
    src = edge_index[0].astype(jnp.int32)
    dst = edge_index[1].astype(jnp.int32)
    n_extra = EPAD - src.shape[0]
    pad_src = (jnp.arange(n_extra, dtype=jnp.int32) * 1031) % N_NODES
    src_flat = jnp.concatenate([src, pad_src])
    pad_dst = N_NODES + (jnp.arange(n_extra, dtype=jnp.int32) % (NPAD - N_NODES))
    dst_flat = jnp.concatenate([dst, pad_dst])
    dstp = dst_flat.reshape(NTILES, NCHUNK, CHUNK)

    def _split(flat, nch):
        e0 = 16 * nch[0] * CHUNK
        c0 = flat[:e0].reshape(16, nch[0], CHUNK)
        c1 = flat[e0:].reshape(16, nch[1], CHUNK)
        c1 = jnp.pad(c1, ((0, 0), (0, AGG_MAX - nch[1]), (0, 0)))
        c0 = jnp.pad(c0, ((0, 0), (0, AGG_MAX - nch[0]), (0, 0)))
        return jnp.concatenate([c0, c1], axis=0)

    srcp_1 = _split(src_flat, AGG_NCH1)
    dstp_1 = _split(dst_flat, AGG_NCH1)
    srcp_2 = _split(src_flat, AGG_NCH2)
    dstp_2 = _split(dst_flat, AGG_NCH2)
    x_pad = jnp.pad(x, ((0, NPAD - N_NODES), (0, 0)))

    degp = _deg_kernel()(dstp)
    h1s = _prep_call(x_pad, W1, degp)
    p = _agg_kernel(2, AGG_NCH1)(h1s, srcp_1, dstp_1)
    h2s = _mid_call(p[0], p[1], h1s, degp, b1.reshape(1, HID_CH), W2)
    q = _agg_kernel(1, AGG_NCH2)(h2s[None], srcp_2, dstp_2)[0]
    out = _fin_call(q, h2s, degp, b2.reshape(1, OUT_CH))
    return out[:N_NODES]

# --- scband reference (transcript-rebuilt; emitter-appended) ---
"""Pipeline reference for scband-gcnencoder-2284922601980 (READ-ONLY COPY).

The authoritative reference and input builder live on the scoring server;
editing this copy changes nothing except your own understanding.
"""

import jax, jax.numpy as jnp
import numpy as np

N_NODES = 10000
IN_CH = 128
OUT_CH = 64
HID_CH = 2 * OUT_CH
N_EDGES = 320000


def setup_inputs(seed: int = 0) -> dict:
    key = jax.random.key(seed)
    k1, k2, k3, k4, k5, k6 = jax.random.split(key, 6)
    x = jax.random.normal(k1, (N_NODES, IN_CH), dtype=jnp.float32)
    edge_index = jax.random.randint(k2, (2, N_EDGES), 0, N_NODES, dtype=jnp.int64)
    # Glorot-init weights sized per init_kwargs
    W1 = jax.random.normal(k3, (IN_CH, HID_CH), dtype=jnp.float32) * (1.0 / np.sqrt(IN_CH))
    b1 = jnp.zeros((HID_CH,), dtype=jnp.float32)
    W2 = jax.random.normal(k4, (HID_CH, OUT_CH), dtype=jnp.float32) * (1.0 / np.sqrt(HID_CH))
    b2 = jnp.zeros((OUT_CH,), dtype=jnp.float32)
    return {"x": x, "edge_index": edge_index, "W1": W1, "b1": b1, "W2": W2, "b2": b2}


def _gcn_conv(x, src, dst, W, b, n_nodes):
    # x' = D^{-1/2} (A + I) D^{-1/2} X W + b  (GCNConv with add_self_loops=True)
    h = x @ W
    deg = jnp.zeros((n_nodes,), dtype=h.dtype).at[dst].add(1.0)
    dinv = jnp.where(deg > 0, deg ** -0.5, 0.0)
    norm = dinv[src] * dinv[dst]
    msg = h[src] * norm[:, None]
    out = jnp.zeros((n_nodes, h.shape[1]), dtype=h.dtype).at[dst].add(msg)
    return out + b


def reference(x, edge_index, W1, b1, W2, b2):
    n_nodes = x.shape[0]
    loop = jnp.arange(n_nodes, dtype=edge_index.dtype)
    src = jnp.concatenate([edge_index[0], loop])
    dst = jnp.concatenate([edge_index[1], loop])
    h = _gcn_conv(x, src, dst, W1, b1, n_nodes)
    h = jax.nn.relu(h)
    out = _gcn_conv(h, src, dst, W2, b2, n_nodes)
    return out

if __name__ == "__main__":
    import jax
    _d = setup_inputs()
    print(jax.jit(kernel)(*tuple(_d.values())))

</pallas_src>

<mosaic_0001>
#map = affine_map<(d0, d1) -> (0, 0, 0)>
module attributes {stable_mosaic.version = 14 : i64} {
  func.func @_deg_body(%arg0: i32, %arg1: i32, %arg2: memref<32x80x128xi32, #tpu.memory_space<hbm>>, %arg3: memref<2x10240x16xf32, #tpu.memory_space<hbm>>, %arg4: memref<80x128xi32, #tpu.memory_space<vmem>>, %arg5: memref<128x16xf32, #tpu.memory_space<vmem>>, %arg6: memref<128x16xf32, #tpu.memory_space<vmem>>, %arg7: memref<10240x16xf32, #tpu.memory_space<vmem_shared>>) attributes {dimension_semantics = [#tpu.dimension_semantics<core_parallel>, #tpu.dimension_semantics<subcore_parallel>], iteration_bounds = array<i64: 2, 16>, scalar_prefetch = 0 : i64, scratch_operands = 4 : i64, tpu.core_type = #tpu.core_type<sc_vector_subcore>, window_params = [{transform_indices = #map}, {transform_indices = #map}]} {
    %mul3A = arith.constant 16 : i32
    %mul3A_0 = arith.muli %arg0, %mul3A : i32
    %add3A = arith.addi %mul3A_0, %arg1 : i32
    "tpu.region"() ({
      %run_scoped3A = tpu.sem_alloc : memref<!tpu.dma_semaphore, #tpu.memory_space<semaphore_mem>>
      %dma_start3A = arith.constant 0 : i32
      %dma_start3A_38 = arith.constant 0 : i32
      %dma_start3A_39 = tpu.memref_slice %arg2[%add3A, %dma_start3A, %dma_start3A_38] : memref<32x80x128xi32, #tpu.memory_space<hbm>> -> memref<1x80x128xi32, #tpu.memory_space<hbm>>
      %dma_start3A_40 = tpu.memref_squeeze %dma_start3A_39 : memref<1x80x128xi32, #tpu.memory_space<hbm>> -> memref<80x128xi32, #tpu.memory_space<hbm>>
      %dma_start3A_41 = arith.constant 0 : i32
      %dma_start3A_42 = arith.constant 0 : i32
      %dma_start3A_43 = tpu.memref_slice %arg2[%add3A, %dma_start3A_41, %dma_start3A_42] : memref<32x80x128xi32, #tpu.memory_space<hbm>> -> memref<1x80x128xi32, #tpu.memory_space<hbm>>
      %dma_start3A_44 = tpu.memref_squeeze %dma_start3A_43 : memref<1x80x128xi32, #tpu.memory_space<hbm>> -> memref<80x128xi32, #tpu.memory_space<hbm>>
      tpu.enqueue_dma source(%dma_start3A_44 : memref<80x128xi32, #tpu.memory_space<hbm>>) target(%arg4 : memref<80x128xi32, #tpu.memory_space<vmem>>) target_semaphore(%run_scoped3A : memref<!tpu.dma_semaphore, #tpu.memory_space<semaphore_mem>>)
      %dma_wait3A = arith.constant 0 : i32
      %dma_wait3A_45 = arith.constant 0 : i32
      %dma_wait3A_46 = tpu.memref_slice %arg2[%add3A, %dma_wait3A, %dma_wait3A_45] : memref<32x80x128xi32, #tpu.memory_space<hbm>> -> memref<1x80x128xi32, #tpu.memory_space<hbm>>
      %dma_wait3A_47 = tpu.memref_squeeze %dma_wait3A_46 : memref<1x80x128xi32, #tpu.memory_space<hbm>> -> memref<80x128xi32, #tpu.memory_space<hbm>>
      %dma_wait3A_48 = arith.constant 0 : i32
      %dma_wait3A_49 = arith.constant 0 : i32
      %dma_wait3A_50 = tpu.memref_slice %arg2[%add3A, %dma_wait3A_48, %dma_wait3A_49] : memref<32x80x128xi32, #tpu.memory_space<hbm>> -> memref<1x80x128xi32, #tpu.memory_space<hbm>>
      %dma_wait3A_51 = tpu.memref_squeeze %dma_wait3A_50 : memref<1x80x128xi32, #tpu.memory_space<hbm>> -> memref<80x128xi32, #tpu.memory_space<hbm>>
      tpu.wait_dma2 semaphore(%run_scoped3A : memref<!tpu.dma_semaphore, #tpu.memory_space<semaphore_mem>>) src(%dma_wait3A_51 : memref<80x128xi32, #tpu.memory_space<hbm>>) dst(%arg4 : memref<80x128xi32, #tpu.memory_space<vmem>>)
      tpu.yield
    }) : () -> ()
    %broadcast_in_dim3A = arith.constant 1.000000e+00 : f32
    %broadcast_in_dim3A_1 = vector.broadcast %broadcast_in_dim3A : f32 to vector<16xf32>
    %broadcast_in_dim3A_2 = arith.constant 0.000000e+00 : f32
    %broadcast_in_dim3A_3 = vector.broadcast %broadcast_in_dim3A_2 : f32 to vector<16xf32>
    %scan3A = arith.constant 0 : i32
    %scan3A_4 = arith.constant 128 : i32
    %scan3A_5 = arith.addi %scan3A, %scan3A_4 : i32
    %scan3A_6 = arith.constant 1 : i32
    scf.for %scan3A_38 = %scan3A to %scan3A_5 step %scan3A_6  : i32 {
      %swap3A = arith.index_cast %scan3A_38 : i32 to index
      %swap3A_39 = arith.constant 0 : index
      %swap3A_40 = tpu.vector_load %arg5[%swap3A, %swap3A_39] {strides = array<i32>} : memref<128x16xf32, #tpu.memory_space<vmem>>, vector<1x16xf32>,
      %swap3A_41 = vector.shape_cast %swap3A_40 : vector<1x16xf32> to vector<16xf32>
      %swap3A_42 = vector.shape_cast %broadcast_in_dim3A_1 : vector<16xf32> to vector<1x16xf32>
      tpu.vector_store %arg5[%swap3A, %swap3A_39], %swap3A_42 {strides = array<i32>} : memref<128x16xf32, #tpu.memory_space<vmem>>, vector<1x16xf32>,
      %swap3A_43 = arith.index_cast %scan3A_38 : i32 to index
      %swap3A_44 = arith.constant 0 : index
      %swap3A_45 = tpu.vector_load %arg6[%swap3A_43, %swap3A_44] {strides = array<i32>} : memref<128x16xf32, #tpu.memory_space<vmem>>, vector<1x16xf32>,
      %swap3A_46 = vector.shape_cast %swap3A_45 : vector<1x16xf32> to vector<16xf32>
      %swap3A_47 = vector.shape_cast %broadcast_in_dim3A_3 : vector<16xf32> to vector<1x16xf32>
      tpu.vector_store %arg6[%swap3A_43, %swap3A_44], %swap3A_47 {strides = array<i32>} : memref<128x16xf32, #tpu.memory_space<vmem>>, vector<1x16xf32>,
    }
    %scan3A_7 = arith.constant 128 : i32
    %mul3A_8 = arith.constant 640 : i32
    %mul3A_9 = arith.muli %arg1, %mul3A_8 : i32
    %add3A_10 = arith.constant 0 : i32
    %add3A_11 = arith.addi %mul3A_9, %add3A_10 : i32
    "tpu.region"() ({
      %run_scoped3A = tpu.sem_alloc : memref<!tpu.dma_semaphore, #tpu.memory_space<semaphore_mem>>
      %dma_start3A = arith.constant 0 : i32
      %dma_start3A_38 = tpu.memref_slice %arg7[%add3A_11, %dma_start3A] : memref<10240x16xf32, #tpu.memory_space<vmem_shared>> -> memref<128x16xf32, #tpu.memory_space<vmem_shared>>
      %dma_start3A_39 = arith.constant 0 : i32
      %dma_start3A_40 = tpu.memref_slice %arg7[%add3A_11, %dma_start3A_39] : memref<10240x16xf32, #tpu.memory_space<vmem_shared>> -> memref<128x16xf32, #tpu.memory_space<vmem_shared>>
      tpu.enqueue_dma source(%arg6 : memref<128x16xf32, #tpu.memory_space<vmem>>) target(%dma_start3A_40 : memref<128x16xf32, #tpu.memory_space<vmem_shared>>) target_semaphore(%run_scoped3A : memref<!tpu.dma_semaphore, #tpu.memory_space<semaphore_mem>>)
      %dma_wait3A = arith.constant 0 : i32
      %dma_wait3A_41 = tpu.memref_slice %arg7[%add3A_11, %dma_wait3A] : memref<10240x16xf32, #tpu.memory_space<vmem_shared>> -> memref<128x16xf32, #tpu.memory_space<vmem_shared>>
      %dma_wait3A_42 = arith.constant 0 : i32
      %dma_wait3A_43 = tpu.memref_slice %arg7[%add3A_11, %dma_wait3A_42] : memref<10240x16xf32, #tpu.memory_space<vmem_shared>> -> memref<128x16xf32, #tpu.memory_space<vmem_shared>>
      tpu.wait_dma2 semaphore(%run_scoped3A : memref<!tpu.dma_semaphore, #tpu.memory_space<semaphore_mem>>) src(%arg6 : memref<128x16xf32, #tpu.memory_space<vmem>>) dst(%dma_wait3A_43 : memref<128x16xf32, #tpu.memory_space<vmem_shared>>)
      tpu.yield
    }) : () -> ()
    %mul3A_12 = arith.constant 640 : i32
    %mul3A_13 = arith.muli %arg1, %mul3A_12 : i32
    %add3A_14 = arith.constant 128 : i32
    %add3A_15 = arith.addi %mul3A_13, %add3A_14 : i32
    "tpu.region"() ({
      %run_scoped3A = tpu.sem_alloc : memref<!tpu.dma_semaphore, #tpu.memory_space<semaphore_mem>>
      %dma_start3A = arith.constant 0 : i32
      %dma_start3A_38 = tpu.memref_slice %arg7[%add3A_15, %dma_start3A] : memref<10240x16xf32, #tpu.memory_space<vmem_shared>> -> memref<128x16xf32, #tpu.memory_space<vmem_shared>>
      %dma_start3A_39 = arith.constant 0 : i32
      %dma_start3A_40 = tpu.memref_slice %arg7[%add3A_15, %dma_start3A_39] : memref<10240x16xf32, #tpu.memory_space<vmem_shared>> -> memref<128x16xf32, #tpu.memory_space<vmem_shared>>
      tpu.enqueue_dma source(%arg6 : memref<128x16xf32, #tpu.memory_space<vmem>>) target(%dma_start3A_40 : memref<128x16xf32, #tpu.memory_space<vmem_shared>>) target_semaphore(%run_scoped3A : memref<!tpu.dma_semaphore, #tpu.memory_space<semaphore_mem>>)
      %dma_wait3A = arith.constant 0 : i32
      %dma_wait3A_41 = tpu.memref_slice %arg7[%add3A_15, %dma_wait3A] : memref<10240x16xf32, #tpu.memory_space<vmem_shared>> -> memref<128x16xf32, #tpu.memory_space<vmem_shared>>
      %dma_wait3A_42 = arith.constant 0 : i32
      %dma_wait3A_43 = tpu.memref_slice %arg7[%add3A_15, %dma_wait3A_42] : memref<10240x16xf32, #tpu.memory_space<vmem_shared>> -> memref<128x16xf32, #tpu.memory_space<vmem_shared>>
      tpu.wait_dma2 semaphore(%run_scoped3A : memref<!tpu.dma_semaphore, #tpu.memory_space<semaphore_mem>>) src(%arg6 : memref<128x16xf32, #tpu.memory_space<vmem>>) dst(%dma_wait3A_43 : memref<128x16xf32, #tpu.memory_space<vmem_shared>>)
      tpu.yield
    }) : () -> ()
    %mul3A_16 = arith.constant 640 : i32
    %mul3A_17 = arith.muli %arg1, %mul3A_16 : i32
    %add3A_18 = arith.constant 256 : i32
    %add3A_19 = arith.addi %mul3A_17, %add3A_18 : i32
    "tpu.region"() ({
      %run_scoped3A = tpu.sem_alloc : memref<!tpu.dma_semaphore, #tpu.memory_space<semaphore_mem>>
      %dma_start3A = arith.constant 0 : i32
      %dma_start3A_38 = tpu.memref_slice %arg7[%add3A_19, %dma_start3A] : memref<10240x16xf32, #tpu.memory_space<vmem_shared>> -> memref<128x16xf32, #tpu.memory_space<vmem_shared>>
      %dma_start3A_39 = arith.constant 0 : i32
      %dma_start3A_40 = tpu.memref_slice %arg7[%add3A_19, %dma_start3A_39] : memref<10240x16xf32, #tpu.memory_space<vmem_shared>> -> memref<128x16xf32, #tpu.memory_space<vmem_shared>>
      tpu.enqueue_dma source(%arg6 : memref<128x16xf32, #tpu.memory_space<vmem>>) target(%dma_start3A_40 : memref<128x16xf32, #tpu.memory_space<vmem_shared>>) target_semaphore(%run_scoped3A : memref<!tpu.dma_semaphore, #tpu.memory_space<semaphore_mem>>)
      %dma_wait3A = arith.constant 0 : i32
      %dma_wait3A_41 = tpu.memref_slice %arg7[%add3A_19, %dma_wait3A] : memref<10240x16xf32, #tpu.memory_space<vmem_shared>> -> memref<128x16xf32, #tpu.memory_space<vmem_shared>>
      %dma_wait3A_42 = arith.constant 0 : i32
      %dma_wait3A_43 = tpu.memref_slice %arg7[%add3A_19, %dma_wait3A_42] : memref<10240x16xf32, #tpu.memory_space<vmem_shared>> -> memref<128x16xf32, #tpu.memory_space<vmem_shared>>
      tpu.wait_dma2 semaphore(%run_scoped3A : memref<!tpu.dma_semaphore, #tpu.memory_space<semaphore_mem>>) src(%arg6 : memref<128x16xf32, #tpu.memory_space<vmem>>) dst(%dma_wait3A_43 : memref<128x16xf32, #tpu.memory_space<vmem_shared>>)
      tpu.yield
    }) : () -> ()
    %mul3A_20 = arith.constant 640 : i32
    %mul3A_21 = arith.muli %arg1, %mul3A_20 : i32
    %add3A_22 = arith.constant 384 : i32
    %add3A_23 = arith.addi %mul3A_21, %add3A_22 : i32
    "tpu.region"() ({
      %run_scoped3A = tpu.sem_alloc : memref<!tpu.dma_semaphore, #tpu.memory_space<semaphore_mem>>
      %dma_start3A = arith.constant 0 : i32
      %dma_start3A_38 = tpu.memref_slice %arg7[%add3A_23, %dma_start3A] : memref<10240x16xf32, #tpu.memory_space<vmem_shared>> -> memref<128x16xf32, #tpu.memory_space<vmem_shared>>
      %dma_start3A_39 = arith.constant 0 : i32
      %dma_start3A_40 = tpu.memref_slice %arg7[%add3A_23, %dma_start3A_39] : memref<10240x16xf32, #tpu.memory_space<vmem_shared>> -> memref<128x16xf32, #tpu.memory_space<vmem_shared>>
      tpu.enqueue_dma source(%arg6 : memref<128x16xf32, #tpu.memory_space<vmem>>) target(%dma_start3A_40 : memref<128x16xf32, #tpu.memory_space<vmem_shared>>) target_semaphore(%run_scoped3A : memref<!tpu.dma_semaphore, #tpu.memory_space<semaphore_mem>>)
      %dma_wait3A = arith.constant 0 : i32
      %dma_wait3A_41 = tpu.memref_slice %arg7[%add3A_23, %dma_wait3A] : memref<10240x16xf32, #tpu.memory_space<vmem_shared>> -> memref<128x16xf32, #tpu.memory_space<vmem_shared>>
      %dma_wait3A_42 = arith.constant 0 : i32
      %dma_wait3A_43 = tpu.memref_slice %arg7[%add3A_23, %dma_wait3A_42] : memref<10240x16xf32, #tpu.memory_space<vmem_shared>> -> memref<128x16xf32, #tpu.memory_space<vmem_shared>>
      tpu.wait_dma2 semaphore(%run_scoped3A : memref<!tpu.dma_semaphore, #tpu.memory_space<semaphore_mem>>) src(%arg6 : memref<128x16xf32, #tpu.memory_space<vmem>>) dst(%dma_wait3A_43 : memref<128x16xf32, #tpu.memory_space<vmem_shared>>)
      tpu.yield
    }) : () -> ()
    %mul3A_24 = arith.constant 640 : i32
    %mul3A_25 = arith.muli %arg1, %mul3A_24 : i32
    %add3A_26 = arith.constant 512 : i32
    %add3A_27 = arith.addi %mul3A_25, %add3A_26 : i32
    "tpu.region"() ({
      %run_scoped3A = tpu.sem_alloc : memref<!tpu.dma_semaphore, #tpu.memory_space<semaphore_mem>>
      %dma_start3A = arith.constant 0 : i32
      %dma_start3A_38 = tpu.memref_slice %arg7[%add3A_27, %dma_start3A] : memref<10240x16xf32, #tpu.memory_space<vmem_shared>> -> memref<128x16xf32, #tpu.memory_space<vmem_shared>>
      %dma_start3A_39 = arith.constant 0 : i32
      %dma_start3A_40 = tpu.memref_slice %arg7[%add3A_27, %dma_start3A_39] : memref<10240x16xf32, #tpu.memory_space<vmem_shared>> -> memref<128x16xf32, #tpu.memory_space<vmem_shared>>
      tpu.enqueue_dma source(%arg6 : memref<128x16xf32, #tpu.memory_space<vmem>>) target(%dma_start3A_40 : memref<128x16xf32, #tpu.memory_space<vmem_shared>>) target_semaphore(%run_scoped3A : memref<!tpu.dma_semaphore, #tpu.memory_space<semaphore_mem>>)
      %dma_wait3A = arith.constant 0 : i32
      %dma_wait3A_41 = tpu.memref_slice %arg7[%add3A_27, %dma_wait3A] : memref<10240x16xf32, #tpu.memory_space<vmem_shared>> -> memref<128x16xf32, #tpu.memory_space<vmem_shared>>
      %dma_wait3A_42 = arith.constant 0 : i32
      %dma_wait3A_43 = tpu.memref_slice %arg7[%add3A_27, %dma_wait3A_42] : memref<10240x16xf32, #tpu.memory_space<vmem_shared>> -> memref<128x16xf32, #tpu.memory_space<vmem_shared>>
      tpu.wait_dma2 semaphore(%run_scoped3A : memref<!tpu.dma_semaphore, #tpu.memory_space<semaphore_mem>>) src(%arg6 : memref<128x16xf32, #tpu.memory_space<vmem>>) dst(%dma_wait3A_43 : memref<128x16xf32, #tpu.memory_space<vmem_shared>>)
      tpu.yield
    }) : () -> ()
    %barrier3A = arith.constant 0 : index
    tpu.barrier barrier_id(%barrier3A)
    %scan3A_28 = arith.constant 0 : i32
    %scan3A_29 = arith.constant 80 : i32
    %scan3A_30 = arith.addi %scan3A_28, %scan3A_29 : i32
    %scan3A_31 = arith.constant 1 : i32
    scf.for %scan3A_38 = %scan3A_28 to %scan3A_30 step %scan3A_31  : i32 {
      "tpu.region"() ({
        %run_scoped3A = tpu.sem_alloc : memref<!tpu.dma_semaphore, #tpu.memory_space<semaphore_mem>>
        %dma_start3A = arith.constant 0 : i32
        %dma_start3A_39 = tpu.memref_slice %arg4[%scan3A_38, %dma_start3A] : memref<80x128xi32, #tpu.memory_space<vmem>> -> memref<1x128xi32, #tpu.memory_space<vmem>>
        %dma_start3A_40 = tpu.memref_squeeze %dma_start3A_39 : memref<1x128xi32, #tpu.memory_space<vmem>> -> memref<128xi32, #tpu.memory_space<vmem>>
        %dma_start3A_41 = arith.constant 0 : i32
        %dma_start3A_42 = arith.constant 0 : i32
        %dma_start3A_43 = tpu.memref_slice %arg7[%dma_start3A_41, %dma_start3A_42] : memref<10240x16xf32, #tpu.memory_space<vmem_shared>> -> memref<10240x16xf32, #tpu.memory_space<vmem_shared>>
        tpu.enqueue_indirect_dma source(%arg5 : memref<128x16xf32, #tpu.memory_space<vmem>>) target(%dma_start3A_43 : memref<10240x16xf32, #tpu.memory_space<vmem_shared>>) offsets(%dma_start3A_40 : memref<128xi32, #tpu.memory_space<vmem>>) semaphore(%run_scoped3A : memref<!tpu.dma_semaphore, #tpu.memory_space<semaphore_mem>>) {add = true}
        %dma_wait3A = arith.constant 0 : i32
        %dma_wait3A_44 = tpu.memref_slice %arg4[%scan3A_38, %dma_wait3A] : memref<80x128xi32, #tpu.memory_space<vmem>> -> memref<1x128xi32, #tpu.memory_space<vmem>>
        %dma_wait3A_45 = tpu.memref_squeeze %dma_wait3A_44 : memref<1x128xi32, #tpu.memory_space<vmem>> -> memref<128xi32, #tpu.memory_space<vmem>>
        %dma_wait3A_46 = arith.constant 0 : i32
        %dma_wait3A_47 = arith.constant 0 : i32
        %dma_wait3A_48 = tpu.memref_slice %arg7[%dma_wait3A_46, %dma_wait3A_47] : memref<10240x16xf32, #tpu.memory_space<vmem_shared>> -> memref<10240x16xf32, #tpu.memory_space<vmem_shared>>
        tpu.wait_indirect_dma semaphore(%run_scoped3A : memref<!tpu.dma_semaphore, #tpu.memory_space<semaphore_mem>>) src(%arg5 : memref<128x16xf32, #tpu.memory_space<vmem>>) dst(%dma_wait3A_48 : memref<10240x16xf32, #tpu.memory_space<vmem_shared>>)
        tpu.yield
      }) : () -> ()
    }
    %scan3A_32 = arith.constant 80 : i32
    %barrier3A_33 = arith.constant 0 : index
    tpu.barrier barrier_id(%barrier3A_33)
    %mul3A_34 = arith.constant 640 : i32
    %mul3A_35 = arith.muli %arg1, %mul3A_34 : i32
    %mul3A_36 = arith.constant 640 : i32
    %mul3A_37 = arith.muli %arg1, %mul3A_36 : i32
    "tpu.region"() ({
      %run_scoped3A = tpu.sem_alloc : memref<!tpu.dma_semaphore, #tpu.memory_space<semaphore_mem>>
      %dma_start3A = arith.constant 0 : i32
      %dma_start3A_38 = tpu.memref_slice %arg3[%arg0, %mul3A_37, %dma_start3A] : memref<2x10240x16xf32, #tpu.memory_space<hbm>> -> memref<1x640x16xf32, #tpu.memory_space<hbm>>
      %dma_start3A_39 = tpu.memref_squeeze %dma_start3A_38 : memref<1x640x16xf32, #tpu.memory_space<hbm>> -> memref<640x16xf32, #tpu.memory_space<hbm>>
      %dma_start3A_40 = arith.constant 0 : i32
      %dma_start3A_41 = tpu.memref_slice %arg7[%mul3A_35, %dma_start3A_40] : memref<10240x16xf32, #tpu.memory_space<vmem_shared>> -> memref<640x16xf32, #tpu.memory_space<vmem_shared>>
      tpu.enqueue_dma source(%dma_start3A_41 : memref<640x16xf32, #tpu.memory_space<vmem_shared>>) target(%dma_start3A_39 : memref<640x16xf32, #tpu.memory_space<hbm>>) target_semaphore(%run_scoped3A : memref<!tpu.dma_semaphore, #tpu.memory_space<semaphore_mem>>)
      %dma_wait3A = arith.constant 0 : i32
      %dma_wait3A_42 = tpu.memref_slice %arg3[%arg0, %mul3A_37, %dma_wait3A] : memref<2x10240x16xf32, #tpu.memory_space<hbm>> -> memref<1x640x16xf32, #tpu.memory_space<hbm>>
      %dma_wait3A_43 = tpu.memref_squeeze %dma_wait3A_42 : memref<1x640x16xf32, #tpu.memory_space<hbm>> -> memref<640x16xf32, #tpu.memory_space<hbm>>
      %dma_wait3A_44 = arith.constant 0 : i32
      %dma_wait3A_45 = tpu.memref_slice %arg7[%mul3A_35, %dma_wait3A_44] : memref<10240x16xf32, #tpu.memory_space<vmem_shared>> -> memref<640x16xf32, #tpu.memory_space<vmem_shared>>
      tpu.wait_dma2 semaphore(%run_scoped3A : memref<!tpu.dma_semaphore, #tpu.memory_space<semaphore_mem>>) src(%dma_wait3A_45 : memref<640x16xf32, #tpu.memory_space<vmem_shared>>) dst(%dma_wait3A_43 : memref<640x16xf32, #tpu.memory_space<hbm>>)
      tpu.yield
    }) : () -> ()
    return
  }
}

#map = affine_map<(d0, d1) -> (0, 0, 0)>
#map1 = affine_map<(d0, d1) -> (0, 0, 0, 0)>
module attributes {stable_mosaic.version = 14 : i64} {
  func.func @_agg_body(%arg0: i32, %arg1: i32, %arg2: memref<1x10240x64xf32, #tpu.memory_space<hbm>>, %arg3: memref<32x160x128xi32, #tpu.memory_space<hbm>>, %arg4: memref<32x160x128xi32, #tpu.memory_space<hbm>>, %arg5: memref<1x2x10240x64xf32, #tpu.memory_space<hbm>>, %arg6: memref<160x128xi32, #tpu.memory_space<vmem>>, %arg7: memref<160x128xi32, #tpu.memory_space<vmem>>, %arg8: memref<4x128x64xf32, #tpu.memory_space<vmem>>, %arg9: memref<128x64xf32, #tpu.memory_space<vmem>>, %arg10: memref<10240x64xf32, #tpu.memory_space<vmem_shared>>, %arg11: memref<!tpu.dma_semaphore, #tpu.memory_space<semaphore_mem>>, %arg12: memref<!tpu.dma_semaphore, #tpu.memory_space<semaphore_mem>>, %arg13: memref<!tpu.dma_semaphore, #tpu.memory_space<semaphore_mem>>, %arg14: memref<!tpu.dma_semaphore, #tpu.memory_space<semaphore_mem>>) attributes {dimension_semantics = [#tpu.dimension_semantics<core_parallel>, #tpu.dimension_semantics<subcore_parallel>], iteration_bounds = array<i64: 2, 16>, scalar_prefetch = 0 : i64, scratch_operands = 9 : i64, tpu.core_type = #tpu.core_type<sc_vector_subcore>, window_params = [{transform_indices = #map}, {transform_indices = #map}, {transform_indices = #map}, {transform_indices = #map1}]} {
    %mul3A = arith.constant 16 : i32
    %mul3A_0 = arith.muli %arg0, %mul3A : i32
    %add3A = arith.addi %mul3A_0, %arg1 : i32
    "tpu.region"() ({
      %run_scoped3A_81 = tpu.sem_alloc : memref<!tpu.dma_semaphore, #tpu.memory_space<semaphore_mem>>
      %dma_start3A = arith.constant 0 : i32
      %dma_start3A_82 = arith.constant 0 : i32
      %dma_start3A_83 = tpu.memref_slice %arg3[%add3A, %dma_start3A, %dma_start3A_82] : memref<32x160x128xi32, #tpu.memory_space<hbm>> -> memref<1x160x128xi32, #tpu.memory_space<hbm>>
      %dma_start3A_84 = tpu.memref_squeeze %dma_start3A_83 : memref<1x160x128xi32, #tpu.memory_space<hbm>> -> memref<160x128xi32, #tpu.memory_space<hbm>>
      %dma_start3A_85 = arith.constant 0 : i32
      %dma_start3A_86 = arith.constant 0 : i32
      %dma_start3A_87 = tpu.memref_slice %arg3[%add3A, %dma_start3A_85, %dma_start3A_86] : memref<32x160x128xi32, #tpu.memory_space<hbm>> -> memref<1x160x128xi32, #tpu.memory_space<hbm>>
      %dma_start3A_88 = tpu.memref_squeeze %dma_start3A_87 : memref<1x160x128xi32, #tpu.memory_space<hbm>> -> memref<160x128xi32, #tpu.memory_space<hbm>>
      tpu.enqueue_dma source(%dma_start3A_88 : memref<160x128xi32, #tpu.memory_space<hbm>>) target(%arg6 : memref<160x128xi32, #tpu.memory_space<vmem>>) target_semaphore(%run_scoped3A_81 : memref<!tpu.dma_semaphore, #tpu.memory_space<semaphore_mem>>)
      %dma_wait3A = arith.constant 0 : i32
      %dma_wait3A_89 = arith.constant 0 : i32
      %dma_wait3A_90 = tpu.memref_slice %arg3[%add3A, %dma_wait3A, %dma_wait3A_89] : memref<32x160x128xi32, #tpu.memory_space<hbm>> -> memref<1x160x128xi32, #tpu.memory_space<hbm>>
      %dma_wait3A_91 = tpu.memref_squeeze %dma_wait3A_90 : memref<1x160x128xi32, #tpu.memory_space<hbm>> -> memref<160x128xi32, #tpu.memory_space<hbm>>
      %dma_wait3A_92 = arith.constant 0 : i32
      %dma_wait3A_93 = arith.constant 0 : i32
      %dma_wait3A_94 = tpu.memref_slice %arg3[%add3A, %dma_wait3A_92, %dma_wait3A_93] : memref<32x160x128xi32, #tpu.memory_space<hbm>> -> memref<1x160x128xi32, #tpu.memory_space<hbm>>
      %dma_wait3A_95 = tpu.memref_squeeze %dma_wait3A_94 : memref<1x160x128xi32, #tpu.memory_space<hbm>> -> memref<160x128xi32, #tpu.memory_space<hbm>>
      tpu.wait_dma2 semaphore(%run_scoped3A_81 : memref<!tpu.dma_semaphore, #tpu.memory_space<semaphore_mem>>) src(%dma_wait3A_95 : memref<160x128xi32, #tpu.memory_space<hbm>>) dst(%arg6 : memref<160x128xi32, #tpu.memory_space<vmem>>)
      tpu.yield
    }) : () -> ()
    "tpu.region"() ({
      %run_scoped3A_81 = tpu.sem_alloc : memref<!tpu.dma_semaphore, #tpu.memory_space<semaphore_mem>>
      %dma_start3A = arith.constant 0 : i32
      %dma_start3A_82 = arith.constant 0 : i32
      %dma_start3A_83 = tpu.memref_slice %arg4[%add3A, %dma_start3A, %dma_start3A_82] : memref<32x160x128xi32, #tpu.memory_space<hbm>> -> memref<1x160x128xi32, #tpu.memory_space<hbm>>
      %dma_start3A_84 = tpu.memref_squeeze %dma_start3A_83 : memref<1x160x128xi32, #tpu.memory_space<hbm>> -> memref<160x128xi32, #tpu.memory_space<hbm>>
      %dma_start3A_85 = arith.constant 0 : i32
      %dma_start3A_86 = arith.constant 0 : i32
      %dma_start3A_87 = tpu.memref_slice %arg4[%add3A, %dma_start3A_85, %dma_start3A_86] : memref<32x160x128xi32, #tpu.memory_space<hbm>> -> memref<1x160x128xi32, #tpu.memory_space<hbm>>
      %dma_start3A_88 = tpu.memref_squeeze %dma_start3A_87 : memref<1x160x128xi32, #tpu.memory_space<hbm>> -> memref<160x128xi32, #tpu.memory_space<hbm>>
      tpu.enqueue_dma source(%dma_start3A_88 : memref<160x128xi32, #tpu.memory_space<hbm>>) target(%arg7 : memref<160x128xi32, #tpu.memory_space<vmem>>) target_semaphore(%run_scoped3A_81 : memref<!tpu.dma_semaphore, #tpu.memory_space<semaphore_mem>>)
      %dma_wait3A = arith.constant 0 : i32
      %dma_wait3A_89 = arith.constant 0 : i32
      %dma_wait3A_90 = tpu.memref_slice %arg4[%add3A, %dma_wait3A, %dma_wait3A_89] : memref<32x160x128xi32, #tpu.memory_space<hbm>> -> memref<1x160x128xi32, #tpu.memory_space<hbm>>
      %dma_wait3A_91 = tpu.memref_squeeze %dma_wait3A_90 : memref<1x160x128xi32, #tpu.memory_space<hbm>> -> memref<160x128xi32, #tpu.memory_space<hbm>>
      %dma_wait3A_92 = arith.constant 0 : i32
      %dma_wait3A_93 = arith.constant 0 : i32
      %dma_wait3A_94 = tpu.memref_slice %arg4[%add3A, %dma_wait3A_92, %dma_wait3A_93] : memref<32x160x128xi32, #tpu.memory_space<hbm>> -> memref<1x160x128xi32, #tpu.memory_space<hbm>>
      %dma_wait3A_95 = tpu.memref_squeeze %dma_wait3A_94 : memref<1x160x128xi32, #tpu.memory_space<hbm>> -> memref<160x128xi32, #tpu.memory_space<hbm>>
      tpu.wait_dma2 semaphore(%run_scoped3A_81 : memref<!tpu.dma_semaphore, #tpu.memory_space<semaphore_mem>>) src(%dma_wait3A_95 : memref<160x128xi32, #tpu.memory_space<hbm>>) dst(%arg7 : memref<160x128xi32, #tpu.memory_space<vmem>>)
      tpu.yield
    }) : () -> ()
    %eq3A = arith.constant 0 : i32
    %eq3A_1 = arith.cmpi eq, %arg0, %eq3A : i32
    %jit3A = arith.constant 152 : i32
    %jit3A_2 = arith.constant 8 : i32
    %select_n3A = arith.select %eq3A_1, %jit3A, %jit3A_2 : i32
    %broadcast_in_dim3A = arith.constant 0.000000e+00 : f32
    %broadcast_in_dim3A_3 = vector.broadcast %broadcast_in_dim3A : f32 to vector<16xf32>
    %scan3A = arith.constant 0 : i32
    %scan3A_4 = arith.constant 128 : i32
    %scan3A_5 = arith.addi %scan3A, %scan3A_4 : i32
    %scan3A_6 = arith.constant 1 : i32
    scf.for %scan3A_81 = %scan3A to %scan3A_5 step %scan3A_6  : i32 {
      %swap3A = arith.index_cast %scan3A_81 : i32 to index
      %swap3A_82 = arith.constant 0 : index
      %swap3A_83 = tpu.vector_load %arg9[%swap3A, %swap3A_82] {strides = array<i32>} : memref<128x64xf32, #tpu.memory_space<vmem>>, vector<1x16xf32>,
      %swap3A_84 = vector.shape_cast %swap3A_83 : vector<1x16xf32> to vector<16xf32>
      %swap3A_85 = vector.shape_cast %broadcast_in_dim3A_3 : vector<16xf32> to vector<1x16xf32>
      tpu.vector_store %arg9[%swap3A, %swap3A_82], %swap3A_85 {strides = array<i32>} : memref<128x64xf32, #tpu.memory_space<vmem>>, vector<1x16xf32>,
      %swap3A_86 = arith.index_cast %scan3A_81 : i32 to index
      %swap3A_87 = arith.constant 16 : index
      %swap3A_88 = tpu.vector_load %arg9[%swap3A_86, %swap3A_87] {strides = array<i32>} : memref<128x64xf32, #tpu.memory_space<vmem>>, vector<1x16xf32>,
      %swap3A_89 = vector.shape_cast %swap3A_88 : vector<1x16xf32> to vector<16xf32>
      %swap3A_90 = vector.shape_cast %broadcast_in_dim3A_3 : vector<16xf32> to vector<1x16xf32>
      tpu.vector_store %arg9[%swap3A_86, %swap3A_87], %swap3A_90 {strides = array<i32>} : memref<128x64xf32, #tpu.memory_space<vmem>>, vector<1x16xf32>,
      %swap3A_91 = arith.index_cast %scan3A_81 : i32 to index
      %swap3A_92 = arith.constant 32 : index
      %swap3A_93 = tpu.vector_load %arg9[%swap3A_91, %swap3A_92] {strides = array<i32>} : memref<128x64xf32, #tpu.memory_space<vmem>>, vector<1x16xf32>,
      %swap3A_94 = vector.shape_cast %swap3A_93 : vector<1x16xf32> to vector<16xf32>
      %swap3A_95 = vector.shape_cast %broadcast_in_dim3A_3 : vector<16xf32> to vector<1x16xf32>
      tpu.vector_store %arg9[%swap3A_91, %swap3A_92], %swap3A_95 {strides = array<i32>} : memref<128x64xf32, #tpu.memory_space<vmem>>, vector<1x16xf32>,
      %swap3A_96 = arith.index_cast %scan3A_81 : i32 to index
      %swap3A_97 = arith.constant 48 : index
      %swap3A_98 = tpu.vector_load %arg9[%swap3A_96, %swap3A_97] {strides = array<i32>} : memref<128x64xf32, #tpu.memory_space<vmem>>, vector<1x16xf32>,
      %swap3A_99 = vector.shape_cast %swap3A_98 : vector<1x16xf32> to vector<16xf32>
      %swap3A_100 = vector.shape_cast %broadcast_in_dim3A_3 : vector<16xf32> to vector<1x16xf32>
      tpu.vector_store %arg9[%swap3A_96, %swap3A_97], %swap3A_100 {strides = array<i32>} : memref<128x64xf32, #tpu.memory_space<vmem>>, vector<1x16xf32>,
    }
    %scan3A_7 = arith.constant 128 : i32
    %mul3A_8 = arith.constant 640 : i32
    %mul3A_9 = arith.muli %arg1, %mul3A_8 : i32
    %add3A_10 = arith.constant 0 : i32
    %add3A_11 = arith.addi %mul3A_9, %add3A_10 : i32
    "tpu.region"() ({
      %run_scoped3A_81 = tpu.sem_alloc : memref<!tpu.dma_semaphore, #tpu.memory_space<semaphore_mem>>
      %dma_start3A = arith.constant 0 : i32
      %dma_start3A_82 = tpu.memref_slice %arg10[%add3A_11, %dma_start3A] : memref<10240x64xf32, #tpu.memory_space<vmem_shared>> -> memref<128x64xf32, #tpu.memory_space<vmem_shared>>
      %dma_start3A_83 = arith.constant 0 : i32
      %dma_start3A_84 = tpu.memref_slice %arg10[%add3A_11, %dma_start3A_83] : memref<10240x64xf32, #tpu.memory_space<vmem_shared>> -> memref<128x64xf32, #tpu.memory_space<vmem_shared>>
      tpu.enqueue_dma source(%arg9 : memref<128x64xf32, #tpu.memory_space<vmem>>) target(%dma_start3A_84 : memref<128x64xf32, #tpu.memory_space<vmem_shared>>) target_semaphore(%run_scoped3A_81 : memref<!tpu.dma_semaphore, #tpu.memory_space<semaphore_mem>>)
      %dma_wait3A = arith.constant 0 : i32
      %dma_wait3A_85 = tpu.memref_slice %arg10[%add3A_11, %dma_wait3A] : memref<10240x64xf32, #tpu.memory_space<vmem_shared>> -> memref<128x64xf32, #tpu.memory_space<vmem_shared>>
      %dma_wait3A_86 = arith.constant 0 : i32
      %dma_wait3A_87 = tpu.memref_slice %arg10[%add3A_11, %dma_wait3A_86] : memref<10240x64xf32, #tpu.memory_space<vmem_shared>> -> memref<128x64xf32, #tpu.memory_space<vmem_shared>>
      tpu.wait_dma2 semaphore(%run_scoped3A_81 : memref<!tpu.dma_semaphore, #tpu.memory_space<semaphore_mem>>) src(%arg9 : memref<128x64xf32, #tpu.memory_space<vmem>>) dst(%dma_wait3A_87 : memref<128x64xf32, #tpu.memory_space<vmem_shared>>)
      tpu.yield
    }) : () -> ()
    %mul3A_12 = arith.constant 640 : i32
    %mul3A_13 = arith.muli %arg1, %mul3A_12 : i32
    %add3A_14 = arith.constant 128 : i32
    %add3A_15 = arith.addi %mul3A_13, %add3A_14 : i32
    "tpu.region"() ({
      %run_scoped3A_81 = tpu.sem_alloc : memref<!tpu.dma_semaphore, #tpu.memory_space<semaphore_mem>>
      %dma_start3A = arith.constant 0 : i32
      %dma_start3A_82 = tpu.memref_slice %arg10[%add3A_15, %dma_start3A] : memref<10240x64xf32, #tpu.memory_space<vmem_shared>> -> memref<128x64xf32, #tpu.memory_space<vmem_shared>>
      %dma_start3A_83 = arith.constant 0 : i32
      %dma_start3A_84 = tpu.memref_slice %arg10[%add3A_15, %dma_start3A_83] : memref<10240x64xf32, #tpu.memory_space<vmem_shared>> -> memref<128x64xf32, #tpu.memory_space<vmem_shared>>
      tpu.enqueue_dma source(%arg9 : memref<128x64xf32, #tpu.memory_space<vmem>>) target(%dma_start3A_84 : memref<128x64xf32, #tpu.memory_space<vmem_shared>>) target_semaphore(%run_scoped3A_81 : memref<!tpu.dma_semaphore, #tpu.memory_space<semaphore_mem>>)
      %dma_wait3A = arith.constant 0 : i32
      %dma_wait3A_85 = tpu.memref_slice %arg10[%add3A_15, %dma_wait3A] : memref<10240x64xf32, #tpu.memory_space<vmem_shared>> -> memref<128x64xf32, #tpu.memory_space<vmem_shared>>
      %dma_wait3A_86 = arith.constant 0 : i32
      %dma_wait3A_87 = tpu.memref_slice %arg10[%add3A_15, %dma_wait3A_86] : memref<10240x64xf32, #tpu.memory_space<vmem_shared>> -> memref<128x64xf32, #tpu.memory_space<vmem_shared>>
      tpu.wait_dma2 semaphore(%run_scoped3A_81 : memref<!tpu.dma_semaphore, #tpu.memory_space<semaphore_mem>>) src(%arg9 : memref<128x64xf32, #tpu.memory_space<vmem>>) dst(%dma_wait3A_87 : memref<128x64xf32, #tpu.memory_space<vmem_shared>>)
      tpu.yield
    }) : () -> ()
    %mul3A_16 = arith.constant 640 : i32
    %mul3A_17 = arith.muli %arg1, %mul3A_16 : i32
    %add3A_18 = arith.constant 256 : i32
    %add3A_19 = arith.addi %mul3A_17, %add3A_18 : i32
    "tpu.region"() ({
      %run_scoped3A_81 = tpu.sem_alloc : memref<!tpu.dma_semaphore, #tpu.memory_space<semaphore_mem>>
      %dma_start3A = arith.constant 0 : i32
      %dma_start3A_82 = tpu.memref_slice %arg10[%add3A_19, %dma_start3A] : memref<10240x64xf32, #tpu.memory_space<vmem_shared>> -> memref<128x64xf32, #tpu.memory_space<vmem_shared>>
      %dma_start3A_83 = arith.constant 0 : i32
      %dma_start3A_84 = tpu.memref_slice %arg10[%add3A_19, %dma_start3A_83] : memref<10240x64xf32, #tpu.memory_space<vmem_shared>> -> memref<128x64xf32, #tpu.memory_space<vmem_shared>>
      tpu.enqueue_dma source(%arg9 : memref<128x64xf32, #tpu.memory_space<vmem>>) target(%dma_start3A_84 : memref<128x64xf32, #tpu.memory_space<vmem_shared>>) target_semaphore(%run_scoped3A_81 : memref<!tpu.dma_semaphore, #tpu.memory_space<semaphore_mem>>)
      %dma_wait3A = arith.constant 0 : i32
      %dma_wait3A_85 = tpu.memref_slice %arg10[%add3A_19, %dma_wait3A] : memref<10240x64xf32, #tpu.memory_space<vmem_shared>> -> memref<128x64xf32, #tpu.memory_space<vmem_shared>>
      %dma_wait3A_86 = arith.constant 0 : i32
      %dma_wait3A_87 = tpu.memref_slice %arg10[%add3A_19, %dma_wait3A_86] : memref<10240x64xf32, #tpu.memory_space<vmem_shared>> -> memref<128x64xf32, #tpu.memory_space<vmem_shared>>
      tpu.wait_dma2 semaphore(%run_scoped3A_81 : memref<!tpu.dma_semaphore, #tpu.memory_space<semaphore_mem>>) src(%arg9 : memref<128x64xf32, #tpu.memory_space<vmem>>) dst(%dma_wait3A_87 : memref<128x64xf32, #tpu.memory_space<vmem_shared>>)
      tpu.yield
    }) : () -> ()
    %mul3A_20 = arith.constant 640 : i32
    %mul3A_21 = arith.muli %arg1, %mul3A_20 : i32
    %add3A_22 = arith.constant 384 : i32
    %add3A_23 = arith.addi %mul3A_21, %add3A_22 : i32
    "tpu.region"() ({
      %run_scoped3A_81 = tpu.sem_alloc : memref<!tpu.dma_semaphore, #tpu.memory_space<semaphore_mem>>
      %dma_start3A = arith.constant 0 : i32
      %dma_start3A_82 = tpu.memref_slice %arg10[%add3A_23, %dma_start3A] : memref<10240x64xf32, #tpu.memory_space<vmem_shared>> -> memref<128x64xf32, #tpu.memory_space<vmem_shared>>
      %dma_start3A_83 = arith.constant 0 : i32
      %dma_start3A_84 = tpu.memref_slice %arg10[%add3A_23, %dma_start3A_83] : memref<10240x64xf32, #tpu.memory_space<vmem_shared>> -> memref<128x64xf32, #tpu.memory_space<vmem_shared>>
      tpu.enqueue_dma source(%arg9 : memref<128x64xf32, #tpu.memory_space<vmem>>) target(%dma_start3A_84 : memref<128x64xf32, #tpu.memory_space<vmem_shared>>) target_semaphore(%run_scoped3A_81 : memref<!tpu.dma_semaphore, #tpu.memory_space<semaphore_mem>>)
      %dma_wait3A = arith.constant 0 : i32
      %dma_wait3A_85 = tpu.memref_slice %arg10[%add3A_23, %dma_wait3A] : memref<10240x64xf32, #tpu.memory_space<vmem_shared>> -> memref<128x64xf32, #tpu.memory_space<vmem_shared>>
      %dma_wait3A_86 = arith.constant 0 : i32
      %dma_wait3A_87 = tpu.memref_slice %arg10[%add3A_23, %dma_wait3A_86] : memref<10240x64xf32, #tpu.memory_space<vmem_shared>> -> memref<128x64xf32, #tpu.memory_space<vmem_shared>>
      tpu.wait_dma2 semaphore(%run_scoped3A_81 : memref<!tpu.dma_semaphore, #tpu.memory_space<semaphore_mem>>) src(%arg9 : memref<128x64xf32, #tpu.memory_space<vmem>>) dst(%dma_wait3A_87 : memref<128x64xf32, #tpu.memory_space<vmem_shared>>)
      tpu.yield
    }) : () -> ()
    %mul3A_24 = arith.constant 640 : i32
    %mul3A_25 = arith.muli %arg1, %mul3A_24 : i32
    %add3A_26 = arith.constant 512 : i32
    %add3A_27 = arith.addi %mul3A_25, %add3A_26 : i32
    "tpu.region"() ({
      %run_scoped3A_81 = tpu.sem_alloc : memref<!tpu.dma_semaphore, #tpu.memory_space<semaphore_mem>>
      %dma_start3A = arith.constant 0 : i32
      %dma_start3A_82 = tpu.memref_slice %arg10[%add3A_27, %dma_start3A] : memref<10240x64xf32, #tpu.memory_space<vmem_shared>> -> memref<128x64xf32, #tpu.memory_space<vmem_shared>>
      %dma_start3A_83 = arith.constant 0 : i32
      %dma_start3A_84 = tpu.memref_slice %arg10[%add3A_27, %dma_start3A_83] : memref<10240x64xf32, #tpu.memory_space<vmem_shared>> -> memref<128x64xf32, #tpu.memory_space<vmem_shared>>
      tpu.enqueue_dma source(%arg9 : memref<128x64xf32, #tpu.memory_space<vmem>>) target(%dma_start3A_84 : memref<128x64xf32, #tpu.memory_space<vmem_shared>>) target_semaphore(%run_scoped3A_81 : memref<!tpu.dma_semaphore, #tpu.memory_space<semaphore_mem>>)
      %dma_wait3A = arith.constant 0 : i32
      %dma_wait3A_85 = tpu.memref_slice %arg10[%add3A_27, %dma_wait3A] : memref<10240x64xf32, #tpu.memory_space<vmem_shared>> -> memref<128x64xf32, #tpu.memory_space<vmem_shared>>
      %dma_wait3A_86 = arith.constant 0 : i32
      %dma_wait3A_87 = tpu.memref_slice %arg10[%add3A_27, %dma_wait3A_86] : memref<10240x64xf32, #tpu.memory_space<vmem_shared>> -> memref<128x64xf32, #tpu.memory_space<vmem_shared>>
      tpu.wait_dma2 semaphore(%run_scoped3A_81 : memref<!tpu.dma_semaphore, #tpu.memory_space<semaphore_mem>>) src(%arg9 : memref<128x64xf32, #tpu.memory_space<vmem>>) dst(%dma_wait3A_87 : memref<128x64xf32, #tpu.memory_space<vmem_shared>>)
      tpu.yield
    }) : () -> ()
    %barrier3A = arith.constant 0 : index
    tpu.barrier barrier_id(%barrier3A)
    %gt3A = arith.constant 0 : i32
    %gt3A_28 = arith.cmpi sgt, %select_n3A, %gt3A : i32
    %convert_element_type3A = arith.extui %gt3A_28 : i1 to i32
    %cond3A = arith.constant 0 : i32
    %cond3A_29 = arith.constant 0 : i32
    %cond3A_30 = arith.cmpi ne, %convert_element_type3A, %cond3A_29 : i32
    scf.if %cond3A_30 {
      %dma_start3A = arith.constant 0 : i32
      %dma_start3A_81 = arith.constant 0 : i32
      %dma_start3A_82 = arith.constant 0 : i32
      %dma_start3A_83 = arith.constant 0 : i32
      %dma_start3A_84 = tpu.memref_slice %arg8[%dma_start3A_81, %dma_start3A_82, %dma_start3A_83] : memref<4x128x64xf32, #tpu.memory_space<vmem>> -> memref<1x128x64xf32, #tpu.memory_space<vmem>>
      %dma_start3A_85 = tpu.memref_squeeze %dma_start3A_84 : memref<1x128x64xf32, #tpu.memory_space<vmem>> -> memref<128x64xf32, #tpu.memory_space<vmem>>
      %dma_start3A_86 = arith.constant 0 : i32
      %dma_start3A_87 = tpu.memref_slice %arg6[%dma_start3A, %dma_start3A_86] : memref<160x128xi32, #tpu.memory_space<vmem>> -> memref<1x128xi32, #tpu.memory_space<vmem>>
      %dma_start3A_88 = tpu.memref_squeeze %dma_start3A_87 : memref<1x128xi32, #tpu.memory_space<vmem>> -> memref<128xi32, #tpu.memory_space<vmem>>
      %dma_start3A_89 = arith.constant 0 : i32
      %dma_start3A_90 = arith.constant 0 : i32
      %dma_start3A_91 = tpu.memref_slice %arg2[%cond3A, %dma_start3A_89, %dma_start3A_90] : memref<1x10240x64xf32, #tpu.memory_space<hbm>> -> memref<1x10240x64xf32, #tpu.memory_space<hbm>>
      %dma_start3A_92 = tpu.memref_squeeze %dma_start3A_91 : memref<1x10240x64xf32, #tpu.memory_space<hbm>> -> memref<10240x64xf32, #tpu.memory_space<hbm>>
      %dma_start3A_93 = arith.constant 0 : i32
      %dma_start3A_94 = arith.constant 0 : i32
      %dma_start3A_95 = tpu.memref_slice %dma_start3A_92[%dma_start3A_93, %dma_start3A_94] : memref<10240x64xf32, #tpu.memory_space<hbm>> -> memref<10240x64xf32, #tpu.memory_space<hbm>>
      tpu.enqueue_indirect_dma source(%dma_start3A_95 : memref<10240x64xf32, #tpu.memory_space<hbm>>) target(%dma_start3A_85 : memref<128x64xf32, #tpu.memory_space<vmem>>) offsets(%dma_start3A_88 : memref<128xi32, #tpu.memory_space<vmem>>) semaphore(%arg11 : memref<!tpu.dma_semaphore, #tpu.memory_space<semaphore_mem>>)
    } else {
    }
    %gt3A_31 = arith.constant 1 : i32
    %gt3A_32 = arith.cmpi sgt, %select_n3A, %gt3A_31 : i32
    %convert_element_type3A_33 = arith.extui %gt3A_32 : i1 to i32
    %cond3A_34 = arith.constant 0 : i32
    %cond3A_35 = arith.constant 0 : i32
    %cond3A_36 = arith.cmpi ne, %convert_element_type3A_33, %cond3A_35 : i32
    scf.if %cond3A_36 {
      %dma_start3A = arith.constant 1 : i32
      %dma_start3A_81 = arith.constant 1 : i32
      %dma_start3A_82 = arith.constant 0 : i32
      %dma_start3A_83 = arith.constant 0 : i32
      %dma_start3A_84 = tpu.memref_slice %arg8[%dma_start3A_81, %dma_start3A_82, %dma_start3A_83] : memref<4x128x64xf32, #tpu.memory_space<vmem>> -> memref<1x128x64xf32, #tpu.memory_space<vmem>>
      %dma_start3A_85 = tpu.memref_squeeze %dma_start3A_84 : memref<1x128x64xf32, #tpu.memory_space<vmem>> -> memref<128x64xf32, #tpu.memory_space<vmem>>
      %dma_start3A_86 = arith.constant 0 : i32
      %dma_start3A_87 = tpu.memref_slice %arg6[%dma_start3A, %dma_start3A_86] : memref<160x128xi32, #tpu.memory_space<vmem>> -> memref<1x128xi32, #tpu.memory_space<vmem>>
      %dma_start3A_88 = tpu.memref_squeeze %dma_start3A_87 : memref<1x128xi32, #tpu.memory_space<vmem>> -> memref<128xi32, #tpu.memory_space<vmem>>
      %dma_start3A_89 = arith.constant 0 : i32
      %dma_start3A_90 = arith.constant 0 : i32
      %dma_start3A_91 = tpu.memref_slice %arg2[%cond3A_34, %dma_start3A_89, %dma_start3A_90] : memref<1x10240x64xf32, #tpu.memory_space<hbm>> -> memref<1x10240x64xf32, #tpu.memory_space<hbm>>
      %dma_start3A_92 = tpu.memref_squeeze %dma_start3A_91 : memref<1x10240x64xf32, #tpu.memory_space<hbm>> -> memref<10240x64xf32, #tpu.memory_space<hbm>>
      %dma_start3A_93 = arith.constant 0 : i32
      %dma_start3A_94 = arith.constant 0 : i32
      %dma_start3A_95 = tpu.memref_slice %dma_start3A_92[%dma_start3A_93, %dma_start3A_94] : memref<10240x64xf32, #tpu.memory_space<hbm>> -> memref<10240x64xf32, #tpu.memory_space<hbm>>
      tpu.enqueue_indirect_dma source(%dma_start3A_95 : memref<10240x64xf32, #tpu.memory_space<hbm>>) target(%dma_start3A_85 : memref<128x64xf32, #tpu.memory_space<vmem>>) offsets(%dma_start3A_88 : memref<128xi32, #tpu.memory_space<vmem>>) semaphore(%arg12 : memref<!tpu.dma_semaphore, #tpu.memory_space<semaphore_mem>>)
    } else {
    }
    %gt3A_37 = arith.constant 2 : i32
    %gt3A_38 = arith.cmpi sgt, %select_n3A, %gt3A_37 : i32
    %convert_element_type3A_39 = arith.extui %gt3A_38 : i1 to i32
    %cond3A_40 = arith.constant 0 : i32
    %cond3A_41 = arith.constant 0 : i32
    %cond3A_42 = arith.cmpi ne, %convert_element_type3A_39, %cond3A_41 : i32
    scf.if %cond3A_42 {
      %dma_start3A = arith.constant 2 : i32
      %dma_start3A_81 = arith.constant 2 : i32
      %dma_start3A_82 = arith.constant 0 : i32
      %dma_start3A_83 = arith.constant 0 : i32
      %dma_start3A_84 = tpu.memref_slice %arg8[%dma_start3A_81, %dma_start3A_82, %dma_start3A_83] : memref<4x128x64xf32, #tpu.memory_space<vmem>> -> memref<1x128x64xf32, #tpu.memory_space<vmem>>
      %dma_start3A_85 = tpu.memref_squeeze %dma_start3A_84 : memref<1x128x64xf32, #tpu.memory_space<vmem>> -> memref<128x64xf32, #tpu.memory_space<vmem>>
      %dma_start3A_86 = arith.constant 0 : i32
      %dma_start3A_87 = tpu.memref_slice %arg6[%dma_start3A, %dma_start3A_86] : memref<160x128xi32, #tpu.memory_space<vmem>> -> memref<1x128xi32, #tpu.memory_space<vmem>>
      %dma_start3A_88 = tpu.memref_squeeze %dma_start3A_87 : memref<1x128xi32, #tpu.memory_space<vmem>> -> memref<128xi32, #tpu.memory_space<vmem>>
      %dma_start3A_89 = arith.constant 0 : i32
      %dma_start3A_90 = arith.constant 0 : i32
      %dma_start3A_91 = tpu.memref_slice %arg2[%cond3A_40, %dma_start3A_89, %dma_start3A_90] : memref<1x10240x64xf32, #tpu.memory_space<hbm>> -> memref<1x10240x64xf32, #tpu.memory_space<hbm>>
      %dma_start3A_92 = tpu.memref_squeeze %dma_start3A_91 : memref<1x10240x64xf32, #tpu.memory_space<hbm>> -> memref<10240x64xf32, #tpu.memory_space<hbm>>
      %dma_start3A_93 = arith.constant 0 : i32
      %dma_start3A_94 = arith.constant 0 : i32
      %dma_start3A_95 = tpu.memref_slice %dma_start3A_92[%dma_start3A_93, %dma_start3A_94] : memref<10240x64xf32, #tpu.memory_space<hbm>> -> memref<10240x64xf32, #tpu.memory_space<hbm>>
      tpu.enqueue_indirect_dma source(%dma_start3A_95 : memref<10240x64xf32, #tpu.memory_space<hbm>>) target(%dma_start3A_85 : memref<128x64xf32, #tpu.memory_space<vmem>>) offsets(%dma_start3A_88 : memref<128xi32, #tpu.memory_space<vmem>>) semaphore(%arg13 : memref<!tpu.dma_semaphore, #tpu.memory_space<semaphore_mem>>)
    } else {
    }
    %gt3A_43 = arith.constant 3 : i32
    %gt3A_44 = arith.cmpi sgt, %select_n3A, %gt3A_43 : i32
    %convert_element_type3A_45 = arith.extui %gt3A_44 : i1 to i32
    %cond3A_46 = arith.constant 0 : i32
    %cond3A_47 = arith.constant 0 : i32
    %cond3A_48 = arith.cmpi ne, %convert_element_type3A_45, %cond3A_47 : i32
    scf.if %cond3A_48 {
      %dma_start3A = arith.constant 3 : i32
      %dma_start3A_81 = arith.constant 3 : i32
      %dma_start3A_82 = arith.constant 0 : i32
      %dma_start3A_83 = arith.constant 0 : i32
      %dma_start3A_84 = tpu.memref_slice %arg8[%dma_start3A_81, %dma_start3A_82, %dma_start3A_83] : memref<4x128x64xf32, #tpu.memory_space<vmem>> -> memref<1x128x64xf32, #tpu.memory_space<vmem>>
      %dma_start3A_85 = tpu.memref_squeeze %dma_start3A_84 : memref<1x128x64xf32, #tpu.memory_space<vmem>> -> memref<128x64xf32, #tpu.memory_space<vmem>>
      %dma_start3A_86 = arith.constant 0 : i32
      %dma_start3A_87 = tpu.memref_slice %arg6[%dma_start3A, %dma_start3A_86] : memref<160x128xi32, #tpu.memory_space<vmem>> -> memref<1x128xi32, #tpu.memory_space<vmem>>
      %dma_start3A_88 = tpu.memref_squeeze %dma_start3A_87 : memref<1x128xi32, #tpu.memory_space<vmem>> -> memref<128xi32, #tpu.memory_space<vmem>>
      %dma_start3A_89 = arith.constant 0 : i32
      %dma_start3A_90 = arith.constant 0 : i32
      %dma_start3A_91 = tpu.memref_slice %arg2[%cond3A_46, %dma_start3A_89, %dma_start3A_90] : memref<1x10240x64xf32, #tpu.memory_space<hbm>> -> memref<1x10240x64xf32, #tpu.memory_space<hbm>>
      %dma_start3A_92 = tpu.memref_squeeze %dma_start3A_91 : memref<1x10240x64xf32, #tpu.memory_space<hbm>> -> memref<10240x64xf32, #tpu.memory_space<hbm>>
      %dma_start3A_93 = arith.constant 0 : i32
      %dma_start3A_94 = arith.constant 0 : i32
      %dma_start3A_95 = tpu.memref_slice %dma_start3A_92[%dma_start3A_93, %dma_start3A_94] : memref<10240x64xf32, #tpu.memory_space<hbm>> -> memref<10240x64xf32, #tpu.memory_space<hbm>>
      tpu.enqueue_indirect_dma source(%dma_start3A_95 : memref<10240x64xf32, #tpu.memory_space<hbm>>) target(%dma_start3A_85 : memref<128x64xf32, #tpu.memory_space<vmem>>) offsets(%dma_start3A_88 : memref<128xi32, #tpu.memory_space<vmem>>) semaphore(%arg14 : memref<!tpu.dma_semaphore, #tpu.memory_space<semaphore_mem>>)
    } else {
    }
    %jit3A_49 = arith.constant 4 : i32
    %div3A = arith.divsi %select_n3A, %jit3A_49 : i32
    %sign3A = arith.constant 0 : i32
    %sign3A_50 = arith.cmpi sgt, %select_n3A, %sign3A : i32
    %sign3A_51 = arith.extui %sign3A_50 : i1 to i32
    %sign3A_52 = arith.constant 0 : i32
    %sign3A_53 = arith.cmpi slt, %select_n3A, %sign3A_52 : i32
    %sign3A_54 = arith.extui %sign3A_53 : i1 to i32
    %sign3A_55 = arith.subi %sign3A_51, %sign3A_54 : i32
    %sign3A_56 = arith.constant 0 : i32
    %sign3A_57 = arith.cmpi sgt, %jit3A_49, %sign3A_56 : i32
    %sign3A_58 = arith.extui %sign3A_57 : i1 to i32
    %sign3A_59 = arith.constant 0 : i32
    %sign3A_60 = arith.cmpi slt, %jit3A_49, %sign3A_59 : i32
    %sign3A_61 = arith.extui %sign3A_60 : i1 to i32
    %sign3A_62 = arith.subi %sign3A_58, %sign3A_61 : i32
    %ne3A = arith.cmpi ne, %sign3A_55, %sign3A_62 : i32
    %rem3A = arith.remsi %select_n3A, %jit3A_49 : i32
    %ne3A_63 = arith.constant 0 : i32
    %ne3A_64 = arith.cmpi ne, %rem3A, %ne3A_63 : i32
    %and3A = arith.andi %ne3A, %ne3A_64 : i1
    %sub3A = arith.constant 1 : i32
    %sub3A_65 = arith.subi %div3A, %sub3A : i32
    %select_n3A_66 = arith.select %and3A, %sub3A_65, %div3A : i32
    %while3A = arith.constant 0 : i32
    %while3A_67 = arith.constant 0 : i32
    %while3A_68 = arith.subi %select_n3A_66, %while3A_67 : i32
    %while3A_69 = arith.addi %while3A_67, %while3A_68 : i32
    %while3A_70 = arith.constant 1 : i32
    %while3A_71 = arith.divsi %while3A_68, %while3A_70 : i32
    %while3A_72 = arith.muli %while3A_71, %while3A_70 : i32
    %while3A_73 = arith.addi %while3A_67, %while3A_72 : i32
    %while3A_74 = arith.constant 1 : i32
    scf.for %while3A_81 = %while3A_67 to %while3A_73 step %while3A_74  : i32 {
      %mul3A_82 = arith.constant 4 : i32
      %mul3A_83 = arith.muli %while3A_81, %mul3A_82 : i32
      %add3A_84 = arith.constant 0 : i32
      %add3A_85 = arith.addi %mul3A_83, %add3A_84 : i32
      %dma_wait3A = arith.constant 0 : i32
      %dma_wait3A_86 = arith.constant 0 : i32
      %dma_wait3A_87 = arith.constant 0 : i32
      %dma_wait3A_88 = tpu.memref_slice %arg8[%dma_wait3A, %dma_wait3A_86, %dma_wait3A_87] : memref<4x128x64xf32, #tpu.memory_space<vmem>> -> memref<1x128x64xf32, #tpu.memory_space<vmem>>
      %dma_wait3A_89 = tpu.memref_squeeze %dma_wait3A_88 : memref<1x128x64xf32, #tpu.memory_space<vmem>> -> memref<128x64xf32, #tpu.memory_space<vmem>>
      %dma_wait3A_90 = arith.constant 0 : i32
      %dma_wait3A_91 = tpu.memref_slice %arg6[%add3A_85, %dma_wait3A_90] : memref<160x128xi32, #tpu.memory_space<vmem>> -> memref<1x128xi32, #tpu.memory_space<vmem>>
      %dma_wait3A_92 = tpu.memref_squeeze %dma_wait3A_91 : memref<1x128xi32, #tpu.memory_space<vmem>> -> memref<128xi32, #tpu.memory_space<vmem>>
      %dma_wait3A_93 = arith.constant 0 : i32
      %dma_wait3A_94 = arith.constant 0 : i32
      %dma_wait3A_95 = tpu.memref_slice %arg2[%while3A, %dma_wait3A_93, %dma_wait3A_94] : memref<1x10240x64xf32, #tpu.memory_space<hbm>> -> memref<1x10240x64xf32, #tpu.memory_space<hbm>>
      %dma_wait3A_96 = tpu.memref_squeeze %dma_wait3A_95 : memref<1x10240x64xf32, #tpu.memory_space<hbm>> -> memref<10240x64xf32, #tpu.memory_space<hbm>>
      %dma_wait3A_97 = arith.constant 0 : i32
      %dma_wait3A_98 = arith.constant 0 : i32
      %dma_wait3A_99 = tpu.memref_slice %dma_wait3A_96[%dma_wait3A_97, %dma_wait3A_98] : memref<10240x64xf32, #tpu.memory_space<hbm>> -> memref<10240x64xf32, #tpu.memory_space<hbm>>
      tpu.wait_indirect_dma semaphore(%arg11 : memref<!tpu.dma_semaphore, #tpu.memory_space<semaphore_mem>>) src(%dma_wait3A_99 : memref<10240x64xf32, #tpu.memory_space<hbm>>) dst(%dma_wait3A_89 : memref<128x64xf32, #tpu.memory_space<vmem>>)
      %run_scoped3A_100 = arith.constant 0 : i32
      "tpu.region"() ({
        %run_scoped3A_178 = tpu.sem_alloc : memref<!tpu.dma_semaphore, #tpu.memory_space<semaphore_mem>>
        %dma_start3A = arith.constant 0 : i32
        %dma_start3A_179 = arith.constant 0 : i32
        %dma_start3A_180 = tpu.memref_slice %arg8[%run_scoped3A_100, %dma_start3A, %dma_start3A_179] : memref<4x128x64xf32, #tpu.memory_space<vmem>> -> memref<1x128x64xf32, #tpu.memory_space<vmem>>
        %dma_start3A_181 = tpu.memref_squeeze %dma_start3A_180 : memref<1x128x64xf32, #tpu.memory_space<vmem>> -> memref<128x64xf32, #tpu.memory_space<vmem>>
        %dma_start3A_182 = arith.constant 0 : i32
        %dma_start3A_183 = tpu.memref_slice %arg7[%add3A_85, %dma_start3A_182] : memref<160x128xi32, #tpu.memory_space<vmem>> -> memref<1x128xi32, #tpu.memory_space<vmem>>
        %dma_start3A_184 = tpu.memref_squeeze %dma_start3A_183 : memref<1x128xi32, #tpu.memory_space<vmem>> -> memref<128xi32, #tpu.memory_space<vmem>>
        %dma_start3A_185 = arith.constant 0 : i32
        %dma_start3A_186 = arith.constant 0 : i32
        %dma_start3A_187 = tpu.memref_slice %arg10[%dma_start3A_185, %dma_start3A_186] : memref<10240x64xf32, #tpu.memory_space<vmem_shared>> -> memref<10240x64xf32, #tpu.memory_space<vmem_shared>>
        tpu.enqueue_indirect_dma source(%dma_start3A_181 : memref<128x64xf32, #tpu.memory_space<vmem>>) target(%dma_start3A_187 : memref<10240x64xf32, #tpu.memory_space<vmem_shared>>) offsets(%dma_start3A_184 : memref<128xi32, #tpu.memory_space<vmem>>) semaphore(%run_scoped3A_178 : memref<!tpu.dma_semaphore, #tpu.memory_space<semaphore_mem>>) {add = true}
        %dma_wait3A_188 = arith.constant 0 : i32
        %dma_wait3A_189 = arith.constant 0 : i32
        %dma_wait3A_190 = tpu.memref_slice %arg8[%run_scoped3A_100, %dma_wait3A_188, %dma_wait3A_189] : memref<4x128x64xf32, #tpu.memory_space<vmem>> -> memref<1x128x64xf32, #tpu.memory_space<vmem>>
        %dma_wait3A_191 = tpu.memref_squeeze %dma_wait3A_190 : memref<1x128x64xf32, #tpu.memory_space<vmem>> -> memref<128x64xf32, #tpu.memory_space<vmem>>
        %dma_wait3A_192 = arith.constant 0 : i32
        %dma_wait3A_193 = tpu.memref_slice %arg7[%add3A_85, %dma_wait3A_192] : memref<160x128xi32, #tpu.memory_space<vmem>> -> memref<1x128xi32, #tpu.memory_space<vmem>>
        %dma_wait3A_194 = tpu.memref_squeeze %dma_wait3A_193 : memref<1x128xi32, #tpu.memory_space<vmem>> -> memref<128xi32, #tpu.memory_space<vmem>>
        %dma_wait3A_195 = arith.constant 0 : i32
        %dma_wait3A_196 = arith.constant 0 : i32
        %dma_wait3A_197 = tpu.memref_slice %arg10[%dma_wait3A_195, %dma_wait3A_196] : memref<10240x64xf32, #tpu.memory_space<vmem_shared>> -> memref<10240x64xf32, #tpu.memory_space<vmem_shared>>
        tpu.wait_indirect_dma semaphore(%run_scoped3A_178 : memref<!tpu.dma_semaphore, #tpu.memory_space<semaphore_mem>>) src(%dma_wait3A_191 : memref<128x64xf32, #tpu.memory_space<vmem>>) dst(%dma_wait3A_197 : memref<10240x64xf32, #tpu.memory_space<vmem_shared>>)
        tpu.yield
      }) : () -> ()
      %add3A_101 = arith.constant 4 : i32
      %add3A_102 = arith.addi %add3A_85, %add3A_101 : i32
      %lt3A = arith.cmpi slt, %add3A_102, %select_n3A : i32
      %convert_element_type3A_103 = arith.extui %lt3A : i1 to i32
      %cond3A_104 = arith.constant 0 : i32
      %cond3A_105 = arith.cmpi ne, %convert_element_type3A_103, %cond3A_104 : i32
      scf.if %cond3A_105 {
        %add3A_178 = arith.constant 4 : i32
        %add3A_179 = arith.addi %add3A_85, %add3A_178 : i32
        %dma_start3A = arith.constant 0 : i32
        %dma_start3A_180 = arith.constant 0 : i32
        %dma_start3A_181 = arith.constant 0 : i32
        %dma_start3A_182 = tpu.memref_slice %arg8[%dma_start3A, %dma_start3A_180, %dma_start3A_181] : memref<4x128x64xf32, #tpu.memory_space<vmem>> -> memref<1x128x64xf32, #tpu.memory_space<vmem>>
        %dma_start3A_183 = tpu.memref_squeeze %dma_start3A_182 : memref<1x128x64xf32, #tpu.memory_space<vmem>> -> memref<128x64xf32, #tpu.memory_space<vmem>>
        %dma_start3A_184 = arith.constant 0 : i32
        %dma_start3A_185 = tpu.memref_slice %arg6[%add3A_179, %dma_start3A_184] : memref<160x128xi32, #tpu.memory_space<vmem>> -> memref<1x128xi32, #tpu.memory_space<vmem>>
        %dma_start3A_186 = tpu.memref_squeeze %dma_start3A_185 : memref<1x128xi32, #tpu.memory_space<vmem>> -> memref<128xi32, #tpu.memory_space<vmem>>
        %dma_start3A_187 = arith.constant 0 : i32
        %dma_start3A_188 = arith.constant 0 : i32
        %dma_start3A_189 = tpu.memref_slice %arg2[%while3A, %dma_start3A_187, %dma_start3A_188] : memref<1x10240x64xf32, #tpu.memory_space<hbm>> -> memref<1x10240x64xf32, #tpu.memory_space<hbm>>
        %dma_start3A_190 = tpu.memref_squeeze %dma_start3A_189 : memref<1x10240x64xf32, #tpu.memory_space<hbm>> -> memref<10240x64xf32, #tpu.memory_space<hbm>>
        %dma_start3A_191 = arith.constant 0 : i32
        %dma_start3A_192 = arith.constant 0 : i32
        %dma_start3A_193 = tpu.memref_slice %dma_start3A_190[%dma_start3A_191, %dma_start3A_192] : memref<10240x64xf32, #tpu.memory_space<hbm>> -> memref<10240x64xf32, #tpu.memory_space<hbm>>
        tpu.enqueue_indirect_dma source(%dma_start3A_193 : memref<10240x64xf32, #tpu.memory_space<hbm>>) target(%dma_start3A_183 : memref<128x64xf32, #tpu.memory_space<vmem>>) offsets(%dma_start3A_186 : memref<128xi32, #tpu.memory_space<vmem>>) semaphore(%arg11 : memref<!tpu.dma_semaphore, #tpu.memory_space<semaphore_mem>>)
      } else {
      }
      %add3A_106 = arith.constant 1 : i32
      %add3A_107 = arith.addi %mul3A_83, %add3A_106 : i32
      %dma_wait3A_108 = arith.constant 1 : i32
      %dma_wait3A_109 = arith.constant 0 : i32
      %dma_wait3A_110 = arith.constant 0 : i32
      %dma_wait3A_111 = tpu.memref_slice %arg8[%dma_wait3A_108, %dma_wait3A_109, %dma_wait3A_110] : memref<4x128x64xf32, #tpu.memory_space<vmem>> -> memref<1x128x64xf32, #tpu.memory_space<vmem>>
      %dma_wait3A_112 = tpu.memref_squeeze %dma_wait3A_111 : memref<1x128x64xf32, #tpu.memory_space<vmem>> -> memref<128x64xf32, #tpu.memory_space<vmem>>
      %dma_wait3A_113 = arith.constant 0 : i32
      %dma_wait3A_114 = tpu.memref_slice %arg6[%add3A_107, %dma_wait3A_113] : memref<160x128xi32, #tpu.memory_space<vmem>> -> memref<1x128xi32, #tpu.memory_space<vmem>>
      %dma_wait3A_115 = tpu.memref_squeeze %dma_wait3A_114 : memref<1x128xi32, #tpu.memory_space<vmem>> -> memref<128xi32, #tpu.memory_space<vmem>>
      %dma_wait3A_116 = arith.constant 0 : i32
      %dma_wait3A_117 = arith.constant 0 : i32
      %dma_wait3A_118 = tpu.memref_slice %arg2[%while3A, %dma_wait3A_116, %dma_wait3A_117] : memref<1x10240x64xf32, #tpu.memory_space<hbm>> -> memref<1x10240x64xf32, #tpu.memory_space<hbm>>
      %dma_wait3A_119 = tpu.memref_squeeze %dma_wait3A_118 : memref<1x10240x64xf32, #tpu.memory_space<hbm>> -> memref<10240x64xf32, #tpu.memory_space<hbm>>
      %dma_wait3A_120 = arith.constant 0 : i32
      %dma_wait3A_121 = arith.constant 0 : i32
      %dma_wait3A_122 = tpu.memref_slice %dma_wait3A_119[%dma_wait3A_120, %dma_wait3A_121] : memref<10240x64xf32, #tpu.memory_space<hbm>> -> memref<10240x64xf32, #tpu.memory_space<hbm>>
      tpu.wait_indirect_dma semaphore(%arg12 : memref<!tpu.dma_semaphore, #tpu.memory_space<semaphore_mem>>) src(%dma_wait3A_122 : memref<10240x64xf32, #tpu.memory_space<hbm>>) dst(%dma_wait3A_112 : memref<128x64xf32, #tpu.memory_space<vmem>>)
      %run_scoped3A_123 = arith.constant 1 : i32
      "tpu.region"() ({
        %run_scoped3A_178 = tpu.sem_alloc : memref<!tpu.dma_semaphore, #tpu.memory_space<semaphore_mem>>
        %dma_start3A = arith.constant 0 : i32
        %dma_start3A_179 = arith.constant 0 : i32
        %dma_start3A_180 = tpu.memref_slice %arg8[%run_scoped3A_123, %dma_start3A, %dma_start3A_179] : memref<4x128x64xf32, #tpu.memory_space<vmem>> -> memref<1x128x64xf32, #tpu.memory_space<vmem>>
        %dma_start3A_181 = tpu.memref_squeeze %dma_start3A_180 : memref<1x128x64xf32, #tpu.memory_space<vmem>> -> memref<128x64xf32, #tpu.memory_space<vmem>>
        %dma_start3A_182 = arith.constant 0 : i32
        %dma_start3A_183 = tpu.memref_slice %arg7[%add3A_107, %dma_start3A_182] : memref<160x128xi32, #tpu.memory_space<vmem>> -> memref<1x128xi32, #tpu.memory_space<vmem>>
        %dma_start3A_184 = tpu.memref_squeeze %dma_start3A_183 : memref<1x128xi32, #tpu.memory_space<vmem>> -> memref<128xi32, #tpu.memory_space<vmem>>
        %dma_start3A_185 = arith.constant 0 : i32
        %dma_start3A_186 = arith.constant 0 : i32
        %dma_start3A_187 = tpu.memref_slice %arg10[%dma_start3A_185, %dma_start3A_186] : memref<10240x64xf32, #tpu.memory_space<vmem_shared>> -> memref<10240x64xf32, #tpu.memory_space<vmem_shared>>
        tpu.enqueue_indirect_dma source(%dma_start3A_181 : memref<128x64xf32, #tpu.memory_space<vmem>>) target(%dma_start3A_187 : memref<10240x64xf32, #tpu.memory_space<vmem_shared>>) offsets(%dma_start3A_184 : memref<128xi32, #tpu.memory_space<vmem>>) semaphore(%run_scoped3A_178 : memref<!tpu.dma_semaphore, #tpu.memory_space<semaphore_mem>>) {add = true}
        %dma_wait3A_188 = arith.constant 0 : i32
        %dma_wait3A_189 = arith.constant 0 : i32
        %dma_wait3A_190 = tpu.memref_slice %arg8[%run_scoped3A_123, %dma_wait3A_188, %dma_wait3A_189] : memref<4x128x64xf32, #tpu.memory_space<vmem>> -> memref<1x128x64xf32, #tpu.memory_space<vmem>>
        %dma_wait3A_191 = tpu.memref_squeeze %dma_wait3A_190 : memref<1x128x64xf32, #tpu.memory_space<vmem>> -> memref<128x64xf32, #tpu.memory_space<vmem>>
        %dma_wait3A_192 = arith.constant 0 : i32
        %dma_wait3A_193 = tpu.memref_slice %arg7[%add3A_107, %dma_wait3A_192] : memref<160x128xi32, #tpu.memory_space<vmem>> -> memref<1x128xi32, #tpu.memory_space<vmem>>
        %dma_wait3A_194 = tpu.memref_squeeze %dma_wait3A_193 : memref<1x128xi32, #tpu.memory_space<vmem>> -> memref<128xi32, #tpu.memory_space<vmem>>
        %dma_wait3A_195 = arith.constant 0 : i32
        %dma_wait3A_196 = arith.constant 0 : i32
        %dma_wait3A_197 = tpu.memref_slice %arg10[%dma_wait3A_195, %dma_wait3A_196] : memref<10240x64xf32, #tpu.memory_space<vmem_shared>> -> memref<10240x64xf32, #tpu.memory_space<vmem_shared>>
        tpu.wait_indirect_dma semaphore(%run_scoped3A_178 : memref<!tpu.dma_semaphore, #tpu.memory_space<semaphore_mem>>) src(%dma_wait3A_191 : memref<128x64xf32, #tpu.memory_space<vmem>>) dst(%dma_wait3A_197 : memref<10240x64xf32, #tpu.memory_space<vmem_shared>>)
        tpu.yield
      }) : () -> ()
      %add3A_124 = arith.constant 4 : i32
      %add3A_125 = arith.addi %add3A_107, %add3A_124 : i32
      %lt3A_126 = arith.cmpi slt, %add3A_125, %select_n3A : i32
      %convert_element_type3A_127 = arith.extui %lt3A_126 : i1 to i32
      %cond3A_128 = arith.constant 0 : i32
      %cond3A_129 = arith.cmpi ne, %convert_element_type3A_127, %cond3A_128 : i32
      scf.if %cond3A_129 {
        %add3A_178 = arith.constant 4 : i32
        %add3A_179 = arith.addi %add3A_107, %add3A_178 : i32
        %dma_start3A = arith.constant 1 : i32
        %dma_start3A_180 = arith.constant 0 : i32
        %dma_start3A_181 = arith.constant 0 : i32
        %dma_start3A_182 = tpu.memref_slice %arg8[%dma_start3A, %dma_start3A_180, %dma_start3A_181] : memref<4x128x64xf32, #tpu.memory_space<vmem>> -> memref<1x128x64xf32, #tpu.memory_space<vmem>>
        %dma_start3A_183 = tpu.memref_squeeze %dma_start3A_182 : memref<1x128x64xf32, #tpu.memory_space<vmem>> -> memref<128x64xf32, #tpu.memory_space<vmem>>
        %dma_start3A_184 = arith.constant 0 : i32
        %dma_start3A_185 = tpu.memref_slice %arg6[%add3A_179, %dma_start3A_184] : memref<160x128xi32, #tpu.memory_space<vmem>> -> memref<1x128xi32, #tpu.memory_space<vmem>>
        %dma_start3A_186 = tpu.memref_squeeze %dma_start3A_185 : memref<1x128xi32, #tpu.memory_space<vmem>> -> memref<128xi32, #tpu.memory_space<vmem>>
        %dma_start3A_187 = arith.constant 0 : i32
        %dma_start3A_188 = arith.constant 0 : i32
        %dma_start3A_189 = tpu.memref_slice %arg2[%while3A, %dma_start3A_187, %dma_start3A_188] : memref<1x10240x64xf32, #tpu.memory_space<hbm>> -> memref<1x10240x64xf32, #tpu.memory_space<hbm>>
        %dma_start3A_190 = tpu.memref_squeeze %dma_start3A_189 : memref<1x10240x64xf32, #tpu.memory_space<hbm>> -> memref<10240x64xf32, #tpu.memory_space<hbm>>
        %dma_start3A_191 = arith.constant 0 : i32
        %dma_start3A_192 = arith.constant 0 : i32
        %dma_start3A_193 = tpu.memref_slice %dma_start3A_190[%dma_start3A_191, %dma_start3A_192] : memref<10240x64xf32, #tpu.memory_space<hbm>> -> memref<10240x64xf32, #tpu.memory_space<hbm>>
        tpu.enqueue_indirect_dma source(%dma_start3A_193 : memref<10240x64xf32, #tpu.memory_space<hbm>>) target(%dma_start3A_183 : memref<128x64xf32, #tpu.memory_space<vmem>>) offsets(%dma_start3A_186 : memref<128xi32, #tpu.memory_space<vmem>>) semaphore(%arg12 : memref<!tpu.dma_semaphore, #tpu.memory_space<semaphore_mem>>)
      } else {
      }
      %add3A_130 = arith.constant 2 : i32
      %add3A_131 = arith.addi %mul3A_83, %add3A_130 : i32
      %dma_wait3A_132 = arith.constant 2 : i32
      %dma_wait3A_133 = arith.constant 0 : i32
      %dma_wait3A_134 = arith.constant 0 : i32
      %dma_wait3A_135 = tpu.memref_slice %arg8[%dma_wait3A_132, %dma_wait3A_133, %dma_wait3A_134] : memref<4x128x64xf32, #tpu.memory_space<vmem>> -> memref<1x128x64xf32, #tpu.memory_space<vmem>>
      %dma_wait3A_136 = tpu.memref_squeeze %dma_wait3A_135 : memref<1x128x64xf32, #tpu.memory_space<vmem>> -> memref<128x64xf32, #tpu.memory_space<vmem>>
      %dma_wait3A_137 = arith.constant 0 : i32
      %dma_wait3A_138 = tpu.memref_slice %arg6[%add3A_131, %dma_wait3A_137] : memref<160x128xi32, #tpu.memory_space<vmem>> -> memref<1x128xi32, #tpu.memory_space<vmem>>
      %dma_wait3A_139 = tpu.memref_squeeze %dma_wait3A_138 : memref<1x128xi32, #tpu.memory_space<vmem>> -> memref<128xi32, #tpu.memory_space<vmem>>
      %dma_wait3A_140 = arith.constant 0 : i32
      %dma_wait3A_141 = arith.constant 0 : i32
      %dma_wait3A_142 = tpu.memref_slice %arg2[%while3A, %dma_wait3A_140, %dma_wait3A_141] : memref<1x10240x64xf32, #tpu.memory_space<hbm>> -> memref<1x10240x64xf32, #tpu.memory_space<hbm>>
      %dma_wait3A_143 = tpu.memref_squeeze %dma_wait3A_142 : memref<1x10240x64xf32, #tpu.memory_space<hbm>> -> memref<10240x64xf32, #tpu.memory_space<hbm>>
      %dma_wait3A_144 = arith.constant 0 : i32
      %dma_wait3A_145 = arith.constant 0 : i32
      %dma_wait3A_146 = tpu.memref_slice %dma_wait3A_143[%dma_wait3A_144, %dma_wait3A_145] : memref<10240x64xf32, #tpu.memory_space<hbm>> -> memref<10240x64xf32, #tpu.memory_space<hbm>>
      tpu.wait_indirect_dma semaphore(%arg13 : memref<!tpu.dma_semaphore, #tpu.memory_space<semaphore_mem>>) src(%dma_wait3A_146 : memref<10240x64xf32, #tpu.memory_space<hbm>>) dst(%dma_wait3A_136 : memref<128x64xf32, #tpu.memory_space<vmem>>)
      %run_scoped3A_147 = arith.constant 2 : i32
      "tpu.region"() ({
        %run_scoped3A_178 = tpu.sem_alloc : memref<!tpu.dma_semaphore, #tpu.memory_space<semaphore_mem>>
        %dma_start3A = arith.constant 0 : i32
        %dma_start3A_179 = arith.constant 0 : i32
        %dma_start3A_180 = tpu.memref_slice %arg8[%run_scoped3A_147, %dma_start3A, %dma_start3A_179] : memref<4x128x64xf32, #tpu.memory_space<vmem>> -> memref<1x128x64xf32, #tpu.memory_space<vmem>>
        %dma_start3A_181 = tpu.memref_squeeze %dma_start3A_180 : memref<1x128x64xf32, #tpu.memory_space<vmem>> -> memref<128x64xf32, #tpu.memory_space<vmem>>
        %dma_start3A_182 = arith.constant 0 : i32
        %dma_start3A_183 = tpu.memref_slice %arg7[%add3A_131, %dma_start3A_182] : memref<160x128xi32, #tpu.memory_space<vmem>> -> memref<1x128xi32, #tpu.memory_space<vmem>>
        %dma_start3A_184 = tpu.memref_squeeze %dma_start3A_183 : memref<1x128xi32, #tpu.memory_space<vmem>> -> memref<128xi32, #tpu.memory_space<vmem>>
        %dma_start3A_185 = arith.constant 0 : i32
        %dma_start3A_186 = arith.constant 0 : i32
        %dma_start3A_187 = tpu.memref_slice %arg10[%dma_start3A_185, %dma_start3A_186] : memref<10240x64xf32, #tpu.memory_space<vmem_shared>> -> memref<10240x64xf32, #tpu.memory_space<vmem_shared>>
        tpu.enqueue_indirect_dma source(%dma_start3A_181 : memref<128x64xf32, #tpu.memory_space<vmem>>) target(%dma_start3A_187 : memref<10240x64xf32, #tpu.memory_space<vmem_shared>>) offsets(%dma_start3A_184 : memref<128xi32, #tpu.memory_space<vmem>>) semaphore(%run_scoped3A_178 : memref<!tpu.dma_semaphore, #tpu.memory_space<semaphore_mem>>) {add = true}
        %dma_wait3A_188 = arith.constant 0 : i32
        %dma_wait3A_189 = arith.constant 0 : i32
        %dma_wait3A_190 = tpu.memref_slice %arg8[%run_scoped3A_147, %dma_wait3A_188, %dma_wait3A_189] : memref<4x128x64xf32, #tpu.memory_space<vmem>> -> memref<1x128x64xf32, #tpu.memory_space<vmem>>
        %dma_wait3A_191 = tpu.memref_squeeze %dma_wait3A_190 : memref<1x128x64xf32, #tpu.memory_space<vmem>> -> memref<128x64xf32, #tpu.memory_space<vmem>>
        %dma_wait3A_192 = arith.constant 0 : i32
        %dma_wait3A_193 = tpu.memref_slice %arg7[%add3A_131, %dma_wait3A_192] : memref<160x128xi32, #tpu.memory_space<vmem>> -> memref<1x128xi32, #tpu.memory_space<vmem>>
        %dma_wait3A_194 = tpu.memref_squeeze %dma_wait3A_193 : memref<1x128xi32, #tpu.memory_space<vmem>> -> memref<128xi32, #tpu.memory_space<vmem>>
        %dma_wait3A_195 = arith.constant 0 : i32
        %dma_wait3A_196 = arith.constant 0 : i32
        %dma_wait3A_197 = tpu.memref_slice %arg10[%dma_wait3A_195, %dma_wait3A_196] : memref<10240x64xf32, #tpu.memory_space<vmem_shared>> -> memref<10240x64xf32, #tpu.memory_space<vmem_shared>>
        tpu.wait_indirect_dma semaphore(%run_scoped3A_178 : memref<!tpu.dma_semaphore, #tpu.memory_space<semaphore_mem>>) src(%dma_wait3A_191 : memref<128x64xf32, #tpu.memory_space<vmem>>) dst(%dma_wait3A_197 : memref<10240x64xf32, #tpu.memory_space<vmem_shared>>)
        tpu.yield
      }) : () -> ()
      %add3A_148 = arith.constant 4 : i32
      %add3A_149 = arith.addi %add3A_131, %add3A_148 : i32
      %lt3A_150 = arith.cmpi slt, %add3A_149, %select_n3A : i32
      %convert_element_type3A_151 = arith.extui %lt3A_150 : i1 to i32
      %cond3A_152 = arith.constant 0 : i32
      %cond3A_153 = arith.cmpi ne, %convert_element_type3A_151, %cond3A_152 : i32
      scf.if %cond3A_153 {
        %add3A_178 = arith.constant 4 : i32
        %add3A_179 = arith.addi %add3A_131, %add3A_178 : i32
        %dma_start3A = arith.constant 2 : i32
        %dma_start3A_180 = arith.constant 0 : i32
        %dma_start3A_181 = arith.constant 0 : i32
        %dma_start3A_182 = tpu.memref_slice %arg8[%dma_start3A, %dma_start3A_180, %dma_start3A_181] : memref<4x128x64xf32, #tpu.memory_space<vmem>> -> memref<1x128x64xf32, #tpu.memory_space<vmem>>
        %dma_start3A_183 = tpu.memref_squeeze %dma_start3A_182 : memref<1x128x64xf32, #tpu.memory_space<vmem>> -> memref<128x64xf32, #tpu.memory_space<vmem>>
        %dma_start3A_184 = arith.constant 0 : i32
        %dma_start3A_185 = tpu.memref_slice %arg6[%add3A_179, %dma_start3A_184] : memref<160x128xi32, #tpu.memory_space<vmem>> -> memref<1x128xi32, #tpu.memory_space<vmem>>
        %dma_start3A_186 = tpu.memref_squeeze %dma_start3A_185 : memref<1x128xi32, #tpu.memory_space<vmem>> -> memref<128xi32, #tpu.memory_space<vmem>>
        %dma_start3A_187 = arith.constant 0 : i32
        %dma_start3A_188 = arith.constant 0 : i32
        %dma_start3A_189 = tpu.memref_slice %arg2[%while3A, %dma_start3A_187, %dma_start3A_188] : memref<1x10240x64xf32, #tpu.memory_space<hbm>> -> memref<1x10240x64xf32, #tpu.memory_space<hbm>>
        %dma_start3A_190 = tpu.memref_squeeze %dma_start3A_189 : memref<1x10240x64xf32, #tpu.memory_space<hbm>> -> memref<10240x64xf32, #tpu.memory_space<hbm>>
        %dma_start3A_191 = arith.constant 0 : i32
        %dma_start3A_192 = arith.constant 0 : i32
        %dma_start3A_193 = tpu.memref_slice %dma_start3A_190[%dma_start3A_191, %dma_start3A_192] : memref<10240x64xf32, #tpu.memory_space<hbm>> -> memref<10240x64xf32, #tpu.memory_space<hbm>>
        tpu.enqueue_indirect_dma source(%dma_start3A_193 : memref<10240x64xf32, #tpu.memory_space<hbm>>) target(%dma_start3A_183 : memref<128x64xf32, #tpu.memory_space<vmem>>) offsets(%dma_start3A_186 : memref<128xi32, #tpu.memory_space<vmem>>) semaphore(%arg13 : memref<!tpu.dma_semaphore, #tpu.memory_space<semaphore_mem>>)
      } else {
      }
      %add3A_154 = arith.constant 3 : i32
      %add3A_155 = arith.addi %mul3A_83, %add3A_154 : i32
      %dma_wait3A_156 = arith.constant 3 : i32
      %dma_wait3A_157 = arith.constant 0 : i32
      %dma_wait3A_158 = arith.constant 0 : i32
      %dma_wait3A_159 = tpu.memref_slice %arg8[%dma_wait3A_156, %dma_wait3A_157, %dma_wait3A_158] : memref<4x128x64xf32, #tpu.memory_space<vmem>> -> memref<1x128x64xf32, #tpu.memory_space<vmem>>
      %dma_wait3A_160 = tpu.memref_squeeze %dma_wait3A_159 : memref<1x128x64xf32, #tpu.memory_space<vmem>> -> memref<128x64xf32, #tpu.memory_space<vmem>>
      %dma_wait3A_161 = arith.constant 0 : i32
      %dma_wait3A_162 = tpu.memref_slice %arg6[%add3A_155, %dma_wait3A_161] : memref<160x128xi32, #tpu.memory_space<vmem>> -> memref<1x128xi32, #tpu.memory_space<vmem>>
      %dma_wait3A_163 = tpu.memref_squeeze %dma_wait3A_162 : memref<1x128xi32, #tpu.memory_space<vmem>> -> memref<128xi32, #tpu.memory_space<vmem>>
      %dma_wait3A_164 = arith.constant 0 : i32
      %dma_wait3A_165 = arith.constant 0 : i32
      %dma_wait3A_166 = tpu.memref_slice %arg2[%while3A, %dma_wait3A_164, %dma_wait3A_165] : memref<1x10240x64xf32, #tpu.memory_space<hbm>> -> memref<1x10240x64xf32, #tpu.memory_space<hbm>>
      %dma_wait3A_167 = tpu.memref_squeeze %dma_wait3A_166 : memref<1x10240x64xf32, #tpu.memory_space<hbm>> -> memref<10240x64xf32, #tpu.memory_space<hbm>>
      %dma_wait3A_168 = arith.constant 0 : i32
      %dma_wait3A_169 = arith.constant 0 : i32
      %dma_wait3A_170 = tpu.memref_slice %dma_wait3A_167[%dma_wait3A_168, %dma_wait3A_169] : memref<10240x64xf32, #tpu.memory_space<hbm>> -> memref<10240x64xf32, #tpu.memory_space<hbm>>
      tpu.wait_indirect_dma semaphore(%arg14 : memref<!tpu.dma_semaphore, #tpu.memory_space<semaphore_mem>>) src(%dma_wait3A_170 : memref<10240x64xf32, #tpu.memory_space<hbm>>) dst(%dma_wait3A_160 : memref<128x64xf32, #tpu.memory_space<vmem>>)
      %run_scoped3A_171 = arith.constant 3 : i32
      "tpu.region"() ({
        %run_scoped3A_178 = tpu.sem_alloc : memref<!tpu.dma_semaphore, #tpu.memory_space<semaphore_mem>>
        %dma_start3A = arith.constant 0 : i32
        %dma_start3A_179 = arith.constant 0 : i32
        %dma_start3A_180 = tpu.memref_slice %arg8[%run_scoped3A_171, %dma_start3A, %dma_start3A_179] : memref<4x128x64xf32, #tpu.memory_space<vmem>> -> memref<1x128x64xf32, #tpu.memory_space<vmem>>
        %dma_start3A_181 = tpu.memref_squeeze %dma_start3A_180 : memref<1x128x64xf32, #tpu.memory_space<vmem>> -> memref<128x64xf32, #tpu.memory_space<vmem>>
        %dma_start3A_182 = arith.constant 0 : i32
        %dma_start3A_183 = tpu.memref_slice %arg7[%add3A_155, %dma_start3A_182] : memref<160x128xi32, #tpu.memory_space<vmem>> -> memref<1x128xi32, #tpu.memory_space<vmem>>
        %dma_start3A_184 = tpu.memref_squeeze %dma_start3A_183 : memref<1x128xi32, #tpu.memory_space<vmem>> -> memref<128xi32, #tpu.memory_space<vmem>>
        %dma_start3A_185 = arith.constant 0 : i32
        %dma_start3A_186 = arith.constant 0 : i32
        %dma_start3A_187 = tpu.memref_slice %arg10[%dma_start3A_185, %dma_start3A_186] : memref<10240x64xf32, #tpu.memory_space<vmem_shared>> -> memref<10240x64xf32, #tpu.memory_space<vmem_shared>>
        tpu.enqueue_indirect_dma source(%dma_start3A_181 : memref<128x64xf32, #tpu.memory_space<vmem>>) target(%dma_start3A_187 : memref<10240x64xf32, #tpu.memory_space<vmem_shared>>) offsets(%dma_start3A_184 : memref<128xi32, #tpu.memory_space<vmem>>) semaphore(%run_scoped3A_178 : memref<!tpu.dma_semaphore, #tpu.memory_space<semaphore_mem>>) {add = true}
        %dma_wait3A_188 = arith.constant 0 : i32
        %dma_wait3A_189 = arith.constant 0 : i32
        %dma_wait3A_190 = tpu.memref_slice %arg8[%run_scoped3A_171, %dma_wait3A_188, %dma_wait3A_189] : memref<4x128x64xf32, #tpu.memory_space<vmem>> -> memref<1x128x64xf32, #tpu.memory_space<vmem>>
        %dma_wait3A_191 = tpu.memref_squeeze %dma_wait3A_190 : memref<1x128x64xf32, #tpu.memory_space<vmem>> -> memref<128x64xf32, #tpu.memory_space<vmem>>
        %dma_wait3A_192 = arith.constant 0 : i32
        %dma_wait3A_193 = tpu.memref_slice %arg7[%add3A_155, %dma_wait3A_192] : memref<160x128xi32, #tpu.memory_space<vmem>> -> memref<1x128xi32, #tpu.memory_space<vmem>>
        %dma_wait3A_194 = tpu.memref_squeeze %dma_wait3A_193 : memref<1x128xi32, #tpu.memory_space<vmem>> -> memref<128xi32, #tpu.memory_space<vmem>>
        %dma_wait3A_195 = arith.constant 0 : i32
        %dma_wait3A_196 = arith.constant 0 : i32
        %dma_wait3A_197 = tpu.memref_slice %arg10[%dma_wait3A_195, %dma_wait3A_196] : memref<10240x64xf32, #tpu.memory_space<vmem_shared>> -> memref<10240x64xf32, #tpu.memory_space<vmem_shared>>
        tpu.wait_indirect_dma semaphore(%run_scoped3A_178 : memref<!tpu.dma_semaphore, #tpu.memory_space<semaphore_mem>>) src(%dma_wait3A_191 : memref<128x64xf32, #tpu.memory_space<vmem>>) dst(%dma_wait3A_197 : memref<10240x64xf32, #tpu.memory_space<vmem_shared>>)
        tpu.yield
      }) : () -> ()
      %add3A_172 = arith.constant 4 : i32
      %add3A_173 = arith.addi %add3A_155, %add3A_172 : i32
      %lt3A_174 = arith.cmpi slt, %add3A_173, %select_n3A : i32
      %convert_element_type3A_175 = arith.extui %lt3A_174 : i1 to i32
      %cond3A_176 = arith.constant 0 : i32
      %cond3A_177 = arith.cmpi ne, %convert_element_type3A_175, %cond3A_176 : i32
      scf.if %cond3A_177 {
        %add3A_178 = arith.constant 4 : i32
        %add3A_179 = arith.addi %add3A_155, %add3A_178 : i32
        %dma_start3A = arith.constant 3 : i32
        %dma_start3A_180 = arith.constant 0 : i32
        %dma_start3A_181 = arith.constant 0 : i32
        %dma_start3A_182 = tpu.memref_slice %arg8[%dma_start3A, %dma_start3A_180, %dma_start3A_181] : memref<4x128x64xf32, #tpu.memory_space<vmem>> -> memref<1x128x64xf32, #tpu.memory_space<vmem>>
        %dma_start3A_183 = tpu.memref_squeeze %dma_start3A_182 : memref<1x128x64xf32, #tpu.memory_space<vmem>> -> memref<128x64xf32, #tpu.memory_space<vmem>>
        %dma_start3A_184 = arith.constant 0 : i32
        %dma_start3A_185 = tpu.memref_slice %arg6[%add3A_179, %dma_start3A_184] : memref<160x128xi32, #tpu.memory_space<vmem>> -> memref<1x128xi32, #tpu.memory_space<vmem>>
        %dma_start3A_186 = tpu.memref_squeeze %dma_start3A_185 : memref<1x128xi32, #tpu.memory_space<vmem>> -> memref<128xi32, #tpu.memory_space<vmem>>
        %dma_start3A_187 = arith.constant 0 : i32
        %dma_start3A_188 = arith.constant 0 : i32
        %dma_start3A_189 = tpu.memref_slice %arg2[%while3A, %dma_start3A_187, %dma_start3A_188] : memref<1x10240x64xf32, #tpu.memory_space<hbm>> -> memref<1x10240x64xf32, #tpu.memory_space<hbm>>
        %dma_start3A_190 = tpu.memref_squeeze %dma_start3A_189 : memref<1x10240x64xf32, #tpu.memory_space<hbm>> -> memref<10240x64xf32, #tpu.memory_space<hbm>>
        %dma_start3A_191 = arith.constant 0 : i32
        %dma_start3A_192 = arith.constant 0 : i32
        %dma_start3A_193 = tpu.memref_slice %dma_start3A_190[%dma_start3A_191, %dma_start3A_192] : memref<10240x64xf32, #tpu.memory_space<hbm>> -> memref<10240x64xf32, #tpu.memory_space<hbm>>
        tpu.enqueue_indirect_dma source(%dma_start3A_193 : memref<10240x64xf32, #tpu.memory_space<hbm>>) target(%dma_start3A_183 : memref<128x64xf32, #tpu.memory_space<vmem>>) offsets(%dma_start3A_186 : memref<128xi32, #tpu.memory_space<vmem>>) semaphore(%arg14 : memref<!tpu.dma_semaphore, #tpu.memory_space<semaphore_mem>>)
      } else {
      }
    }
    %while3A_75 = arith.constant 1 : i32
    scf.for %while3A_81 = %while3A_73 to %while3A_69 step %while3A_75  : i32 {
      %mul3A_82 = arith.constant 4 : i32
      %mul3A_83 = arith.muli %while3A_81, %mul3A_82 : i32
      %add3A_84 = arith.constant 0 : i32
      %add3A_85 = arith.addi %mul3A_83, %add3A_84 : i32
      %dma_wait3A = arith.constant 0 : i32
      %dma_wait3A_86 = arith.constant 0 : i32
      %dma_wait3A_87 = arith.constant 0 : i32
      %dma_wait3A_88 = tpu.memref_slice %arg8[%dma_wait3A, %dma_wait3A_86, %dma_wait3A_87] : memref<4x128x64xf32, #tpu.memory_space<vmem>> -> memref<1x128x64xf32, #tpu.memory_space<vmem>>
      %dma_wait3A_89 = tpu.memref_squeeze %dma_wait3A_88 : memref<1x128x64xf32, #tpu.memory_space<vmem>> -> memref<128x64xf32, #tpu.memory_space<vmem>>
      %dma_wait3A_90 = arith.constant 0 : i32
      %dma_wait3A_91 = tpu.memref_slice %arg6[%add3A_85, %dma_wait3A_90] : memref<160x128xi32, #tpu.memory_space<vmem>> -> memref<1x128xi32, #tpu.memory_space<vmem>>
      %dma_wait3A_92 = tpu.memref_squeeze %dma_wait3A_91 : memref<1x128xi32, #tpu.memory_space<vmem>> -> memref<128xi32, #tpu.memory_space<vmem>>
      %dma_wait3A_93 = arith.constant 0 : i32
      %dma_wait3A_94 = arith.constant 0 : i32
      %dma_wait3A_95 = tpu.memref_slice %arg2[%while3A, %dma_wait3A_93, %dma_wait3A_94] : memref<1x10240x64xf32, #tpu.memory_space<hbm>> -> memref<1x10240x64xf32, #tpu.memory_space<hbm>>
      %dma_wait3A_96 = tpu.memref_squeeze %dma_wait3A_95 : memref<1x10240x64xf32, #tpu.memory_space<hbm>> -> memref<10240x64xf32, #tpu.memory_space<hbm>>
      %dma_wait3A_97 = arith.constant 0 : i32
      %dma_wait3A_98 = arith.constant 0 : i32
      %dma_wait3A_99 = tpu.memref_slice %dma_wait3A_96[%dma_wait3A_97, %dma_wait3A_98] : memref<10240x64xf32, #tpu.memory_space<hbm>> -> memref<10240x64xf32, #tpu.memory_space<hbm>>
      tpu.wait_indirect_dma semaphore(%arg11 : memref<!tpu.dma_semaphore, #tpu.memory_space<semaphore_mem>>) src(%dma_wait3A_99 : memref<10240x64xf32, #tpu.memory_space<hbm>>) dst(%dma_wait3A_89 : memref<128x64xf32, #tpu.memory_space<vmem>>)
      %run_scoped3A_100 = arith.constant 0 : i32
      "tpu.region"() ({
        %run_scoped3A_178 = tpu.sem_alloc : memref<!tpu.dma_semaphore, #tpu.memory_space<semaphore_mem>>
        %dma_start3A = arith.constant 0 : i32
        %dma_start3A_179 = arith.constant 0 : i32
        %dma_start3A_180 = tpu.memref_slice %arg8[%run_scoped3A_100, %dma_start3A, %dma_start3A_179] : memref<4x128x64xf32, #tpu.memory_space<vmem>> -> memref<1x128x64xf32, #tpu.memory_space<vmem>>
        %dma_start3A_181 = tpu.memref_squeeze %dma_start3A_180 : memref<1x128x64xf32, #tpu.memory_space<vmem>> -> memref<128x64xf32, #tpu.memory_space<vmem>>
        %dma_start3A_182 = arith.constant 0 : i32
        %dma_start3A_183 = tpu.memref_slice %arg7[%add3A_85, %dma_start3A_182] : memref<160x128xi32, #tpu.memory_space<vmem>> -> memref<1x128xi32, #tpu.memory_space<vmem>>
        %dma_start3A_184 = tpu.memref_squeeze %dma_start3A_183 : memref<1x128xi32, #tpu.memory_space<vmem>> -> memref<128xi32, #tpu.memory_space<vmem>>
        %dma_start3A_185 = arith.constant 0 : i32
        %dma_start3A_186 = arith.constant 0 : i32
        %dma_start3A_187 = tpu.memref_slice %arg10[%dma_start3A_185, %dma_start3A_186] : memref<10240x64xf32, #tpu.memory_space<vmem_shared>> -> memref<10240x64xf32, #tpu.memory_space<vmem_shared>>
        tpu.enqueue_indirect_dma source(%dma_start3A_181 : memref<128x64xf32, #tpu.memory_space<vmem>>) target(%dma_start3A_187 : memref<10240x64xf32, #tpu.memory_space<vmem_shared>>) offsets(%dma_start3A_184 : memref<128xi32, #tpu.memory_space<vmem>>) semaphore(%run_scoped3A_178 : memref<!tpu.dma_semaphore, #tpu.memory_space<semaphore_mem>>) {add = true}
        %dma_wait3A_188 = arith.constant 0 : i32
        %dma_wait3A_189 = arith.constant 0 : i32
        %dma_wait3A_190 = tpu.memref_slice %arg8[%run_scoped3A_100, %dma_wait3A_188, %dma_wait3A_189] : memref<4x128x64xf32, #tpu.memory_space<vmem>> -> memref<1x128x64xf32, #tpu.memory_space<vmem>>
        %dma_wait3A_191 = tpu.memref_squeeze %dma_wait3A_190 : memref<1x128x64xf32, #tpu.memory_space<vmem>> -> memref<128x64xf32, #tpu.memory_space<vmem>>
        %dma_wait3A_192 = arith.constant 0 : i32
        %dma_wait3A_193 = tpu.memref_slice %arg7[%add3A_85, %dma_wait3A_192] : memref<160x128xi32, #tpu.memory_space<vmem>> -> memref<1x128xi32, #tpu.memory_space<vmem>>
        %dma_wait3A_194 = tpu.memref_squeeze %dma_wait3A_193 : memref<1x128xi32, #tpu.memory_space<vmem>> -> memref<128xi32, #tpu.memory_space<vmem>>
        %dma_wait3A_195 = arith.constant 0 : i32
        %dma_wait3A_196 = arith.constant 0 : i32
        %dma_wait3A_197 = tpu.memref_slice %arg10[%dma_wait3A_195, %dma_wait3A_196] : memref<10240x64xf32, #tpu.memory_space<vmem_shared>> -> memref<10240x64xf32, #tpu.memory_space<vmem_shared>>
        tpu.wait_indirect_dma semaphore(%run_scoped3A_178 : memref<!tpu.dma_semaphore, #tpu.memory_space<semaphore_mem>>) src(%dma_wait3A_191 : memref<128x64xf32, #tpu.memory_space<vmem>>) dst(%dma_wait3A_197 : memref<10240x64xf32, #tpu.memory_space<vmem_shared>>)
        tpu.yield
      }) : () -> ()
      %add3A_101 = arith.constant 4 : i32
      %add3A_102 = arith.addi %add3A_85, %add3A_101 : i32
      %lt3A = arith.cmpi slt, %add3A_102, %select_n3A : i32
      %convert_element_type3A_103 = arith.extui %lt3A : i1 to i32
      %cond3A_104 = arith.constant 0 : i32
      %cond3A_105 = arith.cmpi ne, %convert_element_type3A_103, %cond3A_104 : i32
      scf.if %cond3A_105 {
        %add3A_178 = arith.constant 4 : i32
        %add3A_179 = arith.addi %add3A_85, %add3A_178 : i32
        %dma_start3A = arith.constant 0 : i32
        %dma_start3A_180 = arith.constant 0 : i32
        %dma_start3A_181 = arith.constant 0 : i32
        %dma_start3A_182 = tpu.memref_slice %arg8[%dma_start3A, %dma_start3A_180, %dma_start3A_181] : memref<4x128x64xf32, #tpu.memory_space<vmem>> -> memref<1x128x64xf32, #tpu.memory_space<vmem>>
        %dma_start3A_183 = tpu.memref_squeeze %dma_start3A_182 : memref<1x128x64xf32, #tpu.memory_space<vmem>> -> memref<128x64xf32, #tpu.memory_space<vmem>>
        %dma_start3A_184 = arith.constant 0 : i32
        %dma_start3A_185 = tpu.memref_slice %arg6[%add3A_179, %dma_start3A_184] : memref<160x128xi32, #tpu.memory_space<vmem>> -> memref<1x128xi32, #tpu.memory_space<vmem>>
        %dma_start3A_186 = tpu.memref_squeeze %dma_start3A_185 : memref<1x128xi32, #tpu.memory_space<vmem>> -> memref<128xi32, #tpu.memory_space<vmem>>
        %dma_start3A_187 = arith.constant 0 : i32
        %dma_start3A_188 = arith.constant 0 : i32
        %dma_start3A_189 = tpu.memref_slice %arg2[%while3A, %dma_start3A_187, %dma_start3A_188] : memref<1x10240x64xf32, #tpu.memory_space<hbm>> -> memref<1x10240x64xf32, #tpu.memory_space<hbm>>
        %dma_start3A_190 = tpu.memref_squeeze %dma_start3A_189 : memref<1x10240x64xf32, #tpu.memory_space<hbm>> -> memref<10240x64xf32, #tpu.memory_space<hbm>>
        %dma_start3A_191 = arith.constant 0 : i32
        %dma_start3A_192 = arith.constant 0 : i32
        %dma_start3A_193 = tpu.memref_slice %dma_start3A_190[%dma_start3A_191, %dma_start3A_192] : memref<10240x64xf32, #tpu.memory_space<hbm>> -> memref<10240x64xf32, #tpu.memory_space<hbm>>
        tpu.enqueue_indirect_dma source(%dma_start3A_193 : memref<10240x64xf32, #tpu.memory_space<hbm>>) target(%dma_start3A_183 : memref<128x64xf32, #tpu.memory_space<vmem>>) offsets(%dma_start3A_186 : memref<128xi32, #tpu.memory_space<vmem>>) semaphore(%arg11 : memref<!tpu.dma_semaphore, #tpu.memory_space<semaphore_mem>>)
      } else {
      }
      %add3A_106 = arith.constant 1 : i32
      %add3A_107 = arith.addi %mul3A_83, %add3A_106 : i32
      %dma_wait3A_108 = arith.constant 1 : i32
      %dma_wait3A_109 = arith.constant 0 : i32
      %dma_wait3A_110 = arith.constant 0 : i32
      %dma_wait3A_111 = tpu.memref_slice %arg8[%dma_wait3A_108, %dma_wait3A_109, %dma_wait3A_110] : memref<4x128x64xf32, #tpu.memory_space<vmem>> -> memref<1x128x64xf32, #tpu.memory_space<vmem>>
      %dma_wait3A_112 = tpu.memref_squeeze %dma_wait3A_111 : memref<1x128x64xf32, #tpu.memory_space<vmem>> -> memref<128x64xf32, #tpu.memory_space<vmem>>
      %dma_wait3A_113 = arith.constant 0 : i32
      %dma_wait3A_114 = tpu.memref_slice %arg6[%add3A_107, %dma_wait3A_113] : memref<160x128xi32, #tpu.memory_space<vmem>> -> memref<1x128xi32, #tpu.memory_space<vmem>>
      %dma_wait3A_115 = tpu.memref_squeeze %dma_wait3A_114 : memref<1x128xi32, #tpu.memory_space<vmem>> -> memref<128xi32, #tpu.memory_space<vmem>>
      %dma_wait3A_116 = arith.constant 0 : i32
      %dma_wait3A_117 = arith.constant 0 : i32
      %dma_wait3A_118 = tpu.memref_slice %arg2[%while3A, %dma_wait3A_116, %dma_wait3A_117] : memref<1x10240x64xf32, #tpu.memory_space<hbm>> -> memref<1x10240x64xf32, #tpu.memory_space<hbm>>
      %dma_wait3A_119 = tpu.memref_squeeze %dma_wait3A_118 : memref<1x10240x64xf32, #tpu.memory_space<hbm>> -> memref<10240x64xf32, #tpu.memory_space<hbm>>
      %dma_wait3A_120 = arith.constant 0 : i32
      %dma_wait3A_121 = arith.constant 0 : i32
      %dma_wait3A_122 = tpu.memref_slice %dma_wait3A_119[%dma_wait3A_120, %dma_wait3A_121] : memref<10240x64xf32, #tpu.memory_space<hbm>> -> memref<10240x64xf32, #tpu.memory_space<hbm>>
      tpu.wait_indirect_dma semaphore(%arg12 : memref<!tpu.dma_semaphore, #tpu.memory_space<semaphore_mem>>) src(%dma_wait3A_122 : memref<10240x64xf32, #tpu.memory_space<hbm>>) dst(%dma_wait3A_112 : memref<128x64xf32, #tpu.memory_space<vmem>>)
      %run_scoped3A_123 = arith.constant 1 : i32
      "tpu.region"() ({
        %run_scoped3A_178 = tpu.sem_alloc : memref<!tpu.dma_semaphore, #tpu.memory_space<semaphore_mem>>
        %dma_start3A = arith.constant 0 : i32
        %dma_start3A_179 = arith.constant 0 : i32
        %dma_start3A_180 = tpu.memref_slice %arg8[%run_scoped3A_123, %dma_start3A, %dma_start3A_179] : memref<4x128x64xf32, #tpu.memory_space<vmem>> -> memref<1x128x64xf32, #tpu.memory_space<vmem>>
        %dma_start3A_181 = tpu.memref_squeeze %dma_start3A_180 : memref<1x128x64xf32, #tpu.memory_space<vmem>> -> memref<128x64xf32, #tpu.memory_space<vmem>>
        %dma_start3A_182 = arith.constant 0 : i32
        %dma_start3A_183 = tpu.memref_slice %arg7[%add3A_107, %dma_start3A_182] : memref<160x128xi32, #tpu.memory_space<vmem>> -> memref<1x128xi32, #tpu.memory_space<vmem>>
        %dma_start3A_184 = tpu.memref_squeeze %dma_start3A_183 : memref<1x128xi32, #tpu.memory_space<vmem>> -> memref<128xi32, #tpu.memory_space<vmem>>
        %dma_start3A_185 = arith.constant 0 : i32
        %dma_start3A_186 = arith.constant 0 : i32
        %dma_start3A_187 = tpu.memref_slice %arg10[%dma_start3A_185, %dma_start3A_186] : memref<10240x64xf32, #tpu.memory_space<vmem_shared>> -> memref<10240x64xf32, #tpu.memory_space<vmem_shared>>
        tpu.enqueue_indirect_dma source(%dma_start3A_181 : memref<128x64xf32, #tpu.memory_space<vmem>>) target(%dma_start3A_187 : memref<10240x64xf32, #tpu.memory_space<vmem_shared>>) offsets(%dma_start3A_184 : memref<128xi32, #tpu.memory_space<vmem>>) semaphore(%run_scoped3A_178 : memref<!tpu.dma_semaphore, #tpu.memory_space<semaphore_mem>>) {add = true}
        %dma_wait3A_188 = arith.constant 0 : i32
        %dma_wait3A_189 = arith.constant 0 : i32
        %dma_wait3A_190 = tpu.memref_slice %arg8[%run_scoped3A_123, %dma_wait3A_188, %dma_wait3A_189] : memref<4x128x64xf32, #tpu.memory_space<vmem>> -> memref<1x128x64xf32, #tpu.memory_space<vmem>>
        %dma_wait3A_191 = tpu.memref_squeeze %dma_wait3A_190 : memref<1x128x64xf32, #tpu.memory_space<vmem>> -> memref<128x64xf32, #tpu.memory_space<vmem>>
        %dma_wait3A_192 = arith.constant 0 : i32
        %dma_wait3A_193 = tpu.memref_slice %arg7[%add3A_107, %dma_wait3A_192] : memref<160x128xi32, #tpu.memory_space<vmem>> -> memref<1x128xi32, #tpu.memory_space<vmem>>
        %dma_wait3A_194 = tpu.memref_squeeze %dma_wait3A_193 : memref<1x128xi32, #tpu.memory_space<vmem>> -> memref<128xi32, #tpu.memory_space<vmem>>
        %dma_wait3A_195 = arith.constant 0 : i32
        %dma_wait3A_196 = arith.constant 0 : i32
        %dma_wait3A_197 = tpu.memref_slice %arg10[%dma_wait3A_195, %dma_wait3A_196] : memref<10240x64xf32, #tpu.memory_space<vmem_shared>> -> memref<10240x64xf32, #tpu.memory_space<vmem_shared>>
        tpu.wait_indirect_dma semaphore(%run_scoped3A_178 : memref<!tpu.dma_semaphore, #tpu.memory_space<semaphore_mem>>) src(%dma_wait3A_191 : memref<128x64xf32, #tpu.memory_space<vmem>>) dst(%dma_wait3A_197 : memref<10240x64xf32, #tpu.memory_space<vmem_shared>>)
        tpu.yield
      }) : () -> ()
      %add3A_124 = arith.constant 4 : i32
      %add3A_125 = arith.addi %add3A_107, %add3A_124 : i32
      %lt3A_126 = arith.cmpi slt, %add3A_125, %select_n3A : i32
      %convert_element_type3A_127 = arith.extui %lt3A_126 : i1 to i32
      %cond3A_128 = arith.constant 0 : i32
      %cond3A_129 = arith.cmpi ne, %convert_element_type3A_127, %cond3A_128 : i32
      scf.if %cond3A_129 {
        %add3A_178 = arith.constant 4 : i32
        %add3A_179 = arith.addi %add3A_107, %add3A_178 : i32
        %dma_start3A = arith.constant 1 : i32
        %dma_start3A_180 = arith.constant 0 : i32
        %dma_start3A_181 = arith.constant 0 : i32
        %dma_start3A_182 = tpu.memref_slice %arg8[%dma_start3A, %dma_start3A_180, %dma_start3A_181] : memref<4x128x64xf32, #tpu.memory_space<vmem>> -> memref<1x128x64xf32, #tpu.memory_space<vmem>>
        %dma_start3A_183 = tpu.memref_squeeze %dma_start3A_182 : memref<1x128x64xf32, #tpu.memory_space<vmem>> -> memref<128x64xf32, #tpu.memory_space<vmem>>
        %dma_start3A_184 = arith.constant 0 : i32
        %dma_start3A_185 = tpu.memref_slice %arg6[%add3A_179, %dma_start3A_184] : memref<160x128xi32, #tpu.memory_space<vmem>> -> memref<1x128xi32, #tpu.memory_space<vmem>>
        %dma_start3A_186 = tpu.memref_squeeze %dma_start3A_185 : memref<1x128xi32, #tpu.memory_space<vmem>> -> memref<128xi32, #tpu.memory_space<vmem>>
        %dma_start3A_187 = arith.constant 0 : i32
        %dma_start3A_188 = arith.constant 0 : i32
        %dma_start3A_189 = tpu.memref_slice %arg2[%while3A, %dma_start3A_187, %dma_start3A_188] : memref<1x10240x64xf32, #tpu.memory_space<hbm>> -> memref<1x10240x64xf32, #tpu.memory_space<hbm>>
        %dma_start3A_190 = tpu.memref_squeeze %dma_start3A_189 : memref<1x10240x64xf32, #tpu.memory_space<hbm>> -> memref<10240x64xf32, #tpu.memory_space<hbm>>
        %dma_start3A_191 = arith.constant 0 : i32
        %dma_start3A_192 = arith.constant 0 : i32
        %dma_start3A_193 = tpu.memref_slice %dma_start3A_190[%dma_start3A_191, %dma_start3A_192] : memref<10240x64xf32, #tpu.memory_space<hbm>> -> memref<10240x64xf32, #tpu.memory_space<hbm>>
        tpu.enqueue_indirect_dma source(%dma_start3A_193 : memref<10240x64xf32, #tpu.memory_space<hbm>>) target(%dma_start3A_183 : memref<128x64xf32, #tpu.memory_space<vmem>>) offsets(%dma_start3A_186 : memref<128xi32, #tpu.memory_space<vmem>>) semaphore(%arg12 : memref<!tpu.dma_semaphore, #tpu.memory_space<semaphore_mem>>)
      } else {
      }
      %add3A_130 = arith.constant 2 : i32
      %add3A_131 = arith.addi %mul3A_83, %add3A_130 : i32
      %dma_wait3A_132 = arith.constant 2 : i32
      %dma_wait3A_133 = arith.constant 0 : i32
      %dma_wait3A_134 = arith.constant 0 : i32
      %dma_wait3A_135 = tpu.memref_slice %arg8[%dma_wait3A_132, %dma_wait3A_133, %dma_wait3A_134] : memref<4x128x64xf32, #tpu.memory_space<vmem>> -> memref<1x128x64xf32, #tpu.memory_space<vmem>>
      %dma_wait3A_136 = tpu.memref_squeeze %dma_wait3A_135 : memref<1x128x64xf32, #tpu.memory_space<vmem>> -> memref<128x64xf32, #tpu.memory_space<vmem>>
      %dma_wait3A_137 = arith.constant 0 : i32
      %dma_wait3A_138 = tpu.memref_slice %arg6[%add3A_131, %dma_wait3A_137] : memref<160x128xi32, #tpu.memory_space<vmem>> -> memref<1x128xi32, #tpu.memory_space<vmem>>
      %dma_wait3A_139 = tpu.memref_squeeze %dma_wait3A_138 : memref<1x128xi32, #tpu.memory_space<vmem>> -> memref<128xi32, #tpu.memory_space<vmem>>
      %dma_wait3A_140 = arith.constant 0 : i32
      %dma_wait3A_141 = arith.constant 0 : i32
      %dma_wait3A_142 = tpu.memref_slice %arg2[%while3A, %dma_wait3A_140, %dma_wait3A_141] : memref<1x10240x64xf32, #tpu.memory_space<hbm>> -> memref<1x10240x64xf32, #tpu.memory_space<hbm>>
      %dma_wait3A_143 = tpu.memref_squeeze %dma_wait3A_142 : memref<1x10240x64xf32, #tpu.memory_space<hbm>> -> memref<10240x64xf32, #tpu.memory_space<hbm>>
      %dma_wait3A_144 = arith.constant 0 : i32
      %dma_wait3A_145 = arith.constant 0 : i32
      %dma_wait3A_146 = tpu.memref_slice %dma_wait3A_143[%dma_wait3A_144, %dma_wait3A_145] : memref<10240x64xf32, #tpu.memory_space<hbm>> -> memref<10240x64xf32, #tpu.memory_space<hbm>>
      tpu.wait_indirect_dma semaphore(%arg13 : memref<!tpu.dma_semaphore, #tpu.memory_space<semaphore_mem>>) src(%dma_wait3A_146 : memref<10240x64xf32, #tpu.memory_space<hbm>>) dst(%dma_wait3A_136 : memref<128x64xf32, #tpu.memory_space<vmem>>)
      %run_scoped3A_147 = arith.constant 2 : i32
      "tpu.region"() ({
        %run_scoped3A_178 = tpu.sem_alloc : memref<!tpu.dma_semaphore, #tpu.memory_space<semaphore_mem>>
        %dma_start3A = arith.constant 0 : i32
        %dma_start3A_179 = arith.constant 0 : i32
        %dma_start3A_180 = tpu.memref_slice %arg8[%run_scoped3A_147, %dma_start3A, %dma_start3A_179] : memref<4x128x64xf32, #tpu.memory_space<vmem>> -> memref<1x128x64xf32, #tpu.memory_space<vmem>>
        %dma_start3A_181 = tpu.memref_squeeze %dma_start3A_180 : memref<1x128x64xf32, #tpu.memory_space<vmem>> -> memref<128x64xf32, #tpu.memory_space<vmem>>
        %dma_start3A_182 = arith.constant 0 : i32
        %dma_start3A_183 = tpu.memref_slice %arg7[%add3A_131, %dma_start3A_182] : memref<160x128xi32, #tpu.memory_space<vmem>> -> memref<1x128xi32, #tpu.memory_space<vmem>>
        %dma_start3A_184 = tpu.memref_squeeze %dma_start3A_183 : memref<1x128xi32, #tpu.memory_space<vmem>> -> memref<128xi32, #tpu.memory_space<vmem>>
        %dma_start3A_185 = arith.constant 0 : i32
        %dma_start3A_186 = arith.constant 0 : i32
        %dma_start3A_187 = tpu.memref_slice %arg10[%dma_start3A_185, %dma_start3A_186] : memref<10240x64xf32, #tpu.memory_space<vmem_shared>> -> memref<10240x64xf32, #tpu.memory_space<vmem_shared>>
        tpu.enqueue_indirect_dma source(%dma_start3A_181 : memref<128x64xf32, #tpu.memory_space<vmem>>) target(%dma_start3A_187 : memref<10240x64xf32, #tpu.memory_space<vmem_shared>>) offsets(%dma_start3A_184 : memref<128xi32, #tpu.memory_space<vmem>>) semaphore(%run_scoped3A_178 : memref<!tpu.dma_semaphore, #tpu.memory_space<semaphore_mem>>) {add = true}
        %dma_wait3A_188 = arith.constant 0 : i32
        %dma_wait3A_189 = arith.constant 0 : i32
        %dma_wait3A_190 = tpu.memref_slice %arg8[%run_scoped3A_147, %dma_wait3A_188, %dma_wait3A_189] : memref<4x128x64xf32, #tpu.memory_space<vmem>> -> memref<1x128x64xf32, #tpu.memory_space<vmem>>
        %dma_wait3A_191 = tpu.memref_squeeze %dma_wait3A_190 : memref<1x128x64xf32, #tpu.memory_space<vmem>> -> memref<128x64xf32, #tpu.memory_space<vmem>>
        %dma_wait3A_192 = arith.constant 0 : i32
        %dma_wait3A_193 = tpu.memref_slice %arg7[%add3A_131, %dma_wait3A_192] : memref<160x128xi32, #tpu.memory_space<vmem>> -> memref<1x128xi32, #tpu.memory_space<vmem>>
        %dma_wait3A_194 = tpu.memref_squeeze %dma_wait3A_193 : memref<1x128xi32, #tpu.memory_space<vmem>> -> memref<128xi32, #tpu.memory_space<vmem>>
        %dma_wait3A_195 = arith.constant 0 : i32
        %dma_wait3A_196 = arith.constant 0 : i32
        %dma_wait3A_197 = tpu.memref_slice %arg10[%dma_wait3A_195, %dma_wait3A_196] : memref<10240x64xf32, #tpu.memory_space<vmem_shared>> -> memref<10240x64xf32, #tpu.memory_space<vmem_shared>>
        tpu.wait_indirect_dma semaphore(%run_scoped3A_178 : memref<!tpu.dma_semaphore, #tpu.memory_space<semaphore_mem>>) src(%dma_wait3A_191 : memref<128x64xf32, #tpu.memory_space<vmem>>) dst(%dma_wait3A_197 : memref<10240x64xf32, #tpu.memory_space<vmem_shared>>)
        tpu.yield
      }) : () -> ()
      %add3A_148 = arith.constant 4 : i32
      %add3A_149 = arith.addi %add3A_131, %add3A_148 : i32
      %lt3A_150 = arith.cmpi slt, %add3A_149, %select_n3A : i32
      %convert_element_type3A_151 = arith.extui %lt3A_150 : i1 to i32
      %cond3A_152 = arith.constant 0 : i32
      %cond3A_153 = arith.cmpi ne, %convert_element_type3A_151, %cond3A_152 : i32
      scf.if %cond3A_153 {
        %add3A_178 = arith.constant 4 : i32
        %add3A_179 = arith.addi %add3A_131, %add3A_178 : i32
        %dma_start3A = arith.constant 2 : i32
        %dma_start3A_180 = arith.constant 0 : i32
        %dma_start3A_181 = arith.constant 0 : i32
        %dma_start3A_182 = tpu.memref_slice %arg8[%dma_start3A, %dma_start3A_180, %dma_start3A_181] : memref<4x128x64xf32, #tpu.memory_space<vmem>> -> memref<1x128x64xf32, #tpu.memory_space<vmem>>
        %dma_start3A_183 = tpu.memref_squeeze %dma_start3A_182 : memref<1x128x64xf32, #tpu.memory_space<vmem>> -> memref<128x64xf32, #tpu.memory_space<vmem>>
        %dma_start3A_184 = arith.constant 0 : i32
        %dma_start3A_185 = tpu.memref_slice %arg6[%add3A_179, %dma_start3A_184] : memref<160x128xi32, #tpu.memory_space<vmem>> -> memref<1x128xi32, #tpu.memory_space<vmem>>
        %dma_start3A_186 = tpu.memref_squeeze %dma_start3A_185 : memref<1x128xi32, #tpu.memory_space<vmem>> -> memref<128xi32, #tpu.memory_space<vmem>>
        %dma_start3A_187 = arith.constant 0 : i32
        %dma_start3A_188 = arith.constant 0 : i32
        %dma_start3A_189 = tpu.memref_slice %arg2[%while3A, %dma_start3A_187, %dma_start3A_188] : memref<1x10240x64xf32, #tpu.memory_space<hbm>> -> memref<1x10240x64xf32, #tpu.memory_space<hbm>>
        %dma_start3A_190 = tpu.memref_squeeze %dma_start3A_189 : memref<1x10240x64xf32, #tpu.memory_space<hbm>> -> memref<10240x64xf32, #tpu.memory_space<hbm>>
        %dma_start3A_191 = arith.constant 0 : i32
        %dma_start3A_192 = arith.constant 0 : i32
        %dma_start3A_193 = tpu.memref_slice %dma_start3A_190[%dma_start3A_191, %dma_start3A_192] : memref<10240x64xf32, #tpu.memory_space<hbm>> -> memref<10240x64xf32, #tpu.memory_space<hbm>>
        tpu.enqueue_indirect_dma source(%dma_start3A_193 : memref<10240x64xf32, #tpu.memory_space<hbm>>) target(%dma_start3A_183 : memref<128x64xf32, #tpu.memory_space<vmem>>) offsets(%dma_start3A_186 : memref<128xi32, #tpu.memory_space<vmem>>) semaphore(%arg13 : memref<!tpu.dma_semaphore, #tpu.memory_space<semaphore_mem>>)
      } else {
      }
      %add3A_154 = arith.constant 3 : i32
      %add3A_155 = arith.addi %mul3A_83, %add3A_154 : i32
      %dma_wait3A_156 = arith.constant 3 : i32
      %dma_wait3A_157 = arith.constant 0 : i32
      %dma_wait3A_158 = arith.constant 0 : i32
      %dma_wait3A_159 = tpu.memref_slice %arg8[%dma_wait3A_156, %dma_wait3A_157, %dma_wait3A_158] : memref<4x128x64xf32, #tpu.memory_space<vmem>> -> memref<1x128x64xf32, #tpu.memory_space<vmem>>
      %dma_wait3A_160 = tpu.memref_squeeze %dma_wait3A_159 : memref<1x128x64xf32, #tpu.memory_space<vmem>> -> memref<128x64xf32, #tpu.memory_space<vmem>>
      %dma_wait3A_161 = arith.constant 0 : i32
      %dma_wait3A_162 = tpu.memref_slice %arg6[%add3A_155, %dma_wait3A_161] : memref<160x128xi32, #tpu.memory_space<vmem>> -> memref<1x128xi32, #tpu.memory_space<vmem>>
      %dma_wait3A_163 = tpu.memref_squeeze %dma_wait3A_162 : memref<1x128xi32, #tpu.memory_space<vmem>> -> memref<128xi32, #tpu.memory_space<vmem>>
      %dma_wait3A_164 = arith.constant 0 : i32
      %dma_wait3A_165 = arith.constant 0 : i32
      %dma_wait3A_166 = tpu.memref_slice %arg2[%while3A, %dma_wait3A_164, %dma_wait3A_165] : memref<1x10240x64xf32, #tpu.memory_space<hbm>> -> memref<1x10240x64xf32, #tpu.memory_space<hbm>>
      %dma_wait3A_167 = tpu.memref_squeeze %dma_wait3A_166 : memref<1x10240x64xf32, #tpu.memory_space<hbm>> -> memref<10240x64xf32, #tpu.memory_space<hbm>>
      %dma_wait3A_168 = arith.constant 0 : i32
      %dma_wait3A_169 = arith.constant 0 : i32
      %dma_wait3A_170 = tpu.memref_slice %dma_wait3A_167[%dma_wait3A_168, %dma_wait3A_169] : memref<10240x64xf32, #tpu.memory_space<hbm>> -> memref<10240x64xf32, #tpu.memory_space<hbm>>
      tpu.wait_indirect_dma semaphore(%arg14 : memref<!tpu.dma_semaphore, #tpu.memory_space<semaphore_mem>>) src(%dma_wait3A_170 : memref<10240x64xf32, #tpu.memory_space<hbm>>) dst(%dma_wait3A_160 : memref<128x64xf32, #tpu.memory_space<vmem>>)
      %run_scoped3A_171 = arith.constant 3 : i32
      "tpu.region"() ({
        %run_scoped3A_178 = tpu.sem_alloc : memref<!tpu.dma_semaphore, #tpu.memory_space<semaphore_mem>>
        %dma_start3A = arith.constant 0 : i32
        %dma_start3A_179 = arith.constant 0 : i32
        %dma_start3A_180 = tpu.memref_slice %arg8[%run_scoped3A_171, %dma_start3A, %dma_start3A_179] : memref<4x128x64xf32, #tpu.memory_space<vmem>> -> memref<1x128x64xf32, #tpu.memory_space<vmem>>
        %dma_start3A_181 = tpu.memref_squeeze %dma_start3A_180 : memref<1x128x64xf32, #tpu.memory_space<vmem>> -> memref<128x64xf32, #tpu.memory_space<vmem>>
        %dma_start3A_182 = arith.constant 0 : i32
        %dma_start3A_183 = tpu.memref_slice %arg7[%add3A_155, %dma_start3A_182] : memref<160x128xi32, #tpu.memory_space<vmem>> -> memref<1x128xi32, #tpu.memory_space<vmem>>
        %dma_start3A_184 = tpu.memref_squeeze %dma_start3A_183 : memref<1x128xi32, #tpu.memory_space<vmem>> -> memref<128xi32, #tpu.memory_space<vmem>>
        %dma_start3A_185 = arith.constant 0 : i32
        %dma_start3A_186 = arith.constant 0 : i32
        %dma_start3A_187 = tpu.memref_slice %arg10[%dma_start3A_185, %dma_start3A_186] : memref<10240x64xf32, #tpu.memory_space<vmem_shared>> -> memref<10240x64xf32, #tpu.memory_space<vmem_shared>>
        tpu.enqueue_indirect_dma source(%dma_start3A_181 : memref<128x64xf32, #tpu.memory_space<vmem>>) target(%dma_start3A_187 : memref<10240x64xf32, #tpu.memory_space<vmem_shared>>) offsets(%dma_start3A_184 : memref<128xi32, #tpu.memory_space<vmem>>) semaphore(%run_scoped3A_178 : memref<!tpu.dma_semaphore, #tpu.memory_space<semaphore_mem>>) {add = true}
        %dma_wait3A_188 = arith.constant 0 : i32
        %dma_wait3A_189 = arith.constant 0 : i32
        %dma_wait3A_190 = tpu.memref_slice %arg8[%run_scoped3A_171, %dma_wait3A_188, %dma_wait3A_189] : memref<4x128x64xf32, #tpu.memory_space<vmem>> -> memref<1x128x64xf32, #tpu.memory_space<vmem>>
        %dma_wait3A_191 = tpu.memref_squeeze %dma_wait3A_190 : memref<1x128x64xf32, #tpu.memory_space<vmem>> -> memref<128x64xf32, #tpu.memory_space<vmem>>
        %dma_wait3A_192 = arith.constant 0 : i32
        %dma_wait3A_193 = tpu.memref_slice %arg7[%add3A_155, %dma_wait3A_192] : memref<160x128xi32, #tpu.memory_space<vmem>> -> memref<1x128xi32, #tpu.memory_space<vmem>>
        %dma_wait3A_194 = tpu.memref_squeeze %dma_wait3A_193 : memref<1x128xi32, #tpu.memory_space<vmem>> -> memref<128xi32, #tpu.memory_space<vmem>>
        %dma_wait3A_195 = arith.constant 0 : i32
        %dma_wait3A_196 = arith.constant 0 : i32
        %dma_wait3A_197 = tpu.memref_slice %arg10[%dma_wait3A_195, %dma_wait3A_196] : memref<10240x64xf32, #tpu.memory_space<vmem_shared>> -> memref<10240x64xf32, #tpu.memory_space<vmem_shared>>
        tpu.wait_indirect_dma semaphore(%run_scoped3A_178 : memref<!tpu.dma_semaphore, #tpu.memory_space<semaphore_mem>>) src(%dma_wait3A_191 : memref<128x64xf32, #tpu.memory_space<vmem>>) dst(%dma_wait3A_197 : memref<10240x64xf32, #tpu.memory_space<vmem_shared>>)
        tpu.yield
      }) : () -> ()
      %add3A_172 = arith.constant 4 : i32
      %add3A_173 = arith.addi %add3A_155, %add3A_172 : i32
      %lt3A_174 = arith.cmpi slt, %add3A_173, %select_n3A : i32
      %convert_element_type3A_175 = arith.extui %lt3A_174 : i1 to i32
      %cond3A_176 = arith.constant 0 : i32
      %cond3A_177 = arith.cmpi ne, %convert_element_type3A_175, %cond3A_176 : i32
      scf.if %cond3A_177 {
        %add3A_178 = arith.constant 4 : i32
        %add3A_179 = arith.addi %add3A_155, %add3A_178 : i32
        %dma_start3A = arith.constant 3 : i32
        %dma_start3A_180 = arith.constant 0 : i32
        %dma_start3A_181 = arith.constant 0 : i32
        %dma_start3A_182 = tpu.memref_slice %arg8[%dma_start3A, %dma_start3A_180, %dma_start3A_181] : memref<4x128x64xf32, #tpu.memory_space<vmem>> -> memref<1x128x64xf32, #tpu.memory_space<vmem>>
        %dma_start3A_183 = tpu.memref_squeeze %dma_start3A_182 : memref<1x128x64xf32, #tpu.memory_space<vmem>> -> memref<128x64xf32, #tpu.memory_space<vmem>>
        %dma_start3A_184 = arith.constant 0 : i32
        %dma_start3A_185 = tpu.memref_slice %arg6[%add3A_179, %dma_start3A_184] : memref<160x128xi32, #tpu.memory_space<vmem>> -> memref<1x128xi32, #tpu.memory_space<vmem>>
        %dma_start3A_186 = tpu.memref_squeeze %dma_start3A_185 : memref<1x128xi32, #tpu.memory_space<vmem>> -> memref<128xi32, #tpu.memory_space<vmem>>
        %dma_start3A_187 = arith.constant 0 : i32
        %dma_start3A_188 = arith.constant 0 : i32
        %dma_start3A_189 = tpu.memref_slice %arg2[%while3A, %dma_start3A_187, %dma_start3A_188] : memref<1x10240x64xf32, #tpu.memory_space<hbm>> -> memref<1x10240x64xf32, #tpu.memory_space<hbm>>
        %dma_start3A_190 = tpu.memref_squeeze %dma_start3A_189 : memref<1x10240x64xf32, #tpu.memory_space<hbm>> -> memref<10240x64xf32, #tpu.memory_space<hbm>>
        %dma_start3A_191 = arith.constant 0 : i32
        %dma_start3A_192 = arith.constant 0 : i32
        %dma_start3A_193 = tpu.memref_slice %dma_start3A_190[%dma_start3A_191, %dma_start3A_192] : memref<10240x64xf32, #tpu.memory_space<hbm>> -> memref<10240x64xf32, #tpu.memory_space<hbm>>
        tpu.enqueue_indirect_dma source(%dma_start3A_193 : memref<10240x64xf32, #tpu.memory_space<hbm>>) target(%dma_start3A_183 : memref<128x64xf32, #tpu.memory_space<vmem>>) offsets(%dma_start3A_186 : memref<128xi32, #tpu.memory_space<vmem>>) semaphore(%arg14 : memref<!tpu.dma_semaphore, #tpu.memory_space<semaphore_mem>>)
      } else {
      }
    }
    %barrier3A_76 = arith.constant 0 : index
    tpu.barrier barrier_id(%barrier3A_76)
    %mul3A_77 = arith.constant 640 : i32
    %mul3A_78 = arith.muli %arg1, %mul3A_77 : i32
    %mul3A_79 = arith.constant 640 : i32
    %mul3A_80 = arith.muli %arg1, %mul3A_79 : i32
    %run_scoped3A = arith.constant 0 : i32
    "tpu.region"() ({
      %run_scoped3A_81 = tpu.sem_alloc : memref<!tpu.dma_semaphore, #tpu.memory_space<semaphore_mem>>
      %dma_start3A = arith.constant 0 : i32
      %dma_start3A_82 = tpu.memref_slice %arg5[%run_scoped3A, %arg0, %mul3A_80, %dma_start3A] : memref<1x2x10240x64xf32, #tpu.memory_space<hbm>> -> memref<1x1x640x64xf32, #tpu.memory_space<hbm>>
      %dma_start3A_83 = tpu.memref_squeeze %dma_start3A_82 : memref<1x1x640x64xf32, #tpu.memory_space<hbm>> -> memref<640x64xf32, #tpu.memory_space<hbm>>
      %dma_start3A_84 = arith.constant 0 : i32
      %dma_start3A_85 = tpu.memref_slice %arg10[%mul3A_78, %dma_start3A_84] : memref<10240x64xf32, #tpu.memory_space<vmem_shared>> -> memref<640x64xf32, #tpu.memory_space<vmem_shared>>
      tpu.enqueue_dma source(%dma_start3A_85 : memref<640x64xf32, #tpu.memory_space<vmem_shared>>) target(%dma_start3A_83 : memref<640x64xf32, #tpu.memory_space<hbm>>) target_semaphore(%run_scoped3A_81 : memref<!tpu.dma_semaphore, #tpu.memory_space<semaphore_mem>>)
      %dma_wait3A = arith.constant 0 : i32
      %dma_wait3A_86 = tpu.memref_slice %arg5[%run_scoped3A, %arg0, %mul3A_80, %dma_wait3A] : memref<1x2x10240x64xf32, #tpu.memory_space<hbm>> -> memref<1x1x640x64xf32, #tpu.memory_space<hbm>>
      %dma_wait3A_87 = tpu.memref_squeeze %dma_wait3A_86 : memref<1x1x640x64xf32, #tpu.memory_space<hbm>> -> memref<640x64xf32, #tpu.memory_space<hbm>>
      %dma_wait3A_88 = arith.constant 0 : i32
      %dma_wait3A_89 = tpu.memref_slice %arg10[%mul3A_78, %dma_wait3A_88] : memref<10240x64xf32, #tpu.memory_space<vmem_shared>> -> memref<640x64xf32, #tpu.memory_space<vmem_shared>>
      tpu.wait_dma2 semaphore(%run_scoped3A_81 : memref<!tpu.dma_semaphore, #tpu.memory_space<semaphore_mem>>) src(%dma_wait3A_89 : memref<640x64xf32, #tpu.memory_space<vmem_shared>>) dst(%dma_wait3A_87 : memref<640x64xf32, #tpu.memory_space<hbm>>)
      tpu.yield
    }) : () -> ()
    return
  }
}

#map = affine_map<(d0, d1) -> (0, 0, 0)>
#map1 = affine_map<(d0, d1) -> (0, 0, 0, 0)>
module attributes {stable_mosaic.version = 14 : i64} {
  func.func @_agg_body(%arg0: i32, %arg1: i32, %arg2: memref<2x10240x64xf32, #tpu.memory_space<hbm>>, %arg3: memref<32x160x128xi32, #tpu.memory_space<hbm>>, %arg4: memref<32x160x128xi32, #tpu.memory_space<hbm>>, %arg5: memref<2x2x10240x64xf32, #tpu.memory_space<hbm>>, %arg6: memref<160x128xi32, #tpu.memory_space<vmem>>, %arg7: memref<160x128xi32, #tpu.memory_space<vmem>>, %arg8: memref<4x128x64xf32, #tpu.memory_space<vmem>>, %arg9: memref<128x64xf32, #tpu.memory_space<vmem>>, %arg10: memref<10240x64xf32, #tpu.memory_space<vmem_shared>>, %arg11: memref<!tpu.dma_semaphore, #tpu.memory_space<semaphore_mem>>, %arg12: memref<!tpu.dma_semaphore, #tpu.memory_space<semaphore_mem>>, %arg13: memref<!tpu.dma_semaphore, #tpu.memory_space<semaphore_mem>>, %arg14: memref<!tpu.dma_semaphore, #tpu.memory_space<semaphore_mem>>) attributes {dimension_semantics = [#tpu.dimension_semantics<core_parallel>, #tpu.dimension_semantics<subcore_parallel>], iteration_bounds = array<i64: 2, 16>, scalar_prefetch = 0 : i64, scratch_operands = 9 : i64, tpu.core_type = #tpu.core_type<sc_vector_subcore>, window_params = [{transform_indices = #map}, {transform_indices = #map}, {transform_indices = #map}, {transform_indices = #map1}]} {
    %mul3A = arith.constant 16 : i32
    %mul3A_0 = arith.muli %arg0, %mul3A : i32
    %add3A = arith.addi %mul3A_0, %arg1 : i32
    "tpu.region"() ({
      %run_scoped3A_166 = tpu.sem_alloc : memref<!tpu.dma_semaphore, #tpu.memory_space<semaphore_mem>>
      %dma_start3A = arith.constant 0 : i32
      %dma_start3A_167 = arith.constant 0 : i32
      %dma_start3A_168 = tpu.memref_slice %arg3[%add3A, %dma_start3A, %dma_start3A_167] : memref<32x160x128xi32, #tpu.memory_space<hbm>> -> memref<1x160x128xi32, #tpu.memory_space<hbm>>
      %dma_start3A_169 = tpu.memref_squeeze %dma_start3A_168 : memref<1x160x128xi32, #tpu.memory_space<hbm>> -> memref<160x128xi32, #tpu.memory_space<hbm>>
      %dma_start3A_170 = arith.constant 0 : i32
      %dma_start3A_171 = arith.constant 0 : i32
      %dma_start3A_172 = tpu.memref_slice %arg3[%add3A, %dma_start3A_170, %dma_start3A_171] : memref<32x160x128xi32, #tpu.memory_space<hbm>> -> memref<1x160x128xi32, #tpu.memory_space<hbm>>
      %dma_start3A_173 = tpu.memref_squeeze %dma_start3A_172 : memref<1x160x128xi32, #tpu.memory_space<hbm>> -> memref<160x128xi32, #tpu.memory_space<hbm>>
      tpu.enqueue_dma source(%dma_start3A_173 : memref<160x128xi32, #tpu.memory_space<hbm>>) target(%arg6 : memref<160x128xi32, #tpu.memory_space<vmem>>) target_semaphore(%run_scoped3A_166 : memref<!tpu.dma_semaphore, #tpu.memory_space<semaphore_mem>>)
      %dma_wait3A = arith.constant 0 : i32
      %dma_wait3A_174 = arith.constant 0 : i32
      %dma_wait3A_175 = tpu.memref_slice %arg3[%add3A, %dma_wait3A, %dma_wait3A_174] : memref<32x160x128xi32, #tpu.memory_space<hbm>> -> memref<1x160x128xi32, #tpu.memory_space<hbm>>
      %dma_wait3A_176 = tpu.memref_squeeze %dma_wait3A_175 : memref<1x160x128xi32, #tpu.memory_space<hbm>> -> memref<160x128xi32, #tpu.memory_space<hbm>>
      %dma_wait3A_177 = arith.constant 0 : i32
      %dma_wait3A_178 = arith.constant 0 : i32
      %dma_wait3A_179 = tpu.memref_slice %arg3[%add3A, %dma_wait3A_177, %dma_wait3A_178] : memref<32x160x128xi32, #tpu.memory_space<hbm>> -> memref<1x160x128xi32, #tpu.memory_space<hbm>>
      %dma_wait3A_180 = tpu.memref_squeeze %dma_wait3A_179 : memref<1x160x128xi32, #tpu.memory_space<hbm>> -> memref<160x128xi32, #tpu.memory_space<hbm>>
      tpu.wait_dma2 semaphore(%run_scoped3A_166 : memref<!tpu.dma_semaphore, #tpu.memory_space<semaphore_mem>>) src(%dma_wait3A_180 : memref<160x128xi32, #tpu.memory_space<hbm>>) dst(%arg6 : memref<160x128xi32, #tpu.memory_space<vmem>>)
      tpu.yield
    }) : () -> ()
    "tpu.region"() ({
      %run_scoped3A_166 = tpu.sem_alloc : memref<!tpu.dma_semaphore, #tpu.memory_space<semaphore_mem>>
      %dma_start3A = arith.constant 0 : i32
      %dma_start3A_167 = arith.constant 0 : i32
      %dma_start3A_168 = tpu.memref_slice %arg4[%add3A, %dma_start3A, %dma_start3A_167] : memref<32x160x128xi32, #tpu.memory_space<hbm>> -> memref<1x160x128xi32, #tpu.memory_space<hbm>>
      %dma_start3A_169 = tpu.memref_squeeze %dma_start3A_168 : memref<1x160x128xi32, #tpu.memory_space<hbm>> -> memref<160x128xi32, #tpu.memory_space<hbm>>
      %dma_start3A_170 = arith.constant 0 : i32
      %dma_start3A_171 = arith.constant 0 : i32
      %dma_start3A_172 = tpu.memref_slice %arg4[%add3A, %dma_start3A_170, %dma_start3A_171] : memref<32x160x128xi32, #tpu.memory_space<hbm>> -> memref<1x160x128xi32, #tpu.memory_space<hbm>>
      %dma_start3A_173 = tpu.memref_squeeze %dma_start3A_172 : memref<1x160x128xi32, #tpu.memory_space<hbm>> -> memref<160x128xi32, #tpu.memory_space<hbm>>
      tpu.enqueue_dma source(%dma_start3A_173 : memref<160x128xi32, #tpu.memory_space<hbm>>) target(%arg7 : memref<160x128xi32, #tpu.memory_space<vmem>>) target_semaphore(%run_scoped3A_166 : memref<!tpu.dma_semaphore, #tpu.memory_space<semaphore_mem>>)
      %dma_wait3A = arith.constant 0 : i32
      %dma_wait3A_174 = arith.constant 0 : i32
      %dma_wait3A_175 = tpu.memref_slice %arg4[%add3A, %dma_wait3A, %dma_wait3A_174] : memref<32x160x128xi32, #tpu.memory_space<hbm>> -> memref<1x160x128xi32, #tpu.memory_space<hbm>>
      %dma_wait3A_176 = tpu.memref_squeeze %dma_wait3A_175 : memref<1x160x128xi32, #tpu.memory_space<hbm>> -> memref<160x128xi32, #tpu.memory_space<hbm>>
      %dma_wait3A_177 = arith.constant 0 : i32
      %dma_wait3A_178 = arith.constant 0 : i32
      %dma_wait3A_179 = tpu.memref_slice %arg4[%add3A, %dma_wait3A_177, %dma_wait3A_178] : memref<32x160x128xi32, #tpu.memory_space<hbm>> -> memref<1x160x128xi32, #tpu.memory_space<hbm>>
      %dma_wait3A_180 = tpu.memref_squeeze %dma_wait3A_179 : memref<1x160x128xi32, #tpu.memory_space<hbm>> -> memref<160x128xi32, #tpu.memory_space<hbm>>
      tpu.wait_dma2 semaphore(%run_scoped3A_166 : memref<!tpu.dma_semaphore, #tpu.memory_space<semaphore_mem>>) src(%dma_wait3A_180 : memref<160x128xi32, #tpu.memory_space<hbm>>) dst(%arg7 : memref<160x128xi32, #tpu.memory_space<vmem>>)
      tpu.yield
    }) : () -> ()
    %eq3A = arith.constant 0 : i32
    %eq3A_1 = arith.cmpi eq, %arg0, %eq3A : i32
    %jit3A = arith.constant 160 : i32
    %jit3A_2 = arith.constant 0 : i32
    %select_n3A = arith.select %eq3A_1, %jit3A, %jit3A_2 : i32
    %broadcast_in_dim3A = arith.constant 0.000000e+00 : f32
    %broadcast_in_dim3A_3 = vector.broadcast %broadcast_in_dim3A : f32 to vector<16xf32>
    %scan3A = arith.constant 0 : i32
    %scan3A_4 = arith.constant 128 : i32
    %scan3A_5 = arith.addi %scan3A, %scan3A_4 : i32
    %scan3A_6 = arith.constant 1 : i32
    scf.for %scan3A_166 = %scan3A to %scan3A_5 step %scan3A_6  : i32 {
      %swap3A = arith.index_cast %scan3A_166 : i32 to index
      %swap3A_167 = arith.constant 0 : index
      %swap3A_168 = tpu.vector_load %arg9[%swap3A, %swap3A_167] {strides = array<i32>} : memref<128x64xf32, #tpu.memory_space<vmem>>, vector<1x16xf32>,
      %swap3A_169 = vector.shape_cast %swap3A_168 : vector<1x16xf32> to vector<16xf32>
      %swap3A_170 = vector.shape_cast %broadcast_in_dim3A_3 : vector<16xf32> to vector<1x16xf32>
      tpu.vector_store %arg9[%swap3A, %swap3A_167], %swap3A_170 {strides = array<i32>} : memref<128x64xf32, #tpu.memory_space<vmem>>, vector<1x16xf32>,
      %swap3A_171 = arith.index_cast %scan3A_166 : i32 to index
      %swap3A_172 = arith.constant 16 : index
      %swap3A_173 = tpu.vector_load %arg9[%swap3A_171, %swap3A_172] {strides = array<i32>} : memref<128x64xf32, #tpu.memory_space<vmem>>, vector<1x16xf32>,
      %swap3A_174 = vector.shape_cast %swap3A_173 : vector<1x16xf32> to vector<16xf32>
      %swap3A_175 = vector.shape_cast %broadcast_in_dim3A_3 : vector<16xf32> to vector<1x16xf32>
      tpu.vector_store %arg9[%swap3A_171, %swap3A_172], %swap3A_175 {strides = array<i32>} : memref<128x64xf32, #tpu.memory_space<vmem>>, vector<1x16xf32>,
      %swap3A_176 = arith.index_cast %scan3A_166 : i32 to index
      %swap3A_177 = arith.constant 32 : index
      %swap3A_178 = tpu.vector_load %arg9[%swap3A_176, %swap3A_177] {strides = array<i32>} : memref<128x64xf32, #tpu.memory_space<vmem>>, vector<1x16xf32>,
      %swap3A_179 = vector.shape_cast %swap3A_178 : vector<1x16xf32> to vector<16xf32>
      %swap3A_180 = vector.shape_cast %broadcast_in_dim3A_3 : vector<16xf32> to vector<1x16xf32>
      tpu.vector_store %arg9[%swap3A_176, %swap3A_177], %swap3A_180 {strides = array<i32>} : memref<128x64xf32, #tpu.memory_space<vmem>>, vector<1x16xf32>,
      %swap3A_181 = arith.index_cast %scan3A_166 : i32 to index
      %swap3A_182 = arith.constant 48 : index
      %swap3A_183 = tpu.vector_load %arg9[%swap3A_181, %swap3A_182] {strides = array<i32>} : memref<128x64xf32, #tpu.memory_space<vmem>>, vector<1x16xf32>,
      %swap3A_184 = vector.shape_cast %swap3A_183 : vector<1x16xf32> to vector<16xf32>
      %swap3A_185 = vector.shape_cast %broadcast_in_dim3A_3 : vector<16xf32> to vector<1x16xf32>
      tpu.vector_store %arg9[%swap3A_181, %swap3A_182], %swap3A_185 {strides = array<i32>} : memref<128x64xf32, #tpu.memory_space<vmem>>, vector<1x16xf32>,
    }
    %scan3A_7 = arith.constant 128 : i32
    %mul3A_8 = arith.constant 640 : i32
    %mul3A_9 = arith.muli %arg1, %mul3A_8 : i32
    %add3A_10 = arith.constant 0 : i32
    %add3A_11 = arith.addi %mul3A_9, %add3A_10 : i32
    "tpu.region"() ({
      %run_scoped3A_166 = tpu.sem_alloc : memref<!tpu.dma_semaphore, #tpu.memory_space<semaphore_mem>>
      %dma_start3A = arith.constant 0 : i32
      %dma_start3A_167 = tpu.memref_slice %arg10[%add3A_11, %dma_start3A] : memref<10240x64xf32, #tpu.memory_space<vmem_shared>> -> memref<128x64xf32, #tpu.memory_space<vmem_shared>>
      %dma_start3A_168 = arith.constant 0 : i32
      %dma_start3A_169 = tpu.memref_slice %arg10[%add3A_11, %dma_start3A_168] : memref<10240x64xf32, #tpu.memory_space<vmem_shared>> -> memref<128x64xf32, #tpu.memory_space<vmem_shared>>
      tpu.enqueue_dma source(%arg9 : memref<128x64xf32, #tpu.memory_space<vmem>>) target(%dma_start3A_169 : memref<128x64xf32, #tpu.memory_space<vmem_shared>>) target_semaphore(%run_scoped3A_166 : memref<!tpu.dma_semaphore, #tpu.memory_space<semaphore_mem>>)
      %dma_wait3A = arith.constant 0 : i32
      %dma_wait3A_170 = tpu.memref_slice %arg10[%add3A_11, %dma_wait3A] : memref<10240x64xf32, #tpu.memory_space<vmem_shared>> -> memref<128x64xf32, #tpu.memory_space<vmem_shared>>
      %dma_wait3A_171 = arith.constant 0 : i32
      %dma_wait3A_172 = tpu.memref_slice %arg10[%add3A_11, %dma_wait3A_171] : memref<10240x64xf32, #tpu.memory_space<vmem_shared>> -> memref<128x64xf32, #tpu.memory_space<vmem_shared>>
      tpu.wait_dma2 semaphore(%run_scoped3A_166 : memref<!tpu.dma_semaphore, #tpu.memory_space<semaphore_mem>>) src(%arg9 : memref<128x64xf32, #tpu.memory_space<vmem>>) dst(%dma_wait3A_172 : memref<128x64xf32, #tpu.memory_space<vmem_shared>>)
      tpu.yield
    }) : () -> ()
    %mul3A_12 = arith.constant 640 : i32
    %mul3A_13 = arith.muli %arg1, %mul3A_12 : i32
    %add3A_14 = arith.constant 128 : i32
    %add3A_15 = arith.addi %mul3A_13, %add3A_14 : i32
    "tpu.region"() ({
      %run_scoped3A_166 = tpu.sem_alloc : memref<!tpu.dma_semaphore, #tpu.memory_space<semaphore_mem>>
      %dma_start3A = arith.constant 0 : i32
      %dma_start3A_167 = tpu.memref_slice %arg10[%add3A_15, %dma_start3A] : memref<10240x64xf32, #tpu.memory_space<vmem_shared>> -> memref<128x64xf32, #tpu.memory_space<vmem_shared>>
      %dma_start3A_168 = arith.constant 0 : i32
      %dma_start3A_169 = tpu.memref_slice %arg10[%add3A_15, %dma_start3A_168] : memref<10240x64xf32, #tpu.memory_space<vmem_shared>> -> memref<128x64xf32, #tpu.memory_space<vmem_shared>>
      tpu.enqueue_dma source(%arg9 : memref<128x64xf32, #tpu.memory_space<vmem>>) target(%dma_start3A_169 : memref<128x64xf32, #tpu.memory_space<vmem_shared>>) target_semaphore(%run_scoped3A_166 : memref<!tpu.dma_semaphore, #tpu.memory_space<semaphore_mem>>)
      %dma_wait3A = arith.constant 0 : i32
      %dma_wait3A_170 = tpu.memref_slice %arg10[%add3A_15, %dma_wait3A] : memref<10240x64xf32, #tpu.memory_space<vmem_shared>> -> memref<128x64xf32, #tpu.memory_space<vmem_shared>>
      %dma_wait3A_171 = arith.constant 0 : i32
      %dma_wait3A_172 = tpu.memref_slice %arg10[%add3A_15, %dma_wait3A_171] : memref<10240x64xf32, #tpu.memory_space<vmem_shared>> -> memref<128x64xf32, #tpu.memory_space<vmem_shared>>
      tpu.wait_dma2 semaphore(%run_scoped3A_166 : memref<!tpu.dma_semaphore, #tpu.memory_space<semaphore_mem>>) src(%arg9 : memref<128x64xf32, #tpu.memory_space<vmem>>) dst(%dma_wait3A_172 : memref<128x64xf32, #tpu.memory_space<vmem_shared>>)
      tpu.yield
    }) : () -> ()
    %mul3A_16 = arith.constant 640 : i32
    %mul3A_17 = arith.muli %arg1, %mul3A_16 : i32
    %add3A_18 = arith.constant 256 : i32
    %add3A_19 = arith.addi %mul3A_17, %add3A_18 : i32
    "tpu.region"() ({
      %run_scoped3A_166 = tpu.sem_alloc : memref<!tpu.dma_semaphore, #tpu.memory_space<semaphore_mem>>
      %dma_start3A = arith.constant 0 : i32
      %dma_start3A_167 = tpu.memref_slice %arg10[%add3A_19, %dma_start3A] : memref<10240x64xf32, #tpu.memory_space<vmem_shared>> -> memref<128x64xf32, #tpu.memory_space<vmem_shared>>
      %dma_start3A_168 = arith.constant 0 : i32
      %dma_start3A_169 = tpu.memref_slice %arg10[%add3A_19, %dma_start3A_168] : memref<10240x64xf32, #tpu.memory_space<vmem_shared>> -> memref<128x64xf32, #tpu.memory_space<vmem_shared>>
      tpu.enqueue_dma source(%arg9 : memref<128x64xf32, #tpu.memory_space<vmem>>) target(%dma_start3A_169 : memref<128x64xf32, #tpu.memory_space<vmem_shared>>) target_semaphore(%run_scoped3A_166 : memref<!tpu.dma_semaphore, #tpu.memory_space<semaphore_mem>>)
      %dma_wait3A = arith.constant 0 : i32
      %dma_wait3A_170 = tpu.memref_slice %arg10[%add3A_19, %dma_wait3A] : memref<10240x64xf32, #tpu.memory_space<vmem_shared>> -> memref<128x64xf32, #tpu.memory_space<vmem_shared>>
      %dma_wait3A_171 = arith.constant 0 : i32
      %dma_wait3A_172 = tpu.memref_slice %arg10[%add3A_19, %dma_wait3A_171] : memref<10240x64xf32, #tpu.memory_space<vmem_shared>> -> memref<128x64xf32, #tpu.memory_space<vmem_shared>>
      tpu.wait_dma2 semaphore(%run_scoped3A_166 : memref<!tpu.dma_semaphore, #tpu.memory_space<semaphore_mem>>) src(%arg9 : memref<128x64xf32, #tpu.memory_space<vmem>>) dst(%dma_wait3A_172 : memref<128x64xf32, #tpu.memory_space<vmem_shared>>)
      tpu.yield
    }) : () -> ()
    %mul3A_20 = arith.constant 640 : i32
    %mul3A_21 = arith.muli %arg1, %mul3A_20 : i32
    %add3A_22 = arith.constant 384 : i32
    %add3A_23 = arith.addi %mul3A_21, %add3A_22 : i32
    "tpu.region"() ({
      %run_scoped3A_166 = tpu.sem_alloc : memref<!tpu.dma_semaphore, #tpu.memory_space<semaphore_mem>>
      %dma_start3A = arith.constant 0 : i32
      %dma_start3A_167 = tpu.memref_slice %arg10[%add3A_23, %dma_start3A] : memref<10240x64xf32, #tpu.memory_space<vmem_shared>> -> memref<128x64xf32, #tpu.memory_space<vmem_shared>>
      %dma_start3A_168 = arith.constant 0 : i32
      %dma_start3A_169 = tpu.memref_slice %arg10[%add3A_23, %dma_start3A_168] : memref<10240x64xf32, #tpu.memory_space<vmem_shared>> -> memref<128x64xf32, #tpu.memory_space<vmem_shared>>
      tpu.enqueue_dma source(%arg9 : memref<128x64xf32, #tpu.memory_space<vmem>>) target(%dma_start3A_169 : memref<128x64xf32, #tpu.memory_space<vmem_shared>>) target_semaphore(%run_scoped3A_166 : memref<!tpu.dma_semaphore, #tpu.memory_space<semaphore_mem>>)
      %dma_wait3A = arith.constant 0 : i32
      %dma_wait3A_170 = tpu.memref_slice %arg10[%add3A_23, %dma_wait3A] : memref<10240x64xf32, #tpu.memory_space<vmem_shared>> -> memref<128x64xf32, #tpu.memory_space<vmem_shared>>
      %dma_wait3A_171 = arith.constant 0 : i32
      %dma_wait3A_172 = tpu.memref_slice %arg10[%add3A_23, %dma_wait3A_171] : memref<10240x64xf32, #tpu.memory_space<vmem_shared>> -> memref<128x64xf32, #tpu.memory_space<vmem_shared>>
      tpu.wait_dma2 semaphore(%run_scoped3A_166 : memref<!tpu.dma_semaphore, #tpu.memory_space<semaphore_mem>>) src(%arg9 : memref<128x64xf32, #tpu.memory_space<vmem>>) dst(%dma_wait3A_172 : memref<128x64xf32, #tpu.memory_space<vmem_shared>>)
      tpu.yield
    }) : () -> ()
    %mul3A_24 = arith.constant 640 : i32
    %mul3A_25 = arith.muli %arg1, %mul3A_24 : i32
    %add3A_26 = arith.constant 512 : i32
    %add3A_27 = arith.addi %mul3A_25, %add3A_26 : i32
    "tpu.region"() ({
      %run_scoped3A_166 = tpu.sem_alloc : memref<!tpu.dma_semaphore, #tpu.memory_space<semaphore_mem>>
      %dma_start3A = arith.constant 0 : i32
      %dma_start3A_167 = tpu.memref_slice %arg10[%add3A_27, %dma_start3A] : memref<10240x64xf32, #tpu.memory_space<vmem_shared>> -> memref<128x64xf32, #tpu.memory_space<vmem_shared>>
      %dma_start3A_168 = arith.constant 0 : i32
      %dma_start3A_169 = tpu.memref_slice %arg10[%add3A_27, %dma_start3A_168] : memref<10240x64xf32, #tpu.memory_space<vmem_shared>> -> memref<128x64xf32, #tpu.memory_space<vmem_shared>>
      tpu.enqueue_dma source(%arg9 : memref<128x64xf32, #tpu.memory_space<vmem>>) target(%dma_start3A_169 : memref<128x64xf32, #tpu.memory_space<vmem_shared>>) target_semaphore(%run_scoped3A_166 : memref<!tpu.dma_semaphore, #tpu.memory_space<semaphore_mem>>)
      %dma_wait3A = arith.constant 0 : i32
      %dma_wait3A_170 = tpu.memref_slice %arg10[%add3A_27, %dma_wait3A] : memref<10240x64xf32, #tpu.memory_space<vmem_shared>> -> memref<128x64xf32, #tpu.memory_space<vmem_shared>>
      %dma_wait3A_171 = arith.constant 0 : i32
      %dma_wait3A_172 = tpu.memref_slice %arg10[%add3A_27, %dma_wait3A_171] : memref<10240x64xf32, #tpu.memory_space<vmem_shared>> -> memref<128x64xf32, #tpu.memory_space<vmem_shared>>
      tpu.wait_dma2 semaphore(%run_scoped3A_166 : memref<!tpu.dma_semaphore, #tpu.memory_space<semaphore_mem>>) src(%arg9 : memref<128x64xf32, #tpu.memory_space<vmem>>) dst(%dma_wait3A_172 : memref<128x64xf32, #tpu.memory_space<vmem_shared>>)
      tpu.yield
    }) : () -> ()
    %barrier3A = arith.constant 0 : index
    tpu.barrier barrier_id(%barrier3A)
    %gt3A = arith.constant 0 : i32
    %gt3A_28 = arith.cmpi sgt, %select_n3A, %gt3A : i32
    %convert_element_type3A = arith.extui %gt3A_28 : i1 to i32
    %cond3A = arith.constant 0 : i32
    %cond3A_29 = arith.constant 0 : i32
    %cond3A_30 = arith.cmpi ne, %convert_element_type3A, %cond3A_29 : i32
    scf.if %cond3A_30 {
      %dma_start3A = arith.constant 0 : i32
      %dma_start3A_166 = arith.constant 0 : i32
      %dma_start3A_167 = arith.constant 0 : i32
      %dma_start3A_168 = arith.constant 0 : i32
      %dma_start3A_169 = tpu.memref_slice %arg8[%dma_start3A_166, %dma_start3A_167, %dma_start3A_168] : memref<4x128x64xf32, #tpu.memory_space<vmem>> -> memref<1x128x64xf32, #tpu.memory_space<vmem>>
      %dma_start3A_170 = tpu.memref_squeeze %dma_start3A_169 : memref<1x128x64xf32, #tpu.memory_space<vmem>> -> memref<128x64xf32, #tpu.memory_space<vmem>>
      %dma_start3A_171 = arith.constant 0 : i32
      %dma_start3A_172 = tpu.memref_slice %arg6[%dma_start3A, %dma_start3A_171] : memref<160x128xi32, #tpu.memory_space<vmem>> -> memref<1x128xi32, #tpu.memory_space<vmem>>
      %dma_start3A_173 = tpu.memref_squeeze %dma_start3A_172 : memref<1x128xi32, #tpu.memory_space<vmem>> -> memref<128xi32, #tpu.memory_space<vmem>>
      %dma_start3A_174 = arith.constant 0 : i32
      %dma_start3A_175 = arith.constant 0 : i32
      %dma_start3A_176 = tpu.memref_slice %arg2[%cond3A, %dma_start3A_174, %dma_start3A_175] : memref<2x10240x64xf32, #tpu.memory_space<hbm>> -> memref<1x10240x64xf32, #tpu.memory_space<hbm>>
      %dma_start3A_177 = tpu.memref_squeeze %dma_start3A_176 : memref<1x10240x64xf32, #tpu.memory_space<hbm>> -> memref<10240x64xf32, #tpu.memory_space<hbm>>
      %dma_start3A_178 = arith.constant 0 : i32
      %dma_start3A_179 = arith.constant 0 : i32
      %dma_start3A_180 = tpu.memref_slice %dma_start3A_177[%dma_start3A_178, %dma_start3A_179] : memref<10240x64xf32, #tpu.memory_space<hbm>> -> memref<10240x64xf32, #tpu.memory_space<hbm>>
      tpu.enqueue_indirect_dma source(%dma_start3A_180 : memref<10240x64xf32, #tpu.memory_space<hbm>>) target(%dma_start3A_170 : memref<128x64xf32, #tpu.memory_space<vmem>>) offsets(%dma_start3A_173 : memref<128xi32, #tpu.memory_space<vmem>>) semaphore(%arg11 : memref<!tpu.dma_semaphore, #tpu.memory_space<semaphore_mem>>)
    } else {
    }
    %gt3A_31 = arith.constant 1 : i32
    %gt3A_32 = arith.cmpi sgt, %select_n3A, %gt3A_31 : i32
    %convert_element_type3A_33 = arith.extui %gt3A_32 : i1 to i32
    %cond3A_34 = arith.constant 0 : i32
    %cond3A_35 = arith.constant 0 : i32
    %cond3A_36 = arith.cmpi ne, %convert_element_type3A_33, %cond3A_35 : i32
    scf.if %cond3A_36 {
      %dma_start3A = arith.constant 1 : i32
      %dma_start3A_166 = arith.constant 1 : i32
      %dma_start3A_167 = arith.constant 0 : i32
      %dma_start3A_168 = arith.constant 0 : i32
      %dma_start3A_169 = tpu.memref_slice %arg8[%dma_start3A_166, %dma_start3A_167, %dma_start3A_168] : memref<4x128x64xf32, #tpu.memory_space<vmem>> -> memref<1x128x64xf32, #tpu.memory_space<vmem>>
      %dma_start3A_170 = tpu.memref_squeeze %dma_start3A_169 : memref<1x128x64xf32, #tpu.memory_space<vmem>> -> memref<128x64xf32, #tpu.memory_space<vmem>>
      %dma_start3A_171 = arith.constant 0 : i32
      %dma_start3A_172 = tpu.memref_slice %arg6[%dma_start3A, %dma_start3A_171] : memref<160x128xi32, #tpu.memory_space<vmem>> -> memref<1x128xi32, #tpu.memory_space<vmem>>
      %dma_start3A_173 = tpu.memref_squeeze %dma_start3A_172 : memref<1x128xi32, #tpu.memory_space<vmem>> -> memref<128xi32, #tpu.memory_space<vmem>>
      %dma_start3A_174 = arith.constant 0 : i32
      %dma_start3A_175 = arith.constant 0 : i32
      %dma_start3A_176 = tpu.memref_slice %arg2[%cond3A_34, %dma_start3A_174, %dma_start3A_175] : memref<2x10240x64xf32, #tpu.memory_space<hbm>> -> memref<1x10240x64xf32, #tpu.memory_space<hbm>>
      %dma_start3A_177 = tpu.memref_squeeze %dma_start3A_176 : memref<1x10240x64xf32, #tpu.memory_space<hbm>> -> memref<10240x64xf32, #tpu.memory_space<hbm>>
      %dma_start3A_178 = arith.constant 0 : i32
      %dma_start3A_179 = arith.constant 0 : i32
      %dma_start3A_180 = tpu.memref_slice %dma_start3A_177[%dma_start3A_178, %dma_start3A_179] : memref<10240x64xf32, #tpu.memory_space<hbm>> -> memref<10240x64xf32, #tpu.memory_space<hbm>>
      tpu.enqueue_indirect_dma source(%dma_start3A_180 : memref<10240x64xf32, #tpu.memory_space<hbm>>) target(%dma_start3A_170 : memref<128x64xf32, #tpu.memory_space<vmem>>) offsets(%dma_start3A_173 : memref<128xi32, #tpu.memory_space<vmem>>) semaphore(%arg12 : memref<!tpu.dma_semaphore, #tpu.memory_space<semaphore_mem>>)
    } else {
    }
    %gt3A_37 = arith.constant 2 : i32
    %gt3A_38 = arith.cmpi sgt, %select_n3A, %gt3A_37 : i32
    %convert_element_type3A_39 = arith.extui %gt3A_38 : i1 to i32
    %cond3A_40 = arith.constant 0 : i32
    %cond3A_41 = arith.constant 0 : i32
    %cond3A_42 = arith.cmpi ne, %convert_element_type3A_39, %cond3A_41 : i32
    scf.if %cond3A_42 {
      %dma_start3A = arith.constant 2 : i32
      %dma_start3A_166 = arith.constant 2 : i32
      %dma_start3A_167 = arith.constant 0 : i32
      %dma_start3A_168 = arith.constant 0 : i32
      %dma_start3A_169 = tpu.memref_slice %arg8[%dma_start3A_166, %dma_start3A_167, %dma_start3A_168] : memref<4x128x64xf32, #tpu.memory_space<vmem>> -> memref<1x128x64xf32, #tpu.memory_space<vmem>>
      %dma_start3A_170 = tpu.memref_squeeze %dma_start3A_169 : memref<1x128x64xf32, #tpu.memory_space<vmem>> -> memref<128x64xf32, #tpu.memory_space<vmem>>
      %dma_start3A_171 = arith.constant 0 : i32
      %dma_start3A_172 = tpu.memref_slice %arg6[%dma_start3A, %dma_start3A_171] : memref<160x128xi32, #tpu.memory_space<vmem>> -> memref<1x128xi32, #tpu.memory_space<vmem>>
      %dma_start3A_173 = tpu.memref_squeeze %dma_start3A_172 : memref<1x128xi32, #tpu.memory_space<vmem>> -> memref<128xi32, #tpu.memory_space<vmem>>
      %dma_start3A_174 = arith.constant 0 : i32
      %dma_start3A_175 = arith.constant 0 : i32
      %dma_start3A_176 = tpu.memref_slice %arg2[%cond3A_40, %dma_start3A_174, %dma_start3A_175] : memref<2x10240x64xf32, #tpu.memory_space<hbm>> -> memref<1x10240x64xf32, #tpu.memory_space<hbm>>
      %dma_start3A_177 = tpu.memref_squeeze %dma_start3A_176 : memref<1x10240x64xf32, #tpu.memory_space<hbm>> -> memref<10240x64xf32, #tpu.memory_space<hbm>>
      %dma_start3A_178 = arith.constant 0 : i32
      %dma_start3A_179 = arith.constant 0 : i32
      %dma_start3A_180 = tpu.memref_slice %dma_start3A_177[%dma_start3A_178, %dma_start3A_179] : memref<10240x64xf32, #tpu.memory_space<hbm>> -> memref<10240x64xf32, #tpu.memory_space<hbm>>
      tpu.enqueue_indirect_dma source(%dma_start3A_180 : memref<10240x64xf32, #tpu.memory_space<hbm>>) target(%dma_start3A_170 : memref<128x64xf32, #tpu.memory_space<vmem>>) offsets(%dma_start3A_173 : memref<128xi32, #tpu.memory_space<vmem>>) semaphore(%arg13 : memref<!tpu.dma_semaphore, #tpu.memory_space<semaphore_mem>>)
    } else {
    }
    %gt3A_43 = arith.constant 3 : i32
    %gt3A_44 = arith.cmpi sgt, %select_n3A, %gt3A_43 : i32
    %convert_element_type3A_45 = arith.extui %gt3A_44 : i1 to i32
    %cond3A_46 = arith.constant 0 : i32
    %cond3A_47 = arith.constant 0 : i32
    %cond3A_48 = arith.cmpi ne, %convert_element_type3A_45, %cond3A_47 : i32
    scf.if %cond3A_48 {
      %dma_start3A = arith.constant 3 : i32
      %dma_start3A_166 = arith.constant 3 : i32
      %dma_start3A_167 = arith.constant 0 : i32
      %dma_start3A_168 = arith.constant 0 : i32
      %dma_start3A_169 = tpu.memref_slice %arg8[%dma_start3A_166, %dma_start3A_167, %dma_start3A_168] : memref<4x128x64xf32, #tpu.memory_space<vmem>> -> memref<1x128x64xf32, #tpu.memory_space<vmem>>
      %dma_start3A_170 = tpu.memref_squeeze %dma_start3A_169 : memref<1x128x64xf32, #tpu.memory_space<vmem>> -> memref<128x64xf32, #tpu.memory_space<vmem>>
      %dma_start3A_171 = arith.constant 0 : i32
      %dma_start3A_172 = tpu.memref_slice %arg6[%dma_start3A, %dma_start3A_171] : memref<160x128xi32, #tpu.memory_space<vmem>> -> memref<1x128xi32, #tpu.memory_space<vmem>>
      %dma_start3A_173 = tpu.memref_squeeze %dma_start3A_172 : memref<1x128xi32, #tpu.memory_space<vmem>> -> memref<128xi32, #tpu.memory_space<vmem>>
      %dma_start3A_174 = arith.constant 0 : i32
      %dma_start3A_175 = arith.constant 0 : i32
      %dma_start3A_176 = tpu.memref_slice %arg2[%cond3A_46, %dma_start3A_174, %dma_start3A_175] : memref<2x10240x64xf32, #tpu.memory_space<hbm>> -> memref<1x10240x64xf32, #tpu.memory_space<hbm>>
      %dma_start3A_177 = tpu.memref_squeeze %dma_start3A_176 : memref<1x10240x64xf32, #tpu.memory_space<hbm>> -> memref<10240x64xf32, #tpu.memory_space<hbm>>
      %dma_start3A_178 = arith.constant 0 : i32
      %dma_start3A_179 = arith.constant 0 : i32
      %dma_start3A_180 = tpu.memref_slice %dma_start3A_177[%dma_start3A_178, %dma_start3A_179] : memref<10240x64xf32, #tpu.memory_space<hbm>> -> memref<10240x64xf32, #tpu.memory_space<hbm>>
      tpu.enqueue_indirect_dma source(%dma_start3A_180 : memref<10240x64xf32, #tpu.memory_space<hbm>>) target(%dma_start3A_170 : memref<128x64xf32, #tpu.memory_space<vmem>>) offsets(%dma_start3A_173 : memref<128xi32, #tpu.memory_space<vmem>>) semaphore(%arg14 : memref<!tpu.dma_semaphore, #tpu.memory_space<semaphore_mem>>)
    } else {
    }
    %jit3A_49 = arith.constant 4 : i32
    %div3A = arith.divsi %select_n3A, %jit3A_49 : i32
    %sign3A = arith.constant 0 : i32
    %sign3A_50 = arith.cmpi sgt, %select_n3A, %sign3A : i32
    %sign3A_51 = arith.extui %sign3A_50 : i1 to i32
    %sign3A_52 = arith.constant 0 : i32
    %sign3A_53 = arith.cmpi slt, %select_n3A, %sign3A_52 : i32
    %sign3A_54 = arith.extui %sign3A_53 : i1 to i32
    %sign3A_55 = arith.subi %sign3A_51, %sign3A_54 : i32
    %sign3A_56 = arith.constant 0 : i32
    %sign3A_57 = arith.cmpi sgt, %jit3A_49, %sign3A_56 : i32
    %sign3A_58 = arith.extui %sign3A_57 : i1 to i32
    %sign3A_59 = arith.constant 0 : i32
    %sign3A_60 = arith.cmpi slt, %jit3A_49, %sign3A_59 : i32
    %sign3A_61 = arith.extui %sign3A_60 : i1 to i32
    %sign3A_62 = arith.subi %sign3A_58, %sign3A_61 : i32
    %ne3A = arith.cmpi ne, %sign3A_55, %sign3A_62 : i32
    %rem3A = arith.remsi %select_n3A, %jit3A_49 : i32
    %ne3A_63 = arith.constant 0 : i32
    %ne3A_64 = arith.cmpi ne, %rem3A, %ne3A_63 : i32
    %and3A = arith.andi %ne3A, %ne3A_64 : i1
    %sub3A = arith.constant 1 : i32
    %sub3A_65 = arith.subi %div3A, %sub3A : i32
    %select_n3A_66 = arith.select %and3A, %sub3A_65, %div3A : i32
    %while3A = arith.constant 0 : i32
    %while3A_67 = arith.constant 0 : i32
    %while3A_68 = arith.subi %select_n3A_66, %while3A_67 : i32
    %while3A_69 = arith.addi %while3A_67, %while3A_68 : i32
    %while3A_70 = arith.constant 1 : i32
    %while3A_71 = arith.divsi %while3A_68, %while3A_70 : i32
    %while3A_72 = arith.muli %while3A_71, %while3A_70 : i32
    %while3A_73 = arith.addi %while3A_67, %while3A_72 : i32
    %while3A_74 = arith.constant 1 : i32
    scf.for %while3A_166 = %while3A_67 to %while3A_73 step %while3A_74  : i32 {
      %mul3A_167 = arith.constant 4 : i32
      %mul3A_168 = arith.muli %while3A_166, %mul3A_167 : i32
      %add3A_169 = arith.constant 0 : i32
      %add3A_170 = arith.addi %mul3A_168, %add3A_169 : i32
      %dma_wait3A = arith.constant 0 : i32
      %dma_wait3A_171 = arith.constant 0 : i32
      %dma_wait3A_172 = arith.constant 0 : i32
      %dma_wait3A_173 = tpu.memref_slice %arg8[%dma_wait3A, %dma_wait3A_171, %dma_wait3A_172] : memref<4x128x64xf32, #tpu.memory_space<vmem>> -> memref<1x128x64xf32, #tpu.memory_space<vmem>>
      %dma_wait3A_174 = tpu.memref_squeeze %dma_wait3A_173 : memref<1x128x64xf32, #tpu.memory_space<vmem>> -> memref<128x64xf32, #tpu.memory_space<vmem>>
      %dma_wait3A_175 = arith.constant 0 : i32
      %dma_wait3A_176 = tpu.memref_slice %arg6[%add3A_170, %dma_wait3A_175] : memref<160x128xi32, #tpu.memory_space<vmem>> -> memref<1x128xi32, #tpu.memory_space<vmem>>
      %dma_wait3A_177 = tpu.memref_squeeze %dma_wait3A_176 : memref<1x128xi32, #tpu.memory_space<vmem>> -> memref<128xi32, #tpu.memory_space<vmem>>
      %dma_wait3A_178 = arith.constant 0 : i32
      %dma_wait3A_179 = arith.constant 0 : i32
      %dma_wait3A_180 = tpu.memref_slice %arg2[%while3A, %dma_wait3A_178, %dma_wait3A_179] : memref<2x10240x64xf32, #tpu.memory_space<hbm>> -> memref<1x10240x64xf32, #tpu.memory_space<hbm>>
      %dma_wait3A_181 = tpu.memref_squeeze %dma_wait3A_180 : memref<1x10240x64xf32, #tpu.memory_space<hbm>> -> memref<10240x64xf32, #tpu.memory_space<hbm>>
      %dma_wait3A_182 = arith.constant 0 : i32
      %dma_wait3A_183 = arith.constant 0 : i32
      %dma_wait3A_184 = tpu.memref_slice %dma_wait3A_181[%dma_wait3A_182, %dma_wait3A_183] : memref<10240x64xf32, #tpu.memory_space<hbm>> -> memref<10240x64xf32, #tpu.memory_space<hbm>>
      tpu.wait_indirect_dma semaphore(%arg11 : memref<!tpu.dma_semaphore, #tpu.memory_space<semaphore_mem>>) src(%dma_wait3A_184 : memref<10240x64xf32, #tpu.memory_space<hbm>>) dst(%dma_wait3A_174 : memref<128x64xf32, #tpu.memory_space<vmem>>)
      %run_scoped3A_185 = arith.constant 0 : i32
      "tpu.region"() ({
        %run_scoped3A_263 = tpu.sem_alloc : memref<!tpu.dma_semaphore, #tpu.memory_space<semaphore_mem>>
        %dma_start3A = arith.constant 0 : i32
        %dma_start3A_264 = arith.constant 0 : i32
        %dma_start3A_265 = tpu.memref_slice %arg8[%run_scoped3A_185, %dma_start3A, %dma_start3A_264] : memref<4x128x64xf32, #tpu.memory_space<vmem>> -> memref<1x128x64xf32, #tpu.memory_space<vmem>>
        %dma_start3A_266 = tpu.memref_squeeze %dma_start3A_265 : memref<1x128x64xf32, #tpu.memory_space<vmem>> -> memref<128x64xf32, #tpu.memory_space<vmem>>
        %dma_start3A_267 = arith.constant 0 : i32
        %dma_start3A_268 = tpu.memref_slice %arg7[%add3A_170, %dma_start3A_267] : memref<160x128xi32, #tpu.memory_space<vmem>> -> memref<1x128xi32, #tpu.memory_space<vmem>>
        %dma_start3A_269 = tpu.memref_squeeze %dma_start3A_268 : memref<1x128xi32, #tpu.memory_space<vmem>> -> memref<128xi32, #tpu.memory_space<vmem>>
        %dma_start3A_270 = arith.constant 0 : i32
        %dma_start3A_271 = arith.constant 0 : i32
        %dma_start3A_272 = tpu.memref_slice %arg10[%dma_start3A_270, %dma_start3A_271] : memref<10240x64xf32, #tpu.memory_space<vmem_shared>> -> memref<10240x64xf32, #tpu.memory_space<vmem_shared>>
        tpu.enqueue_indirect_dma source(%dma_start3A_266 : memref<128x64xf32, #tpu.memory_space<vmem>>) target(%dma_start3A_272 : memref<10240x64xf32, #tpu.memory_space<vmem_shared>>) offsets(%dma_start3A_269 : memref<128xi32, #tpu.memory_space<vmem>>) semaphore(%run_scoped3A_263 : memref<!tpu.dma_semaphore, #tpu.memory_space<semaphore_mem>>) {add = true}
        %dma_wait3A_273 = arith.constant 0 : i32
        %dma_wait3A_274 = arith.constant 0 : i32
        %dma_wait3A_275 = tpu.memref_slice %arg8[%run_scoped3A_185, %dma_wait3A_273, %dma_wait3A_274] : memref<4x128x64xf32, #tpu.memory_space<vmem>> -> memref<1x128x64xf32, #tpu.memory_space<vmem>>
        %dma_wait3A_276 = tpu.memref_squeeze %dma_wait3A_275 : memref<1x128x64xf32, #tpu.memory_space<vmem>> -> memref<128x64xf32, #tpu.memory_space<vmem>>
        %dma_wait3A_277 = arith.constant 0 : i32
        %dma_wait3A_278 = tpu.memref_slice %arg7[%add3A_170, %dma_wait3A_277] : memref<160x128xi32, #tpu.memory_space<vmem>> -> memref<1x128xi32, #tpu.memory_space<vmem>>
        %dma_wait3A_279 = tpu.memref_squeeze %dma_wait3A_278 : memref<1x128xi32, #tpu.memory_space<vmem>> -> memref<128xi32, #tpu.memory_space<vmem>>
        %dma_wait3A_280 = arith.constant 0 : i32
        %dma_wait3A_281 = arith.constant 0 : i32
        %dma_wait3A_282 = tpu.memref_slice %arg10[%dma_wait3A_280, %dma_wait3A_281] : memref<10240x64xf32, #tpu.memory_space<vmem_shared>> -> memref<10240x64xf32, #tpu.memory_space<vmem_shared>>
        tpu.wait_indirect_dma semaphore(%run_scoped3A_263 : memref<!tpu.dma_semaphore, #tpu.memory_space<semaphore_mem>>) src(%dma_wait3A_276 : memref<128x64xf32, #tpu.memory_space<vmem>>) dst(%dma_wait3A_282 : memref<10240x64xf32, #tpu.memory_space<vmem_shared>>)
        tpu.yield
      }) : () -> ()
      %add3A_186 = arith.constant 4 : i32
      %add3A_187 = arith.addi %add3A_170, %add3A_186 : i32
      %lt3A = arith.cmpi slt, %add3A_187, %select_n3A : i32
      %convert_element_type3A_188 = arith.extui %lt3A : i1 to i32
      %cond3A_189 = arith.constant 0 : i32
      %cond3A_190 = arith.cmpi ne, %convert_element_type3A_188, %cond3A_189 : i32
      scf.if %cond3A_190 {
        %add3A_263 = arith.constant 4 : i32
        %add3A_264 = arith.addi %add3A_170, %add3A_263 : i32
        %dma_start3A = arith.constant 0 : i32
        %dma_start3A_265 = arith.constant 0 : i32
        %dma_start3A_266 = arith.constant 0 : i32
        %dma_start3A_267 = tpu.memref_slice %arg8[%dma_start3A, %dma_start3A_265, %dma_start3A_266] : memref<4x128x64xf32, #tpu.memory_space<vmem>> -> memref<1x128x64xf32, #tpu.memory_space<vmem>>
        %dma_start3A_268 = tpu.memref_squeeze %dma_start3A_267 : memref<1x128x64xf32, #tpu.memory_space<vmem>> -> memref<128x64xf32, #tpu.memory_space<vmem>>
        %dma_start3A_269 = arith.constant 0 : i32
        %dma_start3A_270 = tpu.memref_slice %arg6[%add3A_264, %dma_start3A_269] : memref<160x128xi32, #tpu.memory_space<vmem>> -> memref<1x128xi32, #tpu.memory_space<vmem>>
        %dma_start3A_271 = tpu.memref_squeeze %dma_start3A_270 : memref<1x128xi32, #tpu.memory_space<vmem>> -> memref<128xi32, #tpu.memory_space<vmem>>
        %dma_start3A_272 = arith.constant 0 : i32
        %dma_start3A_273 = arith.constant 0 : i32
        %dma_start3A_274 = tpu.memref_slice %arg2[%while3A, %dma_start3A_272, %dma_start3A_273] : memref<2x10240x64xf32, #tpu.memory_space<hbm>> -> memref<1x10240x64xf32, #tpu.memory_space<hbm>>
        %dma_start3A_275 = tpu.memref_squeeze %dma_start3A_274 : memref<1x10240x64xf32, #tpu.memory_space<hbm>> -> memref<10240x64xf32, #tpu.memory_space<hbm>>
        %dma_start3A_276 = arith.constant 0 : i32
        %dma_start3A_277 = arith.constant 0 : i32
        %dma_start3A_278 = tpu.memref_slice %dma_start3A_275[%dma_start3A_276, %dma_start3A_277] : memref<10240x64xf32, #tpu.memory_space<hbm>> -> memref<10240x64xf32, #tpu.memory_space<hbm>>
        tpu.enqueue_indirect_dma source(%dma_start3A_278 : memref<10240x64xf32, #tpu.memory_space<hbm>>) target(%dma_start3A_268 : memref<128x64xf32, #tpu.memory_space<vmem>>) offsets(%dma_start3A_271 : memref<128xi32, #tpu.memory_space<vmem>>) semaphore(%arg11 : memref<!tpu.dma_semaphore, #tpu.memory_space<semaphore_mem>>)
      } else {
      }
      %add3A_191 = arith.constant 1 : i32
      %add3A_192 = arith.addi %mul3A_168, %add3A_191 : i32
      %dma_wait3A_193 = arith.constant 1 : i32
      %dma_wait3A_194 = arith.constant 0 : i32
      %dma_wait3A_195 = arith.constant 0 : i32
      %dma_wait3A_196 = tpu.memref_slice %arg8[%dma_wait3A_193, %dma_wait3A_194, %dma_wait3A_195] : memref<4x128x64xf32, #tpu.memory_space<vmem>> -> memref<1x128x64xf32, #tpu.memory_space<vmem>>
      %dma_wait3A_197 = tpu.memref_squeeze %dma_wait3A_196 : memref<1x128x64xf32, #tpu.memory_space<vmem>> -> memref<128x64xf32, #tpu.memory_space<vmem>>
      %dma_wait3A_198 = arith.constant 0 : i32
      %dma_wait3A_199 = tpu.memref_slice %arg6[%add3A_192, %dma_wait3A_198] : memref<160x128xi32, #tpu.memory_space<vmem>> -> memref<1x128xi32, #tpu.memory_space<vmem>>
      %dma_wait3A_200 = tpu.memref_squeeze %dma_wait3A_199 : memref<1x128xi32, #tpu.memory_space<vmem>> -> memref<128xi32, #tpu.memory_space<vmem>>
      %dma_wait3A_201 = arith.constant 0 : i32
      %dma_wait3A_202 = arith.constant 0 : i32
      %dma_wait3A_203 = tpu.memref_slice %arg2[%while3A, %dma_wait3A_201, %dma_wait3A_202] : memref<2x10240x64xf32, #tpu.memory_space<hbm>> -> memref<1x10240x64xf32, #tpu.memory_space<hbm>>
      %dma_wait3A_204 = tpu.memref_squeeze %dma_wait3A_203 : memref<1x10240x64xf32, #tpu.memory_space<hbm>> -> memref<10240x64xf32, #tpu.memory_space<hbm>>
      %dma_wait3A_205 = arith.constant 0 : i32
      %dma_wait3A_206 = arith.constant 0 : i32
      %dma_wait3A_207 = tpu.memref_slice %dma_wait3A_204[%dma_wait3A_205, %dma_wait3A_206] : memref<10240x64xf32, #tpu.memory_space<hbm>> -> memref<10240x64xf32, #tpu.memory_space<hbm>>
      tpu.wait_indirect_dma semaphore(%arg12 : memref<!tpu.dma_semaphore, #tpu.memory_space<semaphore_mem>>) src(%dma_wait3A_207 : memref<10240x64xf32, #tpu.memory_space<hbm>>) dst(%dma_wait3A_197 : memref<128x64xf32, #tpu.memory_space<vmem>>)
      %run_scoped3A_208 = arith.constant 1 : i32
      "tpu.region"() ({
        %run_scoped3A_263 = tpu.sem_alloc : memref<!tpu.dma_semaphore, #tpu.memory_space<semaphore_mem>>
        %dma_start3A = arith.constant 0 : i32
        %dma_start3A_264 = arith.constant 0 : i32
        %dma_start3A_265 = tpu.memref_slice %arg8[%run_scoped3A_208, %dma_start3A, %dma_start3A_264] : memref<4x128x64xf32, #tpu.memory_space<vmem>> -> memref<1x128x64xf32, #tpu.memory_space<vmem>>
        %dma_start3A_266 = tpu.memref_squeeze %dma_start3A_265 : memref<1x128x64xf32, #tpu.memory_space<vmem>> -> memref<128x64xf32, #tpu.memory_space<vmem>>
        %dma_start3A_267 = arith.constant 0 : i32
        %dma_start3A_268 = tpu.memref_slice %arg7[%add3A_192, %dma_start3A_267] : memref<160x128xi32, #tpu.memory_space<vmem>> -> memref<1x128xi32, #tpu.memory_space<vmem>>
        %dma_start3A_269 = tpu.memref_squeeze %dma_start3A_268 : memref<1x128xi32, #tpu.memory_space<vmem>> -> memref<128xi32, #tpu.memory_space<vmem>>
        %dma_start3A_270 = arith.constant 0 : i32
        %dma_start3A_271 = arith.constant 0 : i32
        %dma_start3A_272 = tpu.memref_slice %arg10[%dma_start3A_270, %dma_start3A_271] : memref<10240x64xf32, #tpu.memory_space<vmem_shared>> -> memref<10240x64xf32, #tpu.memory_space<vmem_shared>>
        tpu.enqueue_indirect_dma source(%dma_start3A_266 : memref<128x64xf32, #tpu.memory_space<vmem>>) target(%dma_start3A_272 : memref<10240x64xf32, #tpu.memory_space<vmem_shared>>) offsets(%dma_start3A_269 : memref<128xi32, #tpu.memory_space<vmem>>) semaphore(%run_scoped3A_263 : memref<!tpu.dma_semaphore, #tpu.memory_space<semaphore_mem>>) {add = true}
        %dma_wait3A_273 = arith.constant 0 : i32
        %dma_wait3A_274 = arith.constant 0 : i32
        %dma_wait3A_275 = tpu.memref_slice %arg8[%run_scoped3A_208, %dma_wait3A_273, %dma_wait3A_274] : memref<4x128x64xf32, #tpu.memory_space<vmem>> -> memref<1x128x64xf32, #tpu.memory_space<vmem>>
        %dma_wait3A_276 = tpu.memref_squeeze %dma_wait3A_275 : memref<1x128x64xf32, #tpu.memory_space<vmem>> -> memref<128x64xf32, #tpu.memory_space<vmem>>
        %dma_wait3A_277 = arith.constant 0 : i32
        %dma_wait3A_278 = tpu.memref_slice %arg7[%add3A_192, %dma_wait3A_277] : memref<160x128xi32, #tpu.memory_space<vmem>> -> memref<1x128xi32, #tpu.memory_space<vmem>>
        %dma_wait3A_279 = tpu.memref_squeeze %dma_wait3A_278 : memref<1x128xi32, #tpu.memory_space<vmem>> -> memref<128xi32, #tpu.memory_space<vmem>>
        %dma_wait3A_280 = arith.constant 0 : i32
        %dma_wait3A_281 = arith.constant 0 : i32
        %dma_wait3A_282 = tpu.memref_slice %arg10[%dma_wait3A_280, %dma_wait3A_281] : memref<10240x64xf32, #tpu.memory_space<vmem_shared>> -> memref<10240x64xf32, #tpu.memory_space<vmem_shared>>
        tpu.wait_indirect_dma semaphore(%run_scoped3A_263 : memref<!tpu.dma_semaphore, #tpu.memory_space<semaphore_mem>>) src(%dma_wait3A_276 : memref<128x64xf32, #tpu.memory_space<vmem>>) dst(%dma_wait3A_282 : memref<10240x64xf32, #tpu.memory_space<vmem_shared>>)
        tpu.yield
      }) : () -> ()
      %add3A_209 = arith.constant 4 : i32
      %add3A_210 = arith.addi %add3A_192, %add3A_209 : i32
      %lt3A_211 = arith.cmpi slt, %add3A_210, %select_n3A : i32
      %convert_element_type3A_212 = arith.extui %lt3A_211 : i1 to i32
      %cond3A_213 = arith.constant 0 : i32
      %cond3A_214 = arith.cmpi ne, %convert_element_type3A_212, %cond3A_213 : i32
      scf.if %cond3A_214 {
        %add3A_263 = arith.constant 4 : i32
        %add3A_264 = arith.addi %add3A_192, %add3A_263 : i32
        %dma_start3A = arith.constant 1 : i32
        %dma_start3A_265 = arith.constant 0 : i32
        %dma_start3A_266 = arith.constant 0 : i32
        %dma_start3A_267 = tpu.memref_slice %arg8[%dma_start3A, %dma_start3A_265, %dma_start3A_266] : memref<4x128x64xf32, #tpu.memory_space<vmem>> -> memref<1x128x64xf32, #tpu.memory_space<vmem>>
        %dma_start3A_268 = tpu.memref_squeeze %dma_start3A_267 : memref<1x128x64xf32, #tpu.memory_space<vmem>> -> memref<128x64xf32, #tpu.memory_space<vmem>>
        %dma_start3A_269 = arith.constant 0 : i32
        %dma_start3A_270 = tpu.memref_slice %arg6[%add3A_264, %dma_start3A_269] : memref<160x128xi32, #tpu.memory_space<vmem>> -> memref<1x128xi32, #tpu.memory_space<vmem>>
        %dma_start3A_271 = tpu.memref_squeeze %dma_start3A_270 : memref<1x128xi32, #tpu.memory_space<vmem>> -> memref<128xi32, #tpu.memory_space<vmem>>
        %dma_start3A_272 = arith.constant 0 : i32
        %dma_start3A_273 = arith.constant 0 : i32
        %dma_start3A_274 = tpu.memref_slice %arg2[%while3A, %dma_start3A_272, %dma_start3A_273] : memref<2x10240x64xf32, #tpu.memory_space<hbm>> -> memref<1x10240x64xf32, #tpu.memory_space<hbm>>
        %dma_start3A_275 = tpu.memref_squeeze %dma_start3A_274 : memref<1x10240x64xf32, #tpu.memory_space<hbm>> -> memref<10240x64xf32, #tpu.memory_space<hbm>>
        %dma_start3A_276 = arith.constant 0 : i32
        %dma_start3A_277 = arith.constant 0 : i32
        %dma_start3A_278 = tpu.memref_slice %dma_start3A_275[%dma_start3A_276, %dma_start3A_277] : memref<10240x64xf32, #tpu.memory_space<hbm>> -> memref<10240x64xf32, #tpu.memory_space<hbm>>
        tpu.enqueue_indirect_dma source(%dma_start3A_278 : memref<10240x64xf32, #tpu.memory_space<hbm>>) target(%dma_start3A_268 : memref<128x64xf32, #tpu.memory_space<vmem>>) offsets(%dma_start3A_271 : memref<128xi32, #tpu.memory_space<vmem>>) semaphore(%arg12 : memref<!tpu.dma_semaphore, #tpu.memory_space<semaphore_mem>>)
      } else {
      }
      %add3A_215 = arith.constant 2 : i32
      %add3A_216 = arith.addi %mul3A_168, %add3A_215 : i32
      %dma_wait3A_217 = arith.constant 2 : i32
      %dma_wait3A_218 = arith.constant 0 : i32
      %dma_wait3A_219 = arith.constant 0 : i32
      %dma_wait3A_220 = tpu.memref_slice %arg8[%dma_wait3A_217, %dma_wait3A_218, %dma_wait3A_219] : memref<4x128x64xf32, #tpu.memory_space<vmem>> -> memref<1x128x64xf32, #tpu.memory_space<vmem>>
      %dma_wait3A_221 = tpu.memref_squeeze %dma_wait3A_220 : memref<1x128x64xf32, #tpu.memory_space<vmem>> -> memref<128x64xf32, #tpu.memory_space<vmem>>
      %dma_wait3A_222 = arith.constant 0 : i32
      %dma_wait3A_223 = tpu.memref_slice %arg6[%add3A_216, %dma_wait3A_222] : memref<160x128xi32, #tpu.memory_space<vmem>> -> memref<1x128xi32, #tpu.memory_space<vmem>>
      %dma_wait3A_224 = tpu.memref_squeeze %dma_wait3A_223 : memref<1x128xi32, #tpu.memory_space<vmem>> -> memref<128xi32, #tpu.memory_space<vmem>>
      %dma_wait3A_225 = arith.constant 0 : i32
      %dma_wait3A_226 = arith.constant 0 : i32
      %dma_wait3A_227 = tpu.memref_slice %arg2[%while3A, %dma_wait3A_225, %dma_wait3A_226] : memref<2x10240x64xf32, #tpu.memory_space<hbm>> -> memref<1x10240x64xf32, #tpu.memory_space<hbm>>
      %dma_wait3A_228 = tpu.memref_squeeze %dma_wait3A_227 : memref<1x10240x64xf32, #tpu.memory_space<hbm>> -> memref<10240x64xf32, #tpu.memory_space<hbm>>
      %dma_wait3A_229 = arith.constant 0 : i32
      %dma_wait3A_230 = arith.constant 0 : i32
      %dma_wait3A_231 = tpu.memref_slice %dma_wait3A_228[%dma_wait3A_229, %dma_wait3A_230] : memref<10240x64xf32, #tpu.memory_space<hbm>> -> memref<10240x64xf32, #tpu.memory_space<hbm>>
      tpu.wait_indirect_dma semaphore(%arg13 : memref<!tpu.dma_semaphore, #tpu.memory_space<semaphore_mem>>) src(%dma_wait3A_231 : memref<10240x64xf32, #tpu.memory_space<hbm>>) dst(%dma_wait3A_221 : memref<128x64xf32, #tpu.memory_space<vmem>>)
      %run_scoped3A_232 = arith.constant 2 : i32
      "tpu.region"() ({
        %run_scoped3A_263 = tpu.sem_alloc : memref<!tpu.dma_semaphore, #tpu.memory_space<semaphore_mem>>
        %dma_start3A = arith.constant 0 : i32
        %dma_start3A_264 = arith.constant 0 : i32
        %dma_start3A_265 = tpu.memref_slice %arg8[%run_scoped3A_232, %dma_start3A, %dma_start3A_264] : memref<4x128x64xf32, #tpu.memory_space<vmem>> -> memref<1x128x64xf32, #tpu.memory_space<vmem>>
        %dma_start3A_266 = tpu.memref_squeeze %dma_start3A_265 : memref<1x128x64xf32, #tpu.memory_space<vmem>> -> memref<128x64xf32, #tpu.memory_space<vmem>>
        %dma_start3A_267 = arith.constant 0 : i32
        %dma_start3A_268 = tpu.memref_slice %arg7[%add3A_216, %dma_start3A_267] : memref<160x128xi32, #tpu.memory_space<vmem>> -> memref<1x128xi32, #tpu.memory_space<vmem>>
        %dma_start3A_269 = tpu.memref_squeeze %dma_start3A_268 : memref<1x128xi32, #tpu.memory_space<vmem>> -> memref<128xi32, #tpu.memory_space<vmem>>
        %dma_start3A_270 = arith.constant 0 : i32
        %dma_start3A_271 = arith.constant 0 : i32
        %dma_start3A_272 = tpu.memref_slice %arg10[%dma_start3A_270, %dma_start3A_271] : memref<10240x64xf32, #tpu.memory_space<vmem_shared>> -> memref<10240x64xf32, #tpu.memory_space<vmem_shared>>
        tpu.enqueue_indirect_dma source(%dma_start3A_266 : memref<128x64xf32, #tpu.memory_space<vmem>>) target(%dma_start3A_272 : memref<10240x64xf32, #tpu.memory_space<vmem_shared>>) offsets(%dma_start3A_269 : memref<128xi32, #tpu.memory_space<vmem>>) semaphore(%run_scoped3A_263 : memref<!tpu.dma_semaphore, #tpu.memory_space<semaphore_mem>>) {add = true}
        %dma_wait3A_273 = arith.constant 0 : i32
        %dma_wait3A_274 = arith.constant 0 : i32
        %dma_wait3A_275 = tpu.memref_slice %arg8[%run_scoped3A_232, %dma_wait3A_273, %dma_wait3A_274] : memref<4x128x64xf32, #tpu.memory_space<vmem>> -> memref<1x128x64xf32, #tpu.memory_space<vmem>>
        %dma_wait3A_276 = tpu.memref_squeeze %dma_wait3A_275 : memref<1x128x64xf32, #tpu.memory_space<vmem>> -> memref<128x64xf32, #tpu.memory_space<vmem>>
        %dma_wait3A_277 = arith.constant 0 : i32
        %dma_wait3A_278 = tpu.memref_slice %arg7[%add3A_216, %dma_wait3A_277] : memref<160x128xi32, #tpu.memory_space<vmem>> -> memref<1x128xi32, #tpu.memory_space<vmem>>
        %dma_wait3A_279 = tpu.memref_squeeze %dma_wait3A_278 : memref<1x128xi32, #tpu.memory_space<vmem>> -> memref<128xi32, #tpu.memory_space<vmem>>
        %dma_wait3A_280 = arith.constant 0 : i32
        %dma_wait3A_281 = arith.constant 0 : i32
        %dma_wait3A_282 = tpu.memref_slice %arg10[%dma_wait3A_280, %dma_wait3A_281] : memref<10240x64xf32, #tpu.memory_space<vmem_shared>> -> memref<10240x64xf32, #tpu.memory_space<vmem_shared>>
        tpu.wait_indirect_dma semaphore(%run_scoped3A_263 : memref<!tpu.dma_semaphore, #tpu.memory_space<semaphore_mem>>) src(%dma_wait3A_276 : memref<128x64xf32, #tpu.memory_space<vmem>>) dst(%dma_wait3A_282 : memref<10240x64xf32, #tpu.memory_space<vmem_shared>>)
        tpu.yield
      }) : () -> ()
      %add3A_233 = arith.constant 4 : i32
      %add3A_234 = arith.addi %add3A_216, %add3A_233 : i32
      %lt3A_235 = arith.cmpi slt, %add3A_234, %select_n3A : i32
      %convert_element_type3A_236 = arith.extui %lt3A_235 : i1 to i32
      %cond3A_237 = arith.constant 0 : i32
      %cond3A_238 = arith.cmpi ne, %convert_element_type3A_236, %cond3A_237 : i32
      scf.if %cond3A_238 {
        %add3A_263 = arith.constant 4 : i32
        %add3A_264 = arith.addi %add3A_216, %add3A_263 : i32
        %dma_start3A = arith.constant 2 : i32
        %dma_start3A_265 = arith.constant 0 : i32
        %dma_start3A_266 = arith.constant 0 : i32
        %dma_start3A_267 = tpu.memref_slice %arg8[%dma_start3A, %dma_start3A_265, %dma_start3A_266] : memref<4x128x64xf32, #tpu.memory_space<vmem>> -> memref<1x128x64xf32, #tpu.memory_space<vmem>>
        %dma_start3A_268 = tpu.memref_squeeze %dma_start3A_267 : memref<1x128x64xf32, #tpu.memory_space<vmem>> -> memref<128x64xf32, #tpu.memory_space<vmem>>
        %dma_start3A_269 = arith.constant 0 : i32
        %dma_start3A_270 = tpu.memref_slice %arg6[%add3A_264, %dma_start3A_269] : memref<160x128xi32, #tpu.memory_space<vmem>> -> memref<1x128xi32, #tpu.memory_space<vmem>>
        %dma_start3A_271 = tpu.memref_squeeze %dma_start3A_270 : memref<1x128xi32, #tpu.memory_space<vmem>> -> memref<128xi32, #tpu.memory_space<vmem>>
        %dma_start3A_272 = arith.constant 0 : i32
        %dma_start3A_273 = arith.constant 0 : i32
        %dma_start3A_274 = tpu.memref_slice %arg2[%while3A, %dma_start3A_272, %dma_start3A_273] : memref<2x10240x64xf32, #tpu.memory_space<hbm>> -> memref<1x10240x64xf32, #tpu.memory_space<hbm>>
        %dma_start3A_275 = tpu.memref_squeeze %dma_start3A_274 : memref<1x10240x64xf32, #tpu.memory_space<hbm>> -> memref<10240x64xf32, #tpu.memory_space<hbm>>
        %dma_start3A_276 = arith.constant 0 : i32
        %dma_start3A_277 = arith.constant 0 : i32
        %dma_start3A_278 = tpu.memref_slice %dma_start3A_275[%dma_start3A_276, %dma_start3A_277] : memref<10240x64xf32, #tpu.memory_space<hbm>> -> memref<10240x64xf32, #tpu.memory_space<hbm>>
        tpu.enqueue_indirect_dma source(%dma_start3A_278 : memref<10240x64xf32, #tpu.memory_space<hbm>>) target(%dma_start3A_268 : memref<128x64xf32, #tpu.memory_space<vmem>>) offsets(%dma_start3A_271 : memref<128xi32, #tpu.memory_space<vmem>>) semaphore(%arg13 : memref<!tpu.dma_semaphore, #tpu.memory_space<semaphore_mem>>)
      } else {
      }
      %add3A_239 = arith.constant 3 : i32
      %add3A_240 = arith.addi %mul3A_168, %add3A_239 : i32
      %dma_wait3A_241 = arith.constant 3 : i32
      %dma_wait3A_242 = arith.constant 0 : i32
      %dma_wait3A_243 = arith.constant 0 : i32
      %dma_wait3A_244 = tpu.memref_slice %arg8[%dma_wait3A_241, %dma_wait3A_242, %dma_wait3A_243] : memref<4x128x64xf32, #tpu.memory_space<vmem>> -> memref<1x128x64xf32, #tpu.memory_space<vmem>>
      %dma_wait3A_245 = tpu.memref_squeeze %dma_wait3A_244 : memref<1x128x64xf32, #tpu.memory_space<vmem>> -> memref<128x64xf32, #tpu.memory_space<vmem>>
      %dma_wait3A_246 = arith.constant 0 : i32
      %dma_wait3A_247 = tpu.memref_slice %arg6[%add3A_240, %dma_wait3A_246] : memref<160x128xi32, #tpu.memory_space<vmem>> -> memref<1x128xi32, #tpu.memory_space<vmem>>
      %dma_wait3A_248 = tpu.memref_squeeze %dma_wait3A_247 : memref<1x128xi32, #tpu.memory_space<vmem>> -> memref<128xi32, #tpu.memory_space<vmem>>
      %dma_wait3A_249 = arith.constant 0 : i32
      %dma_wait3A_250 = arith.constant 0 : i32
      %dma_wait3A_251 = tpu.memref_slice %arg2[%while3A, %dma_wait3A_249, %dma_wait3A_250] : memref<2x10240x64xf32, #tpu.memory_space<hbm>> -> memref<1x10240x64xf32, #tpu.memory_space<hbm>>
      %dma_wait3A_252 = tpu.memref_squeeze %dma_wait3A_251 : memref<1x10240x64xf32, #tpu.memory_space<hbm>> -> memref<10240x64xf32, #tpu.memory_space<hbm>>
      %dma_wait3A_253 = arith.constant 0 : i32
      %dma_wait3A_254 = arith.constant 0 : i32
      %dma_wait3A_255 = tpu.memref_slice %dma_wait3A_252[%dma_wait3A_253, %dma_wait3A_254] : memref<10240x64xf32, #tpu.memory_space<hbm>> -> memref<10240x64xf32, #tpu.memory_space<hbm>>
      tpu.wait_indirect_dma semaphore(%arg14 : memref<!tpu.dma_semaphore, #tpu.memory_space<semaphore_mem>>) src(%dma_wait3A_255 : memref<10240x64xf32, #tpu.memory_space<hbm>>) dst(%dma_wait3A_245 : memref<128x64xf32, #tpu.memory_space<vmem>>)
      %run_scoped3A_256 = arith.constant 3 : i32
      "tpu.region"() ({
        %run_scoped3A_263 = tpu.sem_alloc : memref<!tpu.dma_semaphore, #tpu.memory_space<semaphore_mem>>
        %dma_start3A = arith.constant 0 : i32
        %dma_start3A_264 = arith.constant 0 : i32
        %dma_start3A_265 = tpu.memref_slice %arg8[%run_scoped3A_256, %dma_start3A, %dma_start3A_264] : memref<4x128x64xf32, #tpu.memory_space<vmem>> -> memref<1x128x64xf32, #tpu.memory_space<vmem>>
        %dma_start3A_266 = tpu.memref_squeeze %dma_start3A_265 : memref<1x128x64xf32, #tpu.memory_space<vmem>> -> memref<128x64xf32, #tpu.memory_space<vmem>>
        %dma_start3A_267 = arith.constant 0 : i32
        %dma_start3A_268 = tpu.memref_slice %arg7[%add3A_240, %dma_start3A_267] : memref<160x128xi32, #tpu.memory_space<vmem>> -> memref<1x128xi32, #tpu.memory_space<vmem>>
        %dma_start3A_269 = tpu.memref_squeeze %dma_start3A_268 : memref<1x128xi32, #tpu.memory_space<vmem>> -> memref<128xi32, #tpu.memory_space<vmem>>
        %dma_start3A_270 = arith.constant 0 : i32
        %dma_start3A_271 = arith.constant 0 : i32
        %dma_start3A_272 = tpu.memref_slice %arg10[%dma_start3A_270, %dma_start3A_271] : memref<10240x64xf32, #tpu.memory_space<vmem_shared>> -> memref<10240x64xf32, #tpu.memory_space<vmem_shared>>
        tpu.enqueue_indirect_dma source(%dma_start3A_266 : memref<128x64xf32, #tpu.memory_space<vmem>>) target(%dma_start3A_272 : memref<10240x64xf32, #tpu.memory_space<vmem_shared>>) offsets(%dma_start3A_269 : memref<128xi32, #tpu.memory_space<vmem>>) semaphore(%run_scoped3A_263 : memref<!tpu.dma_semaphore, #tpu.memory_space<semaphore_mem>>) {add = true}
        %dma_wait3A_273 = arith.constant 0 : i32
        %dma_wait3A_274 = arith.constant 0 : i32
        %dma_wait3A_275 = tpu.memref_slice %arg8[%run_scoped3A_256, %dma_wait3A_273, %dma_wait3A_274] : memref<4x128x64xf32, #tpu.memory_space<vmem>> -> memref<1x128x64xf32, #tpu.memory_space<vmem>>
        %dma_wait3A_276 = tpu.memref_squeeze %dma_wait3A_275 : memref<1x128x64xf32, #tpu.memory_space<vmem>> -> memref<128x64xf32, #tpu.memory_space<vmem>>
        %dma_wait3A_277 = arith.constant 0 : i32
        %dma_wait3A_278 = tpu.memref_slice %arg7[%add3A_240, %dma_wait3A_277] : memref<160x128xi32, #tpu.memory_space<vmem>> -> memref<1x128xi32, #tpu.memory_space<vmem>>
        %dma_wait3A_279 = tpu.memref_squeeze %dma_wait3A_278 : memref<1x128xi32, #tpu.memory_space<vmem>> -> memref<128xi32, #tpu.memory_space<vmem>>
        %dma_wait3A_280 = arith.constant 0 : i32
        %dma_wait3A_281 = arith.constant 0 : i32
        %dma_wait3A_282 = tpu.memref_slice %arg10[%dma_wait3A_280, %dma_wait3A_281] : memref<10240x64xf32, #tpu.memory_space<vmem_shared>> -> memref<10240x64xf32, #tpu.memory_space<vmem_shared>>
        tpu.wait_indirect_dma semaphore(%run_scoped3A_263 : memref<!tpu.dma_semaphore, #tpu.memory_space<semaphore_mem>>) src(%dma_wait3A_276 : memref<128x64xf32, #tpu.memory_space<vmem>>) dst(%dma_wait3A_282 : memref<10240x64xf32, #tpu.memory_space<vmem_shared>>)
        tpu.yield
      }) : () -> ()
      %add3A_257 = arith.constant 4 : i32
      %add3A_258 = arith.addi %add3A_240, %add3A_257 : i32
      %lt3A_259 = arith.cmpi slt, %add3A_258, %select_n3A : i32
      %convert_element_type3A_260 = arith.extui %lt3A_259 : i1 to i32
      %cond3A_261 = arith.constant 0 : i32
      %cond3A_262 = arith.cmpi ne, %convert_element_type3A_260, %cond3A_261 : i32
      scf.if %cond3A_262 {
        %add3A_263 = arith.constant 4 : i32
        %add3A_264 = arith.addi %add3A_240, %add3A_263 : i32
        %dma_start3A = arith.constant 3 : i32
        %dma_start3A_265 = arith.constant 0 : i32
        %dma_start3A_266 = arith.constant 0 : i32
        %dma_start3A_267 = tpu.memref_slice %arg8[%dma_start3A, %dma_start3A_265, %dma_start3A_266] : memref<4x128x64xf32, #tpu.memory_space<vmem>> -> memref<1x128x64xf32, #tpu.memory_space<vmem>>
        %dma_start3A_268 = tpu.memref_squeeze %dma_start3A_267 : memref<1x128x64xf32, #tpu.memory_space<vmem>> -> memref<128x64xf32, #tpu.memory_space<vmem>>
        %dma_start3A_269 = arith.constant 0 : i32
        %dma_start3A_270 = tpu.memref_slice %arg6[%add3A_264, %dma_start3A_269] : memref<160x128xi32, #tpu.memory_space<vmem>> -> memref<1x128xi32, #tpu.memory_space<vmem>>
        %dma_start3A_271 = tpu.memref_squeeze %dma_start3A_270 : memref<1x128xi32, #tpu.memory_space<vmem>> -> memref<128xi32, #tpu.memory_space<vmem>>
        %dma_start3A_272 = arith.constant 0 : i32
        %dma_start3A_273 = arith.constant 0 : i32
        %dma_start3A_274 = tpu.memref_slice %arg2[%while3A, %dma_start3A_272, %dma_start3A_273] : memref<2x10240x64xf32, #tpu.memory_space<hbm>> -> memref<1x10240x64xf32, #tpu.memory_space<hbm>>
        %dma_start3A_275 = tpu.memref_squeeze %dma_start3A_274 : memref<1x10240x64xf32, #tpu.memory_space<hbm>> -> memref<10240x64xf32, #tpu.memory_space<hbm>>
        %dma_start3A_276 = arith.constant 0 : i32
        %dma_start3A_277 = arith.constant 0 : i32
        %dma_start3A_278 = tpu.memref_slice %dma_start3A_275[%dma_start3A_276, %dma_start3A_277] : memref<10240x64xf32, #tpu.memory_space<hbm>> -> memref<10240x64xf32, #tpu.memory_space<hbm>>
        tpu.enqueue_indirect_dma source(%dma_start3A_278 : memref<10240x64xf32, #tpu.memory_space<hbm>>) target(%dma_start3A_268 : memref<128x64xf32, #tpu.memory_space<vmem>>) offsets(%dma_start3A_271 : memref<128xi32, #tpu.memory_space<vmem>>) semaphore(%arg14 : memref<!tpu.dma_semaphore, #tpu.memory_space<semaphore_mem>>)
      } else {
      }
    }
    %while3A_75 = arith.constant 1 : i32
    scf.for %while3A_166 = %while3A_73 to %while3A_69 step %while3A_75  : i32 {
      %mul3A_167 = arith.constant 4 : i32
      %mul3A_168 = arith.muli %while3A_166, %mul3A_167 : i32
      %add3A_169 = arith.constant 0 : i32
      %add3A_170 = arith.addi %mul3A_168, %add3A_169 : i32
      %dma_wait3A = arith.constant 0 : i32
      %dma_wait3A_171 = arith.constant 0 : i32
      %dma_wait3A_172 = arith.constant 0 : i32
      %dma_wait3A_173 = tpu.memref_slice %arg8[%dma_wait3A, %dma_wait3A_171, %dma_wait3A_172] : memref<4x128x64xf32, #tpu.memory_space<vmem>> -> memref<1x128x64xf32, #tpu.memory_space<vmem>>
      %dma_wait3A_174 = tpu.memref_squeeze %dma_wait3A_173 : memref<1x128x64xf32, #tpu.memory_space<vmem>> -> memref<128x64xf32, #tpu.memory_space<vmem>>
      %dma_wait3A_175 = arith.constant 0 : i32
      %dma_wait3A_176 = tpu.memref_slice %arg6[%add3A_170, %dma_wait3A_175] : memref<160x128xi32, #tpu.memory_space<vmem>> -> memref<1x128xi32, #tpu.memory_space<vmem>>
      %dma_wait3A_177 = tpu.memref_squeeze %dma_wait3A_176 : memref<1x128xi32, #tpu.memory_space<vmem>> -> memref<128xi32, #tpu.memory_space<vmem>>
      %dma_wait3A_178 = arith.constant 0 : i32
      %dma_wait3A_179 = arith.constant 0 : i32
      %dma_wait3A_180 = tpu.memref_slice %arg2[%while3A, %dma_wait3A_178, %dma_wait3A_179] : memref<2x10240x64xf32, #tpu.memory_space<hbm>> -> memref<1x10240x64xf32, #tpu.memory_space<hbm>>
      %dma_wait3A_181 = tpu.memref_squeeze %dma_wait3A_180 : memref<1x10240x64xf32, #tpu.memory_space<hbm>> -> memref<10240x64xf32, #tpu.memory_space<hbm>>
      %dma_wait3A_182 = arith.constant 0 : i32
      %dma_wait3A_183 = arith.constant 0 : i32
      %dma_wait3A_184 = tpu.memref_slice %dma_wait3A_181[%dma_wait3A_182, %dma_wait3A_183] : memref<10240x64xf32, #tpu.memory_space<hbm>> -> memref<10240x64xf32, #tpu.memory_space<hbm>>
      tpu.wait_indirect_dma semaphore(%arg11 : memref<!tpu.dma_semaphore, #tpu.memory_space<semaphore_mem>>) src(%dma_wait3A_184 : memref<10240x64xf32, #tpu.memory_space<hbm>>) dst(%dma_wait3A_174 : memref<128x64xf32, #tpu.memory_space<vmem>>)
      %run_scoped3A_185 = arith.constant 0 : i32
      "tpu.region"() ({
        %run_scoped3A_263 = tpu.sem_alloc : memref<!tpu.dma_semaphore, #tpu.memory_space<semaphore_mem>>
        %dma_start3A = arith.constant 0 : i32
        %dma_start3A_264 = arith.constant 0 : i32
        %dma_start3A_265 = tpu.memref_slice %arg8[%run_scoped3A_185, %dma_start3A, %dma_start3A_264] : memref<4x128x64xf32, #tpu.memory_space<vmem>> -> memref<1x128x64xf32, #tpu.memory_space<vmem>>
        %dma_start3A_266 = tpu.memref_squeeze %dma_start3A_265 : memref<1x128x64xf32, #tpu.memory_space<vmem>> -> memref<128x64xf32, #tpu.memory_space<vmem>>
        %dma_start3A_267 = arith.constant 0 : i32
        %dma_start3A_268 = tpu.memref_slice %arg7[%add3A_170, %dma_start3A_267] : memref<160x128xi32, #tpu.memory_space<vmem>> -> memref<1x128xi32, #tpu.memory_space<vmem>>
        %dma_start3A_269 = tpu.memref_squeeze %dma_start3A_268 : memref<1x128xi32, #tpu.memory_space<vmem>> -> memref<128xi32, #tpu.memory_space<vmem>>
        %dma_start3A_270 = arith.constant 0 : i32
        %dma_start3A_271 = arith.constant 0 : i32
        %dma_start3A_272 = tpu.memref_slice %arg10[%dma_start3A_270, %dma_start3A_271] : memref<10240x64xf32, #tpu.memory_space<vmem_shared>> -> memref<10240x64xf32, #tpu.memory_space<vmem_shared>>
        tpu.enqueue_indirect_dma source(%dma_start3A_266 : memref<128x64xf32, #tpu.memory_space<vmem>>) target(%dma_start3A_272 : memref<10240x64xf32, #tpu.memory_space<vmem_shared>>) offsets(%dma_start3A_269 : memref<128xi32, #tpu.memory_space<vmem>>) semaphore(%run_scoped3A_263 : memref<!tpu.dma_semaphore, #tpu.memory_space<semaphore_mem>>) {add = true}
        %dma_wait3A_273 = arith.constant 0 : i32
        %dma_wait3A_274 = arith.constant 0 : i32
        %dma_wait3A_275 = tpu.memref_slice %arg8[%run_scoped3A_185, %dma_wait3A_273, %dma_wait3A_274] : memref<4x128x64xf32, #tpu.memory_space<vmem>> -> memref<1x128x64xf32, #tpu.memory_space<vmem>>
        %dma_wait3A_276 = tpu.memref_squeeze %dma_wait3A_275 : memref<1x128x64xf32, #tpu.memory_space<vmem>> -> memref<128x64xf32, #tpu.memory_space<vmem>>
        %dma_wait3A_277 = arith.constant 0 : i32
        %dma_wait3A_278 = tpu.memref_slice %arg7[%add3A_170, %dma_wait3A_277] : memref<160x128xi32, #tpu.memory_space<vmem>> -> memref<1x128xi32, #tpu.memory_space<vmem>>
        %dma_wait3A_279 = tpu.memref_squeeze %dma_wait3A_278 : memref<1x128xi32, #tpu.memory_space<vmem>> -> memref<128xi32, #tpu.memory_space<vmem>>
        %dma_wait3A_280 = arith.constant 0 : i32
        %dma_wait3A_281 = arith.constant 0 : i32
        %dma_wait3A_282 = tpu.memref_slice %arg10[%dma_wait3A_280, %dma_wait3A_281] : memref<10240x64xf32, #tpu.memory_space<vmem_shared>> -> memref<10240x64xf32, #tpu.memory_space<vmem_shared>>
        tpu.wait_indirect_dma semaphore(%run_scoped3A_263 : memref<!tpu.dma_semaphore, #tpu.memory_space<semaphore_mem>>) src(%dma_wait3A_276 : memref<128x64xf32, #tpu.memory_space<vmem>>) dst(%dma_wait3A_282 : memref<10240x64xf32, #tpu.memory_space<vmem_shared>>)
        tpu.yield
      }) : () -> ()
      %add3A_186 = arith.constant 4 : i32
      %add3A_187 = arith.addi %add3A_170, %add3A_186 : i32
      %lt3A = arith.cmpi slt, %add3A_187, %select_n3A : i32
      %convert_element_type3A_188 = arith.extui %lt3A : i1 to i32
      %cond3A_189 = arith.constant 0 : i32
      %cond3A_190 = arith.cmpi ne, %convert_element_type3A_188, %cond3A_189 : i32
      scf.if %cond3A_190 {
        %add3A_263 = arith.constant 4 : i32
        %add3A_264 = arith.addi %add3A_170, %add3A_263 : i32
        %dma_start3A = arith.constant 0 : i32
        %dma_start3A_265 = arith.constant 0 : i32
        %dma_start3A_266 = arith.constant 0 : i32
        %dma_start3A_267 = tpu.memref_slice %arg8[%dma_start3A, %dma_start3A_265, %dma_start3A_266] : memref<4x128x64xf32, #tpu.memory_space<vmem>> -> memref<1x128x64xf32, #tpu.memory_space<vmem>>
        %dma_start3A_268 = tpu.memref_squeeze %dma_start3A_267 : memref<1x128x64xf32, #tpu.memory_space<vmem>> -> memref<128x64xf32, #tpu.memory_space<vmem>>
        %dma_start3A_269 = arith.constant 0 : i32
        %dma_start3A_270 = tpu.memref_slice %arg6[%add3A_264, %dma_start3A_269] : memref<160x128xi32, #tpu.memory_space<vmem>> -> memref<1x128xi32, #tpu.memory_space<vmem>>
        %dma_start3A_271 = tpu.memref_squeeze %dma_start3A_270 : memref<1x128xi32, #tpu.memory_space<vmem>> -> memref<128xi32, #tpu.memory_space<vmem>>
        %dma_start3A_272 = arith.constant 0 : i32
        %dma_start3A_273 = arith.constant 0 : i32
        %dma_start3A_274 = tpu.memref_slice %arg2[%while3A, %dma_start3A_272, %dma_start3A_273] : memref<2x10240x64xf32, #tpu.memory_space<hbm>> -> memref<1x10240x64xf32, #tpu.memory_space<hbm>>
        %dma_start3A_275 = tpu.memref_squeeze %dma_start3A_274 : memref<1x10240x64xf32, #tpu.memory_space<hbm>> -> memref<10240x64xf32, #tpu.memory_space<hbm>>
        %dma_start3A_276 = arith.constant 0 : i32
        %dma_start3A_277 = arith.constant 0 : i32
        %dma_start3A_278 = tpu.memref_slice %dma_start3A_275[%dma_start3A_276, %dma_start3A_277] : memref<10240x64xf32, #tpu.memory_space<hbm>> -> memref<10240x64xf32, #tpu.memory_space<hbm>>
        tpu.enqueue_indirect_dma source(%dma_start3A_278 : memref<10240x64xf32, #tpu.memory_space<hbm>>) target(%dma_start3A_268 : memref<128x64xf32, #tpu.memory_space<vmem>>) offsets(%dma_start3A_271 : memref<128xi32, #tpu.memory_space<vmem>>) semaphore(%arg11 : memref<!tpu.dma_semaphore, #tpu.memory_space<semaphore_mem>>)
      } else {
      }
      %add3A_191 = arith.constant 1 : i32
      %add3A_192 = arith.addi %mul3A_168, %add3A_191 : i32
      %dma_wait3A_193 = arith.constant 1 : i32
      %dma_wait3A_194 = arith.constant 0 : i32
      %dma_wait3A_195 = arith.constant 0 : i32
      %dma_wait3A_196 = tpu.memref_slice %arg8[%dma_wait3A_193, %dma_wait3A_194, %dma_wait3A_195] : memref<4x128x64xf32, #tpu.memory_space<vmem>> -> memref<1x128x64xf32, #tpu.memory_space<vmem>>
      %dma_wait3A_197 = tpu.memref_squeeze %dma_wait3A_196 : memref<1x128x64xf32, #tpu.memory_space<vmem>> -> memref<128x64xf32, #tpu.memory_space<vmem>>
      %dma_wait3A_198 = arith.constant 0 : i32
      %dma_wait3A_199 = tpu.memref_slice %arg6[%add3A_192, %dma_wait3A_198] : memref<160x128xi32, #tpu.memory_space<vmem>> -> memref<1x128xi32, #tpu.memory_space<vmem>>
      %dma_wait3A_200 = tpu.memref_squeeze %dma_wait3A_199 : memref<1x128xi32, #tpu.memory_space<vmem>> -> memref<128xi32, #tpu.memory_space<vmem>>
      %dma_wait3A_201 = arith.constant 0 : i32
      %dma_wait3A_202 = arith.constant 0 : i32
      %dma_wait3A_203 = tpu.memref_slice %arg2[%while3A, %dma_wait3A_201, %dma_wait3A_202] : memref<2x10240x64xf32, #tpu.memory_space<hbm>> -> memref<1x10240x64xf32, #tpu.memory_space<hbm>>
      %dma_wait3A_204 = tpu.memref_squeeze %dma_wait3A_203 : memref<1x10240x64xf32, #tpu.memory_space<hbm>> -> memref<10240x64xf32, #tpu.memory_space<hbm>>
      %dma_wait3A_205 = arith.constant 0 : i32
      %dma_wait3A_206 = arith.constant 0 : i32
      %dma_wait3A_207 = tpu.memref_slice %dma_wait3A_204[%dma_wait3A_205, %dma_wait3A_206] : memref<10240x64xf32, #tpu.memory_space<hbm>> -> memref<10240x64xf32, #tpu.memory_space<hbm>>
      tpu.wait_indirect_dma semaphore(%arg12 : memref<!tpu.dma_semaphore, #tpu.memory_space<semaphore_mem>>) src(%dma_wait3A_207 : memref<10240x64xf32, #tpu.memory_space<hbm>>) dst(%dma_wait3A_197 : memref<128x64xf32, #tpu.memory_space<vmem>>)
      %run_scoped3A_208 = arith.constant 1 : i32
      "tpu.region"() ({
        %run_scoped3A_263 = tpu.sem_alloc : memref<!tpu.dma_semaphore, #tpu.memory_space<semaphore_mem>>
        %dma_start3A = arith.constant 0 : i32
        %dma_start3A_264 = arith.constant 0 : i32
        %dma_start3A_265 = tpu.memref_slice %arg8[%run_scoped3A_208, %dma_start3A, %dma_start3A_264] : memref<4x128x64xf32, #tpu.memory_space<vmem>> -> memref<1x128x64xf32, #tpu.memory_space<vmem>>
        %dma_start3A_266 = tpu.memref_squeeze %dma_start3A_265 : memref<1x128x64xf32, #tpu.memory_space<vmem>> -> memref<128x64xf32, #tpu.memory_space<vmem>>
        %dma_start3A_267 = arith.constant 0 : i32
        %dma_start3A_268 = tpu.memref_slice %arg7[%add3A_192, %dma_start3A_267] : memref<160x128xi32, #tpu.memory_space<vmem>> -> memref<1x128xi32, #tpu.memory_space<vmem>>
        %dma_start3A_269 = tpu.memref_squeeze %dma_start3A_268 : memref<1x128xi32, #tpu.memory_space<vmem>> -> memref<128xi32, #tpu.memory_space<vmem>>
        %dma_start3A_270 = arith.constant 0 : i32
        %dma_start3A_271 = arith.constant 0 : i32
        %dma_start3A_272 = tpu.memref_slice %arg10[%dma_start3A_270, %dma_start3A_271] : memref<10240x64xf32, #tpu.memory_space<vmem_shared>> -> memref<10240x64xf32, #tpu.memory_space<vmem_shared>>
        tpu.enqueue_indirect_dma source(%dma_start3A_266 : memref<128x64xf32, #tpu.memory_space<vmem>>) target(%dma_start3A_272 : memref<10240x64xf32, #tpu.memory_space<vmem_shared>>) offsets(%dma_start3A_269 : memref<128xi32, #tpu.memory_space<vmem>>) semaphore(%run_scoped3A_263 : memref<!tpu.dma_semaphore, #tpu.memory_space<semaphore_mem>>) {add = true}
        %dma_wait3A_273 = arith.constant 0 : i32
        %dma_wait3A_274 = arith.constant 0 : i32
        %dma_wait3A_275 = tpu.memref_slice %arg8[%run_scoped3A_208, %dma_wait3A_273, %dma_wait3A_274] : memref<4x128x64xf32, #tpu.memory_space<vmem>> -> memref<1x128x64xf32, #tpu.memory_space<vmem>>
        %dma_wait3A_276 = tpu.memref_squeeze %dma_wait3A_275 : memref<1x128x64xf32, #tpu.memory_space<vmem>> -> memref<128x64xf32, #tpu.memory_space<vmem>>
        %dma_wait3A_277 = arith.constant 0 : i32
        %dma_wait3A_278 = tpu.memref_slice %arg7[%add3A_192, %dma_wait3A_277] : memref<160x128xi32, #tpu.memory_space<vmem>> -> memref<1x128xi32, #tpu.memory_space<vmem>>
        %dma_wait3A_279 = tpu.memref_squeeze %dma_wait3A_278 : memref<1x128xi32, #tpu.memory_space<vmem>> -> memref<128xi32, #tpu.memory_space<vmem>>
        %dma_wait3A_280 = arith.constant 0 : i32
        %dma_wait3A_281 = arith.constant 0 : i32
        %dma_wait3A_282 = tpu.memref_slice %arg10[%dma_wait3A_280, %dma_wait3A_281] : memref<10240x64xf32, #tpu.memory_space<vmem_shared>> -> memref<10240x64xf32, #tpu.memory_space<vmem_shared>>
        tpu.wait_indirect_dma semaphore(%run_scoped3A_263 : memref<!tpu.dma_semaphore, #tpu.memory_space<semaphore_mem>>) src(%dma_wait3A_276 : memref<128x64xf32, #tpu.memory_space<vmem>>) dst(%dma_wait3A_282 : memref<10240x64xf32, #tpu.memory_space<vmem_shared>>)
        tpu.yield
      }) : () -> ()
      %add3A_209 = arith.constant 4 : i32
      %add3A_210 = arith.addi %add3A_192, %add3A_209 : i32
      %lt3A_211 = arith.cmpi slt, %add3A_210, %select_n3A : i32
      %convert_element_type3A_212 = arith.extui %lt3A_211 : i1 to i32
      %cond3A_213 = arith.constant 0 : i32
      %cond3A_214 = arith.cmpi ne, %convert_element_type3A_212, %cond3A_213 : i32
      scf.if %cond3A_214 {
        %add3A_263 = arith.constant 4 : i32
        %add3A_264 = arith.addi %add3A_192, %add3A_263 : i32
        %dma_start3A = arith.constant 1 : i32
        %dma_start3A_265 = arith.constant 0 : i32
        %dma_start3A_266 = arith.constant 0 : i32
        %dma_start3A_267 = tpu.memref_slice %arg8[%dma_start3A, %dma_start3A_265, %dma_start3A_266] : memref<4x128x64xf32, #tpu.memory_space<vmem>> -> memref<1x128x64xf32, #tpu.memory_space<vmem>>
        %dma_start3A_268 = tpu.memref_squeeze %dma_start3A_267 : memref<1x128x64xf32, #tpu.memory_space<vmem>> -> memref<128x64xf32, #tpu.memory_space<vmem>>
        %dma_start3A_269 = arith.constant 0 : i32
        %dma_start3A_270 = tpu.memref_slice %arg6[%add3A_264, %dma_start3A_269] : memref<160x128xi32, #tpu.memory_space<vmem>> -> memref<1x128xi32, #tpu.memory_space<vmem>>
        %dma_start3A_271 = tpu.memref_squeeze %dma_start3A_270 : memref<1x128xi32, #tpu.memory_space<vmem>> -> memref<128xi32, #tpu.memory_space<vmem>>
        %dma_start3A_272 = arith.constant 0 : i32
        %dma_start3A_273 = arith.constant 0 : i32
        %dma_start3A_274 = tpu.memref_slice %arg2[%while3A, %dma_start3A_272, %dma_start3A_273] : memref<2x10240x64xf32, #tpu.memory_space<hbm>> -> memref<1x10240x64xf32, #tpu.memory_space<hbm>>
        %dma_start3A_275 = tpu.memref_squeeze %dma_start3A_274 : memref<1x10240x64xf32, #tpu.memory_space<hbm>> -> memref<10240x64xf32, #tpu.memory_space<hbm>>
        %dma_start3A_276 = arith.constant 0 : i32
        %dma_start3A_277 = arith.constant 0 : i32
        %dma_start3A_278 = tpu.memref_slice %dma_start3A_275[%dma_start3A_276, %dma_start3A_277] : memref<10240x64xf32, #tpu.memory_space<hbm>> -> memref<10240x64xf32, #tpu.memory_space<hbm>>
        tpu.enqueue_indirect_dma source(%dma_start3A_278 : memref<10240x64xf32, #tpu.memory_space<hbm>>) target(%dma_start3A_268 : memref<128x64xf32, #tpu.memory_space<vmem>>) offsets(%dma_start3A_271 : memref<128xi32, #tpu.memory_space<vmem>>) semaphore(%arg12 : memref<!tpu.dma_semaphore, #tpu.memory_space<semaphore_mem>>)
      } else {
      }
      %add3A_215 = arith.constant 2 : i32
      %add3A_216 = arith.addi %mul3A_168, %add3A_215 : i32
      %dma_wait3A_217 = arith.constant 2 : i32
      %dma_wait3A_218 = arith.constant 0 : i32
      %dma_wait3A_219 = arith.constant 0 : i32
      %dma_wait3A_220 = tpu.memref_slice %arg8[%dma_wait3A_217, %dma_wait3A_218, %dma_wait3A_219] : memref<4x128x64xf32, #tpu.memory_space<vmem>> -> memref<1x128x64xf32, #tpu.memory_space<vmem>>
      %dma_wait3A_221 = tpu.memref_squeeze %dma_wait3A_220 : memref<1x128x64xf32, #tpu.memory_space<vmem>> -> memref<128x64xf32, #tpu.memory_space<vmem>>
      %dma_wait3A_222 = arith.constant 0 : i32
      %dma_wait3A_223 = tpu.memref_slice %arg6[%add3A_216, %dma_wait3A_222] : memref<160x128xi32, #tpu.memory_space<vmem>> -> memref<1x128xi32, #tpu.memory_space<vmem>>
      %dma_wait3A_224 = tpu.memref_squeeze %dma_wait3A_223 : memref<1x128xi32, #tpu.memory_space<vmem>> -> memref<128xi32, #tpu.memory_space<vmem>>
      %dma_wait3A_225 = arith.constant 0 : i32
      %dma_wait3A_226 = arith.constant 0 : i32
      %dma_wait3A_227 = tpu.memref_slice %arg2[%while3A, %dma_wait3A_225, %dma_wait3A_226] : memref<2x10240x64xf32, #tpu.memory_space<hbm>> -> memref<1x10240x64xf32, #tpu.memory_space<hbm>>
      %dma_wait3A_228 = tpu.memref_squeeze %dma_wait3A_227 : memref<1x10240x64xf32, #tpu.memory_space<hbm>> -> memref<10240x64xf32, #tpu.memory_space<hbm>>
      %dma_wait3A_229 = arith.constant 0 : i32
      %dma_wait3A_230 = arith.constant 0 : i32
      %dma_wait3A_231 = tpu.memref_slice %dma_wait3A_228[%dma_wait3A_229, %dma_wait3A_230] : memref<10240x64xf32, #tpu.memory_space<hbm>> -> memref<10240x64xf32, #tpu.memory_space<hbm>>
      tpu.wait_indirect_dma semaphore(%arg13 : memref<!tpu.dma_semaphore, #tpu.memory_space<semaphore_mem>>) src(%dma_wait3A_231 : memref<10240x64xf32, #tpu.memory_space<hbm>>) dst(%dma_wait3A_221 : memref<128x64xf32, #tpu.memory_space<vmem>>)
      %run_scoped3A_232 = arith.constant 2 : i32
      "tpu.region"() ({
        %run_scoped3A_263 = tpu.sem_alloc : memref<!tpu.dma_semaphore, #tpu.memory_space<semaphore_mem>>
        %dma_start3A = arith.constant 0 : i32
        %dma_start3A_264 = arith.constant 0 : i32
        %dma_start3A_265 = tpu.memref_slice %arg8[%run_scoped3A_232, %dma_start3A, %dma_start3A_264] : memref<4x128x64xf32, #tpu.memory_space<vmem>> -> memref<1x128x64xf32, #tpu.memory_space<vmem>>
        %dma_start3A_266 = tpu.memref_squeeze %dma_start3A_265 : memref<1x128x64xf32, #tpu.memory_space<vmem>> -> memref<128x64xf32, #tpu.memory_space<vmem>>
        %dma_start3A_267 = arith.constant 0 : i32
        %dma_start3A_268 = tpu.memref_slice %arg7[%add3A_216, %dma_start3A_267] : memref<160x128xi32, #tpu.memory_space<vmem>> -> memref<1x128xi32, #tpu.memory_space<vmem>>
        %dma_start3A_269 = tpu.memref_squeeze %dma_start3A_268 : memref<1x128xi32, #tpu.memory_space<vmem>> -> memref<128xi32, #tpu.memory_space<vmem>>
        %dma_start3A_270 = arith.constant 0 : i32
        %dma_start3A_271 = arith.constant 0 : i32
        %dma_start3A_272 = tpu.memref_slice %arg10[%dma_start3A_270, %dma_start3A_271] : memref<10240x64xf32, #tpu.memory_space<vmem_shared>> -> memref<10240x64xf32, #tpu.memory_space<vmem_shared>>
        tpu.enqueue_indirect_dma source(%dma_start3A_266 : memref<128x64xf32, #tpu.memory_space<vmem>>) target(%dma_start3A_272 : memref<10240x64xf32, #tpu.memory_space<vmem_shared>>) offsets(%dma_start3A_269 : memref<128xi32, #tpu.memory_space<vmem>>) semaphore(%run_scoped3A_263 : memref<!tpu.dma_semaphore, #tpu.memory_space<semaphore_mem>>) {add = true}
        %dma_wait3A_273 = arith.constant 0 : i32
        %dma_wait3A_274 = arith.constant 0 : i32
        %dma_wait3A_275 = tpu.memref_slice %arg8[%run_scoped3A_232, %dma_wait3A_273, %dma_wait3A_274] : memref<4x128x64xf32, #tpu.memory_space<vmem>> -> memref<1x128x64xf32, #tpu.memory_space<vmem>>
        %dma_wait3A_276 = tpu.memref_squeeze %dma_wait3A_275 : memref<1x128x64xf32, #tpu.memory_space<vmem>> -> memref<128x64xf32, #tpu.memory_space<vmem>>
        %dma_wait3A_277 = arith.constant 0 : i32
        %dma_wait3A_278 = tpu.memref_slice %arg7[%add3A_216, %dma_wait3A_277] : memref<160x128xi32, #tpu.memory_space<vmem>> -> memref<1x128xi32, #tpu.memory_space<vmem>>
        %dma_wait3A_279 = tpu.memref_squeeze %dma_wait3A_278 : memref<1x128xi32, #tpu.memory_space<vmem>> -> memref<128xi32, #tpu.memory_space<vmem>>
        %dma_wait3A_280 = arith.constant 0 : i32
        %dma_wait3A_281 = arith.constant 0 : i32
        %dma_wait3A_282 = tpu.memref_slice %arg10[%dma_wait3A_280, %dma_wait3A_281] : memref<10240x64xf32, #tpu.memory_space<vmem_shared>> -> memref<10240x64xf32, #tpu.memory_space<vmem_shared>>
        tpu.wait_indirect_dma semaphore(%run_scoped3A_263 : memref<!tpu.dma_semaphore, #tpu.memory_space<semaphore_mem>>) src(%dma_wait3A_276 : memref<128x64xf32, #tpu.memory_space<vmem>>) dst(%dma_wait3A_282 : memref<10240x64xf32, #tpu.memory_space<vmem_shared>>)
        tpu.yield
      }) : () -> ()
      %add3A_233 = arith.constant 4 : i32
      %add3A_234 = arith.addi %add3A_216, %add3A_233 : i32
      %lt3A_235 = arith.cmpi slt, %add3A_234, %select_n3A : i32
      %convert_element_type3A_236 = arith.extui %lt3A_235 : i1 to i32
      %cond3A_237 = arith.constant 0 : i32
      %cond3A_238 = arith.cmpi ne, %convert_element_type3A_236, %cond3A_237 : i32
      scf.if %cond3A_238 {
        %add3A_263 = arith.constant 4 : i32
        %add3A_264 = arith.addi %add3A_216, %add3A_263 : i32
        %dma_start3A = arith.constant 2 : i32
        %dma_start3A_265 = arith.constant 0 : i32
        %dma_start3A_266 = arith.constant 0 : i32
        %dma_start3A_267 = tpu.memref_slice %arg8[%dma_start3A, %dma_start3A_265, %dma_start3A_266] : memref<4x128x64xf32, #tpu.memory_space<vmem>> -> memref<1x128x64xf32, #tpu.memory_space<vmem>>
        %dma_start3A_268 = tpu.memref_squeeze %dma_start3A_267 : memref<1x128x64xf32, #tpu.memory_space<vmem>> -> memref<128x64xf32, #tpu.memory_space<vmem>>
        %dma_start3A_269 = arith.constant 0 : i32
        %dma_start3A_270 = tpu.memref_slice %arg6[%add3A_264, %dma_start3A_269] : memref<160x128xi32, #tpu.memory_space<vmem>> -> memref<1x128xi32, #tpu.memory_space<vmem>>
        %dma_start3A_271 = tpu.memref_squeeze %dma_start3A_270 : memref<1x128xi32, #tpu.memory_space<vmem>> -> memref<128xi32, #tpu.memory_space<vmem>>
        %dma_start3A_272 = arith.constant 0 : i32
        %dma_start3A_273 = arith.constant 0 : i32
        %dma_start3A_274 = tpu.memref_slice %arg2[%while3A, %dma_start3A_272, %dma_start3A_273] : memref<2x10240x64xf32, #tpu.memory_space<hbm>> -> memref<1x10240x64xf32, #tpu.memory_space<hbm>>
        %dma_start3A_275 = tpu.memref_squeeze %dma_start3A_274 : memref<1x10240x64xf32, #tpu.memory_space<hbm>> -> memref<10240x64xf32, #tpu.memory_space<hbm>>
        %dma_start3A_276 = arith.constant 0 : i32
        %dma_start3A_277 = arith.constant 0 : i32
        %dma_start3A_278 = tpu.memref_slice %dma_start3A_275[%dma_start3A_276, %dma_start3A_277] : memref<10240x64xf32, #tpu.memory_space<hbm>> -> memref<10240x64xf32, #tpu.memory_space<hbm>>
        tpu.enqueue_indirect_dma source(%dma_start3A_278 : memref<10240x64xf32, #tpu.memory_space<hbm>>) target(%dma_start3A_268 : memref<128x64xf32, #tpu.memory_space<vmem>>) offsets(%dma_start3A_271 : memref<128xi32, #tpu.memory_space<vmem>>) semaphore(%arg13 : memref<!tpu.dma_semaphore, #tpu.memory_space<semaphore_mem>>)
      } else {
      }
      %add3A_239 = arith.constant 3 : i32
      %add3A_240 = arith.addi %mul3A_168, %add3A_239 : i32
      %dma_wait3A_241 = arith.constant 3 : i32
      %dma_wait3A_242 = arith.constant 0 : i32
      %dma_wait3A_243 = arith.constant 0 : i32
      %dma_wait3A_244 = tpu.memref_slice %arg8[%dma_wait3A_241, %dma_wait3A_242, %dma_wait3A_243] : memref<4x128x64xf32, #tpu.memory_space<vmem>> -> memref<1x128x64xf32, #tpu.memory_space<vmem>>
      %dma_wait3A_245 = tpu.memref_squeeze %dma_wait3A_244 : memref<1x128x64xf32, #tpu.memory_space<vmem>> -> memref<128x64xf32, #tpu.memory_space<vmem>>
      %dma_wait3A_246 = arith.constant 0 : i32
      %dma_wait3A_247 = tpu.memref_slice %arg6[%add3A_240, %dma_wait3A_246] : memref<160x128xi32, #tpu.memory_space<vmem>> -> memref<1x128xi32, #tpu.memory_space<vmem>>
      %dma_wait3A_248 = tpu.memref_squeeze %dma_wait3A_247 : memref<1x128xi32, #tpu.memory_space<vmem>> -> memref<128xi32, #tpu.memory_space<vmem>>
      %dma_wait3A_249 = arith.constant 0 : i32
      %dma_wait3A_250 = arith.constant 0 : i32
      %dma_wait3A_251 = tpu.memref_slice %arg2[%while3A, %dma_wait3A_249, %dma_wait3A_250] : memref<2x10240x64xf32, #tpu.memory_space<hbm>> -> memref<1x10240x64xf32, #tpu.memory_space<hbm>>
      %dma_wait3A_252 = tpu.memref_squeeze %dma_wait3A_251 : memref<1x10240x64xf32, #tpu.memory_space<hbm>> -> memref<10240x64xf32, #tpu.memory_space<hbm>>
      %dma_wait3A_253 = arith.constant 0 : i32
      %dma_wait3A_254 = arith.constant 0 : i32
      %dma_wait3A_255 = tpu.memref_slice %dma_wait3A_252[%dma_wait3A_253, %dma_wait3A_254] : memref<10240x64xf32, #tpu.memory_space<hbm>> -> memref<10240x64xf32, #tpu.memory_space<hbm>>
      tpu.wait_indirect_dma semaphore(%arg14 : memref<!tpu.dma_semaphore, #tpu.memory_space<semaphore_mem>>) src(%dma_wait3A_255 : memref<10240x64xf32, #tpu.memory_space<hbm>>) dst(%dma_wait3A_245 : memref<128x64xf32, #tpu.memory_space<vmem>>)
      %run_scoped3A_256 = arith.constant 3 : i32
      "tpu.region"() ({
        %run_scoped3A_263 = tpu.sem_alloc : memref<!tpu.dma_semaphore, #tpu.memory_space<semaphore_mem>>
        %dma_start3A = arith.constant 0 : i32
        %dma_start3A_264 = arith.constant 0 : i32
        %dma_start3A_265 = tpu.memref_slice %arg8[%run_scoped3A_256, %dma_start3A, %dma_start3A_264] : memref<4x128x64xf32, #tpu.memory_space<vmem>> -> memref<1x128x64xf32, #tpu.memory_space<vmem>>
        %dma_start3A_266 = tpu.memref_squeeze %dma_start3A_265 : memref<1x128x64xf32, #tpu.memory_space<vmem>> -> memref<128x64xf32, #tpu.memory_space<vmem>>
        %dma_start3A_267 = arith.constant 0 : i32
        %dma_start3A_268 = tpu.memref_slice %arg7[%add3A_240, %dma_start3A_267] : memref<160x128xi32, #tpu.memory_space<vmem>> -> memref<1x128xi32, #tpu.memory_space<vmem>>
        %dma_start3A_269 = tpu.memref_squeeze %dma_start3A_268 : memref<1x128xi32, #tpu.memory_space<vmem>> -> memref<128xi32, #tpu.memory_space<vmem>>
        %dma_start3A_270 = arith.constant 0 : i32
        %dma_start3A_271 = arith.constant 0 : i32
        %dma_start3A_272 = tpu.memref_slice %arg10[%dma_start3A_270, %dma_start3A_271] : memref<10240x64xf32, #tpu.memory_space<vmem_shared>> -> memref<10240x64xf32, #tpu.memory_space<vmem_shared>>
        tpu.enqueue_indirect_dma source(%dma_start3A_266 : memref<128x64xf32, #tpu.memory_space<vmem>>) target(%dma_start3A_272 : memref<10240x64xf32, #tpu.memory_space<vmem_shared>>) offsets(%dma_start3A_269 : memref<128xi32, #tpu.memory_space<vmem>>) semaphore(%run_scoped3A_263 : memref<!tpu.dma_semaphore, #tpu.memory_space<semaphore_mem>>) {add = true}
        %dma_wait3A_273 = arith.constant 0 : i32
        %dma_wait3A_274 = arith.constant 0 : i32
        %dma_wait3A_275 = tpu.memref_slice %arg8[%run_scoped3A_256, %dma_wait3A_273, %dma_wait3A_274] : memref<4x128x64xf32, #tpu.memory_space<vmem>> -> memref<1x128x64xf32, #tpu.memory_space<vmem>>
        %dma_wait3A_276 = tpu.memref_squeeze %dma_wait3A_275 : memref<1x128x64xf32, #tpu.memory_space<vmem>> -> memref<128x64xf32, #tpu.memory_space<vmem>>
        %dma_wait3A_277 = arith.constant 0 : i32
        %dma_wait3A_278 = tpu.memref_slice %arg7[%add3A_240, %dma_wait3A_277] : memref<160x128xi32, #tpu.memory_space<vmem>> -> memref<1x128xi32, #tpu.memory_space<vmem>>
        %dma_wait3A_279 = tpu.memref_squeeze %dma_wait3A_278 : memref<1x128xi32, #tpu.memory_space<vmem>> -> memref<128xi32, #tpu.memory_space<vmem>>
        %dma_wait3A_280 = arith.constant 0 : i32
        %dma_wait3A_281 = arith.constant 0 : i32
        %dma_wait3A_282 = tpu.memref_slice %arg10[%dma_wait3A_280, %dma_wait3A_281] : memref<10240x64xf32, #tpu.memory_space<vmem_shared>> -> memref<10240x64xf32, #tpu.memory_space<vmem_shared>>
        tpu.wait_indirect_dma semaphore(%run_scoped3A_263 : memref<!tpu.dma_semaphore, #tpu.memory_space<semaphore_mem>>) src(%dma_wait3A_276 : memref<128x64xf32, #tpu.memory_space<vmem>>) dst(%dma_wait3A_282 : memref<10240x64xf32, #tpu.memory_space<vmem_shared>>)
        tpu.yield
      }) : () -> ()
      %add3A_257 = arith.constant 4 : i32
      %add3A_258 = arith.addi %add3A_240, %add3A_257 : i32
      %lt3A_259 = arith.cmpi slt, %add3A_258, %select_n3A : i32
      %convert_element_type3A_260 = arith.extui %lt3A_259 : i1 to i32
      %cond3A_261 = arith.constant 0 : i32
      %cond3A_262 = arith.cmpi ne, %convert_element_type3A_260, %cond3A_261 : i32
      scf.if %cond3A_262 {
        %add3A_263 = arith.constant 4 : i32
        %add3A_264 = arith.addi %add3A_240, %add3A_263 : i32
        %dma_start3A = arith.constant 3 : i32
        %dma_start3A_265 = arith.constant 0 : i32
        %dma_start3A_266 = arith.constant 0 : i32
        %dma_start3A_267 = tpu.memref_slice %arg8[%dma_start3A, %dma_start3A_265, %dma_start3A_266] : memref<4x128x64xf32, #tpu.memory_space<vmem>> -> memref<1x128x64xf32, #tpu.memory_space<vmem>>
        %dma_start3A_268 = tpu.memref_squeeze %dma_start3A_267 : memref<1x128x64xf32, #tpu.memory_space<vmem>> -> memref<128x64xf32, #tpu.memory_space<vmem>>
        %dma_start3A_269 = arith.constant 0 : i32
        %dma_start3A_270 = tpu.memref_slice %arg6[%add3A_264, %dma_start3A_269] : memref<160x128xi32, #tpu.memory_space<vmem>> -> memref<1x128xi32, #tpu.memory_space<vmem>>
        %dma_start3A_271 = tpu.memref_squeeze %dma_start3A_270 : memref<1x128xi32, #tpu.memory_space<vmem>> -> memref<128xi32, #tpu.memory_space<vmem>>
        %dma_start3A_272 = arith.constant 0 : i32
        %dma_start3A_273 = arith.constant 0 : i32
        %dma_start3A_274 = tpu.memref_slice %arg2[%while3A, %dma_start3A_272, %dma_start3A_273] : memref<2x10240x64xf32, #tpu.memory_space<hbm>> -> memref<1x10240x64xf32, #tpu.memory_space<hbm>>
        %dma_start3A_275 = tpu.memref_squeeze %dma_start3A_274 : memref<1x10240x64xf32, #tpu.memory_space<hbm>> -> memref<10240x64xf32, #tpu.memory_space<hbm>>
        %dma_start3A_276 = arith.constant 0 : i32
        %dma_start3A_277 = arith.constant 0 : i32
        %dma_start3A_278 = tpu.memref_slice %dma_start3A_275[%dma_start3A_276, %dma_start3A_277] : memref<10240x64xf32, #tpu.memory_space<hbm>> -> memref<10240x64xf32, #tpu.memory_space<hbm>>
        tpu.enqueue_indirect_dma source(%dma_start3A_278 : memref<10240x64xf32, #tpu.memory_space<hbm>>) target(%dma_start3A_268 : memref<128x64xf32, #tpu.memory_space<vmem>>) offsets(%dma_start3A_271 : memref<128xi32, #tpu.memory_space<vmem>>) semaphore(%arg14 : memref<!tpu.dma_semaphore, #tpu.memory_space<semaphore_mem>>)
      } else {
      }
    }
    %barrier3A_76 = arith.constant 0 : index
    tpu.barrier barrier_id(%barrier3A_76)
    %mul3A_77 = arith.constant 640 : i32
    %mul3A_78 = arith.muli %arg1, %mul3A_77 : i32
    %mul3A_79 = arith.constant 640 : i32
    %mul3A_80 = arith.muli %arg1, %mul3A_79 : i32
    %run_scoped3A = arith.constant 0 : i32
    "tpu.region"() ({
      %run_scoped3A_166 = tpu.sem_alloc : memref<!tpu.dma_semaphore, #tpu.memory_space<semaphore_mem>>
      %dma_start3A = arith.constant 0 : i32
      %dma_start3A_167 = tpu.memref_slice %arg5[%run_scoped3A, %arg0, %mul3A_80, %dma_start3A] : memref<2x2x10240x64xf32, #tpu.memory_space<hbm>> -> memref<1x1x640x64xf32, #tpu.memory_space<hbm>>
      %dma_start3A_168 = tpu.memref_squeeze %dma_start3A_167 : memref<1x1x640x64xf32, #tpu.memory_space<hbm>> -> memref<640x64xf32, #tpu.memory_space<hbm>>
      %dma_start3A_169 = arith.constant 0 : i32
      %dma_start3A_170 = tpu.memref_slice %arg10[%mul3A_78, %dma_start3A_169] : memref<10240x64xf32, #tpu.memory_space<vmem_shared>> -> memref<640x64xf32, #tpu.memory_space<vmem_shared>>
      tpu.enqueue_dma source(%dma_start3A_170 : memref<640x64xf32, #tpu.memory_space<vmem_shared>>) target(%dma_start3A_168 : memref<640x64xf32, #tpu.memory_space<hbm>>) target_semaphore(%run_scoped3A_166 : memref<!tpu.dma_semaphore, #tpu.memory_space<semaphore_mem>>)
      %dma_wait3A = arith.constant 0 : i32
      %dma_wait3A_171 = tpu.memref_slice %arg5[%run_scoped3A, %arg0, %mul3A_80, %dma_wait3A] : memref<2x2x10240x64xf32, #tpu.memory_space<hbm>> -> memref<1x1x640x64xf32, #tpu.memory_space<hbm>>
      %dma_wait3A_172 = tpu.memref_squeeze %dma_wait3A_171 : memref<1x1x640x64xf32, #tpu.memory_space<hbm>> -> memref<640x64xf32, #tpu.memory_space<hbm>>
      %dma_wait3A_173 = arith.constant 0 : i32
      %dma_wait3A_174 = tpu.memref_slice %arg10[%mul3A_78, %dma_wait3A_173] : memref<10240x64xf32, #tpu.memory_space<vmem_shared>> -> memref<640x64xf32, #tpu.memory_space<vmem_shared>>
      tpu.wait_dma2 semaphore(%run_scoped3A_166 : memref<!tpu.dma_semaphore, #tpu.memory_space<semaphore_mem>>) src(%dma_wait3A_174 : memref<640x64xf32, #tpu.memory_space<vmem_shared>>) dst(%dma_wait3A_172 : memref<640x64xf32, #tpu.memory_space<hbm>>)
      tpu.yield
    }) : () -> ()
    %mul3A_81 = arith.constant 640 : i32
    %mul3A_82 = arith.muli %arg1, %mul3A_81 : i32
    %add3A_83 = arith.constant 0 : i32
    %add3A_84 = arith.addi %mul3A_82, %add3A_83 : i32
    "tpu.region"() ({
      %run_scoped3A_166 = tpu.sem_alloc : memref<!tpu.dma_semaphore, #tpu.memory_space<semaphore_mem>>
      %dma_start3A = arith.constant 0 : i32
      %dma_start3A_167 = tpu.memref_slice %arg10[%add3A_84, %dma_start3A] : memref<10240x64xf32, #tpu.memory_space<vmem_shared>> -> memref<128x64xf32, #tpu.memory_space<vmem_shared>>
      %dma_start3A_168 = arith.constant 0 : i32
      %dma_start3A_169 = tpu.memref_slice %arg10[%add3A_84, %dma_start3A_168] : memref<10240x64xf32, #tpu.memory_space<vmem_shared>> -> memref<128x64xf32, #tpu.memory_space<vmem_shared>>
      tpu.enqueue_dma source(%arg9 : memref<128x64xf32, #tpu.memory_space<vmem>>) target(%dma_start3A_169 : memref<128x64xf32, #tpu.memory_space<vmem_shared>>) target_semaphore(%run_scoped3A_166 : memref<!tpu.dma_semaphore, #tpu.memory_space<semaphore_mem>>)
      %dma_wait3A = arith.constant 0 : i32
      %dma_wait3A_170 = tpu.memref_slice %arg10[%add3A_84, %dma_wait3A] : memref<10240x64xf32, #tpu.memory_space<vmem_shared>> -> memref<128x64xf32, #tpu.memory_space<vmem_shared>>
      %dma_wait3A_171 = arith.constant 0 : i32
      %dma_wait3A_172 = tpu.memref_slice %arg10[%add3A_84, %dma_wait3A_171] : memref<10240x64xf32, #tpu.memory_space<vmem_shared>> -> memref<128x64xf32, #tpu.memory_space<vmem_shared>>
      tpu.wait_dma2 semaphore(%run_scoped3A_166 : memref<!tpu.dma_semaphore, #tpu.memory_space<semaphore_mem>>) src(%arg9 : memref<128x64xf32, #tpu.memory_space<vmem>>) dst(%dma_wait3A_172 : memref<128x64xf32, #tpu.memory_space<vmem_shared>>)
      tpu.yield
    }) : () -> ()
    %mul3A_85 = arith.constant 640 : i32
    %mul3A_86 = arith.muli %arg1, %mul3A_85 : i32
    %add3A_87 = arith.constant 128 : i32
    %add3A_88 = arith.addi %mul3A_86, %add3A_87 : i32
    "tpu.region"() ({
      %run_scoped3A_166 = tpu.sem_alloc : memref<!tpu.dma_semaphore, #tpu.memory_space<semaphore_mem>>
      %dma_start3A = arith.constant 0 : i32
      %dma_start3A_167 = tpu.memref_slice %arg10[%add3A_88, %dma_start3A] : memref<10240x64xf32, #tpu.memory_space<vmem_shared>> -> memref<128x64xf32, #tpu.memory_space<vmem_shared>>
      %dma_start3A_168 = arith.constant 0 : i32
      %dma_start3A_169 = tpu.memref_slice %arg10[%add3A_88, %dma_start3A_168] : memref<10240x64xf32, #tpu.memory_space<vmem_shared>> -> memref<128x64xf32, #tpu.memory_space<vmem_shared>>
      tpu.enqueue_dma source(%arg9 : memref<128x64xf32, #tpu.memory_space<vmem>>) target(%dma_start3A_169 : memref<128x64xf32, #tpu.memory_space<vmem_shared>>) target_semaphore(%run_scoped3A_166 : memref<!tpu.dma_semaphore, #tpu.memory_space<semaphore_mem>>)
      %dma_wait3A = arith.constant 0 : i32
      %dma_wait3A_170 = tpu.memref_slice %arg10[%add3A_88, %dma_wait3A] : memref<10240x64xf32, #tpu.memory_space<vmem_shared>> -> memref<128x64xf32, #tpu.memory_space<vmem_shared>>
      %dma_wait3A_171 = arith.constant 0 : i32
      %dma_wait3A_172 = tpu.memref_slice %arg10[%add3A_88, %dma_wait3A_171] : memref<10240x64xf32, #tpu.memory_space<vmem_shared>> -> memref<128x64xf32, #tpu.memory_space<vmem_shared>>
      tpu.wait_dma2 semaphore(%run_scoped3A_166 : memref<!tpu.dma_semaphore, #tpu.memory_space<semaphore_mem>>) src(%arg9 : memref<128x64xf32, #tpu.memory_space<vmem>>) dst(%dma_wait3A_172 : memref<128x64xf32, #tpu.memory_space<vmem_shared>>)
      tpu.yield
    }) : () -> ()
    %mul3A_89 = arith.constant 640 : i32
    %mul3A_90 = arith.muli %arg1, %mul3A_89 : i32
    %add3A_91 = arith.constant 256 : i32
    %add3A_92 = arith.addi %mul3A_90, %add3A_91 : i32
    "tpu.region"() ({
      %run_scoped3A_166 = tpu.sem_alloc : memref<!tpu.dma_semaphore, #tpu.memory_space<semaphore_mem>>
      %dma_start3A = arith.constant 0 : i32
      %dma_start3A_167 = tpu.memref_slice %arg10[%add3A_92, %dma_start3A] : memref<10240x64xf32, #tpu.memory_space<vmem_shared>> -> memref<128x64xf32, #tpu.memory_space<vmem_shared>>
      %dma_start3A_168 = arith.constant 0 : i32
      %dma_start3A_169 = tpu.memref_slice %arg10[%add3A_92, %dma_start3A_168] : memref<10240x64xf32, #tpu.memory_space<vmem_shared>> -> memref<128x64xf32, #tpu.memory_space<vmem_shared>>
      tpu.enqueue_dma source(%arg9 : memref<128x64xf32, #tpu.memory_space<vmem>>) target(%dma_start3A_169 : memref<128x64xf32, #tpu.memory_space<vmem_shared>>) target_semaphore(%run_scoped3A_166 : memref<!tpu.dma_semaphore, #tpu.memory_space<semaphore_mem>>)
      %dma_wait3A = arith.constant 0 : i32
      %dma_wait3A_170 = tpu.memref_slice %arg10[%add3A_92, %dma_wait3A] : memref<10240x64xf32, #tpu.memory_space<vmem_shared>> -> memref<128x64xf32, #tpu.memory_space<vmem_shared>>
      %dma_wait3A_171 = arith.constant 0 : i32
      %dma_wait3A_172 = tpu.memref_slice %arg10[%add3A_92, %dma_wait3A_171] : memref<10240x64xf32, #tpu.memory_space<vmem_shared>> -> memref<128x64xf32, #tpu.memory_space<vmem_shared>>
      tpu.wait_dma2 semaphore(%run_scoped3A_166 : memref<!tpu.dma_semaphore, #tpu.memory_space<semaphore_mem>>) src(%arg9 : memref<128x64xf32, #tpu.memory_space<vmem>>) dst(%dma_wait3A_172 : memref<128x64xf32, #tpu.memory_space<vmem_shared>>)
      tpu.yield
    }) : () -> ()
    %mul3A_93 = arith.constant 640 : i32
    %mul3A_94 = arith.muli %arg1, %mul3A_93 : i32
    %add3A_95 = arith.constant 384 : i32
    %add3A_96 = arith.addi %mul3A_94, %add3A_95 : i32
    "tpu.region"() ({
      %run_scoped3A_166 = tpu.sem_alloc : memref<!tpu.dma_semaphore, #tpu.memory_space<semaphore_mem>>
      %dma_start3A = arith.constant 0 : i32
      %dma_start3A_167 = tpu.memref_slice %arg10[%add3A_96, %dma_start3A] : memref<10240x64xf32, #tpu.memory_space<vmem_shared>> -> memref<128x64xf32, #tpu.memory_space<vmem_shared>>
      %dma_start3A_168 = arith.constant 0 : i32
      %dma_start3A_169 = tpu.memref_slice %arg10[%add3A_96, %dma_start3A_168] : memref<10240x64xf32, #tpu.memory_space<vmem_shared>> -> memref<128x64xf32, #tpu.memory_space<vmem_shared>>
      tpu.enqueue_dma source(%arg9 : memref<128x64xf32, #tpu.memory_space<vmem>>) target(%dma_start3A_169 : memref<128x64xf32, #tpu.memory_space<vmem_shared>>) target_semaphore(%run_scoped3A_166 : memref<!tpu.dma_semaphore, #tpu.memory_space<semaphore_mem>>)
      %dma_wait3A = arith.constant 0 : i32
      %dma_wait3A_170 = tpu.memref_slice %arg10[%add3A_96, %dma_wait3A] : memref<10240x64xf32, #tpu.memory_space<vmem_shared>> -> memref<128x64xf32, #tpu.memory_space<vmem_shared>>
      %dma_wait3A_171 = arith.constant 0 : i32
      %dma_wait3A_172 = tpu.memref_slice %arg10[%add3A_96, %dma_wait3A_171] : memref<10240x64xf32, #tpu.memory_space<vmem_shared>> -> memref<128x64xf32, #tpu.memory_space<vmem_shared>>
      tpu.wait_dma2 semaphore(%run_scoped3A_166 : memref<!tpu.dma_semaphore, #tpu.memory_space<semaphore_mem>>) src(%arg9 : memref<128x64xf32, #tpu.memory_space<vmem>>) dst(%dma_wait3A_172 : memref<128x64xf32, #tpu.memory_space<vmem_shared>>)
      tpu.yield
    }) : () -> ()
    %mul3A_97 = arith.constant 640 : i32
    %mul3A_98 = arith.muli %arg1, %mul3A_97 : i32
    %add3A_99 = arith.constant 512 : i32
    %add3A_100 = arith.addi %mul3A_98, %add3A_99 : i32
    "tpu.region"() ({
      %run_scoped3A_166 = tpu.sem_alloc : memref<!tpu.dma_semaphore, #tpu.memory_space<semaphore_mem>>
      %dma_start3A = arith.constant 0 : i32
      %dma_start3A_167 = tpu.memref_slice %arg10[%add3A_100, %dma_start3A] : memref<10240x64xf32, #tpu.memory_space<vmem_shared>> -> memref<128x64xf32, #tpu.memory_space<vmem_shared>>
      %dma_start3A_168 = arith.constant 0 : i32
      %dma_start3A_169 = tpu.memref_slice %arg10[%add3A_100, %dma_start3A_168] : memref<10240x64xf32, #tpu.memory_space<vmem_shared>> -> memref<128x64xf32, #tpu.memory_space<vmem_shared>>
      tpu.enqueue_dma source(%arg9 : memref<128x64xf32, #tpu.memory_space<vmem>>) target(%dma_start3A_169 : memref<128x64xf32, #tpu.memory_space<vmem_shared>>) target_semaphore(%run_scoped3A_166 : memref<!tpu.dma_semaphore, #tpu.memory_space<semaphore_mem>>)
      %dma_wait3A = arith.constant 0 : i32
      %dma_wait3A_170 = tpu.memref_slice %arg10[%add3A_100, %dma_wait3A] : memref<10240x64xf32, #tpu.memory_space<vmem_shared>> -> memref<128x64xf32, #tpu.memory_space<vmem_shared>>
      %dma_wait3A_171 = arith.constant 0 : i32
      %dma_wait3A_172 = tpu.memref_slice %arg10[%add3A_100, %dma_wait3A_171] : memref<10240x64xf32, #tpu.memory_space<vmem_shared>> -> memref<128x64xf32, #tpu.memory_space<vmem_shared>>
      tpu.wait_dma2 semaphore(%run_scoped3A_166 : memref<!tpu.dma_semaphore, #tpu.memory_space<semaphore_mem>>) src(%arg9 : memref<128x64xf32, #tpu.memory_space<vmem>>) dst(%dma_wait3A_172 : memref<128x64xf32, #tpu.memory_space<vmem_shared>>)
      tpu.yield
    }) : () -> ()
    %barrier3A_101 = arith.constant 0 : index
    tpu.barrier barrier_id(%barrier3A_101)
    %gt3A_102 = arith.constant 0 : i32
    %gt3A_103 = arith.cmpi sgt, %select_n3A, %gt3A_102 : i32
    %convert_element_type3A_104 = arith.extui %gt3A_103 : i1 to i32
    %cond3A_105 = arith.constant 1 : i32
    %cond3A_106 = arith.constant 0 : i32
    %cond3A_107 = arith.cmpi ne, %convert_element_type3A_104, %cond3A_106 : i32
    scf.if %cond3A_107 {
      %dma_start3A = arith.constant 0 : i32
      %dma_start3A_166 = arith.constant 0 : i32
      %dma_start3A_167 = arith.constant 0 : i32
      %dma_start3A_168 = arith.constant 0 : i32
      %dma_start3A_169 = tpu.memref_slice %arg8[%dma_start3A_166, %dma_start3A_167, %dma_start3A_168] : memref<4x128x64xf32, #tpu.memory_space<vmem>> -> memref<1x128x64xf32, #tpu.memory_space<vmem>>
      %dma_start3A_170 = tpu.memref_squeeze %dma_start3A_169 : memref<1x128x64xf32, #tpu.memory_space<vmem>> -> memref<128x64xf32, #tpu.memory_space<vmem>>
      %dma_start3A_171 = arith.constant 0 : i32
      %dma_start3A_172 = tpu.memref_slice %arg6[%dma_start3A, %dma_start3A_171] : memref<160x128xi32, #tpu.memory_space<vmem>> -> memref<1x128xi32, #tpu.memory_space<vmem>>
      %dma_start3A_173 = tpu.memref_squeeze %dma_start3A_172 : memref<1x128xi32, #tpu.memory_space<vmem>> -> memref<128xi32, #tpu.memory_space<vmem>>
      %dma_start3A_174 = arith.constant 0 : i32
      %dma_start3A_175 = arith.constant 0 : i32
      %dma_start3A_176 = tpu.memref_slice %arg2[%cond3A_105, %dma_start3A_174, %dma_start3A_175] : memref<2x10240x64xf32, #tpu.memory_space<hbm>> -> memref<1x10240x64xf32, #tpu.memory_space<hbm>>
      %dma_start3A_177 = tpu.memref_squeeze %dma_start3A_176 : memref<1x10240x64xf32, #tpu.memory_space<hbm>> -> memref<10240x64xf32, #tpu.memory_space<hbm>>
      %dma_start3A_178 = arith.constant 0 : i32
      %dma_start3A_179 = arith.constant 0 : i32
      %dma_start3A_180 = tpu.memref_slice %dma_start3A_177[%dma_start3A_178, %dma_start3A_179] : memref<10240x64xf32, #tpu.memory_space<hbm>> -> memref<10240x64xf32, #tpu.memory_space<hbm>>
      tpu.enqueue_indirect_dma source(%dma_start3A_180 : memref<10240x64xf32, #tpu.memory_space<hbm>>) target(%dma_start3A_170 : memref<128x64xf32, #tpu.memory_space<vmem>>) offsets(%dma_start3A_173 : memref<128xi32, #tpu.memory_space<vmem>>) semaphore(%arg11 : memref<!tpu.dma_semaphore, #tpu.memory_space<semaphore_mem>>)
    } else {
    }
    %gt3A_108 = arith.constant 1 : i32
    %gt3A_109 = arith.cmpi sgt, %select_n3A, %gt3A_108 : i32
    %convert_element_type3A_110 = arith.extui %gt3A_109 : i1 to i32
    %cond3A_111 = arith.constant 1 : i32
    %cond3A_112 = arith.constant 0 : i32
    %cond3A_113 = arith.cmpi ne, %convert_element_type3A_110, %cond3A_112 : i32
    scf.if %cond3A_113 {
      %dma_start3A = arith.constant 1 : i32
      %dma_start3A_166 = arith.constant 1 : i32
      %dma_start3A_167 = arith.constant 0 : i32
      %dma_start3A_168 = arith.constant 0 : i32
      %dma_start3A_169 = tpu.memref_slice %arg8[%dma_start3A_166, %dma_start3A_167, %dma_start3A_168] : memref<4x128x64xf32, #tpu.memory_space<vmem>> -> memref<1x128x64xf32, #tpu.memory_space<vmem>>
      %dma_start3A_170 = tpu.memref_squeeze %dma_start3A_169 : memref<1x128x64xf32, #tpu.memory_space<vmem>> -> memref<128x64xf32, #tpu.memory_space<vmem>>
      %dma_start3A_171 = arith.constant 0 : i32
      %dma_start3A_172 = tpu.memref_slice %arg6[%dma_start3A, %dma_start3A_171] : memref<160x128xi32, #tpu.memory_space<vmem>> -> memref<1x128xi32, #tpu.memory_space<vmem>>
      %dma_start3A_173 = tpu.memref_squeeze %dma_start3A_172 : memref<1x128xi32, #tpu.memory_space<vmem>> -> memref<128xi32, #tpu.memory_space<vmem>>
      %dma_start3A_174 = arith.constant 0 : i32
      %dma_start3A_175 = arith.constant 0 : i32
      %dma_start3A_176 = tpu.memref_slice %arg2[%cond3A_111, %dma_start3A_174, %dma_start3A_175] : memref<2x10240x64xf32, #tpu.memory_space<hbm>> -> memref<1x10240x64xf32, #tpu.memory_space<hbm>>
      %dma_start3A_177 = tpu.memref_squeeze %dma_start3A_176 : memref<1x10240x64xf32, #tpu.memory_space<hbm>> -> memref<10240x64xf32, #tpu.memory_space<hbm>>
      %dma_start3A_178 = arith.constant 0 : i32
      %dma_start3A_179 = arith.constant 0 : i32
      %dma_start3A_180 = tpu.memref_slice %dma_start3A_177[%dma_start3A_178, %dma_start3A_179] : memref<10240x64xf32, #tpu.memory_space<hbm>> -> memref<10240x64xf32, #tpu.memory_space<hbm>>
      tpu.enqueue_indirect_dma source(%dma_start3A_180 : memref<10240x64xf32, #tpu.memory_space<hbm>>) target(%dma_start3A_170 : memref<128x64xf32, #tpu.memory_space<vmem>>) offsets(%dma_start3A_173 : memref<128xi32, #tpu.memory_space<vmem>>) semaphore(%arg12 : memref<!tpu.dma_semaphore, #tpu.memory_space<semaphore_mem>>)
    } else {
    }
    %gt3A_114 = arith.constant 2 : i32
    %gt3A_115 = arith.cmpi sgt, %select_n3A, %gt3A_114 : i32
    %convert_element_type3A_116 = arith.extui %gt3A_115 : i1 to i32
    %cond3A_117 = arith.constant 1 : i32
    %cond3A_118 = arith.constant 0 : i32
    %cond3A_119 = arith.cmpi ne, %convert_element_type3A_116, %cond3A_118 : i32
    scf.if %cond3A_119 {
      %dma_start3A = arith.constant 2 : i32
      %dma_start3A_166 = arith.constant 2 : i32
      %dma_start3A_167 = arith.constant 0 : i32
      %dma_start3A_168 = arith.constant 0 : i32
      %dma_start3A_169 = tpu.memref_slice %arg8[%dma_start3A_166, %dma_start3A_167, %dma_start3A_168] : memref<4x128x64xf32, #tpu.memory_space<vmem>> -> memref<1x128x64xf32, #tpu.memory_space<vmem>>
      %dma_start3A_170 = tpu.memref_squeeze %dma_start3A_169 : memref<1x128x64xf32, #tpu.memory_space<vmem>> -> memref<128x64xf32, #tpu.memory_space<vmem>>
      %dma_start3A_171 = arith.constant 0 : i32
      %dma_start3A_172 = tpu.memref_slice %arg6[%dma_start3A, %dma_start3A_171] : memref<160x128xi32, #tpu.memory_space<vmem>> -> memref<1x128xi32, #tpu.memory_space<vmem>>
      %dma_start3A_173 = tpu.memref_squeeze %dma_start3A_172 : memref<1x128xi32, #tpu.memory_space<vmem>> -> memref<128xi32, #tpu.memory_space<vmem>>
      %dma_start3A_174 = arith.constant 0 : i32
      %dma_start3A_175 = arith.constant 0 : i32
      %dma_start3A_176 = tpu.memref_slice %arg2[%cond3A_117, %dma_start3A_174, %dma_start3A_175] : memref<2x10240x64xf32, #tpu.memory_space<hbm>> -> memref<1x10240x64xf32, #tpu.memory_space<hbm>>
      %dma_start3A_177 = tpu.memref_squeeze %dma_start3A_176 : memref<1x10240x64xf32, #tpu.memory_space<hbm>> -> memref<10240x64xf32, #tpu.memory_space<hbm>>
      %dma_start3A_178 = arith.constant 0 : i32
      %dma_start3A_179 = arith.constant 0 : i32
      %dma_start3A_180 = tpu.memref_slice %dma_start3A_177[%dma_start3A_178, %dma_start3A_179] : memref<10240x64xf32, #tpu.memory_space<hbm>> -> memref<10240x64xf32, #tpu.memory_space<hbm>>
      tpu.enqueue_indirect_dma source(%dma_start3A_180 : memref<10240x64xf32, #tpu.memory_space<hbm>>) target(%dma_start3A_170 : memref<128x64xf32, #tpu.memory_space<vmem>>) offsets(%dma_start3A_173 : memref<128xi32, #tpu.memory_space<vmem>>) semaphore(%arg13 : memref<!tpu.dma_semaphore, #tpu.memory_space<semaphore_mem>>)
    } else {
    }
    %gt3A_120 = arith.constant 3 : i32
    %gt3A_121 = arith.cmpi sgt, %select_n3A, %gt3A_120 : i32
    %convert_element_type3A_122 = arith.extui %gt3A_121 : i1 to i32
    %cond3A_123 = arith.constant 1 : i32
    %cond3A_124 = arith.constant 0 : i32
    %cond3A_125 = arith.cmpi ne, %convert_element_type3A_122, %cond3A_124 : i32
    scf.if %cond3A_125 {
      %dma_start3A = arith.constant 3 : i32
      %dma_start3A_166 = arith.constant 3 : i32
      %dma_start3A_167 = arith.constant 0 : i32
      %dma_start3A_168 = arith.constant 0 : i32
      %dma_start3A_169 = tpu.memref_slice %arg8[%dma_start3A_166, %dma_start3A_167, %dma_start3A_168] : memref<4x128x64xf32, #tpu.memory_space<vmem>> -> memref<1x128x64xf32, #tpu.memory_space<vmem>>
      %dma_start3A_170 = tpu.memref_squeeze %dma_start3A_169 : memref<1x128x64xf32, #tpu.memory_space<vmem>> -> memref<128x64xf32, #tpu.memory_space<vmem>>
      %dma_start3A_171 = arith.constant 0 : i32
      %dma_start3A_172 = tpu.memref_slice %arg6[%dma_start3A, %dma_start3A_171] : memref<160x128xi32, #tpu.memory_space<vmem>> -> memref<1x128xi32, #tpu.memory_space<vmem>>
      %dma_start3A_173 = tpu.memref_squeeze %dma_start3A_172 : memref<1x128xi32, #tpu.memory_space<vmem>> -> memref<128xi32, #tpu.memory_space<vmem>>
      %dma_start3A_174 = arith.constant 0 : i32
      %dma_start3A_175 = arith.constant 0 : i32
      %dma_start3A_176 = tpu.memref_slice %arg2[%cond3A_123, %dma_start3A_174, %dma_start3A_175] : memref<2x10240x64xf32, #tpu.memory_space<hbm>> -> memref<1x10240x64xf32, #tpu.memory_space<hbm>>
      %dma_start3A_177 = tpu.memref_squeeze %dma_start3A_176 : memref<1x10240x64xf32, #tpu.memory_space<hbm>> -> memref<10240x64xf32, #tpu.memory_space<hbm>>
      %dma_start3A_178 = arith.constant 0 : i32
      %dma_start3A_179 = arith.constant 0 : i32
      %dma_start3A_180 = tpu.memref_slice %dma_start3A_177[%dma_start3A_178, %dma_start3A_179] : memref<10240x64xf32, #tpu.memory_space<hbm>> -> memref<10240x64xf32, #tpu.memory_space<hbm>>
      tpu.enqueue_indirect_dma source(%dma_start3A_180 : memref<10240x64xf32, #tpu.memory_space<hbm>>) target(%dma_start3A_170 : memref<128x64xf32, #tpu.memory_space<vmem>>) offsets(%dma_start3A_173 : memref<128xi32, #tpu.memory_space<vmem>>) semaphore(%arg14 : memref<!tpu.dma_semaphore, #tpu.memory_space<semaphore_mem>>)
    } else {
    }
    %jit3A_126 = arith.constant 4 : i32
    %div3A_127 = arith.divsi %select_n3A, %jit3A_126 : i32
    %sign3A_128 = arith.constant 0 : i32
    %sign3A_129 = arith.cmpi sgt, %select_n3A, %sign3A_128 : i32
    %sign3A_130 = arith.extui %sign3A_129 : i1 to i32
    %sign3A_131 = arith.constant 0 : i32
    %sign3A_132 = arith.cmpi slt, %select_n3A, %sign3A_131 : i32
    %sign3A_133 = arith.extui %sign3A_132 : i1 to i32
    %sign3A_134 = arith.subi %sign3A_130, %sign3A_133 : i32
    %sign3A_135 = arith.constant 0 : i32
    %sign3A_136 = arith.cmpi sgt, %jit3A_126, %sign3A_135 : i32
    %sign3A_137 = arith.extui %sign3A_136 : i1 to i32
    %sign3A_138 = arith.constant 0 : i32
    %sign3A_139 = arith.cmpi slt, %jit3A_126, %sign3A_138 : i32
    %sign3A_140 = arith.extui %sign3A_139 : i1 to i32
    %sign3A_141 = arith.subi %sign3A_137, %sign3A_140 : i32
    %ne3A_142 = arith.cmpi ne, %sign3A_134, %sign3A_141 : i32
    %rem3A_143 = arith.remsi %select_n3A, %jit3A_126 : i32
    %ne3A_144 = arith.constant 0 : i32
    %ne3A_145 = arith.cmpi ne, %rem3A_143, %ne3A_144 : i32
    %and3A_146 = arith.andi %ne3A_142, %ne3A_145 : i1
    %sub3A_147 = arith.constant 1 : i32
    %sub3A_148 = arith.subi %div3A_127, %sub3A_147 : i32
    %select_n3A_149 = arith.select %and3A_146, %sub3A_148, %div3A_127 : i32
    %while3A_150 = arith.constant 1 : i32
    %while3A_151 = arith.constant 0 : i32
    %while3A_152 = arith.subi %select_n3A_149, %while3A_151 : i32
    %while3A_153 = arith.addi %while3A_151, %while3A_152 : i32
    %while3A_154 = arith.constant 1 : i32
    %while3A_155 = arith.divsi %while3A_152, %while3A_154 : i32
    %while3A_156 = arith.muli %while3A_155, %while3A_154 : i32
    %while3A_157 = arith.addi %while3A_151, %while3A_156 : i32
    %while3A_158 = arith.constant 1 : i32
    scf.for %while3A_166 = %while3A_151 to %while3A_157 step %while3A_158  : i32 {
      %mul3A_167 = arith.constant 4 : i32
      %mul3A_168 = arith.muli %while3A_166, %mul3A_167 : i32
      %add3A_169 = arith.constant 0 : i32
      %add3A_170 = arith.addi %mul3A_168, %add3A_169 : i32
      %dma_wait3A = arith.constant 0 : i32
      %dma_wait3A_171 = arith.constant 0 : i32
      %dma_wait3A_172 = arith.constant 0 : i32
      %dma_wait3A_173 = tpu.memref_slice %arg8[%dma_wait3A, %dma_wait3A_171, %dma_wait3A_172] : memref<4x128x64xf32, #tpu.memory_space<vmem>> -> memref<1x128x64xf32, #tpu.memory_space<vmem>>
      %dma_wait3A_174 = tpu.memref_squeeze %dma_wait3A_173 : memref<1x128x64xf32, #tpu.memory_space<vmem>> -> memref<128x64xf32, #tpu.memory_space<vmem>>
      %dma_wait3A_175 = arith.constant 0 : i32
      %dma_wait3A_176 = tpu.memref_slice %arg6[%add3A_170, %dma_wait3A_175] : memref<160x128xi32, #tpu.memory_space<vmem>> -> memref<1x128xi32, #tpu.memory_space<vmem>>
      %dma_wait3A_177 = tpu.memref_squeeze %dma_wait3A_176 : memref<1x128xi32, #tpu.memory_space<vmem>> -> memref<128xi32, #tpu.memory_space<vmem>>
      %dma_wait3A_178 = arith.constant 0 : i32
      %dma_wait3A_179 = arith.constant 0 : i32
      %dma_wait3A_180 = tpu.memref_slice %arg2[%while3A_150, %dma_wait3A_178, %dma_wait3A_179] : memref<2x10240x64xf32, #tpu.memory_space<hbm>> -> memref<1x10240x64xf32, #tpu.memory_space<hbm>>
      %dma_wait3A_181 = tpu.memref_squeeze %dma_wait3A_180 : memref<1x10240x64xf32, #tpu.memory_space<hbm>> -> memref<10240x64xf32, #tpu.memory_space<hbm>>
      %dma_wait3A_182 = arith.constant 0 : i32
      %dma_wait3A_183 = arith.constant 0 : i32
      %dma_wait3A_184 = tpu.memref_slice %dma_wait3A_181[%dma_wait3A_182, %dma_wait3A_183] : memref<10240x64xf32, #tpu.memory_space<hbm>> -> memref<10240x64xf32, #tpu.memory_space<hbm>>
      tpu.wait_indirect_dma semaphore(%arg11 : memref<!tpu.dma_semaphore, #tpu.memory_space<semaphore_mem>>) src(%dma_wait3A_184 : memref<10240x64xf32, #tpu.memory_space<hbm>>) dst(%dma_wait3A_174 : memref<128x64xf32, #tpu.memory_space<vmem>>)
      %run_scoped3A_185 = arith.constant 0 : i32
      "tpu.region"() ({
        %run_scoped3A_263 = tpu.sem_alloc : memref<!tpu.dma_semaphore, #tpu.memory_space<semaphore_mem>>
        %dma_start3A = arith.constant 0 : i32
        %dma_start3A_264 = arith.constant 0 : i32
        %dma_start3A_265 = tpu.memref_slice %arg8[%run_scoped3A_185, %dma_start3A, %dma_start3A_264] : memref<4x128x64xf32, #tpu.memory_space<vmem>> -> memref<1x128x64xf32, #tpu.memory_space<vmem>>
        %dma_start3A_266 = tpu.memref_squeeze %dma_start3A_265 : memref<1x128x64xf32, #tpu.memory_space<vmem>> -> memref<128x64xf32, #tpu.memory_space<vmem>>
        %dma_start3A_267 = arith.constant 0 : i32
        %dma_start3A_268 = tpu.memref_slice %arg7[%add3A_170, %dma_start3A_267] : memref<160x128xi32, #tpu.memory_space<vmem>> -> memref<1x128xi32, #tpu.memory_space<vmem>>
        %dma_start3A_269 = tpu.memref_squeeze %dma_start3A_268 : memref<1x128xi32, #tpu.memory_space<vmem>> -> memref<128xi32, #tpu.memory_space<vmem>>
        %dma_start3A_270 = arith.constant 0 : i32
        %dma_start3A_271 = arith.constant 0 : i32
        %dma_start3A_272 = tpu.memref_slice %arg10[%dma_start3A_270, %dma_start3A_271] : memref<10240x64xf32, #tpu.memory_space<vmem_shared>> -> memref<10240x64xf32, #tpu.memory_space<vmem_shared>>
        tpu.enqueue_indirect_dma source(%dma_start3A_266 : memref<128x64xf32, #tpu.memory_space<vmem>>) target(%dma_start3A_272 : memref<10240x64xf32, #tpu.memory_space<vmem_shared>>) offsets(%dma_start3A_269 : memref<128xi32, #tpu.memory_space<vmem>>) semaphore(%run_scoped3A_263 : memref<!tpu.dma_semaphore, #tpu.memory_space<semaphore_mem>>) {add = true}
        %dma_wait3A_273 = arith.constant 0 : i32
        %dma_wait3A_274 = arith.constant 0 : i32
        %dma_wait3A_275 = tpu.memref_slice %arg8[%run_scoped3A_185, %dma_wait3A_273, %dma_wait3A_274] : memref<4x128x64xf32, #tpu.memory_space<vmem>> -> memref<1x128x64xf32, #tpu.memory_space<vmem>>
        %dma_wait3A_276 = tpu.memref_squeeze %dma_wait3A_275 : memref<1x128x64xf32, #tpu.memory_space<vmem>> -> memref<128x64xf32, #tpu.memory_space<vmem>>
        %dma_wait3A_277 = arith.constant 0 : i32
        %dma_wait3A_278 = tpu.memref_slice %arg7[%add3A_170, %dma_wait3A_277] : memref<160x128xi32, #tpu.memory_space<vmem>> -> memref<1x128xi32, #tpu.memory_space<vmem>>
        %dma_wait3A_279 = tpu.memref_squeeze %dma_wait3A_278 : memref<1x128xi32, #tpu.memory_space<vmem>> -> memref<128xi32, #tpu.memory_space<vmem>>
        %dma_wait3A_280 = arith.constant 0 : i32
        %dma_wait3A_281 = arith.constant 0 : i32
        %dma_wait3A_282 = tpu.memref_slice %arg10[%dma_wait3A_280, %dma_wait3A_281] : memref<10240x64xf32, #tpu.memory_space<vmem_shared>> -> memref<10240x64xf32, #tpu.memory_space<vmem_shared>>
        tpu.wait_indirect_dma semaphore(%run_scoped3A_263 : memref<!tpu.dma_semaphore, #tpu.memory_space<semaphore_mem>>) src(%dma_wait3A_276 : memref<128x64xf32, #tpu.memory_space<vmem>>) dst(%dma_wait3A_282 : memref<10240x64xf32, #tpu.memory_space<vmem_shared>>)
        tpu.yield
      }) : () -> ()
      %add3A_186 = arith.constant 4 : i32
      %add3A_187 = arith.addi %add3A_170, %add3A_186 : i32
      %lt3A = arith.cmpi slt, %add3A_187, %select_n3A : i32
      %convert_element_type3A_188 = arith.extui %lt3A : i1 to i32
      %cond3A_189 = arith.constant 0 : i32
      %cond3A_190 = arith.cmpi ne, %convert_element_type3A_188, %cond3A_189 : i32
      scf.if %cond3A_190 {
        %add3A_263 = arith.constant 4 : i32
        %add3A_264 = arith.addi %add3A_170, %add3A_263 : i32
        %dma_start3A = arith.constant 0 : i32
        %dma_start3A_265 = arith.constant 0 : i32
        %dma_start3A_266 = arith.constant 0 : i32
        %dma_start3A_267 = tpu.memref_slice %arg8[%dma_start3A, %dma_start3A_265, %dma_start3A_266] : memref<4x128x64xf32, #tpu.memory_space<vmem>> -> memref<1x128x64xf32, #tpu.memory_space<vmem>>
        %dma_start3A_268 = tpu.memref_squeeze %dma_start3A_267 : memref<1x128x64xf32, #tpu.memory_space<vmem>> -> memref<128x64xf32, #tpu.memory_space<vmem>>
        %dma_start3A_269 = arith.constant 0 : i32
        %dma_start3A_270 = tpu.memref_slice %arg6[%add3A_264, %dma_start3A_269] : memref<160x128xi32, #tpu.memory_space<vmem>> -> memref<1x128xi32, #tpu.memory_space<vmem>>
        %dma_start3A_271 = tpu.memref_squeeze %dma_start3A_270 : memref<1x128xi32, #tpu.memory_space<vmem>> -> memref<128xi32, #tpu.memory_space<vmem>>
        %dma_start3A_272 = arith.constant 0 : i32
        %dma_start3A_273 = arith.constant 0 : i32
        %dma_start3A_274 = tpu.memref_slice %arg2[%while3A_150, %dma_start3A_272, %dma_start3A_273] : memref<2x10240x64xf32, #tpu.memory_space<hbm>> -> memref<1x10240x64xf32, #tpu.memory_space<hbm>>
        %dma_start3A_275 = tpu.memref_squeeze %dma_start3A_274 : memref<1x10240x64xf32, #tpu.memory_space<hbm>> -> memref<10240x64xf32, #tpu.memory_space<hbm>>
        %dma_start3A_276 = arith.constant 0 : i32
        %dma_start3A_277 = arith.constant 0 : i32
        %dma_start3A_278 = tpu.memref_slice %dma_start3A_275[%dma_start3A_276, %dma_start3A_277] : memref<10240x64xf32, #tpu.memory_space<hbm>> -> memref<10240x64xf32, #tpu.memory_space<hbm>>
        tpu.enqueue_indirect_dma source(%dma_start3A_278 : memref<10240x64xf32, #tpu.memory_space<hbm>>) target(%dma_start3A_268 : memref<128x64xf32, #tpu.memory_space<vmem>>) offsets(%dma_start3A_271 : memref<128xi32, #tpu.memory_space<vmem>>) semaphore(%arg11 : memref<!tpu.dma_semaphore, #tpu.memory_space<semaphore_mem>>)
      } else {
      }
      %add3A_191 = arith.constant 1 : i32
      %add3A_192 = arith.addi %mul3A_168, %add3A_191 : i32
      %dma_wait3A_193 = arith.constant 1 : i32
      %dma_wait3A_194 = arith.constant 0 : i32
      %dma_wait3A_195 = arith.constant 0 : i32
      %dma_wait3A_196 = tpu.memref_slice %arg8[%dma_wait3A_193, %dma_wait3A_194, %dma_wait3A_195] : memref<4x128x64xf32, #tpu.memory_space<vmem>> -> memref<1x128x64xf32, #tpu.memory_space<vmem>>
      %dma_wait3A_197 = tpu.memref_squeeze %dma_wait3A_196 : memref<1x128x64xf32, #tpu.memory_space<vmem>> -> memref<128x64xf32, #tpu.memory_space<vmem>>
      %dma_wait3A_198 = arith.constant 0 : i32
      %dma_wait3A_199 = tpu.memref_slice %arg6[%add3A_192, %dma_wait3A_198] : memref<160x128xi32, #tpu.memory_space<vmem>> -> memref<1x128xi32, #tpu.memory_space<vmem>>
      %dma_wait3A_200 = tpu.memref_squeeze %dma_wait3A_199 : memref<1x128xi32, #tpu.memory_space<vmem>> -> memref<128xi32, #tpu.memory_space<vmem>>
      %dma_wait3A_201 = arith.constant 0 : i32
      %dma_wait3A_202 = arith.constant 0 : i32
      %dma_wait3A_203 = tpu.memref_slice %arg2[%while3A_150, %dma_wait3A_201, %dma_wait3A_202] : memref<2x10240x64xf32, #tpu.memory_space<hbm>> -> memref<1x10240x64xf32, #tpu.memory_space<hbm>>
      %dma_wait3A_204 = tpu.memref_squeeze %dma_wait3A_203 : memref<1x10240x64xf32, #tpu.memory_space<hbm>> -> memref<10240x64xf32, #tpu.memory_space<hbm>>
      %dma_wait3A_205 = arith.constant 0 : i32
      %dma_wait3A_206 = arith.constant 0 : i32
      %dma_wait3A_207 = tpu.memref_slice %dma_wait3A_204[%dma_wait3A_205, %dma_wait3A_206] : memref<10240x64xf32, #tpu.memory_space<hbm>> -> memref<10240x64xf32, #tpu.memory_space<hbm>>
      tpu.wait_indirect_dma semaphore(%arg12 : memref<!tpu.dma_semaphore, #tpu.memory_space<semaphore_mem>>) src(%dma_wait3A_207 : memref<10240x64xf32, #tpu.memory_space<hbm>>) dst(%dma_wait3A_197 : memref<128x64xf32, #tpu.memory_space<vmem>>)
      %run_scoped3A_208 = arith.constant 1 : i32
      "tpu.region"() ({
        %run_scoped3A_263 = tpu.sem_alloc : memref<!tpu.dma_semaphore, #tpu.memory_space<semaphore_mem>>
        %dma_start3A = arith.constant 0 : i32
        %dma_start3A_264 = arith.constant 0 : i32
        %dma_start3A_265 = tpu.memref_slice %arg8[%run_scoped3A_208, %dma_start3A, %dma_start3A_264] : memref<4x128x64xf32, #tpu.memory_space<vmem>> -> memref<1x128x64xf32, #tpu.memory_space<vmem>>
        %dma_start3A_266 = tpu.memref_squeeze %dma_start3A_265 : memref<1x128x64xf32, #tpu.memory_space<vmem>> -> memref<128x64xf32, #tpu.memory_space<vmem>>
        %dma_start3A_267 = arith.constant 0 : i32
        %dma_start3A_268 = tpu.memref_slice %arg7[%add3A_192, %dma_start3A_267] : memref<160x128xi32, #tpu.memory_space<vmem>> -> memref<1x128xi32, #tpu.memory_space<vmem>>
        %dma_start3A_269 = tpu.memref_squeeze %dma_start3A_268 : memref<1x128xi32, #tpu.memory_space<vmem>> -> memref<128xi32, #tpu.memory_space<vmem>>
        %dma_start3A_270 = arith.constant 0 : i32
        %dma_start3A_271 = arith.constant 0 : i32
        %dma_start3A_272 = tpu.memref_slice %arg10[%dma_start3A_270, %dma_start3A_271] : memref<10240x64xf32, #tpu.memory_space<vmem_shared>> -> memref<10240x64xf32, #tpu.memory_space<vmem_shared>>
        tpu.enqueue_indirect_dma source(%dma_start3A_266 : memref<128x64xf32, #tpu.memory_space<vmem>>) target(%dma_start3A_272 : memref<10240x64xf32, #tpu.memory_space<vmem_shared>>) offsets(%dma_start3A_269 : memref<128xi32, #tpu.memory_space<vmem>>) semaphore(%run_scoped3A_263 : memref<!tpu.dma_semaphore, #tpu.memory_space<semaphore_mem>>) {add = true}
        %dma_wait3A_273 = arith.constant 0 : i32
        %dma_wait3A_274 = arith.constant 0 : i32
        %dma_wait3A_275 = tpu.memref_slice %arg8[%run_scoped3A_208, %dma_wait3A_273, %dma_wait3A_274] : memref<4x128x64xf32, #tpu.memory_space<vmem>> -> memref<1x128x64xf32, #tpu.memory_space<vmem>>
        %dma_wait3A_276 = tpu.memref_squeeze %dma_wait3A_275 : memref<1x128x64xf32, #tpu.memory_space<vmem>> -> memref<128x64xf32, #tpu.memory_space<vmem>>
        %dma_wait3A_277 = arith.constant 0 : i32
        %dma_wait3A_278 = tpu.memref_slice %arg7[%add3A_192, %dma_wait3A_277] : memref<160x128xi32, #tpu.memory_space<vmem>> -> memref<1x128xi32, #tpu.memory_space<vmem>>
        %dma_wait3A_279 = tpu.memref_squeeze %dma_wait3A_278 : memref<1x128xi32, #tpu.memory_space<vmem>> -> memref<128xi32, #tpu.memory_space<vmem>>
        %dma_wait3A_280 = arith.constant 0 : i32
        %dma_wait3A_281 = arith.constant 0 : i32
        %dma_wait3A_282 = tpu.memref_slice %arg10[%dma_wait3A_280, %dma_wait3A_281] : memref<10240x64xf32, #tpu.memory_space<vmem_shared>> -> memref<10240x64xf32, #tpu.memory_space<vmem_shared>>
        tpu.wait_indirect_dma semaphore(%run_scoped3A_263 : memref<!tpu.dma_semaphore, #tpu.memory_space<semaphore_mem>>) src(%dma_wait3A_276 : memref<128x64xf32, #tpu.memory_space<vmem>>) dst(%dma_wait3A_282 : memref<10240x64xf32, #tpu.memory_space<vmem_shared>>)
        tpu.yield
      }) : () -> ()
      %add3A_209 = arith.constant 4 : i32
      %add3A_210 = arith.addi %add3A_192, %add3A_209 : i32
      %lt3A_211 = arith.cmpi slt, %add3A_210, %select_n3A : i32
      %convert_element_type3A_212 = arith.extui %lt3A_211 : i1 to i32
      %cond3A_213 = arith.constant 0 : i32
      %cond3A_214 = arith.cmpi ne, %convert_element_type3A_212, %cond3A_213 : i32
      scf.if %cond3A_214 {
        %add3A_263 = arith.constant 4 : i32
        %add3A_264 = arith.addi %add3A_192, %add3A_263 : i32
        %dma_start3A = arith.constant 1 : i32
        %dma_start3A_265 = arith.constant 0 : i32
        %dma_start3A_266 = arith.constant 0 : i32
        %dma_start3A_267 = tpu.memref_slice %arg8[%dma_start3A, %dma_start3A_265, %dma_start3A_266] : memref<4x128x64xf32, #tpu.memory_space<vmem>> -> memref<1x128x64xf32, #tpu.memory_space<vmem>>
        %dma_start3A_268 = tpu.memref_squeeze %dma_start3A_267 : memref<1x128x64xf32, #tpu.memory_space<vmem>> -> memref<128x64xf32, #tpu.memory_space<vmem>>
        %dma_start3A_269 = arith.constant 0 : i32
        %dma_start3A_270 = tpu.memref_slice %arg6[%add3A_264, %dma_start3A_269] : memref<160x128xi32, #tpu.memory_space<vmem>> -> memref<1x128xi32, #tpu.memory_space<vmem>>
        %dma_start3A_271 = tpu.memref_squeeze %dma_start3A_270 : memref<1x128xi32, #tpu.memory_space<vmem>> -> memref<128xi32, #tpu.memory_space<vmem>>
        %dma_start3A_272 = arith.constant 0 : i32
        %dma_start3A_273 = arith.constant 0 : i32
        %dma_start3A_274 = tpu.memref_slice %arg2[%while3A_150, %dma_start3A_272, %dma_start3A_273] : memref<2x10240x64xf32, #tpu.memory_space<hbm>> -> memref<1x10240x64xf32, #tpu.memory_space<hbm>>
        %dma_start3A_275 = tpu.memref_squeeze %dma_start3A_274 : memref<1x10240x64xf32, #tpu.memory_space<hbm>> -> memref<10240x64xf32, #tpu.memory_space<hbm>>
        %dma_start3A_276 = arith.constant 0 : i32
        %dma_start3A_277 = arith.constant 0 : i32
        %dma_start3A_278 = tpu.memref_slice %dma_start3A_275[%dma_start3A_276, %dma_start3A_277] : memref<10240x64xf32, #tpu.memory_space<hbm>> -> memref<10240x64xf32, #tpu.memory_space<hbm>>
        tpu.enqueue_indirect_dma source(%dma_start3A_278 : memref<10240x64xf32, #tpu.memory_space<hbm>>) target(%dma_start3A_268 : memref<128x64xf32, #tpu.memory_space<vmem>>) offsets(%dma_start3A_271 : memref<128xi32, #tpu.memory_space<vmem>>) semaphore(%arg12 : memref<!tpu.dma_semaphore, #tpu.memory_space<semaphore_mem>>)
      } else {
      }
      %add3A_215 = arith.constant 2 : i32
      %add3A_216 = arith.addi %mul3A_168, %add3A_215 : i32
      %dma_wait3A_217 = arith.constant 2 : i32
      %dma_wait3A_218 = arith.constant 0 : i32
      %dma_wait3A_219 = arith.constant 0 : i32
      %dma_wait3A_220 = tpu.memref_slice %arg8[%dma_wait3A_217, %dma_wait3A_218, %dma_wait3A_219] : memref<4x128x64xf32, #tpu.memory_space<vmem>> -> memref<1x128x64xf32, #tpu.memory_space<vmem>>
      %dma_wait3A_221 = tpu.memref_squeeze %dma_wait3A_220 : memref<1x128x64xf32, #tpu.memory_space<vmem>> -> memref<128x64xf32, #tpu.memory_space<vmem>>
      %dma_wait3A_222 = arith.constant 0 : i32
      %dma_wait3A_223 = tpu.memref_slice %arg6[%add3A_216, %dma_wait3A_222] : memref<160x128xi32, #tpu.memory_space<vmem>> -> memref<1x128xi32, #tpu.memory_space<vmem>>
      %dma_wait3A_224 = tpu.memref_squeeze %dma_wait3A_223 : memref<1x128xi32, #tpu.memory_space<vmem>> -> memref<128xi32, #tpu.memory_space<vmem>>
      %dma_wait3A_225 = arith.constant 0 : i32
      %dma_wait3A_226 = arith.constant 0 : i32
      %dma_wait3A_227 = tpu.memref_slice %arg2[%while3A_150, %dma_wait3A_225, %dma_wait3A_226] : memref<2x10240x64xf32, #tpu.memory_space<hbm>> -> memref<1x10240x64xf32, #tpu.memory_space<hbm>>
      %dma_wait3A_228 = tpu.memref_squeeze %dma_wait3A_227 : memref<1x10240x64xf32, #tpu.memory_space<hbm>> -> memref<10240x64xf32, #tpu.memory_space<hbm>>
      %dma_wait3A_229 = arith.constant 0 : i32
      %dma_wait3A_230 = arith.constant 0 : i32
      %dma_wait3A_231 = tpu.memref_slice %dma_wait3A_228[%dma_wait3A_229, %dma_wait3A_230] : memref<10240x64xf32, #tpu.memory_space<hbm>> -> memref<10240x64xf32, #tpu.memory_space<hbm>>
      tpu.wait_indirect_dma semaphore(%arg13 : memref<!tpu.dma_semaphore, #tpu.memory_space<semaphore_mem>>) src(%dma_wait3A_231 : memref<10240x64xf32, #tpu.memory_space<hbm>>) dst(%dma_wait3A_221 : memref<128x64xf32, #tpu.memory_space<vmem>>)
      %run_scoped3A_232 = arith.constant 2 : i32
      "tpu.region"() ({
        %run_scoped3A_263 = tpu.sem_alloc : memref<!tpu.dma_semaphore, #tpu.memory_space<semaphore_mem>>
        %dma_start3A = arith.constant 0 : i32
        %dma_start3A_264 = arith.constant 0 : i32
        %dma_start3A_265 = tpu.memref_slice %arg8[%run_scoped3A_232, %dma_start3A, %dma_start3A_264] : memref<4x128x64xf32, #tpu.memory_space<vmem>> -> memref<1x128x64xf32, #tpu.memory_space<vmem>>
        %dma_start3A_266 = tpu.memref_squeeze %dma_start3A_265 : memref<1x128x64xf32, #tpu.memory_space<vmem>> -> memref<128x64xf32, #tpu.memory_space<vmem>>
        %dma_start3A_267 = arith.constant 0 : i32
        %dma_start3A_268 = tpu.memref_slice %arg7[%add3A_216, %dma_start3A_267] : memref<160x128xi32, #tpu.memory_space<vmem>> -> memref<1x128xi32, #tpu.memory_space<vmem>>
        %dma_start3A_269 = tpu.memref_squeeze %dma_start3A_268 : memref<1x128xi32, #tpu.memory_space<vmem>> -> memref<128xi32, #tpu.memory_space<vmem>>
        %dma_start3A_270 = arith.constant 0 : i32
        %dma_start3A_271 = arith.constant 0 : i32
        %dma_start3A_272 = tpu.memref_slice %arg10[%dma_start3A_270, %dma_start3A_271] : memref<10240x64xf32, #tpu.memory_space<vmem_shared>> -> memref<10240x64xf32, #tpu.memory_space<vmem_shared>>
        tpu.enqueue_indirect_dma source(%dma_start3A_266 : memref<128x64xf32, #tpu.memory_space<vmem>>) target(%dma_start3A_272 : memref<10240x64xf32, #tpu.memory_space<vmem_shared>>) offsets(%dma_start3A_269 : memref<128xi32, #tpu.memory_space<vmem>>) semaphore(%run_scoped3A_263 : memref<!tpu.dma_semaphore, #tpu.memory_space<semaphore_mem>>) {add = true}
        %dma_wait3A_273 = arith.constant 0 : i32
        %dma_wait3A_274 = arith.constant 0 : i32
        %dma_wait3A_275 = tpu.memref_slice %arg8[%run_scoped3A_232, %dma_wait3A_273, %dma_wait3A_274] : memref<4x128x64xf32, #tpu.memory_space<vmem>> -> memref<1x128x64xf32, #tpu.memory_space<vmem>>
        %dma_wait3A_276 = tpu.memref_squeeze %dma_wait3A_275 : memref<1x128x64xf32, #tpu.memory_space<vmem>> -> memref<128x64xf32, #tpu.memory_space<vmem>>
        %dma_wait3A_277 = arith.constant 0 : i32
        %dma_wait3A_278 = tpu.memref_slice %arg7[%add3A_216, %dma_wait3A_277] : memref<160x128xi32, #tpu.memory_space<vmem>> -> memref<1x128xi32, #tpu.memory_space<vmem>>
        %dma_wait3A_279 = tpu.memref_squeeze %dma_wait3A_278 : memref<1x128xi32, #tpu.memory_space<vmem>> -> memref<128xi32, #tpu.memory_space<vmem>>
        %dma_wait3A_280 = arith.constant 0 : i32
        %dma_wait3A_281 = arith.constant 0 : i32
        %dma_wait3A_282 = tpu.memref_slice %arg10[%dma_wait3A_280, %dma_wait3A_281] : memref<10240x64xf32, #tpu.memory_space<vmem_shared>> -> memref<10240x64xf32, #tpu.memory_space<vmem_shared>>
        tpu.wait_indirect_dma semaphore(%run_scoped3A_263 : memref<!tpu.dma_semaphore, #tpu.memory_space<semaphore_mem>>) src(%dma_wait3A_276 : memref<128x64xf32, #tpu.memory_space<vmem>>) dst(%dma_wait3A_282 : memref<10240x64xf32, #tpu.memory_space<vmem_shared>>)
        tpu.yield
      }) : () -> ()
      %add3A_233 = arith.constant 4 : i32
      %add3A_234 = arith.addi %add3A_216, %add3A_233 : i32
      %lt3A_235 = arith.cmpi slt, %add3A_234, %select_n3A : i32
      %convert_element_type3A_236 = arith.extui %lt3A_235 : i1 to i32
      %cond3A_237 = arith.constant 0 : i32
      %cond3A_238 = arith.cmpi ne, %convert_element_type3A_236, %cond3A_237 : i32
      scf.if %cond3A_238 {
        %add3A_263 = arith.constant 4 : i32
        %add3A_264 = arith.addi %add3A_216, %add3A_263 : i32
        %dma_start3A = arith.constant 2 : i32
        %dma_start3A_265 = arith.constant 0 : i32
        %dma_start3A_266 = arith.constant 0 : i32
        %dma_start3A_267 = tpu.memref_slice %arg8[%dma_start3A, %dma_start3A_265, %dma_start3A_266] : memref<4x128x64xf32, #tpu.memory_space<vmem>> -> memref<1x128x64xf32, #tpu.memory_space<vmem>>
        %dma_start3A_268 = tpu.memref_squeeze %dma_start3A_267 : memref<1x128x64xf32, #tpu.memory_space<vmem>> -> memref<128x64xf32, #tpu.memory_space<vmem>>
        %dma_start3A_269 = arith.constant 0 : i32
        %dma_start3A_270 = tpu.memref_slice %arg6[%add3A_264, %dma_start3A_269] : memref<160x128xi32, #tpu.memory_space<vmem>> -> memref<1x128xi32, #tpu.memory_space<vmem>>
        %dma_start3A_271 = tpu.memref_squeeze %dma_start3A_270 : memref<1x128xi32, #tpu.memory_space<vmem>> -> memref<128xi32, #tpu.memory_space<vmem>>
        %dma_start3A_272 = arith.constant 0 : i32
        %dma_start3A_273 = arith.constant 0 : i32
        %dma_start3A_274 = tpu.memref_slice %arg2[%while3A_150, %dma_start3A_272, %dma_start3A_273] : memref<2x10240x64xf32, #tpu.memory_space<hbm>> -> memref<1x10240x64xf32, #tpu.memory_space<hbm>>
        %dma_start3A_275 = tpu.memref_squeeze %dma_start3A_274 : memref<1x10240x64xf32, #tpu.memory_space<hbm>> -> memref<10240x64xf32, #tpu.memory_space<hbm>>
        %dma_start3A_276 = arith.constant 0 : i32
        %dma_start3A_277 = arith.constant 0 : i32
        %dma_start3A_278 = tpu.memref_slice %dma_start3A_275[%dma_start3A_276, %dma_start3A_277] : memref<10240x64xf32, #tpu.memory_space<hbm>> -> memref<10240x64xf32, #tpu.memory_space<hbm>>
        tpu.enqueue_indirect_dma source(%dma_start3A_278 : memref<10240x64xf32, #tpu.memory_space<hbm>>) target(%dma_start3A_268 : memref<128x64xf32, #tpu.memory_space<vmem>>) offsets(%dma_start3A_271 : memref<128xi32, #tpu.memory_space<vmem>>) semaphore(%arg13 : memref<!tpu.dma_semaphore, #tpu.memory_space<semaphore_mem>>)
      } else {
      }
      %add3A_239 = arith.constant 3 : i32
      %add3A_240 = arith.addi %mul3A_168, %add3A_239 : i32
      %dma_wait3A_241 = arith.constant 3 : i32
      %dma_wait3A_242 = arith.constant 0 : i32
      %dma_wait3A_243 = arith.constant 0 : i32
      %dma_wait3A_244 = tpu.memref_slice %arg8[%dma_wait3A_241, %dma_wait3A_242, %dma_wait3A_243] : memref<4x128x64xf32, #tpu.memory_space<vmem>> -> memref<1x128x64xf32, #tpu.memory_space<vmem>>
      %dma_wait3A_245 = tpu.memref_squeeze %dma_wait3A_244 : memref<1x128x64xf32, #tpu.memory_space<vmem>> -> memref<128x64xf32, #tpu.memory_space<vmem>>
      %dma_wait3A_246 = arith.constant 0 : i32
      %dma_wait3A_247 = tpu.memref_slice %arg6[%add3A_240, %dma_wait3A_246] : memref<160x128xi32, #tpu.memory_space<vmem>> -> memref<1x128xi32, #tpu.memory_space<vmem>>
      %dma_wait3A_248 = tpu.memref_squeeze %dma_wait3A_247 : memref<1x128xi32, #tpu.memory_space<vmem>> -> memref<128xi32, #tpu.memory_space<vmem>>
      %dma_wait3A_249 = arith.constant 0 : i32
      %dma_wait3A_250 = arith.constant 0 : i32
      %dma_wait3A_251 = tpu.memref_slice %arg2[%while3A_150, %dma_wait3A_249, %dma_wait3A_250] : memref<2x10240x64xf32, #tpu.memory_space<hbm>> -> memref<1x10240x64xf32, #tpu.memory_space<hbm>>
      %dma_wait3A_252 = tpu.memref_squeeze %dma_wait3A_251 : memref<1x10240x64xf32, #tpu.memory_space<hbm>> -> memref<10240x64xf32, #tpu.memory_space<hbm>>
      %dma_wait3A_253 = arith.constant 0 : i32
      %dma_wait3A_254 = arith.constant 0 : i32
      %dma_wait3A_255 = tpu.memref_slice %dma_wait3A_252[%dma_wait3A_253, %dma_wait3A_254] : memref<10240x64xf32, #tpu.memory_space<hbm>> -> memref<10240x64xf32, #tpu.memory_space<hbm>>
      tpu.wait_indirect_dma semaphore(%arg14 : memref<!tpu.dma_semaphore, #tpu.memory_space<semaphore_mem>>) src(%dma_wait3A_255 : memref<10240x64xf32, #tpu.memory_space<hbm>>) dst(%dma_wait3A_245 : memref<128x64xf32, #tpu.memory_space<vmem>>)
      %run_scoped3A_256 = arith.constant 3 : i32
      "tpu.region"() ({
        %run_scoped3A_263 = tpu.sem_alloc : memref<!tpu.dma_semaphore, #tpu.memory_space<semaphore_mem>>
        %dma_start3A = arith.constant 0 : i32
        %dma_start3A_264 = arith.constant 0 : i32
        %dma_start3A_265 = tpu.memref_slice %arg8[%run_scoped3A_256, %dma_start3A, %dma_start3A_264] : memref<4x128x64xf32, #tpu.memory_space<vmem>> -> memref<1x128x64xf32, #tpu.memory_space<vmem>>
        %dma_start3A_266 = tpu.memref_squeeze %dma_start3A_265 : memref<1x128x64xf32, #tpu.memory_space<vmem>> -> memref<128x64xf32, #tpu.memory_space<vmem>>
        %dma_start3A_267 = arith.constant 0 : i32
        %dma_start3A_268 = tpu.memref_slice %arg7[%add3A_240, %dma_start3A_267] : memref<160x128xi32, #tpu.memory_space<vmem>> -> memref<1x128xi32, #tpu.memory_space<vmem>>
        %dma_start3A_269 = tpu.memref_squeeze %dma_start3A_268 : memref<1x128xi32, #tpu.memory_space<vmem>> -> memref<128xi32, #tpu.memory_space<vmem>>
        %dma_start3A_270 = arith.constant 0 : i32
        %dma_start3A_271 = arith.constant 0 : i32
        %dma_start3A_272 = tpu.memref_slice %arg10[%dma_start3A_270, %dma_start3A_271] : memref<10240x64xf32, #tpu.memory_space<vmem_shared>> -> memref<10240x64xf32, #tpu.memory_space<vmem_shared>>
        tpu.enqueue_indirect_dma source(%dma_start3A_266 : memref<128x64xf32, #tpu.memory_space<vmem>>) target(%dma_start3A_272 : memref<10240x64xf32, #tpu.memory_space<vmem_shared>>) offsets(%dma_start3A_269 : memref<128xi32, #tpu.memory_space<vmem>>) semaphore(%run_scoped3A_263 : memref<!tpu.dma_semaphore, #tpu.memory_space<semaphore_mem>>) {add = true}
        %dma_wait3A_273 = arith.constant 0 : i32
        %dma_wait3A_274 = arith.constant 0 : i32
        %dma_wait3A_275 = tpu.memref_slice %arg8[%run_scoped3A_256, %dma_wait3A_273, %dma_wait3A_274] : memref<4x128x64xf32, #tpu.memory_space<vmem>> -> memref<1x128x64xf32, #tpu.memory_space<vmem>>
        %dma_wait3A_276 = tpu.memref_squeeze %dma_wait3A_275 : memref<1x128x64xf32, #tpu.memory_space<vmem>> -> memref<128x64xf32, #tpu.memory_space<vmem>>
        %dma_wait3A_277 = arith.constant 0 : i32
        %dma_wait3A_278 = tpu.memref_slice %arg7[%add3A_240, %dma_wait3A_277] : memref<160x128xi32, #tpu.memory_space<vmem>> -> memref<1x128xi32, #tpu.memory_space<vmem>>
        %dma_wait3A_279 = tpu.memref_squeeze %dma_wait3A_278 : memref<1x128xi32, #tpu.memory_space<vmem>> -> memref<128xi32, #tpu.memory_space<vmem>>
        %dma_wait3A_280 = arith.constant 0 : i32
        %dma_wait3A_281 = arith.constant 0 : i32
        %dma_wait3A_282 = tpu.memref_slice %arg10[%dma_wait3A_280, %dma_wait3A_281] : memref<10240x64xf32, #tpu.memory_space<vmem_shared>> -> memref<10240x64xf32, #tpu.memory_space<vmem_shared>>
        tpu.wait_indirect_dma semaphore(%run_scoped3A_263 : memref<!tpu.dma_semaphore, #tpu.memory_space<semaphore_mem>>) src(%dma_wait3A_276 : memref<128x64xf32, #tpu.memory_space<vmem>>) dst(%dma_wait3A_282 : memref<10240x64xf32, #tpu.memory_space<vmem_shared>>)
        tpu.yield
      }) : () -> ()
      %add3A_257 = arith.constant 4 : i32
      %add3A_258 = arith.addi %add3A_240, %add3A_257 : i32
      %lt3A_259 = arith.cmpi slt, %add3A_258, %select_n3A : i32
      %convert_element_type3A_260 = arith.extui %lt3A_259 : i1 to i32
      %cond3A_261 = arith.constant 0 : i32
      %cond3A_262 = arith.cmpi ne, %convert_element_type3A_260, %cond3A_261 : i32
      scf.if %cond3A_262 {
        %add3A_263 = arith.constant 4 : i32
        %add3A_264 = arith.addi %add3A_240, %add3A_263 : i32
        %dma_start3A = arith.constant 3 : i32
        %dma_start3A_265 = arith.constant 0 : i32
        %dma_start3A_266 = arith.constant 0 : i32
        %dma_start3A_267 = tpu.memref_slice %arg8[%dma_start3A, %dma_start3A_265, %dma_start3A_266] : memref<4x128x64xf32, #tpu.memory_space<vmem>> -> memref<1x128x64xf32, #tpu.memory_space<vmem>>
        %dma_start3A_268 = tpu.memref_squeeze %dma_start3A_267 : memref<1x128x64xf32, #tpu.memory_space<vmem>> -> memref<128x64xf32, #tpu.memory_space<vmem>>
        %dma_start3A_269 = arith.constant 0 : i32
        %dma_start3A_270 = tpu.memref_slice %arg6[%add3A_264, %dma_start3A_269] : memref<160x128xi32, #tpu.memory_space<vmem>> -> memref<1x128xi32, #tpu.memory_space<vmem>>
        %dma_start3A_271 = tpu.memref_squeeze %dma_start3A_270 : memref<1x128xi32, #tpu.memory_space<vmem>> -> memref<128xi32, #tpu.memory_space<vmem>>
        %dma_start3A_272 = arith.constant 0 : i32
        %dma_start3A_273 = arith.constant 0 : i32
        %dma_start3A_274 = tpu.memref_slice %arg2[%while3A_150, %dma_start3A_272, %dma_start3A_273] : memref<2x10240x64xf32, #tpu.memory_space<hbm>> -> memref<1x10240x64xf32, #tpu.memory_space<hbm>>
        %dma_start3A_275 = tpu.memref_squeeze %dma_start3A_274 : memref<1x10240x64xf32, #tpu.memory_space<hbm>> -> memref<10240x64xf32, #tpu.memory_space<hbm>>
        %dma_start3A_276 = arith.constant 0 : i32
        %dma_start3A_277 = arith.constant 0 : i32
        %dma_start3A_278 = tpu.memref_slice %dma_start3A_275[%dma_start3A_276, %dma_start3A_277] : memref<10240x64xf32, #tpu.memory_space<hbm>> -> memref<10240x64xf32, #tpu.memory_space<hbm>>
        tpu.enqueue_indirect_dma source(%dma_start3A_278 : memref<10240x64xf32, #tpu.memory_space<hbm>>) target(%dma_start3A_268 : memref<128x64xf32, #tpu.memory_space<vmem>>) offsets(%dma_start3A_271 : memref<128xi32, #tpu.memory_space<vmem>>) semaphore(%arg14 : memref<!tpu.dma_semaphore, #tpu.memory_space<semaphore_mem>>)
      } else {
      }
    }
    %while3A_159 = arith.constant 1 : i32
    scf.for %while3A_166 = %while3A_157 to %while3A_153 step %while3A_159  : i32 {
      %mul3A_167 = arith.constant 4 : i32
      %mul3A_168 = arith.muli %while3A_166, %mul3A_167 : i32
      %add3A_169 = arith.constant 0 : i32
      %add3A_170 = arith.addi %mul3A_168, %add3A_169 : i32
      %dma_wait3A = arith.constant 0 : i32
      %dma_wait3A_171 = arith.constant 0 : i32
      %dma_wait3A_172 = arith.constant 0 : i32
      %dma_wait3A_173 = tpu.memref_slice %arg8[%dma_wait3A, %dma_wait3A_171, %dma_wait3A_172] : memref<4x128x64xf32, #tpu.memory_space<vmem>> -> memref<1x128x64xf32, #tpu.memory_space<vmem>>
      %dma_wait3A_174 = tpu.memref_squeeze %dma_wait3A_173 : memref<1x128x64xf32, #tpu.memory_space<vmem>> -> memref<128x64xf32, #tpu.memory_space<vmem>>
      %dma_wait3A_175 = arith.constant 0 : i32
      %dma_wait3A_176 = tpu.memref_slice %arg6[%add3A_170, %dma_wait3A_175] : memref<160x128xi32, #tpu.memory_space<vmem>> -> memref<1x128xi32, #tpu.memory_space<vmem>>
      %dma_wait3A_177 = tpu.memref_squeeze %dma_wait3A_176 : memref<1x128xi32, #tpu.memory_space<vmem>> -> memref<128xi32, #tpu.memory_space<vmem>>
      %dma_wait3A_178 = arith.constant 0 : i32
      %dma_wait3A_179 = arith.constant 0 : i32
      %dma_wait3A_180 = tpu.memref_slice %arg2[%while3A_150, %dma_wait3A_178, %dma_wait3A_179] : memref<2x10240x64xf32, #tpu.memory_space<hbm>> -> memref<1x10240x64xf32, #tpu.memory_space<hbm>>
      %dma_wait3A_181 = tpu.memref_squeeze %dma_wait3A_180 : memref<1x10240x64xf32, #tpu.memory_space<hbm>> -> memref<10240x64xf32, #tpu.memory_space<hbm>>
      %dma_wait3A_182 = arith.constant 0 : i32
      %dma_wait3A_183 = arith.constant 0 : i32
      %dma_wait3A_184 = tpu.memref_slice %dma_wait3A_181[%dma_wait3A_182, %dma_wait3A_183] : memref<10240x64xf32, #tpu.memory_space<hbm>> -> memref<10240x64xf32, #tpu.memory_space<hbm>>
      tpu.wait_indirect_dma semaphore(%arg11 : memref<!tpu.dma_semaphore, #tpu.memory_space<semaphore_mem>>) src(%dma_wait3A_184 : memref<10240x64xf32, #tpu.memory_space<hbm>>) dst(%dma_wait3A_174 : memref<128x64xf32, #tpu.memory_space<vmem>>)
      %run_scoped3A_185 = arith.constant 0 : i32
      "tpu.region"() ({
        %run_scoped3A_263 = tpu.sem_alloc : memref<!tpu.dma_semaphore, #tpu.memory_space<semaphore_mem>>
        %dma_start3A = arith.constant 0 : i32
        %dma_start3A_264 = arith.constant 0 : i32
        %dma_start3A_265 = tpu.memref_slice %arg8[%run_scoped3A_185, %dma_start3A, %dma_start3A_264] : memref<4x128x64xf32, #tpu.memory_space<vmem>> -> memref<1x128x64xf32, #tpu.memory_space<vmem>>
        %dma_start3A_266 = tpu.memref_squeeze %dma_start3A_265 : memref<1x128x64xf32, #tpu.memory_space<vmem>> -> memref<128x64xf32, #tpu.memory_space<vmem>>
        %dma_start3A_267 = arith.constant 0 : i32
        %dma_start3A_268 = tpu.memref_slice %arg7[%add3A_170, %dma_start3A_267] : memref<160x128xi32, #tpu.memory_space<vmem>> -> memref<1x128xi32, #tpu.memory_space<vmem>>
        %dma_start3A_269 = tpu.memref_squeeze %dma_start3A_268 : memref<1x128xi32, #tpu.memory_space<vmem>> -> memref<128xi32, #tpu.memory_space<vmem>>
        %dma_start3A_270 = arith.constant 0 : i32
        %dma_start3A_271 = arith.constant 0 : i32
        %dma_start3A_272 = tpu.memref_slice %arg10[%dma_start3A_270, %dma_start3A_271] : memref<10240x64xf32, #tpu.memory_space<vmem_shared>> -> memref<10240x64xf32, #tpu.memory_space<vmem_shared>>
        tpu.enqueue_indirect_dma source(%dma_start3A_266 : memref<128x64xf32, #tpu.memory_space<vmem>>) target(%dma_start3A_272 : memref<10240x64xf32, #tpu.memory_space<vmem_shared>>) offsets(%dma_start3A_269 : memref<128xi32, #tpu.memory_space<vmem>>) semaphore(%run_scoped3A_263 : memref<!tpu.dma_semaphore, #tpu.memory_space<semaphore_mem>>) {add = true}
        %dma_wait3A_273 = arith.constant 0 : i32
        %dma_wait3A_274 = arith.constant 0 : i32
        %dma_wait3A_275 = tpu.memref_slice %arg8[%run_scoped3A_185, %dma_wait3A_273, %dma_wait3A_274] : memref<4x128x64xf32, #tpu.memory_space<vmem>> -> memref<1x128x64xf32, #tpu.memory_space<vmem>>
        %dma_wait3A_276 = tpu.memref_squeeze %dma_wait3A_275 : memref<1x128x64xf32, #tpu.memory_space<vmem>> -> memref<128x64xf32, #tpu.memory_space<vmem>>
        %dma_wait3A_277 = arith.constant 0 : i32
        %dma_wait3A_278 = tpu.memref_slice %arg7[%add3A_170, %dma_wait3A_277] : memref<160x128xi32, #tpu.memory_space<vmem>> -> memref<1x128xi32, #tpu.memory_space<vmem>>
        %dma_wait3A_279 = tpu.memref_squeeze %dma_wait3A_278 : memref<1x128xi32, #tpu.memory_space<vmem>> -> memref<128xi32, #tpu.memory_space<vmem>>
        %dma_wait3A_280 = arith.constant 0 : i32
        %dma_wait3A_281 = arith.constant 0 : i32
        %dma_wait3A_282 = tpu.memref_slice %arg10[%dma_wait3A_280, %dma_wait3A_281] : memref<10240x64xf32, #tpu.memory_space<vmem_shared>> -> memref<10240x64xf32, #tpu.memory_space<vmem_shared>>
        tpu.wait_indirect_dma semaphore(%run_scoped3A_263 : memref<!tpu.dma_semaphore, #tpu.memory_space<semaphore_mem>>) src(%dma_wait3A_276 : memref<128x64xf32, #tpu.memory_space<vmem>>) dst(%dma_wait3A_282 : memref<10240x64xf32, #tpu.memory_space<vmem_shared>>)
        tpu.yield
      }) : () -> ()
      %add3A_186 = arith.constant 4 : i32
      %add3A_187 = arith.addi %add3A_170, %add3A_186 : i32
      %lt3A = arith.cmpi slt, %add3A_187, %select_n3A : i32
      %convert_element_type3A_188 = arith.extui %lt3A : i1 to i32
      %cond3A_189 = arith.constant 0 : i32
      %cond3A_190 = arith.cmpi ne, %convert_element_type3A_188, %cond3A_189 : i32
      scf.if %cond3A_190 {
        %add3A_263 = arith.constant 4 : i32
        %add3A_264 = arith.addi %add3A_170, %add3A_263 : i32
        %dma_start3A = arith.constant 0 : i32
        %dma_start3A_265 = arith.constant 0 : i32
        %dma_start3A_266 = arith.constant 0 : i32
        %dma_start3A_267 = tpu.memref_slice %arg8[%dma_start3A, %dma_start3A_265, %dma_start3A_266] : memref<4x128x64xf32, #tpu.memory_space<vmem>> -> memref<1x128x64xf32, #tpu.memory_space<vmem>>
        %dma_start3A_268 = tpu.memref_squeeze %dma_start3A_267 : memref<1x128x64xf32, #tpu.memory_space<vmem>> -> memref<128x64xf32, #tpu.memory_space<vmem>>
        %dma_start3A_269 = arith.constant 0 : i32
        %dma_start3A_270 = tpu.memref_slice %arg6[%add3A_264, %dma_start3A_269] : memref<160x128xi32, #tpu.memory_space<vmem>> -> memref<1x128xi32, #tpu.memory_space<vmem>>
        %dma_start3A_271 = tpu.memref_squeeze %dma_start3A_270 : memref<1x128xi32, #tpu.memory_space<vmem>> -> memref<128xi32, #tpu.memory_space<vmem>>
        %dma_start3A_272 = arith.constant 0 : i32
        %dma_start3A_273 = arith.constant 0 : i32
        %dma_start3A_274 = tpu.memref_slice %arg2[%while3A_150, %dma_start3A_272, %dma_start3A_273] : memref<2x10240x64xf32, #tpu.memory_space<hbm>> -> memref<1x10240x64xf32, #tpu.memory_space<hbm>>
        %dma_start3A_275 = tpu.memref_squeeze %dma_start3A_274 : memref<1x10240x64xf32, #tpu.memory_space<hbm>> -> memref<10240x64xf32, #tpu.memory_space<hbm>>
        %dma_start3A_276 = arith.constant 0 : i32
        %dma_start3A_277 = arith.constant 0 : i32
        %dma_start3A_278 = tpu.memref_slice %dma_start3A_275[%dma_start3A_276, %dma_start3A_277] : memref<10240x64xf32, #tpu.memory_space<hbm>> -> memref<10240x64xf32, #tpu.memory_space<hbm>>
        tpu.enqueue_indirect_dma source(%dma_start3A_278 : memref<10240x64xf32, #tpu.memory_space<hbm>>) target(%dma_start3A_268 : memref<128x64xf32, #tpu.memory_space<vmem>>) offsets(%dma_start3A_271 : memref<128xi32, #tpu.memory_space<vmem>>) semaphore(%arg11 : memref<!tpu.dma_semaphore, #tpu.memory_space<semaphore_mem>>)
      } else {
      }
      %add3A_191 = arith.constant 1 : i32
      %add3A_192 = arith.addi %mul3A_168, %add3A_191 : i32
      %dma_wait3A_193 = arith.constant 1 : i32
      %dma_wait3A_194 = arith.constant 0 : i32
      %dma_wait3A_195 = arith.constant 0 : i32
      %dma_wait3A_196 = tpu.memref_slice %arg8[%dma_wait3A_193, %dma_wait3A_194, %dma_wait3A_195] : memref<4x128x64xf32, #tpu.memory_space<vmem>> -> memref<1x128x64xf32, #tpu.memory_space<vmem>>
      %dma_wait3A_197 = tpu.memref_squeeze %dma_wait3A_196 : memref<1x128x64xf32, #tpu.memory_space<vmem>> -> memref<128x64xf32, #tpu.memory_space<vmem>>
      %dma_wait3A_198 = arith.constant 0 : i32
      %dma_wait3A_199 = tpu.memref_slice %arg6[%add3A_192, %dma_wait3A_198] : memref<160x128xi32, #tpu.memory_space<vmem>> -> memref<1x128xi32, #tpu.memory_space<vmem>>
      %dma_wait3A_200 = tpu.memref_squeeze %dma_wait3A_199 : memref<1x128xi32, #tpu.memory_space<vmem>> -> memref<128xi32, #tpu.memory_space<vmem>>
      %dma_wait3A_201 = arith.constant 0 : i32
      %dma_wait3A_202 = arith.constant 0 : i32
      %dma_wait3A_203 = tpu.memref_slice %arg2[%while3A_150, %dma_wait3A_201, %dma_wait3A_202] : memref<2x10240x64xf32, #tpu.memory_space<hbm>> -> memref<1x10240x64xf32, #tpu.memory_space<hbm>>
      %dma_wait3A_204 = tpu.memref_squeeze %dma_wait3A_203 : memref<1x10240x64xf32, #tpu.memory_space<hbm>> -> memref<10240x64xf32, #tpu.memory_space<hbm>>
      %dma_wait3A_205 = arith.constant 0 : i32
      %dma_wait3A_206 = arith.constant 0 : i32
      %dma_wait3A_207 = tpu.memref_slice %dma_wait3A_204[%dma_wait3A_205, %dma_wait3A_206] : memref<10240x64xf32, #tpu.memory_space<hbm>> -> memref<10240x64xf32, #tpu.memory_space<hbm>>
      tpu.wait_indirect_dma semaphore(%arg12 : memref<!tpu.dma_semaphore, #tpu.memory_space<semaphore_mem>>) src(%dma_wait3A_207 : memref<10240x64xf32, #tpu.memory_space<hbm>>) dst(%dma_wait3A_197 : memref<128x64xf32, #tpu.memory_space<vmem>>)
      %run_scoped3A_208 = arith.constant 1 : i32
      "tpu.region"() ({
        %run_scoped3A_263 = tpu.sem_alloc : memref<!tpu.dma_semaphore, #tpu.memory_space<semaphore_mem>>
        %dma_start3A = arith.constant 0 : i32
        %dma_start3A_264 = arith.constant 0 : i32
        %dma_start3A_265 = tpu.memref_slice %arg8[%run_scoped3A_208, %dma_start3A, %dma_start3A_264] : memref<4x128x64xf32, #tpu.memory_space<vmem>> -> memref<1x128x64xf32, #tpu.memory_space<vmem>>
        %dma_start3A_266 = tpu.memref_squeeze %dma_start3A_265 : memref<1x128x64xf32, #tpu.memory_space<vmem>> -> memref<128x64xf32, #tpu.memory_space<vmem>>
        %dma_start3A_267 = arith.constant 0 : i32
        %dma_start3A_268 = tpu.memref_slice %arg7[%add3A_192, %dma_start3A_267] : memref<160x128xi32, #tpu.memory_space<vmem>> -> memref<1x128xi32, #tpu.memory_space<vmem>>
        %dma_start3A_269 = tpu.memref_squeeze %dma_start3A_268 : memref<1x128xi32, #tpu.memory_space<vmem>> -> memref<128xi32, #tpu.memory_space<vmem>>
        %dma_start3A_270 = arith.constant 0 : i32
        %dma_start3A_271 = arith.constant 0 : i32
        %dma_start3A_272 = tpu.memref_slice %arg10[%dma_start3A_270, %dma_start3A_271] : memref<10240x64xf32, #tpu.memory_space<vmem_shared>> -> memref<10240x64xf32, #tpu.memory_space<vmem_shared>>
        tpu.enqueue_indirect_dma source(%dma_start3A_266 : memref<128x64xf32, #tpu.memory_space<vmem>>) target(%dma_start3A_272 : memref<10240x64xf32, #tpu.memory_space<vmem_shared>>) offsets(%dma_start3A_269 : memref<128xi32, #tpu.memory_space<vmem>>) semaphore(%run_scoped3A_263 : memref<!tpu.dma_semaphore, #tpu.memory_space<semaphore_mem>>) {add = true}
        %dma_wait3A_273 = arith.constant 0 : i32
        %dma_wait3A_274 = arith.constant 0 : i32
        %dma_wait3A_275 = tpu.memref_slice %arg8[%run_scoped3A_208, %dma_wait3A_273, %dma_wait3A_274] : memref<4x128x64xf32, #tpu.memory_space<vmem>> -> memref<1x128x64xf32, #tpu.memory_space<vmem>>
        %dma_wait3A_276 = tpu.memref_squeeze %dma_wait3A_275 : memref<1x128x64xf32, #tpu.memory_space<vmem>> -> memref<128x64xf32, #tpu.memory_space<vmem>>
        %dma_wait3A_277 = arith.constant 0 : i32
        %dma_wait3A_278 = tpu.memref_slice %arg7[%add3A_192, %dma_wait3A_277] : memref<160x128xi32, #tpu.memory_space<vmem>> -> memref<1x128xi32, #tpu.memory_space<vmem>>
        %dma_wait3A_279 = tpu.memref_squeeze %dma_wait3A_278 : memref<1x128xi32, #tpu.memory_space<vmem>> -> memref<128xi32, #tpu.memory_space<vmem>>
        %dma_wait3A_280 = arith.constant 0 : i32
        %dma_wait3A_281 = arith.constant 0 : i32
        %dma_wait3A_282 = tpu.memref_slice %arg10[%dma_wait3A_280, %dma_wait3A_281] : memref<10240x64xf32, #tpu.memory_space<vmem_shared>> -> memref<10240x64xf32, #tpu.memory_space<vmem_shared>>
        tpu.wait_indirect_dma semaphore(%run_scoped3A_263 : memref<!tpu.dma_semaphore, #tpu.memory_space<semaphore_mem>>) src(%dma_wait3A_276 : memref<128x64xf32, #tpu.memory_space<vmem>>) dst(%dma_wait3A_282 : memref<10240x64xf32, #tpu.memory_space<vmem_shared>>)
        tpu.yield
      }) : () -> ()
      %add3A_209 = arith.constant 4 : i32
      %add3A_210 = arith.addi %add3A_192, %add3A_209 : i32
      %lt3A_211 = arith.cmpi slt, %add3A_210, %select_n3A : i32
      %convert_element_type3A_212 = arith.extui %lt3A_211 : i1 to i32
      %cond3A_213 = arith.constant 0 : i32
      %cond3A_214 = arith.cmpi ne, %convert_element_type3A_212, %cond3A_213 : i32
      scf.if %cond3A_214 {
        %add3A_263 = arith.constant 4 : i32
        %add3A_264 = arith.addi %add3A_192, %add3A_263 : i32
        %dma_start3A = arith.constant 1 : i32
        %dma_start3A_265 = arith.constant 0 : i32
        %dma_start3A_266 = arith.constant 0 : i32
        %dma_start3A_267 = tpu.memref_slice %arg8[%dma_start3A, %dma_start3A_265, %dma_start3A_266] : memref<4x128x64xf32, #tpu.memory_space<vmem>> -> memref<1x128x64xf32, #tpu.memory_space<vmem>>
        %dma_start3A_268 = tpu.memref_squeeze %dma_start3A_267 : memref<1x128x64xf32, #tpu.memory_space<vmem>> -> memref<128x64xf32, #tpu.memory_space<vmem>>
        %dma_start3A_269 = arith.constant 0 : i32
        %dma_start3A_270 = tpu.memref_slice %arg6[%add3A_264, %dma_start3A_269] : memref<160x128xi32, #tpu.memory_space<vmem>> -> memref<1x128xi32, #tpu.memory_space<vmem>>
        %dma_start3A_271 = tpu.memref_squeeze %dma_start3A_270 : memref<1x128xi32, #tpu.memory_space<vmem>> -> memref<128xi32, #tpu.memory_space<vmem>>
        %dma_start3A_272 = arith.constant 0 : i32
        %dma_start3A_273 = arith.constant 0 : i32
        %dma_start3A_274 = tpu.memref_slice %arg2[%while3A_150, %dma_start3A_272, %dma_start3A_273] : memref<2x10240x64xf32, #tpu.memory_space<hbm>> -> memref<1x10240x64xf32, #tpu.memory_space<hbm>>
        %dma_start3A_275 = tpu.memref_squeeze %dma_start3A_274 : memref<1x10240x64xf32, #tpu.memory_space<hbm>> -> memref<10240x64xf32, #tpu.memory_space<hbm>>
        %dma_start3A_276 = arith.constant 0 : i32
        %dma_start3A_277 = arith.constant 0 : i32
        %dma_start3A_278 = tpu.memref_slice %dma_start3A_275[%dma_start3A_276, %dma_start3A_277] : memref<10240x64xf32, #tpu.memory_space<hbm>> -> memref<10240x64xf32, #tpu.memory_space<hbm>>
        tpu.enqueue_indirect_dma source(%dma_start3A_278 : memref<10240x64xf32, #tpu.memory_space<hbm>>) target(%dma_start3A_268 : memref<128x64xf32, #tpu.memory_space<vmem>>) offsets(%dma_start3A_271 : memref<128xi32, #tpu.memory_space<vmem>>) semaphore(%arg12 : memref<!tpu.dma_semaphore, #tpu.memory_space<semaphore_mem>>)
      } else {
      }
      %add3A_215 = arith.constant 2 : i32
      %add3A_216 = arith.addi %mul3A_168, %add3A_215 : i32
      %dma_wait3A_217 = arith.constant 2 : i32
      %dma_wait3A_218 = arith.constant 0 : i32
      %dma_wait3A_219 = arith.constant 0 : i32
      %dma_wait3A_220 = tpu.memref_slice %arg8[%dma_wait3A_217, %dma_wait3A_218, %dma_wait3A_219] : memref<4x128x64xf32, #tpu.memory_space<vmem>> -> memref<1x128x64xf32, #tpu.memory_space<vmem>>
      %dma_wait3A_221 = tpu.memref_squeeze %dma_wait3A_220 : memref<1x128x64xf32, #tpu.memory_space<vmem>> -> memref<128x64xf32, #tpu.memory_space<vmem>>
      %dma_wait3A_222 = arith.constant 0 : i32
      %dma_wait3A_223 = tpu.memref_slice %arg6[%add3A_216, %dma_wait3A_222] : memref<160x128xi32, #tpu.memory_space<vmem>> -> memref<1x128xi32, #tpu.memory_space<vmem>>
      %dma_wait3A_224 = tpu.memref_squeeze %dma_wait3A_223 : memref<1x128xi32, #tpu.memory_space<vmem>> -> memref<128xi32, #tpu.memory_space<vmem>>
      %dma_wait3A_225 = arith.constant 0 : i32
      %dma_wait3A_226 = arith.constant 0 : i32
      %dma_wait3A_227 = tpu.memref_slice %arg2[%while3A_150, %dma_wait3A_225, %dma_wait3A_226] : memref<2x10240x64xf32, #tpu.memory_space<hbm>> -> memref<1x10240x64xf32, #tpu.memory_space<hbm>>
      %dma_wait3A_228 = tpu.memref_squeeze %dma_wait3A_227 : memref<1x10240x64xf32, #tpu.memory_space<hbm>> -> memref<10240x64xf32, #tpu.memory_space<hbm>>
      %dma_wait3A_229 = arith.constant 0 : i32
      %dma_wait3A_230 = arith.constant 0 : i32
      %dma_wait3A_231 = tpu.memref_slice %dma_wait3A_228[%dma_wait3A_229, %dma_wait3A_230] : memref<10240x64xf32, #tpu.memory_space<hbm>> -> memref<10240x64xf32, #tpu.memory_space<hbm>>
      tpu.wait_indirect_dma semaphore(%arg13 : memref<!tpu.dma_semaphore, #tpu.memory_space<semaphore_mem>>) src(%dma_wait3A_231 : memref<10240x64xf32, #tpu.memory_space<hbm>>) dst(%dma_wait3A_221 : memref<128x64xf32, #tpu.memory_space<vmem>>)
      %run_scoped3A_232 = arith.constant 2 : i32
      "tpu.region"() ({
        %run_scoped3A_263 = tpu.sem_alloc : memref<!tpu.dma_semaphore, #tpu.memory_space<semaphore_mem>>
        %dma_start3A = arith.constant 0 : i32
        %dma_start3A_264 = arith.constant 0 : i32
        %dma_start3A_265 = tpu.memref_slice %arg8[%run_scoped3A_232, %dma_start3A, %dma_start3A_264] : memref<4x128x64xf32, #tpu.memory_space<vmem>> -> memref<1x128x64xf32, #tpu.memory_space<vmem>>
        %dma_start3A_266 = tpu.memref_squeeze %dma_start3A_265 : memref<1x128x64xf32, #tpu.memory_space<vmem>> -> memref<128x64xf32, #tpu.memory_space<vmem>>
        %dma_start3A_267 = arith.constant 0 : i32
        %dma_start3A_268 = tpu.memref_slice %arg7[%add3A_216, %dma_start3A_267] : memref<160x128xi32, #tpu.memory_space<vmem>> -> memref<1x128xi32, #tpu.memory_space<vmem>>
        %dma_start3A_269 = tpu.memref_squeeze %dma_start3A_268 : memref<1x128xi32, #tpu.memory_space<vmem>> -> memref<128xi32, #tpu.memory_space<vmem>>
        %dma_start3A_270 = arith.constant 0 : i32
        %dma_start3A_271 = arith.constant 0 : i32
        %dma_start3A_272 = tpu.memref_slice %arg10[%dma_start3A_270, %dma_start3A_271] : memref<10240x64xf32, #tpu.memory_space<vmem_shared>> -> memref<10240x64xf32, #tpu.memory_space<vmem_shared>>
        tpu.enqueue_indirect_dma source(%dma_start3A_266 : memref<128x64xf32, #tpu.memory_space<vmem>>) target(%dma_start3A_272 : memref<10240x64xf32, #tpu.memory_space<vmem_shared>>) offsets(%dma_start3A_269 : memref<128xi32, #tpu.memory_space<vmem>>) semaphore(%run_scoped3A_263 : memref<!tpu.dma_semaphore, #tpu.memory_space<semaphore_mem>>) {add = true}
        %dma_wait3A_273 = arith.constant 0 : i32
        %dma_wait3A_274 = arith.constant 0 : i32
        %dma_wait3A_275 = tpu.memref_slice %arg8[%run_scoped3A_232, %dma_wait3A_273, %dma_wait3A_274] : memref<4x128x64xf32, #tpu.memory_space<vmem>> -> memref<1x128x64xf32, #tpu.memory_space<vmem>>
        %dma_wait3A_276 = tpu.memref_squeeze %dma_wait3A_275 : memref<1x128x64xf32, #tpu.memory_space<vmem>> -> memref<128x64xf32, #tpu.memory_space<vmem>>
        %dma_wait3A_277 = arith.constant 0 : i32
        %dma_wait3A_278 = tpu.memref_slice %arg7[%add3A_216, %dma_wait3A_277] : memref<160x128xi32, #tpu.memory_space<vmem>> -> memref<1x128xi32, #tpu.memory_space<vmem>>
        %dma_wait3A_279 = tpu.memref_squeeze %dma_wait3A_278 : memref<1x128xi32, #tpu.memory_space<vmem>> -> memref<128xi32, #tpu.memory_space<vmem>>
        %dma_wait3A_280 = arith.constant 0 : i32
        %dma_wait3A_281 = arith.constant 0 : i32
        %dma_wait3A_282 = tpu.memref_slice %arg10[%dma_wait3A_280, %dma_wait3A_281] : memref<10240x64xf32, #tpu.memory_space<vmem_shared>> -> memref<10240x64xf32, #tpu.memory_space<vmem_shared>>
        tpu.wait_indirect_dma semaphore(%run_scoped3A_263 : memref<!tpu.dma_semaphore, #tpu.memory_space<semaphore_mem>>) src(%dma_wait3A_276 : memref<128x64xf32, #tpu.memory_space<vmem>>) dst(%dma_wait3A_282 : memref<10240x64xf32, #tpu.memory_space<vmem_shared>>)
        tpu.yield
      }) : () -> ()
      %add3A_233 = arith.constant 4 : i32
      %add3A_234 = arith.addi %add3A_216, %add3A_233 : i32
      %lt3A_235 = arith.cmpi slt, %add3A_234, %select_n3A : i32
      %convert_element_type3A_236 = arith.extui %lt3A_235 : i1 to i32
      %cond3A_237 = arith.constant 0 : i32
      %cond3A_238 = arith.cmpi ne, %convert_element_type3A_236, %cond3A_237 : i32
      scf.if %cond3A_238 {
        %add3A_263 = arith.constant 4 : i32
        %add3A_264 = arith.addi %add3A_216, %add3A_263 : i32
        %dma_start3A = arith.constant 2 : i32
        %dma_start3A_265 = arith.constant 0 : i32
        %dma_start3A_266 = arith.constant 0 : i32
        %dma_start3A_267 = tpu.memref_slice %arg8[%dma_start3A, %dma_start3A_265, %dma_start3A_266] : memref<4x128x64xf32, #tpu.memory_space<vmem>> -> memref<1x128x64xf32, #tpu.memory_space<vmem>>
        %dma_start3A_268 = tpu.memref_squeeze %dma_start3A_267 : memref<1x128x64xf32, #tpu.memory_space<vmem>> -> memref<128x64xf32, #tpu.memory_space<vmem>>
        %dma_start3A_269 = arith.constant 0 : i32
        %dma_start3A_270 = tpu.memref_slice %arg6[%add3A_264, %dma_start3A_269] : memref<160x128xi32, #tpu.memory_space<vmem>> -> memref<1x128xi32, #tpu.memory_space<vmem>>
        %dma_start3A_271 = tpu.memref_squeeze %dma_start3A_270 : memref<1x128xi32, #tpu.memory_space<vmem>> -> memref<128xi32, #tpu.memory_space<vmem>>
        %dma_start3A_272 = arith.constant 0 : i32
        %dma_start3A_273 = arith.constant 0 : i32
        %dma_start3A_274 = tpu.memref_slice %arg2[%while3A_150, %dma_start3A_272, %dma_start3A_273] : memref<2x10240x64xf32, #tpu.memory_space<hbm>> -> memref<1x10240x64xf32, #tpu.memory_space<hbm>>
        %dma_start3A_275 = tpu.memref_squeeze %dma_start3A_274 : memref<1x10240x64xf32, #tpu.memory_space<hbm>> -> memref<10240x64xf32, #tpu.memory_space<hbm>>
        %dma_start3A_276 = arith.constant 0 : i32
        %dma_start3A_277 = arith.constant 0 : i32
        %dma_start3A_278 = tpu.memref_slice %dma_start3A_275[%dma_start3A_276, %dma_start3A_277] : memref<10240x64xf32, #tpu.memory_space<hbm>> -> memref<10240x64xf32, #tpu.memory_space<hbm>>
        tpu.enqueue_indirect_dma source(%dma_start3A_278 : memref<10240x64xf32, #tpu.memory_space<hbm>>) target(%dma_start3A_268 : memref<128x64xf32, #tpu.memory_space<vmem>>) offsets(%dma_start3A_271 : memref<128xi32, #tpu.memory_space<vmem>>) semaphore(%arg13 : memref<!tpu.dma_semaphore, #tpu.memory_space<semaphore_mem>>)
      } else {
      }
      %add3A_239 = arith.constant 3 : i32
      %add3A_240 = arith.addi %mul3A_168, %add3A_239 : i32
      %dma_wait3A_241 = arith.constant 3 : i32
      %dma_wait3A_242 = arith.constant 0 : i32
      %dma_wait3A_243 = arith.constant 0 : i32
      %dma_wait3A_244 = tpu.memref_slice %arg8[%dma_wait3A_241, %dma_wait3A_242, %dma_wait3A_243] : memref<4x128x64xf32, #tpu.memory_space<vmem>> -> memref<1x128x64xf32, #tpu.memory_space<vmem>>
      %dma_wait3A_245 = tpu.memref_squeeze %dma_wait3A_244 : memref<1x128x64xf32, #tpu.memory_space<vmem>> -> memref<128x64xf32, #tpu.memory_space<vmem>>
      %dma_wait3A_246 = arith.constant 0 : i32
      %dma_wait3A_247 = tpu.memref_slice %arg6[%add3A_240, %dma_wait3A_246] : memref<160x128xi32, #tpu.memory_space<vmem>> -> memref<1x128xi32, #tpu.memory_space<vmem>>
      %dma_wait3A_248 = tpu.memref_squeeze %dma_wait3A_247 : memref<1x128xi32, #tpu.memory_space<vmem>> -> memref<128xi32, #tpu.memory_space<vmem>>
      %dma_wait3A_249 = arith.constant 0 : i32
      %dma_wait3A_250 = arith.constant 0 : i32
      %dma_wait3A_251 = tpu.memref_slice %arg2[%while3A_150, %dma_wait3A_249, %dma_wait3A_250] : memref<2x10240x64xf32, #tpu.memory_space<hbm>> -> memref<1x10240x64xf32, #tpu.memory_space<hbm>>
      %dma_wait3A_252 = tpu.memref_squeeze %dma_wait3A_251 : memref<1x10240x64xf32, #tpu.memory_space<hbm>> -> memref<10240x64xf32, #tpu.memory_space<hbm>>
      %dma_wait3A_253 = arith.constant 0 : i32
      %dma_wait3A_254 = arith.constant 0 : i32
      %dma_wait3A_255 = tpu.memref_slice %dma_wait3A_252[%dma_wait3A_253, %dma_wait3A_254] : memref<10240x64xf32, #tpu.memory_space<hbm>> -> memref<10240x64xf32, #tpu.memory_space<hbm>>
      tpu.wait_indirect_dma semaphore(%arg14 : memref<!tpu.dma_semaphore, #tpu.memory_space<semaphore_mem>>) src(%dma_wait3A_255 : memref<10240x64xf32, #tpu.memory_space<hbm>>) dst(%dma_wait3A_245 : memref<128x64xf32, #tpu.memory_space<vmem>>)
      %run_scoped3A_256 = arith.constant 3 : i32
      "tpu.region"() ({
        %run_scoped3A_263 = tpu.sem_alloc : memref<!tpu.dma_semaphore, #tpu.memory_space<semaphore_mem>>
        %dma_start3A = arith.constant 0 : i32
        %dma_start3A_264 = arith.constant 0 : i32
        %dma_start3A_265 = tpu.memref_slice %arg8[%run_scoped3A_256, %dma_start3A, %dma_start3A_264] : memref<4x128x64xf32, #tpu.memory_space<vmem>> -> memref<1x128x64xf32, #tpu.memory_space<vmem>>
        %dma_start3A_266 = tpu.memref_squeeze %dma_start3A_265 : memref<1x128x64xf32, #tpu.memory_space<vmem>> -> memref<128x64xf32, #tpu.memory_space<vmem>>
        %dma_start3A_267 = arith.constant 0 : i32
        %dma_start3A_268 = tpu.memref_slice %arg7[%add3A_240, %dma_start3A_267] : memref<160x128xi32, #tpu.memory_space<vmem>> -> memref<1x128xi32, #tpu.memory_space<vmem>>
        %dma_start3A_269 = tpu.memref_squeeze %dma_start3A_268 : memref<1x128xi32, #tpu.memory_space<vmem>> -> memref<128xi32, #tpu.memory_space<vmem>>
        %dma_start3A_270 = arith.constant 0 : i32
        %dma_start3A_271 = arith.constant 0 : i32
        %dma_start3A_272 = tpu.memref_slice %arg10[%dma_start3A_270, %dma_start3A_271] : memref<10240x64xf32, #tpu.memory_space<vmem_shared>> -> memref<10240x64xf32, #tpu.memory_space<vmem_shared>>
        tpu.enqueue_indirect_dma source(%dma_start3A_266 : memref<128x64xf32, #tpu.memory_space<vmem>>) target(%dma_start3A_272 : memref<10240x64xf32, #tpu.memory_space<vmem_shared>>) offsets(%dma_start3A_269 : memref<128xi32, #tpu.memory_space<vmem>>) semaphore(%run_scoped3A_263 : memref<!tpu.dma_semaphore, #tpu.memory_space<semaphore_mem>>) {add = true}
        %dma_wait3A_273 = arith.constant 0 : i32
        %dma_wait3A_274 = arith.constant 0 : i32
        %dma_wait3A_275 = tpu.memref_slice %arg8[%run_scoped3A_256, %dma_wait3A_273, %dma_wait3A_274] : memref<4x128x64xf32, #tpu.memory_space<vmem>> -> memref<1x128x64xf32, #tpu.memory_space<vmem>>
        %dma_wait3A_276 = tpu.memref_squeeze %dma_wait3A_275 : memref<1x128x64xf32, #tpu.memory_space<vmem>> -> memref<128x64xf32, #tpu.memory_space<vmem>>
        %dma_wait3A_277 = arith.constant 0 : i32
        %dma_wait3A_278 = tpu.memref_slice %arg7[%add3A_240, %dma_wait3A_277] : memref<160x128xi32, #tpu.memory_space<vmem>> -> memref<1x128xi32, #tpu.memory_space<vmem>>
        %dma_wait3A_279 = tpu.memref_squeeze %dma_wait3A_278 : memref<1x128xi32, #tpu.memory_space<vmem>> -> memref<128xi32, #tpu.memory_space<vmem>>
        %dma_wait3A_280 = arith.constant 0 : i32
        %dma_wait3A_281 = arith.constant 0 : i32
        %dma_wait3A_282 = tpu.memref_slice %arg10[%dma_wait3A_280, %dma_wait3A_281] : memref<10240x64xf32, #tpu.memory_space<vmem_shared>> -> memref<10240x64xf32, #tpu.memory_space<vmem_shared>>
        tpu.wait_indirect_dma semaphore(%run_scoped3A_263 : memref<!tpu.dma_semaphore, #tpu.memory_space<semaphore_mem>>) src(%dma_wait3A_276 : memref<128x64xf32, #tpu.memory_space<vmem>>) dst(%dma_wait3A_282 : memref<10240x64xf32, #tpu.memory_space<vmem_shared>>)
        tpu.yield
      }) : () -> ()
      %add3A_257 = arith.constant 4 : i32
      %add3A_258 = arith.addi %add3A_240, %add3A_257 : i32
      %lt3A_259 = arith.cmpi slt, %add3A_258, %select_n3A : i32
      %convert_element_type3A_260 = arith.extui %lt3A_259 : i1 to i32
      %cond3A_261 = arith.constant 0 : i32
      %cond3A_262 = arith.cmpi ne, %convert_element_type3A_260, %cond3A_261 : i32
      scf.if %cond3A_262 {
        %add3A_263 = arith.constant 4 : i32
        %add3A_264 = arith.addi %add3A_240, %add3A_263 : i32
        %dma_start3A = arith.constant 3 : i32
        %dma_start3A_265 = arith.constant 0 : i32
        %dma_start3A_266 = arith.constant 0 : i32
        %dma_start3A_267 = tpu.memref_slice %arg8[%dma_start3A, %dma_start3A_265, %dma_start3A_266] : memref<4x128x64xf32, #tpu.memory_space<vmem>> -> memref<1x128x64xf32, #tpu.memory_space<vmem>>
        %dma_start3A_268 = tpu.memref_squeeze %dma_start3A_267 : memref<1x128x64xf32, #tpu.memory_space<vmem>> -> memref<128x64xf32, #tpu.memory_space<vmem>>
        %dma_start3A_269 = arith.constant 0 : i32
        %dma_start3A_270 = tpu.memref_slice %arg6[%add3A_264, %dma_start3A_269] : memref<160x128xi32, #tpu.memory_space<vmem>> -> memref<1x128xi32, #tpu.memory_space<vmem>>
        %dma_start3A_271 = tpu.memref_squeeze %dma_start3A_270 : memref<1x128xi32, #tpu.memory_space<vmem>> -> memref<128xi32, #tpu.memory_space<vmem>>
        %dma_start3A_272 = arith.constant 0 : i32
        %dma_start3A_273 = arith.constant 0 : i32
        %dma_start3A_274 = tpu.memref_slice %arg2[%while3A_150, %dma_start3A_272, %dma_start3A_273] : memref<2x10240x64xf32, #tpu.memory_space<hbm>> -> memref<1x10240x64xf32, #tpu.memory_space<hbm>>
        %dma_start3A_275 = tpu.memref_squeeze %dma_start3A_274 : memref<1x10240x64xf32, #tpu.memory_space<hbm>> -> memref<10240x64xf32, #tpu.memory_space<hbm>>
        %dma_start3A_276 = arith.constant 0 : i32
        %dma_start3A_277 = arith.constant 0 : i32
        %dma_start3A_278 = tpu.memref_slice %dma_start3A_275[%dma_start3A_276, %dma_start3A_277] : memref<10240x64xf32, #tpu.memory_space<hbm>> -> memref<10240x64xf32, #tpu.memory_space<hbm>>
        tpu.enqueue_indirect_dma source(%dma_start3A_278 : memref<10240x64xf32, #tpu.memory_space<hbm>>) target(%dma_start3A_268 : memref<128x64xf32, #tpu.memory_space<vmem>>) offsets(%dma_start3A_271 : memref<128xi32, #tpu.memory_space<vmem>>) semaphore(%arg14 : memref<!tpu.dma_semaphore, #tpu.memory_space<semaphore_mem>>)
      } else {
      }
    }
    %barrier3A_160 = arith.constant 0 : index
    tpu.barrier barrier_id(%barrier3A_160)
    %mul3A_161 = arith.constant 640 : i32
    %mul3A_162 = arith.muli %arg1, %mul3A_161 : i32
    %mul3A_163 = arith.constant 640 : i32
    %mul3A_164 = arith.muli %arg1, %mul3A_163 : i32
    %run_scoped3A_165 = arith.constant 1 : i32
    "tpu.region"() ({
      %run_scoped3A_166 = tpu.sem_alloc : memref<!tpu.dma_semaphore, #tpu.memory_space<semaphore_mem>>
      %dma_start3A = arith.constant 0 : i32
      %dma_start3A_167 = tpu.memref_slice %arg5[%run_scoped3A_165, %arg0, %mul3A_164, %dma_start3A] : memref<2x2x10240x64xf32, #tpu.memory_space<hbm>> -> memref<1x1x640x64xf32, #tpu.memory_space<hbm>>
      %dma_start3A_168 = tpu.memref_squeeze %dma_start3A_167 : memref<1x1x640x64xf32, #tpu.memory_space<hbm>> -> memref<640x64xf32, #tpu.memory_space<hbm>>
      %dma_start3A_169 = arith.constant 0 : i32
      %dma_start3A_170 = tpu.memref_slice %arg10[%mul3A_162, %dma_start3A_169] : memref<10240x64xf32, #tpu.memory_space<vmem_shared>> -> memref<640x64xf32, #tpu.memory_space<vmem_shared>>
      tpu.enqueue_dma source(%dma_start3A_170 : memref<640x64xf32, #tpu.memory_space<vmem_shared>>) target(%dma_start3A_168 : memref<640x64xf32, #tpu.memory_space<hbm>>) target_semaphore(%run_scoped3A_166 : memref<!tpu.dma_semaphore, #tpu.memory_space<semaphore_mem>>)
      %dma_wait3A = arith.constant 0 : i32
      %dma_wait3A_171 = tpu.memref_slice %arg5[%run_scoped3A_165, %arg0, %mul3A_164, %dma_wait3A] : memref<2x2x10240x64xf32, #tpu.memory_space<hbm>> -> memref<1x1x640x64xf32, #tpu.memory_space<hbm>>
      %dma_wait3A_172 = tpu.memref_squeeze %dma_wait3A_171 : memref<1x1x640x64xf32, #tpu.memory_space<hbm>> -> memref<640x64xf32, #tpu.memory_space<hbm>>
      %dma_wait3A_173 = arith.constant 0 : i32
      %dma_wait3A_174 = tpu.memref_slice %arg10[%mul3A_162, %dma_wait3A_173] : memref<10240x64xf32, #tpu.memory_space<vmem_shared>> -> memref<640x64xf32, #tpu.memory_space<vmem_shared>>
      tpu.wait_dma2 semaphore(%run_scoped3A_166 : memref<!tpu.dma_semaphore, #tpu.memory_space<semaphore_mem>>) src(%dma_wait3A_174 : memref<640x64xf32, #tpu.memory_space<vmem_shared>>) dst(%dma_wait3A_172 : memref<640x64xf32, #tpu.memory_space<hbm>>)
      tpu.yield
    }) : () -> ()
    return
  }
}

module attributes {stable_mosaic.version = 14 : i64} {
  func.func @_prep_body(%arg0: i32, %arg1: memref<512x128xf32, #tpu.memory_space<vmem>>, %arg2: memref<128x128xf32, #tpu.memory_space<vmem>>, %arg3: memref<2x512x16xf32, #tpu.memory_space<vmem>>, %arg4: memref<2x512x64xf32, #tpu.memory_space<vmem>>) attributes {dimension_semantics = [#tpu.dimension_semantics<arbitrary>], iteration_bounds = array<i64: 20>, scalar_prefetch = 0 : i64, scratch_operands = 0 : i64, tpu.core_type = #tpu.core_type<tc>, window_params = [{transform_indices = @transform_0, window_bounds = array<i64: 512, 128>}, {pipeline_mode = #tpu.pipeline_mode<synchronous>, transform_indices = @transform_1, window_bounds = array<i64: 128, 128>}, {transform_indices = @transform_2, window_bounds = array<i64: 2, 512, 16>}, {transform_indices = @transform_3, window_bounds = array<i64: 2, 512, 64>}]} {
    %get3A = arith.constant 0 : index
    %get3A_0 = arith.constant 0 : index
    %get3A_1 = arith.constant 0 : index
    %get3A_2 = vector.load %arg3[%get3A, %get3A_0, %get3A_1] : memref<2x512x16xf32, #tpu.memory_space<vmem>>, vector<1x512x1xf32>
    %get3A_3 = vector.shape_cast %get3A_2 : vector<1x512x1xf32> to vector<512x1xf32>
    %get3A_4 = arith.constant 1 : index
    %get3A_5 = arith.constant 0 : index
    %get3A_6 = arith.constant 0 : index
    %get3A_7 = vector.load %arg3[%get3A_4, %get3A_5, %get3A_6] : memref<2x512x16xf32, #tpu.memory_space<vmem>>, vector<1x512x1xf32>
    %get3A_8 = vector.shape_cast %get3A_7 : vector<1x512x1xf32> to vector<512x1xf32>
    %add3A = arith.addf %get3A_3, %get3A_8 : vector<512x1xf32>
    %add3A_9 = arith.constant 1.000000e+00 : f32
    %add3A_10 = vector.broadcast %add3A_9 : f32 to vector<512x1xf32>
    %add3A_11 = arith.addf %add3A, %add3A_10 : vector<512x1xf32>
    %rsqrt3A = math.rsqrt %add3A_11 : vector<512x1xf32>
    %get3A_12 = arith.constant 0 : index
    %get3A_13 = arith.constant 0 : index
    %get3A_14 = vector.load %arg1[%get3A_12, %get3A_13] : memref<512x128xf32, #tpu.memory_space<vmem>>, vector<512x128xf32>
    %get3A_15 = arith.constant 0 : index
    %get3A_16 = arith.constant 0 : index
    %get3A_17 = vector.load %arg2[%get3A_15, %get3A_16] : memref<128x128xf32, #tpu.memory_space<vmem>>, vector<128x128xf32>
    %dot_general3A = arith.constant dense<0.000000e+00> : vector<512x128xf32>
    %dot_general3A_18 = tpu.matmul %get3A_14, %get3A_17, %dot_general3A {dimension_numbers = #tpu.dot_dimension_numbers<[1], [0], [0], [1], [0, 0, 1, 1], [], []>, transpose_lhs_hint = false} : vector<512x128xf32>, vector<128x128xf32>, vector<512x128xf32> -> vector<512x128xf32>
    %mul3A = vector.broadcast %rsqrt3A : vector<512x1xf32> to vector<512x128xf32>
    %mul3A_19 = arith.mulf %dot_general3A_18, %mul3A : vector<512x128xf32>
    %slice3A = vector.extract_strided_slice %mul3A_19 {offsets = [0, 0], sizes = [512, 64], strides = [1, 1]} : vector<512x128xf32> to vector<512x64xf32>
    %swap3A = arith.constant 0 : index
    %swap3A_20 = arith.constant 0 : index
    %swap3A_21 = arith.constant 0 : index
    %swap3A_22 = vector.load %arg4[%swap3A, %swap3A_20, %swap3A_21] : memref<2x512x64xf32, #tpu.memory_space<vmem>>, vector<1x512x64xf32>
    %swap3A_23 = vector.shape_cast %swap3A_22 : vector<1x512x64xf32> to vector<512x64xf32>
    %swap3A_24 = vector.shape_cast %slice3A : vector<512x64xf32> to vector<1x512x64xf32>
    tpu.vector_store %arg4[%swap3A, %swap3A_20, %swap3A_21], %swap3A_24 {strides = array<i32>} : memref<2x512x64xf32, #tpu.memory_space<vmem>>, vector<1x512x64xf32>,
    %slice3A_25 = vector.extract_strided_slice %mul3A_19 {offsets = [0, 64], sizes = [512, 64], strides = [1, 1]} : vector<512x128xf32> to vector<512x64xf32>
    %swap3A_26 = arith.constant 1 : index
    %swap3A_27 = arith.constant 0 : index
    %swap3A_28 = arith.constant 0 : index
    %swap3A_29 = vector.load %arg4[%swap3A_26, %swap3A_27, %swap3A_28] : memref<2x512x64xf32, #tpu.memory_space<vmem>>, vector<1x512x64xf32>
    %swap3A_30 = vector.shape_cast %swap3A_29 : vector<1x512x64xf32> to vector<512x64xf32>
    %swap3A_31 = vector.shape_cast %slice3A_25 : vector<512x64xf32> to vector<1x512x64xf32>
    tpu.vector_store %arg4[%swap3A_26, %swap3A_27, %swap3A_28], %swap3A_31 {strides = array<i32>} : memref<2x512x64xf32, #tpu.memory_space<vmem>>, vector<1x512x64xf32>,
    return
  }
  func.func @transform_0(%arg0: i32) -> (i32, i32) {
    %c0_i32 = arith.constant 0 : i32
    %c0_i32_0 = arith.constant 0 : i32
    return %arg0, %c0_i32 : i32, i32
  }
  func.func @transform_1(%arg0: i32) -> (i32, i32) {
    %c0_i32 = arith.constant 0 : i32
    %c0_i32_0 = arith.constant 0 : i32
    %c0_i32_1 = arith.constant 0 : i32
    return %c0_i32, %c0_i32_0 : i32, i32
  }
  func.func @transform_2(%arg0: i32) -> (i32, i32, i32) {
    %c0_i32 = arith.constant 0 : i32
    %c0_i32_0 = arith.constant 0 : i32
    %c0_i32_1 = arith.constant 0 : i32
    return %c0_i32, %arg0, %c0_i32_0 : i32, i32, i32
  }
  func.func @transform_3(%arg0: i32) -> (i32, i32, i32) {
    %c0_i32 = arith.constant 0 : i32
    %c0_i32_0 = arith.constant 0 : i32
    %c0_i32_1 = arith.constant 0 : i32
    return %c0_i32, %arg0, %c0_i32_0 : i32, i32, i32
  }
}

module attributes {stable_mosaic.version = 14 : i64} {
  func.func @_mid_body(%arg0: i32, %arg1: memref<2x512x64xf32, #tpu.memory_space<vmem>>, %arg2: memref<2x512x64xf32, #tpu.memory_space<vmem>>, %arg3: memref<2x512x64xf32, #tpu.memory_space<vmem>>, %arg4: memref<2x512x16xf32, #tpu.memory_space<vmem>>, %arg5: memref<1x128xf32, #tpu.memory_space<vmem>>, %arg6: memref<128x64xf32, #tpu.memory_space<vmem>>, %arg7: memref<512x64xf32, #tpu.memory_space<vmem>>) attributes {dimension_semantics = [#tpu.dimension_semantics<arbitrary>], iteration_bounds = array<i64: 20>, scalar_prefetch = 0 : i64, scratch_operands = 0 : i64, tpu.core_type = #tpu.core_type<tc>, window_params = [{transform_indices = @transform_0, window_bounds = array<i64: 2, 512, 64>}, {transform_indices = @transform_1, window_bounds = array<i64: 2, 512, 64>}, {transform_indices = @transform_2, window_bounds = array<i64: 2, 512, 64>}, {transform_indices = @transform_3, window_bounds = array<i64: 2, 512, 16>}, {pipeline_mode = #tpu.pipeline_mode<synchronous>, transform_indices = @transform_4, window_bounds = array<i64: 1, 128>}, {pipeline_mode = #tpu.pipeline_mode<synchronous>, transform_indices = @transform_5, window_bounds = array<i64: 128, 64>}, {transform_indices = @transform_6, window_bounds = array<i64: 512, 64>}]} {
    %get3A = arith.constant 0 : index
    %get3A_0 = arith.constant 0 : index
    %get3A_1 = arith.constant 0 : index
    %get3A_2 = vector.load %arg4[%get3A, %get3A_0, %get3A_1] : memref<2x512x16xf32, #tpu.memory_space<vmem>>, vector<1x512x1xf32>
    %get3A_3 = vector.shape_cast %get3A_2 : vector<1x512x1xf32> to vector<512x1xf32>
    %get3A_4 = arith.constant 1 : index
    %get3A_5 = arith.constant 0 : index
    %get3A_6 = arith.constant 0 : index
    %get3A_7 = vector.load %arg4[%get3A_4, %get3A_5, %get3A_6] : memref<2x512x16xf32, #tpu.memory_space<vmem>>, vector<1x512x1xf32>
    %get3A_8 = vector.shape_cast %get3A_7 : vector<1x512x1xf32> to vector<512x1xf32>
    %add3A = arith.addf %get3A_3, %get3A_8 : vector<512x1xf32>
    %add3A_9 = arith.constant 1.000000e+00 : f32
    %add3A_10 = vector.broadcast %add3A_9 : f32 to vector<512x1xf32>
    %add3A_11 = arith.addf %add3A, %add3A_10 : vector<512x1xf32>
    %rsqrt3A = math.rsqrt %add3A_11 : vector<512x1xf32>
    %get3A_12 = arith.constant 0 : index
    %get3A_13 = arith.constant 0 : index
    %get3A_14 = arith.constant 0 : index
    %get3A_15 = vector.load %arg1[%get3A_12, %get3A_13, %get3A_14] : memref<2x512x64xf32, #tpu.memory_space<vmem>>, vector<1x512x64xf32>
    %get3A_16 = vector.shape_cast %get3A_15 : vector<1x512x64xf32> to vector<512x64xf32>
    %get3A_17 = arith.constant 1 : index
    %get3A_18 = arith.constant 0 : index
    %get3A_19 = arith.constant 0 : index
    %get3A_20 = vector.load %arg1[%get3A_17, %get3A_18, %get3A_19] : memref<2x512x64xf32, #tpu.memory_space<vmem>>, vector<1x512x64xf32>
    %get3A_21 = vector.shape_cast %get3A_20 : vector<1x512x64xf32> to vector<512x64xf32>
    %add3A_22 = arith.addf %get3A_16, %get3A_21 : vector<512x64xf32>
    %get3A_23 = arith.constant 0 : index
    %get3A_24 = arith.constant 0 : index
    %get3A_25 = arith.constant 0 : index
    %get3A_26 = vector.load %arg3[%get3A_23, %get3A_24, %get3A_25] : memref<2x512x64xf32, #tpu.memory_space<vmem>>, vector<1x512x64xf32>
    %get3A_27 = vector.shape_cast %get3A_26 : vector<1x512x64xf32> to vector<512x64xf32>
    %add3A_28 = arith.addf %add3A_22, %get3A_27 : vector<512x64xf32>
    %get3A_29 = arith.constant 0 : index
    %get3A_30 = arith.constant 0 : index
    %get3A_31 = arith.constant 0 : index
    %get3A_32 = vector.load %arg2[%get3A_29, %get3A_30, %get3A_31] : memref<2x512x64xf32, #tpu.memory_space<vmem>>, vector<1x512x64xf32>
    %get3A_33 = vector.shape_cast %get3A_32 : vector<1x512x64xf32> to vector<512x64xf32>
    %get3A_34 = arith.constant 1 : index
    %get3A_35 = arith.constant 0 : index
    %get3A_36 = arith.constant 0 : index
    %get3A_37 = vector.load %arg2[%get3A_34, %get3A_35, %get3A_36] : memref<2x512x64xf32, #tpu.memory_space<vmem>>, vector<1x512x64xf32>
    %get3A_38 = vector.shape_cast %get3A_37 : vector<1x512x64xf32> to vector<512x64xf32>
    %add3A_39 = arith.addf %get3A_33, %get3A_38 : vector<512x64xf32>
    %get3A_40 = arith.constant 1 : index
    %get3A_41 = arith.constant 0 : index
    %get3A_42 = arith.constant 0 : index
    %get3A_43 = vector.load %arg3[%get3A_40, %get3A_41, %get3A_42] : memref<2x512x64xf32, #tpu.memory_space<vmem>>, vector<1x512x64xf32>
    %get3A_44 = vector.shape_cast %get3A_43 : vector<1x512x64xf32> to vector<512x64xf32>
    %add3A_45 = arith.addf %add3A_39, %get3A_44 : vector<512x64xf32>
    %concatenate3A = tpu.concatenate %add3A_28, %add3A_45 in 1 : vector<512x64xf32>, vector<512x64xf32> -> vector<512x128xf32>
    %mul3A = vector.broadcast %rsqrt3A : vector<512x1xf32> to vector<512x128xf32>
    %mul3A_46 = arith.mulf %concatenate3A, %mul3A : vector<512x128xf32>
    %get3A_47 = arith.constant 0 : index
    %get3A_48 = arith.constant 0 : index
    %get3A_49 = vector.load %arg5[%get3A_47, %get3A_48] : memref<1x128xf32, #tpu.memory_space<vmem>>, vector<1x128xf32>
    %add3A_50 = vector.broadcast %get3A_49 : vector<1x128xf32> to vector<512x128xf32>
    %add3A_51 = arith.addf %mul3A_46, %add3A_50 : vector<512x128xf32>
    %max3A = arith.constant 0.000000e+00 : f32
    %max3A_52 = vector.broadcast %max3A : f32 to vector<512x128xf32>
    %max3A_53 = arith.maximumf %add3A_51, %max3A_52 : vector<512x128xf32>
    %get3A_54 = arith.constant 0 : index
    %get3A_55 = arith.constant 0 : index
    %get3A_56 = vector.load %arg6[%get3A_54, %get3A_55] : memref<128x64xf32, #tpu.memory_space<vmem>>, vector<128x64xf32>
    %dot_general3A = arith.constant dense<0.000000e+00> : vector<512x64xf32>
    %dot_general3A_57 = tpu.matmul %max3A_53, %get3A_56, %dot_general3A {dimension_numbers = #tpu.dot_dimension_numbers<[1], [0], [0], [1], [0, 0, 1, 1], [], []>, transpose_lhs_hint = false} : vector<512x128xf32>, vector<128x64xf32>, vector<512x64xf32> -> vector<512x64xf32>
    %mul3A_58 = vector.broadcast %rsqrt3A : vector<512x1xf32> to vector<512x64xf32>
    %mul3A_59 = arith.mulf %dot_general3A_57, %mul3A_58 : vector<512x64xf32>
    %swap3A = arith.constant 0 : index
    %swap3A_60 = arith.constant 0 : index
    %swap3A_61 = vector.load %arg7[%swap3A, %swap3A_60] : memref<512x64xf32, #tpu.memory_space<vmem>>, vector<512x64xf32>
    tpu.vector_store %arg7[%swap3A, %swap3A_60], %mul3A_59 {strides = array<i32>} : memref<512x64xf32, #tpu.memory_space<vmem>>, vector<512x64xf32>,
    return
  }
  func.func @transform_0(%arg0: i32) -> (i32, i32, i32) {
    %c0_i32 = arith.constant 0 : i32
    %c0_i32_0 = arith.constant 0 : i32
    %c0_i32_1 = arith.constant 0 : i32
    return %c0_i32, %arg0, %c0_i32_0 : i32, i32, i32
  }
  func.func @transform_1(%arg0: i32) -> (i32, i32, i32) {
    %c0_i32 = arith.constant 0 : i32
    %c0_i32_0 = arith.constant 0 : i32
    %c0_i32_1 = arith.constant 0 : i32
    return %c0_i32, %arg0, %c0_i32_0 : i32, i32, i32
  }
  func.func @transform_2(%arg0: i32) -> (i32, i32, i32) {
    %c0_i32 = arith.constant 0 : i32
    %c0_i32_0 = arith.constant 0 : i32
    %c0_i32_1 = arith.constant 0 : i32
    return %c0_i32, %arg0, %c0_i32_0 : i32, i32, i32
  }
  func.func @transform_3(%arg0: i32) -> (i32, i32, i32) {
    %c0_i32 = arith.constant 0 : i32
    %c0_i32_0 = arith.constant 0 : i32
    %c0_i32_1 = arith.constant 0 : i32
    return %c0_i32, %arg0, %c0_i32_0 : i32, i32, i32
  }
  func.func @transform_4(%arg0: i32) -> (i32, i32) {
    %c0_i32 = arith.constant 0 : i32
    %c0_i32_0 = arith.constant 0 : i32
    %c0_i32_1 = arith.constant 0 : i32
    return %c0_i32, %c0_i32_0 : i32, i32
  }
  func.func @transform_5(%arg0: i32) -> (i32, i32) {
    %c0_i32 = arith.constant 0 : i32
    %c0_i32_0 = arith.constant 0 : i32
    %c0_i32_1 = arith.constant 0 : i32
    return %c0_i32, %c0_i32_0 : i32, i32
  }
  func.func @transform_6(%arg0: i32) -> (i32, i32) {
    %c0_i32 = arith.constant 0 : i32
    %c0_i32_0 = arith.constant 0 : i32
    return %arg0, %c0_i32 : i32, i32
  }
}

module attributes {stable_mosaic.version = 14 : i64} {
  func.func @_fin_body(%arg0: i32, %arg1: memref<2x512x64xf32, #tpu.memory_space<vmem>>, %arg2: memref<512x64xf32, #tpu.memory_space<vmem>>, %arg3: memref<2x512x16xf32, #tpu.memory_space<vmem>>, %arg4: memref<1x64xf32, #tpu.memory_space<vmem>>, %arg5: memref<512x64xf32, #tpu.memory_space<vmem>>) attributes {dimension_semantics = [#tpu.dimension_semantics<arbitrary>], iteration_bounds = array<i64: 20>, scalar_prefetch = 0 : i64, scratch_operands = 0 : i64, tpu.core_type = #tpu.core_type<tc>, window_params = [{transform_indices = @transform_0, window_bounds = array<i64: 2, 512, 64>}, {transform_indices = @transform_1, window_bounds = array<i64: 512, 64>}, {transform_indices = @transform_2, window_bounds = array<i64: 2, 512, 16>}, {pipeline_mode = #tpu.pipeline_mode<synchronous>, transform_indices = @transform_3, window_bounds = array<i64: 1, 64>}, {transform_indices = @transform_4, window_bounds = array<i64: 512, 64>}]} {
    %get3A = arith.constant 0 : index
    %get3A_0 = arith.constant 0 : index
    %get3A_1 = arith.constant 0 : index
    %get3A_2 = vector.load %arg3[%get3A, %get3A_0, %get3A_1] : memref<2x512x16xf32, #tpu.memory_space<vmem>>, vector<1x512x1xf32>
    %get3A_3 = vector.shape_cast %get3A_2 : vector<1x512x1xf32> to vector<512x1xf32>
    %get3A_4 = arith.constant 1 : index
    %get3A_5 = arith.constant 0 : index
    %get3A_6 = arith.constant 0 : index
    %get3A_7 = vector.load %arg3[%get3A_4, %get3A_5, %get3A_6] : memref<2x512x16xf32, #tpu.memory_space<vmem>>, vector<1x512x1xf32>
    %get3A_8 = vector.shape_cast %get3A_7 : vector<1x512x1xf32> to vector<512x1xf32>
    %add3A = arith.addf %get3A_3, %get3A_8 : vector<512x1xf32>
    %add3A_9 = arith.constant 1.000000e+00 : f32
    %add3A_10 = vector.broadcast %add3A_9 : f32 to vector<512x1xf32>
    %add3A_11 = arith.addf %add3A, %add3A_10 : vector<512x1xf32>
    %rsqrt3A = math.rsqrt %add3A_11 : vector<512x1xf32>
    %get3A_12 = arith.constant 0 : index
    %get3A_13 = arith.constant 0 : index
    %get3A_14 = arith.constant 0 : index
    %get3A_15 = vector.load %arg1[%get3A_12, %get3A_13, %get3A_14] : memref<2x512x64xf32, #tpu.memory_space<vmem>>, vector<1x512x64xf32>
    %get3A_16 = vector.shape_cast %get3A_15 : vector<1x512x64xf32> to vector<512x64xf32>
    %get3A_17 = arith.constant 1 : index
    %get3A_18 = arith.constant 0 : index
    %get3A_19 = arith.constant 0 : index
    %get3A_20 = vector.load %arg1[%get3A_17, %get3A_18, %get3A_19] : memref<2x512x64xf32, #tpu.memory_space<vmem>>, vector<1x512x64xf32>
    %get3A_21 = vector.shape_cast %get3A_20 : vector<1x512x64xf32> to vector<512x64xf32>
    %add3A_22 = arith.addf %get3A_16, %get3A_21 : vector<512x64xf32>
    %get3A_23 = arith.constant 0 : index
    %get3A_24 = arith.constant 0 : index
    %get3A_25 = vector.load %arg2[%get3A_23, %get3A_24] : memref<512x64xf32, #tpu.memory_space<vmem>>, vector<512x64xf32>
    %add3A_26 = arith.addf %add3A_22, %get3A_25 : vector<512x64xf32>
    %mul3A = vector.broadcast %rsqrt3A : vector<512x1xf32> to vector<512x64xf32>
    %mul3A_27 = arith.mulf %add3A_26, %mul3A : vector<512x64xf32>
    %get3A_28 = arith.constant 0 : index
    %get3A_29 = arith.constant 0 : index
    %get3A_30 = vector.load %arg4[%get3A_28, %get3A_29] : memref<1x64xf32, #tpu.memory_space<vmem>>, vector<1x64xf32>
    %add3A_31 = vector.broadcast %get3A_30 : vector<1x64xf32> to vector<512x64xf32>
    %add3A_32 = arith.addf %mul3A_27, %add3A_31 : vector<512x64xf32>
    %swap3A = arith.constant 0 : index
    %swap3A_33 = arith.constant 0 : index
    %swap3A_34 = vector.load %arg5[%swap3A, %swap3A_33] : memref<512x64xf32, #tpu.memory_space<vmem>>, vector<512x64xf32>
    tpu.vector_store %arg5[%swap3A, %swap3A_33], %add3A_32 {strides = array<i32>} : memref<512x64xf32, #tpu.memory_space<vmem>>, vector<512x64xf32>,
    return
  }
  func.func @transform_0(%arg0: i32) -> (i32, i32, i32) {
    %c0_i32 = arith.constant 0 : i32
    %c0_i32_0 = arith.constant 0 : i32
    %c0_i32_1 = arith.constant 0 : i32
    return %c0_i32, %arg0, %c0_i32_0 : i32, i32, i32
  }
  func.func @transform_1(%arg0: i32) -> (i32, i32) {
    %c0_i32 = arith.constant 0 : i32
    %c0_i32_0 = arith.constant 0 : i32
    return %arg0, %c0_i32 : i32, i32
  }
  func.func @transform_2(%arg0: i32) -> (i32, i32, i32) {
    %c0_i32 = arith.constant 0 : i32
    %c0_i32_0 = arith.constant 0 : i32
    %c0_i32_1 = arith.constant 0 : i32
    return %c0_i32, %arg0, %c0_i32_0 : i32, i32, i32
  }
  func.func @transform_3(%arg0: i32) -> (i32, i32) {
    %c0_i32 = arith.constant 0 : i32
    %c0_i32_0 = arith.constant 0 : i32
    %c0_i32_1 = arith.constant 0 : i32
    return %c0_i32, %c0_i32_0 : i32, i32
  }
  func.func @transform_4(%arg0: i32) -> (i32, i32) {
    %c0_i32 = arith.constant 0 : i32
    %c0_i32_0 = arith.constant 0 : i32
    return %arg0, %c0_i32 : i32, i32
  }
}

</mosaic_0001>

<sc_bundles>
// kernel: kernel.11.cloned.1.call-start
scs
__scs_entry_jumppad:
0x0: {  	(pc) =	sbr.rel $0x88, $3  }
0x1: {  	(tag) =	ssettag $0x0;
	lr =	simm.s32 $0x1  }
0x2: {  	[smem:$0x3F9B] =	sst lr;
	_ =	strace $0xD0000000  }
0x3: {  	_ = 	snop  }
0x4: {  	_ = 	snop  }
0x5: {  	_ = 	snop  }
0x6: {  	_ = 	snop  }
0x7: {  	_ = 	snop  }
__scs_overlays_trampoline_lowered:
0x8: {  	[smem:$0x3FAA] =	sst s0  }
0x9: {  	[smem:$0x3FAB] =	sst s1  }
0xa: {  	[smem:$0x3FAC] =	sst s2  }
0xb: {  	[smem:$0x3FAD] =	sst s3  }
0xc: {  	[smem:$0x3FAE] =	sst s4  }
0xd: {  	[smem:$0x3FAF] =	sst s5  }
0xe: {  	[smem:$0x3FB0] =	sst s6  }
0xf: {  	[smem:$0x3FB1] =	sst s7  }
0x10: {  	[smem:$0x3FB2] =	sst s8  }
0x11: {  	[smem:$0x3FB3] =	sst s9;
	s0 =	simm.s32 @!p0 $0x0  }
0x12: {  	s1 =	sld [smem:$0x3F99];
	s0 =	simm.s32 @p0 $0x1  }
0x13: {  	[smem:$0x3FB4] =	sst s0;
	s0 =	simm.s32 @!p1 $0x0  }
0x14: {  	s2 =	sld [smem:$0x3F98];
	s0 =	simm.s32 @p1 $0x1  }
0x15: {  	[smem:$0x3FB5] =	sst s0;
	s0 =	simm.s32 @!p2 $0x0  }
0x16: {  	s3 =	sld [smem:$0x3FDB];
	s0 =	simm.s32 @p2 $0x1  }
0x17: {  	s4 =	simm.s32 $0x1BF5;
	[smem:$0x3FB7] =	sst s0  }
0x18: {  	s0 =	sld [smem:$0x3F9A];
	_ =	swait.ge [sflag:s4], $0x0  }
0x19: {  	s7 =	sld [smem:$0x3F9B]  }
0x1a: {  	s8 =	sadd.s32 $0xFFFFE003, lr  }
0x1b: {  	s9 =	sadd.s32 $0xFFFFFEF7, lr;
	s5 =	simm.s32 $0xFFFFFFFF;
	p2 =	slt.u32 s8, $0xFFFFF086  }
0x1c: {  	p1 =	slt.u32 s9, $0xF7A;
	s5 =	simm.s32 @!p2 $0x0  }
0x1d: {  	s5 =	simm.s32 @p1 $0x1;
	p0 =	seq.s32 s7, s2  }
0x1e: {  	s7 =	smul.u32 @!p0 $0xF7A, s2;
	p2 =	seq.s32 @!p0 s5, $0x0  }
0x1f: {  	s9 =	smul.u32 $0xF7A, s1;
	s8 =	simm.s32 @!p0 $0x1BF5;
	p2 =	por !p2, p0  }
0x20: {  	[sflag:s8] =	ssyncset.s32 @!p0 $0xFFFFF086;
	s6 =	sadd.s32 @!p0 s3, s7;
	s7 =	simm.s32 @!p0 $0x108  }
0x21: {  	s3 =	sadd.s32 s3, s9;
	s6 =	sadd.s32 @!p0 $0x88, s6;
	s7 =	simm.s32 @p2 $0x1082  }
0x22: {  	[simem:s7], [sflag:s8] =	dma.local @!p0 [hbm:s6], $0xF7A  }
0x23: {  	s9 =	sor.u32 $0xD0000000, s2;
	s6 =	simm.s32 $0x108;
	_ =	swait.ge @!p0 [sflag:s8], $0x0  }
0x24: {  	s3 =	sadd.s32 $0x88, s3;
	s6 =	simm.s32 @!p1 $0x1082;
	[sflag:s4] =	ssyncset.s32 $0xFFFFF086  }
0x25: {  	[simem:s6], [sflag:s4] =	dma.local [hbm:s3], $0xF7A  }
0x26: {  	[smem:$0x3F9B] =	sst s1;
	(tag) =	ssettag s2;
	_ =	strace s9  }
0x27: {  	s1 =	sld [smem:$0x3FAB]  }
0x28: {  	s2 =	sld [smem:$0x3FAC]  }
0x29: {  	s4 =	sld [smem:$0x3FAE]  }
0x2a: {  	p0 =	seq.s32 s5, $0x0;
	s5 =	sld [smem:$0x3FAF]  }
0x2b: {  	s6 =	sld [smem:$0x3FB0]  }
0x2c: {  	s7 =	sld [smem:$0x3FB1]  }
0x2d: {  	s3 =	simm.s32 $0x108;
	s8 =	sld [smem:$0x3FB2]  }
0x2e: {  	s3 =	simm.s32 @!p0 $0x1082;
	s9 =	sld [smem:$0x3FB3]  }
0x2f: {  	lr =	sadd.s32 s0, s3;
	s0 =	sld [smem:$0x3FAA]  }
0x30: {  	s3 =	sld [smem:$0x3FAD]  }
0x31: {  	[smem:$0x3FB6] =	sst s10  }
0x32: {  	s10 =	sld [smem:$0x3FB4];
	_ =	sdelay $0x3  }
0x33: {  	p0 =	seq.s32 s10, $0x1;
	s10 =	sld [smem:$0x3FB6];
	_ =	sdelay $0x3  }
0x34: {  	[smem:$0x3FB6] =	sst s10  }
0x35: {  	s10 =	sld [smem:$0x3FB5];
	_ =	sdelay $0x3  }
0x36: {  	p1 =	seq.s32 s10, $0x1;
	s10 =	sld [smem:$0x3FB6];
	_ =	sdelay $0x3  }
0x37: {  	[smem:$0x3FB6] =	sst s10  }
0x38: {  	s10 =	sld [smem:$0x3FB7]  }
0x39: {  	_ = 	snop;
	(pc) =	sbr.ind lr, $3  }
0x3a: {  	_ = 	snop  }
0x3b: {  	_ = 	snop  }
0x3c: {  	p2 =	seq.s32 s10, $0x1;
	s10 =	sld [smem:$0x3FB6]  }
0x3d: {  	_ =	shalt  }
0x3e: {  	_ =	shalt  }
0x3f: {  	_ =	shalt  }
0x40: {  	_ =	shalt  }
0x41: {  	_ =	shalt  }
0x42: {  	_ =	shalt  }
0x43: {  	_ =	shalt  }
0x44: {  	_ =	shalt  }
0x45: {  	_ =	shalt  }
0x46: {  	_ =	shalt  }
0x47: {  	_ =	shalt  }
0x48: {  	_ =	shalt  }
0x49: {  	_ =	shalt  }
0x4a: {  	_ =	shalt  }
0x4b: {  	_ =	shalt  }
0x4c: {  	_ =	shalt  }
0x4d: {  	_ =	shalt  }
0x4e: {  	_ =	shalt  }
0x4f: {  	_ =	shalt  }
0x50: {  	_ =	shalt  }
0x51: {  	_ =	shalt  }
0x52: {  	_ =	shalt  }
0x53: {  	_ =	shalt  }
0x54: {  	_ =	shalt  }
0x55: {  	_ =	shalt  }
0x56: {  	_ =	shalt  }
0x57: {  	_ =	shalt  }
0x58: {  	_ =	shalt  }
0x59: {  	_ =	shalt  }
0x5a: {  	_ =	shalt  }
0x5b: {  	_ =	shalt  }
0x5c: {  	_ =	shalt  }
0x5d: {  	_ =	shalt  }
0x5e: {  	_ =	shalt  }
0x5f: {  	_ =	shalt  }
0x60: {  	_ =	shalt  }
0x61: {  	_ =	shalt  }
0x62: {  	_ =	shalt  }
0x63: {  	_ =	shalt  }
0x64: {  	_ =	shalt  }
0x65: {  	_ =	shalt  }
0x66: {  	_ =	shalt  }
0x67: {  	_ =	shalt  }
0x68: {  	_ =	shalt  }
0x69: {  	_ =	shalt  }
0x6a: {  	_ =	shalt  }
0x6b: {  	_ =	shalt  }
0x6c: {  	_ =	shalt  }
0x6d: {  	_ =	shalt  }
0x6e: {  	_ =	shalt  }
0x6f: {  	_ =	shalt  }
0x70: {  	_ =	shalt  }
0x71: {  	_ =	shalt  }
0x72: {  	_ =	shalt  }
0x73: {  	_ =	shalt  }
0x74: {  	_ =	shalt  }
0x75: {  	_ =	shalt  }
0x76: {  	_ =	shalt  }
0x77: {  	_ =	shalt  }
0x78: {  	_ =	shalt  }
0x79: {  	_ =	shalt  }
0x7a: {  	_ =	shalt  }
0x7b: {  	_ =	shalt  }
0x7c: {  	_ =	shalt  }
0x7d: {  	_ =	shalt  }
0x7e: {  	_ =	shalt  }
0x7f: {  	_ =	shalt  }
0x80: {  	_ =	shalt  }
0x81: {  	_ =	shalt  }
0x82: {  	_ =	shalt  }
0x83: {  	_ =	shalt  }
0x84: {  	_ =	shalt  }
0x85: {  	_ =	shalt  }
0x86: {  	_ =	shalt  }
0x87: {  	_ =	shalt  }
.Lfunc_end0:
.L_simem_size_0:
called_computation.1_lowered:
.L_overlay_start_0:
0x88: {  	s2 =	sld [smem:$0x3FD9]  }
0x89: {  	s3 =	sld [smem:$0x3FFE];
	_ =	sdelay $0x1  }
0x8a: {  	s1 =	srdreg.scid  }
0x8b: {  	s0 =	sand.u32 $0x1, s1  }
0x8c: {  	s16 =	sshll.u32 s0, $0xA;
	s2 =	sadd.s32 s3, s2  }
0x8d: {  	s2 =	sadd.s32 s2, s16  }
0x8e: {  	[smem:$0x3FC2] =	sst s2  }
0x8f: {  	_ = 	snop  }
0x90: {  	(tm) =	ssettm $0x1  }
0x91: {  	s17 =	sld [smem:$0x3FFB];
	_ =	sdelay $0x3  }
0x92: {  	_ =	strace s17  }
0x93: {  	s2 =	sld [smem:$0x3FFC];
	_ =	sdelay $0x3  }
0x94: {  	_ =	strace s2  }
0x95: {  	s2 =	sld [smem:$0x3FFD];
	_ =	sdelay $0x3  }
0x96: {  	_ =	strace s2  }
0x97: {  	_ =	strace $0x8FFFFFFF  }
0x98: {  	s18 =	sld [smem:$0x3FDB];
	_ =	sdelay $0x1  }
0x99: {  	s19 =	simm.s32 $_scs_section_size  }
0x9a: {  	s4 =	simm.s32 $_size__tile_overlayer_lowered;
	s5 =	simm.s32 $_tile_overlayer_lowered  }
0x9b: {  	s22 =	simm.s32 $0x1BFF;
	s21 =	sshll.u32 s5, $0x1;
	s2 =	sadd.s32 s19, s18  }
0x9c: {  	s6 =	simm.s32 $0x0;
	s20 =	sshll.u32 s4, $0x1;
	s4 =	sadd.s32 s21, s2  }
0x9d: {  	[timem:s6], [sflag:s22] =	dma.local [hbm:s4], s20  }
0x9e: {  	_ =	swait.ge [sflag:s22], s20  }
0x9f: {  	s3 =	ssub.s32 $0x0, s20;
	[sflag:s22] =	ssyncset.done $0x0  }
0xa0: {  	[sflag:s22] =	ssyncadd.s32 s3;
	_ =	sdelay $0x1  }
0xa1: {  	s23 =	simm.s32 $0x1B8B  }
0xa2: {  	_ =	swait.ge [sflag:s23], $0x1  }
0xa3: {  	[sflag:s23] =	ssyncset.done $0x0  }
0xa4: {  	s25 =	simm.s32 $0x1B8E;
	s24 =	sld [smem:$0x3FFE];
	[sflag:s23] =	ssyncadd.s32 $0xFFFFFFFF  }
0xa5: {  	s26 =	simm.s32 $execute0_lowered;
	[smem:$0x3FD2] =	sst s25  }
0xa6: {  	s4 =	sshll.u32 s26, $0x1;
	_ =	strace $0x80000049;
	[dreg:$0x1] =	wrdreg $0xFFFFFFFF  }
0xa7: {  	s28 =	simm.s32 $_size_execute0_lowered;
	s2 =	sadd.s32 s2, s4;
	[dreg:$0x0] =	wrdreg $0x0  }
0xa8: {  	s4 =	sshll.u32 s28, $0x1;
	[dreg:$0x2] =	wrdreg s2  }
0xa9: {  	[dreg:$0x3] =	wrdreg s4  }
0xaa: {  	[dreg:$0x4] =	wrdreg $0xC0  }
0xab: {  	_ =	task [dreg:s6], $0x5FFFF  }
0xac: {  	[dreg:$0x1] =	wrdreg $0xFFFFFFFF  }
0xad: {  	[dreg:$0x0] =	wrdreg $0x60  }
0xae: {  	[dreg:$0x2] =	wrdreg s24  }
0xaf: {  	[dreg:$0x3] =	wrdreg $0x140000  }
0xb0: {  	[dreg:$0x4] =	wrdreg $0x9  }
0xb1: {  	_ =	task.clear_ibuf [dreg:s6], $0x5FFFF;
	_ =	strace $0x90000049  }
0xb2: {  	s29 =	simm.s32 $0x9;
	_ =	strace $0x8000004B  }
0xb3: {  	_ =	swait.ge [sflag:s29], $0x1  }
0xb4: {  	[sflag:s29] =	ssyncadd.s32 $0xFFFFFFFF  }
0xb5: {  	_ =	strace $0x9000004B  }
0xb6: {  	_ =	sfence  }
0xb7: {  	s30 =	sld [smem:$0x0];
	_ =	sdelay $0x2  }
0xb8: {  	s31 =	sshll.u32 s1, $0xD;
	s1 =	sshrl.u32 s1, $0x2  }
0xb9: {  	s3 =	sand.u32 $0x4000, s31;
	s1 =	sadd.s32 s1, s30  }
0xba: {  	s0 =	sor.u32 s3, s0;
	s1 =	sshll.u32 s1, $0x11  }
0xbb: {  	s0 =	sor.u32 s1, s0  }
0xbc: {  	s0 =	sadd.s32 $0x8F2B, s0  }
0xbd: {  	[sflag:s0] =	ssyncadd.remote.s32 $0x1  }
0xbe: {  	_ =	sfence.sel $0xFFFF  }
0xbf: {  	[dreg:$0x0] =	wrdreg $0xFFFFFFFF;
	(pc) =	sbr.abs _section_cstart, $3  }
0xc0: {  	[dreg:$0x1] =	wrdreg $0xFFFFFFFF  }
0xc1: {  	_ =	task.clear_ibuf [dreg:s6], $0x2FFFF;
	_ =	strace $0x9FFFFFFF  }
0xc2: {  	(tm) =	ssettm $0x7FFFFFFF  }
0xc3: {  	_ =	shalt  }
tec
execute0_lowered:
.L_overlay_start_1:
0x0: {  	(tag) =	ssettag $0x1  }
0x1: {  	s0 =	srdreg.scid;
	s3 =	rddreg [dreg:$0x0]  }
0x2: {  	s15 =	stileid.u32;
	s2 =	rddreg [dreg:$0x1];
	s16 =	simm.s32 $0x0  }
0x3: {  	s18 =	simm.s32 $0x5;
	s20 =	simm.s32 $0x12000;
	s28 =	simm.s32 $0x10000  }
0x4: {  	s29 =	simm.s32 $0x1;
	s30 =	simm.s32 $0x2;
	s31 =	simm.s32 $0x3  }
0x5: {  	s19 =	simm.s32 $0x0;
	s0 =	sand.u32 $0x1, s0;
	s5 =	smul.u32 $0xA000, s15  }
0x6: {  	[smem:$0x7FF] =	sst s16;
	s4 =	sadd.s32 $0xD4000, s3;
	s9 =	smul.u32 $0x28000, s15  }
0x7: {  	s14 =	sadd.s32 $0xE8000, s3;
	s1 =	sshll.u32 s0, $0x4;
	s6 =	smul.u32 $0xA0000, s0  }
0x8: {  	_ =	strace $0x8000004A;
	s7 =	ssub.s32 $0x2, s0;
	p0 =	seq.s32 s0, $0x1  }
0x9: {  	s1 =	sor.u32 s15, s1;
	s8 =	sshrl.u32 s7, $0x1;
	s22 =	sshrl.u32 s9, $0x2  }
0xa: {  	s1 =	smul.u32 $0xA00, s1;
	s6 =	sadd.s32 s5, s6;
	s7 =	ssub.s32 s7, s8  }
0xb: {  	s0 =	sadd.s32 s22, s2;
	s8 =	sadd.s32 s5, s2;
	s22 =	simm.s32 $0xA000  }
0xc: {  	s6 =	sshrl.u32 s6, $0x3;
	s9 =	sadd.s32 $0x2000, s0;
	s10 =	sadd.s32 $0x4000, s0  }
0xd: {  	s11 =	sadd.s32 $0x6000, s0;
	s26 =	smax.u32 s7, $0x1;
	s1 =	sadd.s32 s1, s3  }
0xe: {  	s13 =	sadd.s32 s6, s3;
	[dreg:$0x7] =	wrdreg s26;
	s21 =	sadd.s32 $0x20000, s1  }
0xf: {  	s6 =	simm.s32 $0x0;
	s1 =	sadd.s32 $0xC000, s1;
	[dreg:$0x3] =	wrdreg s21  }
.Ltmp0:
0x10: {  	s24 =	sadd.s32 $0xFC000, s13;
	[dreg:$0x4] =	wrdreg s1;
	(pc) =	sbr.rel .LBB2_1-.Ltmp0, $4  }
0x11: {  	s6 =	simm.s32 @!p0 $0xA0;
	s25 =	sadd.s32 $0x124000, s13;
	[dreg:$0x5] =	wrdreg s24  }
0x12: {  	s12 =	sadd.s32 $0x8000, s0;
	s23 =	sshrl.u32 s6, $0x2;
	[dreg:$0x6] =	wrdreg s25  }
0x13: {  	s21 =	simm.s32 $0x80;
	s25 =	simm.s32 $0xE000;
	s0 =	smax.u32 s23, $0x1  }
0x14: {  	v0 =	vimm.f32 $0.0e+00;
	s1 =	simm.s32 $0x4;
	s23 =	simm.s32 $0xC000;
	s17 =	sshll.u32 s0, $0xB  }
.LBB2_10:
0x15: {  	[tilespmem:s5], [sflag:$0x4] =	stream.indirect.gather @!p2 [hbm4b:s14+s13], $0x40, s7, s13, $0xb8;
	[tilespmem:$0x1E000] =	vst v63  }
0x16: {  	s15 =	stileid.u32;
	s16 =	simm.s32 $0x0  }
.LBB2_11:
0x17: {  	[bflag:$0x0] =	sbarrier.arrive $0xFFFF  }
0x18: {  	s0 =	rddreg [dreg:$0x6]  }
0x19: {  	[hbm:s0], [sflag:s24] =	dma.local [spmem:s26], $0x1400  }
0x1a: {  	_ =	swait.ge [sflag:s18], $0x1400  }
0x1b: {  	s19 =	sadd.s32 $0x1, s19;
	s26 =	rddreg [dreg:$0x7]  }
0x1c: {  	p1 =	sne.s32 s19, s26  }
.Ltmp1:
0x1d: {  	_ = 	snop;
	(pc) =	sbr.rel @!p1 .LBB2_12-.Ltmp1, $3  }
0x1e: {  	_ =	sdelay $0x1  }
0x1f: {  	[sflag:s18] =	ssyncset.done $0x0  }
0x20: {  	[sflag:s18] =	ssyncadd.s32 $0xFFFFEC00  }
.LBB2_1:
0x21: {  	s0 =	rddreg [dreg:$0x3]  }
0x22: {  	[tilespmem:s16], [sflag:$0x5] =	stream.linear.gather [hbm4b:s0+s16], $0x5000, $0x38;
	[tilespmem:$0x1E000] =	vst v63  }
0x23: {  	_ =	swait.ge [sflag:s18], $0x5000  }
0x24: {  	[sflag:s18] =	ssyncset.done $0x0  }
0x25: {  	s3 =	simm.s32 $0x5000;
	s26 =	rddreg [dreg:$0x4];
	[sflag:s18] =	ssyncadd.s32 $0xFFFFB000  }
0x26: {  	[tilespmem:s3], [sflag:$0x5] =	stream.linear.gather [hbm4b:s26+s16], $0x5000, $0x38;
	[tilespmem:$0x1E000] =	vst v63  }
0x27: {  	_ =	swait.ge [sflag:s18], $0x5000  }
0x28: {  	[sflag:s18] =	ssyncset.done $0x0  }
0x29: {  	s0 =	simm.s32 $0x0;
	s3 =	simm.s32 $0x100;
	[sflag:s18] =	ssyncadd.s32 $0xFFFFB000  }
.LBB2_2:
0x2a: {  	p1 =	sne.s32 s3, $0x7F00;
	[tilespmem:s0+$0x12030] =	vst v0;
	s5 =	smov.u32 s3;
	s3 =	sadd.s32 $0x100, s3  }
.Ltmp2:
0x2b: {  	[tilespmem:s0+$0x12020] =	vst v0;
	(pc) =	sbr.rel @p1 .LBB2_2-.Ltmp2, $3  }
0x2c: {  	[tilespmem:s0+$0x12000] =	vst v0  }
0x2d: {  	[tilespmem:s0+$0x12010] =	vst v0;
	_ =	sdelay $0x1  }
0x2e: {  	s0 =	sshra.s32 s5, $0x2  }
0x2f: {  	[tilespmem:s0+$0x12030] =	vst v0  }
0x30: {  	[tilespmem:s0+$0x12020] =	vst v0  }
0x31: {  	[tilespmem:s0+$0x12000] =	vst v0  }
0x32: {  	[tilespmem:s0+$0x12010] =	vst v0  }
0x33: {  	[spmem:s8] =	stream.linear.scatter [tilespmem:s20], [sflag:$0x5], $0x2000, $0x38;
	[tilespmem:$0x1E000] =	vst v63  }
0x34: {  	_ =	swait.ge [sflag:s18], $0x2000  }
0x35: {  	[sflag:s18] =	ssyncset.done $0x0  }
0x36: {  	[sflag:s18] =	ssyncadd.s32 $0xFFFFE000  }
0x37: {  	[spmem:s9] =	stream.linear.scatter [tilespmem:s20], [sflag:$0x5], $0x2000, $0x38;
	[tilespmem:$0x1E000] =	vst v63  }
0x38: {  	_ =	swait.ge [sflag:s18], $0x2000  }
0x39: {  	[sflag:s18] =	ssyncset.done $0x0  }
0x3a: {  	[sflag:s18] =	ssyncadd.s32 $0xFFFFE000  }
0x3b: {  	[spmem:s10] =	stream.linear.scatter [tilespmem:s20], [sflag:$0x5], $0x2000, $0x38;
	[tilespmem:$0x1E000] =	vst v63  }
0x3c: {  	_ =	swait.ge [sflag:s18], $0x2000  }
0x3d: {  	[sflag:s18] =	ssyncset.done $0x0  }
0x3e: {  	[sflag:s18] =	ssyncadd.s32 $0xFFFFE000  }
0x3f: {  	[spmem:s11] =	stream.linear.scatter [tilespmem:s20], [sflag:$0x5], $0x2000, $0x38;
	[tilespmem:$0x1E000] =	vst v63  }
0x40: {  	_ =	swait.ge [sflag:s18], $0x2000  }
0x41: {  	[sflag:s18] =	ssyncset.done $0x0  }
0x42: {  	[sflag:s18] =	ssyncadd.s32 $0xFFFFE000  }
0x43: {  	[spmem:s12] =	stream.linear.scatter [tilespmem:s20], [sflag:$0x5], $0x2000, $0x38;
	[tilespmem:$0x1E000] =	vst v63  }
.Ltmp3:
0x44: {  	_ =	swait.ge [sflag:s18], $0x2000;
	(pc) =	sbr.rel @p0 .LBB2_7-.Ltmp3, $3  }
0x45: {  	[sflag:s18] =	ssyncset.done $0x0  }
0x46: {  	[sflag:s18] =	ssyncadd.s32 $0xFFFFE000  }
0x47: {  	[bflag:$0x0] =	sbarrier.arrive $0xFFFF;
	_ =	sdelay $0x1  }
0x48: {  	s0 =	simm.s32 $0x0  }
0x49: {  	[tilespmem:s22], [sflag:$0x1] =	stream.indirect.gather [hbm4b:s4+s21], $0x40, s0, s21, $0xb8;
	[tilespmem:$0x1E000] =	vst v63  }
0x4a: {  	_ = 	snop  }
0x4b: {  	[tilespmem:s23], [sflag:$0x2] =	stream.indirect.gather [hbm4b:s4+s21], $0x40, s21, s21, $0xb8;
	[tilespmem:$0x1E000] =	vst v63  }
0x4c: {  	s3 =	simm.s32 $0x100  }
0x4d: {  	[tilespmem:s25], [sflag:$0x3] =	stream.indirect.gather [hbm4b:s4+s21], $0x40, s3, s21, $0xb8;
	[tilespmem:$0x1E000] =	vst v63  }
0x4e: {  	s5 =	simm.s32 $0x180  }
0x4f: {  	[tilespmem:s28], [sflag:$0x4] =	stream.indirect.gather [hbm4b:s4+s21], $0x40, s5, s21, $0xb8;
	[tilespmem:$0x1E000] =	vst v63  }
0x50: {  	_ =	swait.ge [sflag:s29], $0x2000  }
0x51: {  	[sflag:s29] =	ssyncset.done $0x0  }
0x52: {  	s7 =	simm.s32 $0x5000;
	[sflag:s29] =	ssyncadd.s32 $0xFFFFE000  }
0x53: {  	[spmem:s2] =	stream.indirect.scatter.add.f32 [tilespmem:s22], [sflag:$0x5], $0x40, s7, s21, $0xb8;
	[tilespmem:$0x1E000] =	vst v63  }
0x54: {  	p1 =	sle.u32 s6, $0x4;
	_ =	swait.ge [sflag:s18], $0x2000  }
0x55: {  	s0 =	simm.s32 @!p1 $0xA000;
	[sflag:s18] =	ssyncset.done $0x0  }
0x56: {  	s3 =	simm.s32 @!p1 $0x200;
	s5 =	simm.s32 @!p1 $0x80;
	[sflag:s18] =	ssyncadd.s32 $0xFFFFE000  }
0x57: {  	[tilespmem:s0], [sflag:$0x1] =	stream.indirect.gather @!p1 [hbm4b:s4+s5], $0x40, s3, s5, $0xb8;
	[tilespmem:$0x1E000] =	vst v63  }
0x58: {  	_ =	swait.ge [sflag:s30], $0x2000  }
0x59: {  	[sflag:s30] =	ssyncset.done $0x0  }
0x5a: {  	s13 =	simm.s32 $0x5080;
	[sflag:s30] =	ssyncadd.s32 $0xFFFFE000  }
0x5b: {  	[spmem:s2] =	stream.indirect.scatter.add.f32 [tilespmem:s23], [sflag:$0x5], $0x40, s13, s21, $0xb8;
	[tilespmem:$0x1E000] =	vst v63  }
0x5c: {  	p1 =	sle.u32 s6, $0x5;
	_ =	swait.ge [sflag:s18], $0x2000  }
0x5d: {  	s0 =	simm.s32 @!p1 $0xC000;
	[sflag:s18] =	ssyncset.done $0x0  }
0x5e: {  	s3 =	simm.s32 @!p1 $0x280;
	s5 =	simm.s32 @!p1 $0x80;
	[sflag:s18] =	ssyncadd.s32 $0xFFFFE000  }
0x5f: {  	[tilespmem:s0], [sflag:$0x2] =	stream.indirect.gather @!p1 [hbm4b:s4+s5], $0x40, s3, s5, $0xb8;
	[tilespmem:$0x1E000] =	vst v63  }
0x60: {  	_ =	swait.ge [sflag:s31], $0x2000  }
0x61: {  	[sflag:s31] =	ssyncset.done $0x0  }
0x62: {  	s24 =	simm.s32 $0x5100;
	[sflag:s31] =	ssyncadd.s32 $0xFFFFE000  }
0x63: {  	[spmem:s2] =	stream.indirect.scatter.add.f32 [tilespmem:s25], [sflag:$0x5], $0x40, s24, s21, $0xb8;
	[tilespmem:$0x1E000] =	vst v63  }
0x64: {  	p1 =	sle.u32 s6, $0x6;
	_ =	swait.ge [sflag:s18], $0x2000  }
0x65: {  	s0 =	simm.s32 @!p1 $0xE000;
	[sflag:s18] =	ssyncset.done $0x0  }
0x66: {  	s3 =	simm.s32 @!p1 $0x300;
	s5 =	simm.s32 @!p1 $0x80;
	[sflag:s18] =	ssyncadd.s32 $0xFFFFE000  }
0x67: {  	[tilespmem:s0], [sflag:$0x3] =	stream.indirect.gather @!p1 [hbm4b:s4+s5], $0x40, s3, s5, $0xb8;
	[tilespmem:$0x1E000] =	vst v63  }
0x68: {  	_ =	swait.ge [sflag:s1], $0x2000  }
0x69: {  	s26 =	simm.s32 $0x5180;
	p1 =	sne.s32 s17, $0x800;
	[sflag:s1] =	ssyncset.done $0x0  }
.Ltmp4:
0x6a: {  	p2 =	sle.u32 s6, $0x7;
	[sflag:s1] =	ssyncadd.s32 $0xFFFFE000;
	(pc) =	sbr.rel @!p1 .LBB2_6-.Ltmp4, $4  }
0x6b: {  	[spmem:s2] =	stream.indirect.scatter.add.f32 [tilespmem:s28], [sflag:$0x5], $0x40, s26, s21, $0xb8;
	[tilespmem:$0x1E000] =	vst v63  }
0x6c: {  	s7 =	simm.s32 @!p2 $0x80;
	_ =	swait.ge [sflag:s18], $0x2000  }
0x6d: {  	s24 =	simm.s32 $0x800;
	s0 =	simm.s32 $0x8;
	[sflag:s18] =	ssyncset.done $0x0  }
0x6e: {  	s3 =	simm.s32 @!p2 $0x10000;
	s5 =	simm.s32 @!p2 $0x380;
	[sflag:s18] =	ssyncadd.s32 $0xFFFFE000  }
.LBB2_5:
0x6f: {  	[tilespmem:s3], [sflag:$0x4] =	stream.indirect.gather @!p2 [hbm4b:s4+s7], $0x40, s5, s7, $0xb8;
	[tilespmem:$0x1E000] =	vst v63  }
0x70: {  	s3 =	smov.u32 s24;
	s24 =	sadd.s32 $0x800, s24;
	_ =	swait.ge [sflag:s29], $0x2000  }
0x71: {  	s5 =	sshra.s32 s3, $0x2;
	p1 =	sne.s32 s17, s24;
	[sflag:s29] =	ssyncset.done $0x0  }
0x72: {  	s7 =	sadd.s32 $0x5000, s5;
	[sflag:s29] =	ssyncadd.s32 $0xFFFFE000  }
0x73: {  	[spmem:s2] =	stream.indirect.scatter.add.f32 [tilespmem:s22], [sflag:$0x5], $0x40, s7, s21, $0xb8;
	[tilespmem:$0x1E000] =	vst v63  }
0x74: {  	p2 =	sge.u32 s0, s6;
	_ =	swait.ge [sflag:s18], $0x2000  }
0x75: {  	s13 =	simm.s32 @!p2 $0xA000;
	s7 =	sshra.s32 @!p2 s3, $0x2;
	[sflag:s18] =	ssyncset.done $0x0  }
0x76: {  	s26 =	simm.s32 @!p2 $0x80;
	s7 =	sadd.s32 @!p2 $0x200, s7;
	[sflag:s18] =	ssyncadd.s32 $0xFFFFE000  }
0x77: {  	[tilespmem:s13], [sflag:$0x1] =	stream.indirect.gather @!p2 [hbm4b:s4+s26], $0x40, s7, s26, $0xb8;
	[tilespmem:$0x1E000] =	vst v63  }
0x78: {  	_ =	swait.ge [sflag:s30], $0x2000  }
0x79: {  	[sflag:s30] =	ssyncset.done $0x0  }
0x7a: {  	s7 =	sadd.s32 $0x5080, s5;
	s13 =	sadd.s32 $0x1, s0;
	[sflag:s30] =	ssyncadd.s32 $0xFFFFE000  }
0x7b: {  	[spmem:s2] =	stream.indirect.scatter.add.f32 [tilespmem:s23], [sflag:$0x5], $0x40, s7, s21, $0xb8;
	[tilespmem:$0x1E000] =	vst v63  }
0x7c: {  	p2 =	sge.u32 s13, s6;
	_ =	swait.ge [sflag:s18], $0x2000  }
0x7d: {  	s13 =	simm.s32 @!p2 $0xC000;
	s7 =	sshra.s32 @!p2 s3, $0x2;
	[sflag:s18] =	ssyncset.done $0x0  }
0x7e: {  	s26 =	simm.s32 @!p2 $0x80;
	s7 =	sadd.s32 @!p2 $0x280, s7;
	[sflag:s18] =	ssyncadd.s32 $0xFFFFE000  }
0x7f: {  	[tilespmem:s13], [sflag:$0x2] =	stream.indirect.gather @!p2 [hbm4b:s4+s26], $0x40, s7, s26, $0xb8;
	[tilespmem:$0x1E000] =	vst v63  }
0x80: {  	_ =	swait.ge [sflag:s31], $0x2000  }
0x81: {  	[sflag:s31] =	ssyncset.done $0x0  }
0x82: {  	s7 =	sadd.s32 $0x5100, s5;
	s13 =	sadd.s32 $0x2, s0;
	[sflag:s31] =	ssyncadd.s32 $0xFFFFE000  }
0x83: {  	[spmem:s2] =	stream.indirect.scatter.add.f32 [tilespmem:s25], [sflag:$0x5], $0x40, s7, s21, $0xb8;
	[tilespmem:$0x1E000] =	vst v63  }
0x84: {  	p2 =	sge.u32 s13, s6;
	_ =	swait.ge [sflag:s18], $0x2000  }
0x85: {  	s13 =	simm.s32 @!p2 $0xE000;
	s7 =	sshra.s32 @!p2 s3, $0x2;
	[sflag:s18] =	ssyncset.done $0x0  }
0x86: {  	s26 =	simm.s32 @!p2 $0x80;
	s7 =	sadd.s32 @!p2 $0x300, s7;
	[sflag:s18] =	ssyncadd.s32 $0xFFFFE000  }
0x87: {  	[tilespmem:s13], [sflag:$0x3] =	stream.indirect.gather @!p2 [hbm4b:s4+s26], $0x40, s7, s26, $0xb8;
	[tilespmem:$0x1E000] =	vst v63  }
0x88: {  	_ =	swait.ge [sflag:s1], $0x2000  }
0x89: {  	s7 =	sadd.s32 $0x3, s0;
	[sflag:s1] =	ssyncset.done $0x0  }
.Ltmp5:
0x8a: {  	s5 =	sadd.s32 $0x5180, s5;
	[sflag:s1] =	ssyncadd.s32 $0xFFFFE000;
	(pc) =	sbr.rel @p1 .LBB2_5-.Ltmp5, $4  }
0x8b: {  	[spmem:s2] =	stream.indirect.scatter.add.f32 [tilespmem:s28], [sflag:$0x5], $0x40, s5, s21, $0xb8;
	[tilespmem:$0x1E000] =	vst v63  }
0x8c: {  	s0 =	sadd.s32 $0x4, s0;
	p2 =	sge.u32 s7, s6;
	_ =	swait.ge [sflag:s18], $0x2000  }
0x8d: {  	s5 =	sshra.s32 @!p2 s3, $0x2;
	s3 =	simm.s32 @!p2 $0x10000;
	[sflag:s18] =	ssyncset.done $0x0  }
0x8e: {  	s7 =	simm.s32 @!p2 $0x80;
	s5 =	sadd.s32 @!p2 $0x380, s5;
	[sflag:s18] =	ssyncadd.s32 $0xFFFFE000  }
.LBB2_6:
0x8f: {  	[tilespmem:s3], [sflag:$0x4] =	stream.indirect.gather @!p2 [hbm4b:s4+s7], $0x40, s5, s7, $0xb8;
	[tilespmem:$0x1E000] =	vst v63  }
.LBB2_7:
0x90: {  	s0 =	sshll.u32 s15, $0x6;
	[bflag:$0x0] =	sbarrier.arrive $0xFFFF  }
0x91: {  	s26 =	sshrl.u32 s8, $0x3;
	s24 =	sor.u32 $0x1C05, s0;
	s13 =	rddreg [dreg:$0x5]  }
0x92: {  	[hbm:s13], [sflag:s24] =	dma.local [spmem:s26], $0x1400  }
0x93: {  	_ =	swait.ge [sflag:s18], $0x1400  }
0x94: {  	[sflag:s18] =	ssyncset.done $0x0  }
0x95: {  	[sflag:s18] =	ssyncadd.s32 $0xFFFFEC00  }
0x96: {  	[spmem:s8] =	stream.linear.scatter [tilespmem:s20], [sflag:$0x5], $0x2000, $0x38;
	[tilespmem:$0x1E000] =	vst v63  }
0x97: {  	_ =	swait.ge [sflag:s18], $0x2000  }
0x98: {  	[sflag:s18] =	ssyncset.done $0x0  }
0x99: {  	[sflag:s18] =	ssyncadd.s32 $0xFFFFE000  }
0x9a: {  	[spmem:s9] =	stream.linear.scatter [tilespmem:s20], [sflag:$0x5], $0x2000, $0x38;
	[tilespmem:$0x1E000] =	vst v63  }
0x9b: {  	_ =	swait.ge [sflag:s18], $0x2000  }
0x9c: {  	[sflag:s18] =	ssyncset.done $0x0  }
0x9d: {  	[sflag:s18] =	ssyncadd.s32 $0xFFFFE000  }
0x9e: {  	[spmem:s10] =	stream.linear.scatter [tilespmem:s20], [sflag:$0x5], $0x2000, $0x38;
	[tilespmem:$0x1E000] =	vst v63  }
0x9f: {  	_ =	swait.ge [sflag:s18], $0x2000  }
0xa0: {  	[sflag:s18] =	ssyncset.done $0x0  }
0xa1: {  	[sflag:s18] =	ssyncadd.s32 $0xFFFFE000  }
0xa2: {  	[spmem:s11] =	stream.linear.scatter [tilespmem:s20], [sflag:$0x5], $0x2000, $0x38;
	[tilespmem:$0x1E000] =	vst v63  }
0xa3: {  	_ =	swait.ge [sflag:s18], $0x2000  }
0xa4: {  	[sflag:s18] =	ssyncset.done $0x0  }
0xa5: {  	[sflag:s18] =	ssyncadd.s32 $0xFFFFE000  }
0xa6: {  	[spmem:s12] =	stream.linear.scatter [tilespmem:s20], [sflag:$0x5], $0x2000, $0x38;
	[tilespmem:$0x1E000] =	vst v63  }
.Ltmp6:
0xa7: {  	_ =	swait.ge [sflag:s18], $0x2000;
	(pc) =	sbr.rel @p0 .LBB2_11-.Ltmp6, $3  }
0xa8: {  	[sflag:s18] =	ssyncset.done $0x0  }
0xa9: {  	[sflag:s18] =	ssyncadd.s32 $0xFFFFE000  }
0xaa: {  	[bflag:$0x0] =	sbarrier.arrive $0xFFFF;
	_ =	sdelay $0x1  }
0xab: {  	s0 =	simm.s32 $0x0  }
0xac: {  	[tilespmem:s22], [sflag:$0x1] =	stream.indirect.gather [hbm4b:s14+s21], $0x40, s0, s21, $0xb8;
	[tilespmem:$0x1E000] =	vst v63  }
0xad: {  	_ = 	snop  }
0xae: {  	[tilespmem:s23], [sflag:$0x2] =	stream.indirect.gather [hbm4b:s14+s21], $0x40, s21, s21, $0xb8;
	[tilespmem:$0x1E000] =	vst v63  }
0xaf: {  	s3 =	simm.s32 $0x100  }
0xb0: {  	[tilespmem:s25], [sflag:$0x3] =	stream.indirect.gather [hbm4b:s14+s21], $0x40, s3, s21, $0xb8;
	[tilespmem:$0x1E000] =	vst v63  }
0xb1: {  	s5 =	simm.s32 $0x180  }
0xb2: {  	[tilespmem:s28], [sflag:$0x4] =	stream.indirect.gather [hbm4b:s14+s21], $0x40, s5, s21, $0xb8;
	[tilespmem:$0x1E000] =	vst v63  }
0xb3: {  	_ =	swait.ge [sflag:s29], $0x2000  }
0xb4: {  	[sflag:s29] =	ssyncset.done $0x0  }
0xb5: {  	s7 =	simm.s32 $0x5000;
	[sflag:s29] =	ssyncadd.s32 $0xFFFFE000  }
0xb6: {  	[spmem:s2] =	stream.indirect.scatter.add.f32 [tilespmem:s22], [sflag:$0x5], $0x40, s7, s21, $0xb8;
	[tilespmem:$0x1E000] =	vst v63  }
0xb7: {  	p1 =	sle.u32 s6, $0x4;
	_ =	swait.ge [sflag:s18], $0x2000  }
0xb8: {  	s0 =	simm.s32 @!p1 $0xA000;
	[sflag:s18] =	ssyncset.done $0x0  }
0xb9: {  	s3 =	simm.s32 @!p1 $0x200;
	s5 =	simm.s32 @!p1 $0x80;
	[sflag:s18] =	ssyncadd.s32 $0xFFFFE000  }
0xba: {  	[tilespmem:s0], [sflag:$0x1] =	stream.indirect.gather @!p1 [hbm4b:s14+s5], $0x40, s3, s5, $0xb8;
	[tilespmem:$0x1E000] =	vst v63  }
0xbb: {  	_ =	swait.ge [sflag:s30], $0x2000  }
0xbc: {  	[sflag:s30] =	ssyncset.done $0x0  }
0xbd: {  	s13 =	simm.s32 $0x5080;
	[sflag:s30] =	ssyncadd.s32 $0xFFFFE000  }
0xbe: {  	[spmem:s2] =	stream.indirect.scatter.add.f32 [tilespmem:s23], [sflag:$0x5], $0x40, s13, s21, $0xb8;
	[tilespmem:$0x1E000] =	vst v63  }
0xbf: {  	p1 =	sle.u32 s6, $0x5;
	_ =	swait.ge [sflag:s18], $0x2000  }
0xc0: {  	s0 =	simm.s32 @!p1 $0xC000;
	[sflag:s18] =	ssyncset.done $0x0  }
0xc1: {  	s3 =	simm.s32 @!p1 $0x280;
	s5 =	simm.s32 @!p1 $0x80;
	[sflag:s18] =	ssyncadd.s32 $0xFFFFE000  }
0xc2: {  	[tilespmem:s0], [sflag:$0x2] =	stream.indirect.gather @!p1 [hbm4b:s14+s5], $0x40, s3, s5, $0xb8;
	[tilespmem:$0x1E000] =	vst v63  }
0xc3: {  	_ =	swait.ge [sflag:s31], $0x2000  }
0xc4: {  	[sflag:s31] =	ssyncset.done $0x0  }
0xc5: {  	s15 =	simm.s32 $0x5100;
	[sflag:s31] =	ssyncadd.s32 $0xFFFFE000  }
0xc6: {  	[spmem:s2] =	stream.indirect.scatter.add.f32 [tilespmem:s25], [sflag:$0x5], $0x40, s15, s21, $0xb8;
	[tilespmem:$0x1E000] =	vst v63  }
0xc7: {  	p1 =	sle.u32 s6, $0x6;
	_ =	swait.ge [sflag:s18], $0x2000  }
0xc8: {  	s0 =	simm.s32 @!p1 $0xE000;
	[sflag:s18] =	ssyncset.done $0x0  }
0xc9: {  	s3 =	simm.s32 @!p1 $0x300;
	s5 =	simm.s32 @!p1 $0x80;
	[sflag:s18] =	ssyncadd.s32 $0xFFFFE000  }
0xca: {  	[tilespmem:s0], [sflag:$0x3] =	stream.indirect.gather @!p1 [hbm4b:s14+s5], $0x40, s3, s5, $0xb8;
	[tilespmem:$0x1E000] =	vst v63  }
0xcb: {  	_ =	swait.ge [sflag:s1], $0x2000  }
0xcc: {  	s16 =	simm.s32 $0x5180;
	p1 =	sne.s32 s17, $0x800;
	[sflag:s1] =	ssyncset.done $0x0  }
.Ltmp7:
0xcd: {  	p2 =	sle.u32 s6, $0x7;
	[sflag:s1] =	ssyncadd.s32 $0xFFFFE000;
	(pc) =	sbr.rel @!p1 .LBB2_10-.Ltmp7, $4  }
0xce: {  	[spmem:s2] =	stream.indirect.scatter.add.f32 [tilespmem:s28], [sflag:$0x5], $0x40, s16, s21, $0xb8;
	[tilespmem:$0x1E000] =	vst v63  }
0xcf: {  	s7 =	simm.s32 @!p2 $0x380;
	_ =	swait.ge [sflag:s18], $0x2000  }
0xd0: {  	s13 =	simm.s32 @!p2 $0x80;
	s0 =	simm.s32 $0x800;
	[sflag:s18] =	ssyncset.done $0x0  }
0xd1: {  	s3 =	simm.s32 $0x8;
	s5 =	simm.s32 @!p2 $0x10000;
	[sflag:s18] =	ssyncadd.s32 $0xFFFFE000  }
.LBB2_9:
0xd2: {  	[tilespmem:s5], [sflag:$0x4] =	stream.indirect.gather @!p2 [hbm4b:s14+s13], $0x40, s7, s13, $0xb8;
	[tilespmem:$0x1E000] =	vst v63  }
0xd3: {  	s5 =	smov.u32 s0;
	s0 =	sadd.s32 $0x800, s0;
	_ =	swait.ge [sflag:s29], $0x2000  }
0xd4: {  	s7 =	sshra.s32 s5, $0x2;
	p1 =	sne.s32 s17, s0;
	[sflag:s29] =	ssyncset.done $0x0  }
0xd5: {  	s13 =	sadd.s32 $0x5000, s7;
	[sflag:s29] =	ssyncadd.s32 $0xFFFFE000  }
0xd6: {  	[spmem:s2] =	stream.indirect.scatter.add.f32 [tilespmem:s22], [sflag:$0x5], $0x40, s13, s21, $0xb8;
	[tilespmem:$0x1E000] =	vst v63  }
0xd7: {  	p2 =	sge.u32 s3, s6;
	_ =	swait.ge [sflag:s18], $0x2000  }
0xd8: {  	s15 =	simm.s32 @!p2 $0xA000;
	s13 =	sshra.s32 @!p2 s5, $0x2;
	[sflag:s18] =	ssyncset.done $0x0  }
0xd9: {  	s16 =	simm.s32 @!p2 $0x80;
	s13 =	sadd.s32 @!p2 $0x200, s13;
	[sflag:s18] =	ssyncadd.s32 $0xFFFFE000  }
0xda: {  	[tilespmem:s15], [sflag:$0x1] =	stream.indirect.gather @!p2 [hbm4b:s14+s16], $0x40, s13, s16, $0xb8;
	[tilespmem:$0x1E000] =	vst v63  }
0xdb: {  	_ =	swait.ge [sflag:s30], $0x2000  }
0xdc: {  	[sflag:s30] =	ssyncset.done $0x0  }
0xdd: {  	s13 =	sadd.s32 $0x5080, s7;
	s15 =	sadd.s32 $0x1, s3;
	[sflag:s30] =	ssyncadd.s32 $0xFFFFE000  }
0xde: {  	[spmem:s2] =	stream.indirect.scatter.add.f32 [tilespmem:s23], [sflag:$0x5], $0x40, s13, s21, $0xb8;
	[tilespmem:$0x1E000] =	vst v63  }
0xdf: {  	p2 =	sge.u32 s15, s6;
	_ =	swait.ge [sflag:s18], $0x2000  }
0xe0: {  	s15 =	simm.s32 @!p2 $0xC000;
	s13 =	sshra.s32 @!p2 s5, $0x2;
	[sflag:s18] =	ssyncset.done $0x0  }
0xe1: {  	s16 =	simm.s32 @!p2 $0x80;
	s13 =	sadd.s32 @!p2 $0x280, s13;
	[sflag:s18] =	ssyncadd.s32 $0xFFFFE000  }
0xe2: {  	[tilespmem:s15], [sflag:$0x2] =	stream.indirect.gather @!p2 [hbm4b:s14+s16], $0x40, s13, s16, $0xb8;
	[tilespmem:$0x1E000] =	vst v63  }
0xe3: {  	_ =	swait.ge [sflag:s31], $0x2000  }
0xe4: {  	[sflag:s31] =	ssyncset.done $0x0  }
0xe5: {  	s13 =	sadd.s32 $0x5100, s7;
	s15 =	sadd.s32 $0x2, s3;
	[sflag:s31] =	ssyncadd.s32 $0xFFFFE000  }
0xe6: {  	[spmem:s2] =	stream.indirect.scatter.add.f32 [tilespmem:s25], [sflag:$0x5], $0x40, s13, s21, $0xb8;
	[tilespmem:$0x1E000] =	vst v63  }
0xe7: {  	p2 =	sge.u32 s15, s6;
	_ =	swait.ge [sflag:s18], $0x2000  }
0xe8: {  	s15 =	simm.s32 @!p2 $0xE000;
	s13 =	sshra.s32 @!p2 s5, $0x2;
	[sflag:s18] =	ssyncset.done $0x0  }
0xe9: {  	s16 =	simm.s32 @!p2 $0x80;
	s13 =	sadd.s32 @!p2 $0x300, s13;
	[sflag:s18] =	ssyncadd.s32 $0xFFFFE000  }
0xea: {  	[tilespmem:s15], [sflag:$0x3] =	stream.indirect.gather @!p2 [hbm4b:s14+s16], $0x40, s13, s16, $0xb8;
	[tilespmem:$0x1E000] =	vst v63  }
0xeb: {  	_ =	swait.ge [sflag:s1], $0x2000  }
0xec: {  	s13 =	sadd.s32 $0x3, s3;
	[sflag:s1] =	ssyncset.done $0x0  }
.Ltmp8:
0xed: {  	s7 =	sadd.s32 $0x5180, s7;
	[sflag:s1] =	ssyncadd.s32 $0xFFFFE000;
	(pc) =	sbr.rel @p1 .LBB2_9-.Ltmp8, $4  }
0xee: {  	[spmem:s2] =	stream.indirect.scatter.add.f32 [tilespmem:s28], [sflag:$0x5], $0x40, s7, s21, $0xb8;
	[tilespmem:$0x1E000] =	vst v63  }
0xef: {  	s3 =	sadd.s32 $0x4, s3;
	p2 =	sge.u32 s13, s6;
	_ =	swait.ge [sflag:s18], $0x2000  }
0xf0: {  	s7 =	sshra.s32 @!p2 s5, $0x2;
	s5 =	simm.s32 @!p2 $0x10000;
	[sflag:s18] =	ssyncset.done $0x0  }
0xf1: {  	s13 =	simm.s32 @!p2 $0x80;
	s7 =	sadd.s32 @!p2 $0x380, s7;
	[sflag:s18] =	ssyncadd.s32 $0xFFFFE000  }
.Ltmp9:
0xf2: {  	_ = 	snop;
	(pc) =	sbr.rel .LBB2_10-.Ltmp9, $1  }
0xf3: {  	_ =	sdelay $0x3  }
.LBB2_12:
0xf4: {  	_ =	sfence.sel $0x180000  }
0xf5: {  	[bflag:$0x0] =	sbarrier.arrive $0xFFFF  }
0xf6: {  	_ =	strace $0x9000004A  }
0xf7: {  	[bflag:$0x2] =	sbarrier.arrive $0xFFFF  }
0xf8: {  	p0 =	sne.s32 s15, $0x0;
	s0 =	rddreg [dreg:$0x2]  }
0xf9: {  	s0 =	sadd.s32 @!p0 $0x100000, s0  }
0xfa: {  	[sflag:s0] =	ssyncadd.tile.s32 @!p0 $0x1;
	_ =	shalt  }
.Lfunc_end2:
_tile_overlayer_lowered:
.L_overlay_start_2:
0xfb: {  	(tag) =	ssettag $0x2  }
0xfc: {  	s0 =	rddreg [dreg:$0x0];
	s2 =	stileid.u32  }
0xfd: {  	s1 =	rddreg [dreg:$0x1];
	p0 =	sne.s32 s2, $0x0  }
0xfe: {  	s3 =	rddreg [dreg:$0x2];
	[bflag:$0x3] =	sbarrier.arrive $0xFFFF;
	s2 =	simm.s32 @!p0 $0x1C05  }
0xff: {  	[timem:s3], [sflag:s2] =	dma.local @!p0 [hbm:s0], s1  }
0x100: {  	s0 =	simm.s32 @!p0 $0x5  }
0x101: {  	_ =	swait.ge @!p0 [sflag:s0], s1  }
0x102: {  	s1 =	ssub.s32 @!p0 $0x0, s1;
	[sflag:s0] =	ssyncset.done @!p0 $0x0  }
0x103: {  	[sflag:s0] =	ssyncadd.s32 @!p0 s1  }
0x104: {  	[bflag:$0x3] =	sbarrier.arrive $0xFFFF  }
0x105: {  	_ =	shalt  }

// kernel: kernel.14.cloned.1.call-start
scs
__scs_entry_jumppad:
0x0: {  	(pc) =	sbr.rel $0x88, $3  }
0x1: {  	(tag) =	ssettag $0x0;
	lr =	simm.s32 $0x1  }
0x2: {  	[smem:$0x3F9B] =	sst lr;
	_ =	strace $0xD0000000  }
0x3: {  	_ = 	snop  }
0x4: {  	_ = 	snop  }
0x5: {  	_ = 	snop  }
0x6: {  	_ = 	snop  }
0x7: {  	_ = 	snop  }
__scs_overlays_trampoline_lowered:
0x8: {  	[smem:$0x3FAA] =	sst s0  }
0x9: {  	[smem:$0x3FAB] =	sst s1  }
0xa: {  	[smem:$0x3FAC] =	sst s2  }
0xb: {  	[smem:$0x3FAD] =	sst s3  }
0xc: {  	[smem:$0x3FAE] =	sst s4  }
0xd: {  	[smem:$0x3FAF] =	sst s5  }
0xe: {  	[smem:$0x3FB0] =	sst s6  }
0xf: {  	[smem:$0x3FB1] =	sst s7  }
0x10: {  	[smem:$0x3FB2] =	sst s8  }
0x11: {  	[smem:$0x3FB3] =	sst s9;
	s0 =	simm.s32 @!p0 $0x0  }
0x12: {  	s1 =	sld [smem:$0x3F99];
	s0 =	simm.s32 @p0 $0x1  }
0x13: {  	[smem:$0x3FB4] =	sst s0;
	s0 =	simm.s32 @!p1 $0x0  }
0x14: {  	s2 =	sld [smem:$0x3F98];
	s0 =	simm.s32 @p1 $0x1  }
0x15: {  	[smem:$0x3FB5] =	sst s0;
	s0 =	simm.s32 @!p2 $0x0  }
0x16: {  	s3 =	sld [smem:$0x3FDB];
	s0 =	simm.s32 @p2 $0x1  }
0x17: {  	s4 =	simm.s32 $0x1BF5;
	[smem:$0x3FB7] =	sst s0  }
0x18: {  	s0 =	sld [smem:$0x3F9A];
	_ =	swait.ge [sflag:s4], $0x0  }
0x19: {  	s7 =	sld [smem:$0x3F9B]  }
0x1a: {  	s8 =	sadd.s32 $0xFFFFE003, lr  }
0x1b: {  	s9 =	sadd.s32 $0xFFFFFEF7, lr;
	s5 =	simm.s32 $0xFFFFFFFF;
	p2 =	slt.u32 s8, $0xFFFFF086  }
0x1c: {  	p1 =	slt.u32 s9, $0xF7A;
	s5 =	simm.s32 @!p2 $0x0  }
0x1d: {  	s5 =	simm.s32 @p1 $0x1;
	p0 =	seq.s32 s7, s2  }
0x1e: {  	s7 =	smul.u32 @!p0 $0xF7A, s2;
	p2 =	seq.s32 @!p0 s5, $0x0  }
0x1f: {  	s9 =	smul.u32 $0xF7A, s1;
	s8 =	simm.s32 @!p0 $0x1BF5;
	p2 =	por !p2, p0  }
0x20: {  	[sflag:s8] =	ssyncset.s32 @!p0 $0xFFFFF086;
	s6 =	sadd.s32 @!p0 s3, s7;
	s7 =	simm.s32 @!p0 $0x108  }
0x21: {  	s3 =	sadd.s32 s3, s9;
	s6 =	sadd.s32 @!p0 $0x88, s6;
	s7 =	simm.s32 @p2 $0x1082  }
0x22: {  	[simem:s7], [sflag:s8] =	dma.local @!p0 [hbm:s6], $0xF7A  }
0x23: {  	s9 =	sor.u32 $0xD0000000, s2;
	s6 =	simm.s32 $0x108;
	_ =	swait.ge @!p0 [sflag:s8], $0x0  }
0x24: {  	s3 =	sadd.s32 $0x88, s3;
	s6 =	simm.s32 @!p1 $0x1082;
	[sflag:s4] =	ssyncset.s32 $0xFFFFF086  }
0x25: {  	[simem:s6], [sflag:s4] =	dma.local [hbm:s3], $0xF7A  }
0x26: {  	[smem:$0x3F9B] =	sst s1;
	(tag) =	ssettag s2;
	_ =	strace s9  }
0x27: {  	s1 =	sld [smem:$0x3FAB]  }
0x28: {  	s2 =	sld [smem:$0x3FAC]  }
0x29: {  	s4 =	sld [smem:$0x3FAE]  }
0x2a: {  	p0 =	seq.s32 s5, $0x0;
	s5 =	sld [smem:$0x3FAF]  }
0x2b: {  	s6 =	sld [smem:$0x3FB0]  }
0x2c: {  	s7 =	sld [smem:$0x3FB1]  }
0x2d: {  	s3 =	simm.s32 $0x108;
	s8 =	sld [smem:$0x3FB2]  }
0x2e: {  	s3 =	simm.s32 @!p0 $0x1082;
	s9 =	sld [smem:$0x3FB3]  }
0x2f: {  	lr =	sadd.s32 s0, s3;
	s0 =	sld [smem:$0x3FAA]  }
0x30: {  	s3 =	sld [smem:$0x3FAD]  }
0x31: {  	[smem:$0x3FB6] =	sst s10  }
0x32: {  	s10 =	sld [smem:$0x3FB4];
	_ =	sdelay $0x3  }
0x33: {  	p0 =	seq.s32 s10, $0x1;
	s10 =	sld [smem:$0x3FB6];
	_ =	sdelay $0x3  }
0x34: {  	[smem:$0x3FB6] =	sst s10  }
0x35: {  	s10 =	sld [smem:$0x3FB5];
	_ =	sdelay $0x3  }
0x36: {  	p1 =	seq.s32 s10, $0x1;
	s10 =	sld [smem:$0x3FB6];
	_ =	sdelay $0x3  }
0x37: {  	[smem:$0x3FB6] =	sst s10  }
0x38: {  	s10 =	sld [smem:$0x3FB7]  }
0x39: {  	_ = 	snop;
	(pc) =	sbr.ind lr, $3  }
0x3a: {  	_ = 	snop  }
0x3b: {  	_ = 	snop  }
0x3c: {  	p2 =	seq.s32 s10, $0x1;
	s10 =	sld [smem:$0x3FB6]  }
0x3d: {  	_ =	shalt  }
0x3e: {  	_ =	shalt  }
0x3f: {  	_ =	shalt  }
0x40: {  	_ =	shalt  }
0x41: {  	_ =	shalt  }
0x42: {  	_ =	shalt  }
0x43: {  	_ =	shalt  }
0x44: {  	_ =	shalt  }
0x45: {  	_ =	shalt  }
0x46: {  	_ =	shalt  }
0x47: {  	_ =	shalt  }
0x48: {  	_ =	shalt  }
0x49: {  	_ =	shalt  }
0x4a: {  	_ =	shalt  }
0x4b: {  	_ =	shalt  }
0x4c: {  	_ =	shalt  }
0x4d: {  	_ =	shalt  }
0x4e: {  	_ =	shalt  }
0x4f: {  	_ =	shalt  }
0x50: {  	_ =	shalt  }
0x51: {  	_ =	shalt  }
0x52: {  	_ =	shalt  }
0x53: {  	_ =	shalt  }
0x54: {  	_ =	shalt  }
0x55: {  	_ =	shalt  }
0x56: {  	_ =	shalt  }
0x57: {  	_ =	shalt  }
0x58: {  	_ =	shalt  }
0x59: {  	_ =	shalt  }
0x5a: {  	_ =	shalt  }
0x5b: {  	_ =	shalt  }
0x5c: {  	_ =	shalt  }
0x5d: {  	_ =	shalt  }
0x5e: {  	_ =	shalt  }
0x5f: {  	_ =	shalt  }
0x60: {  	_ =	shalt  }
0x61: {  	_ =	shalt  }
0x62: {  	_ =	shalt  }
0x63: {  	_ =	shalt  }
0x64: {  	_ =	shalt  }
0x65: {  	_ =	shalt  }
0x66: {  	_ =	shalt  }
0x67: {  	_ =	shalt  }
0x68: {  	_ =	shalt  }
0x69: {  	_ =	shalt  }
0x6a: {  	_ =	shalt  }
0x6b: {  	_ =	shalt  }
0x6c: {  	_ =	shalt  }
0x6d: {  	_ =	shalt  }
0x6e: {  	_ =	shalt  }
0x6f: {  	_ =	shalt  }
0x70: {  	_ =	shalt  }
0x71: {  	_ =	shalt  }
0x72: {  	_ =	shalt  }
0x73: {  	_ =	shalt  }
0x74: {  	_ =	shalt  }
0x75: {  	_ =	shalt  }
0x76: {  	_ =	shalt  }
0x77: {  	_ =	shalt  }
0x78: {  	_ =	shalt  }
0x79: {  	_ =	shalt  }
0x7a: {  	_ =	shalt  }
0x7b: {  	_ =	shalt  }
0x7c: {  	_ =	shalt  }
0x7d: {  	_ =	shalt  }
0x7e: {  	_ =	shalt  }
0x7f: {  	_ =	shalt  }
0x80: {  	_ =	shalt  }
0x81: {  	_ =	shalt  }
0x82: {  	_ =	shalt  }
0x83: {  	_ =	shalt  }
0x84: {  	_ =	shalt  }
0x85: {  	_ =	shalt  }
0x86: {  	_ =	shalt  }
0x87: {  	_ =	shalt  }
.Lfunc_end0:
.L_simem_size_0:
called_computation.2_lowered:
.L_overlay_start_0:
0x88: {  	s2 =	sld [smem:$0x3FD9]  }
0x89: {  	s3 =	sld [smem:$0x3FFE];
	_ =	sdelay $0x1  }
0x8a: {  	s1 =	srdreg.scid  }
0x8b: {  	s0 =	sand.u32 $0x1, s1  }
0x8c: {  	s16 =	sshll.u32 s0, $0xA;
	s2 =	sadd.s32 s3, s2  }
0x8d: {  	s2 =	sadd.s32 s2, s16  }
0x8e: {  	[smem:$0x3FC2] =	sst s2  }
0x8f: {  	_ = 	snop  }
0x90: {  	(tm) =	ssettm $0x1  }
0x91: {  	s17 =	sld [smem:$0x3FFB];
	_ =	sdelay $0x3  }
0x92: {  	_ =	strace s17  }
0x93: {  	s2 =	sld [smem:$0x3FFC];
	_ =	sdelay $0x3  }
0x94: {  	_ =	strace s2  }
0x95: {  	s2 =	sld [smem:$0x3FFD];
	_ =	sdelay $0x3  }
0x96: {  	_ =	strace s2  }
0x97: {  	_ =	strace $0x8FFFFFFF  }
0x98: {  	s18 =	sld [smem:$0x3FDB];
	_ =	sdelay $0x1  }
0x99: {  	s19 =	simm.s32 $_scs_section_size  }
0x9a: {  	s4 =	simm.s32 $_size__tile_overlayer_lowered;
	s5 =	simm.s32 $_tile_overlayer_lowered  }
0x9b: {  	s22 =	simm.s32 $0x1BFF;
	s21 =	sshll.u32 s5, $0x1;
	s2 =	sadd.s32 s19, s18  }
0x9c: {  	s6 =	simm.s32 $0x0;
	s20 =	sshll.u32 s4, $0x1;
	s4 =	sadd.s32 s21, s2  }
0x9d: {  	[timem:s6], [sflag:s22] =	dma.local [hbm:s4], s20  }
0x9e: {  	_ =	swait.ge [sflag:s22], s20  }
0x9f: {  	s3 =	ssub.s32 $0x0, s20;
	[sflag:s22] =	ssyncset.done $0x0  }
0xa0: {  	[sflag:s22] =	ssyncadd.s32 s3;
	_ =	sdelay $0x1  }
0xa1: {  	s23 =	simm.s32 $0x1B8B  }
0xa2: {  	_ =	swait.ge [sflag:s23], $0x1  }
0xa3: {  	[sflag:s23] =	ssyncset.done $0x0  }
0xa4: {  	s25 =	simm.s32 $0x1B8E;
	s24 =	sld [smem:$0x3FFE];
	[sflag:s23] =	ssyncadd.s32 $0xFFFFFFFF  }
0xa5: {  	s26 =	simm.s32 $execute0_lowered;
	[smem:$0x3FD2] =	sst s25  }
0xa6: {  	s4 =	sshll.u32 s26, $0x1;
	_ =	strace $0x8000004C;
	[dreg:$0x1] =	wrdreg $0xFFFFFFFF  }
0xa7: {  	s28 =	simm.s32 $_size_execute0_lowered;
	s2 =	sadd.s32 s2, s4;
	[dreg:$0x0] =	wrdreg $0x0  }
0xa8: {  	s4 =	sshll.u32 s28, $0x1;
	[dreg:$0x2] =	wrdreg s2  }
0xa9: {  	[dreg:$0x3] =	wrdreg s4  }
0xaa: {  	[dreg:$0x4] =	wrdreg $0xC0  }
0xab: {  	_ =	task [dreg:s6], $0x5FFFF  }
0xac: {  	[dreg:$0x1] =	wrdreg $0xFFFFFFFF  }
0xad: {  	[dreg:$0x0] =	wrdreg $0x60  }
0xae: {  	[dreg:$0x2] =	wrdreg s24  }
0xaf: {  	[dreg:$0x3] =	wrdreg $0x140000  }
0xb0: {  	[dreg:$0x4] =	wrdreg $0x9  }
0xb1: {  	_ =	task.clear_ibuf [dreg:s6], $0x5FFFF;
	_ =	strace $0x9000004C  }
0xb2: {  	s29 =	simm.s32 $0x9;
	_ =	strace $0x8000004E  }
0xb3: {  	_ =	swait.ge [sflag:s29], $0x1  }
0xb4: {  	[sflag:s29] =	ssyncadd.s32 $0xFFFFFFFF  }
0xb5: {  	_ =	strace $0x9000004E  }
0xb6: {  	_ =	sfence  }
0xb7: {  	s30 =	sld [smem:$0x0];
	_ =	sdelay $0x2  }
0xb8: {  	s31 =	sshll.u32 s1, $0xD;
	s1 =	sshrl.u32 s1, $0x2  }
0xb9: {  	s3 =	sand.u32 $0x4000, s31;
	s1 =	sadd.s32 s1, s30  }
0xba: {  	s0 =	sor.u32 s3, s0;
	s1 =	sshll.u32 s1, $0x11  }
0xbb: {  	s0 =	sor.u32 s1, s0  }
0xbc: {  	s0 =	sadd.s32 $0x8F2B, s0  }
0xbd: {  	[sflag:s0] =	ssyncadd.remote.s32 $0x1  }
0xbe: {  	_ =	sfence.sel $0xFFFF  }
0xbf: {  	[dreg:$0x0] =	wrdreg $0xFFFFFFFF;
	(pc) =	sbr.abs _section_cstart, $3  }
0xc0: {  	[dreg:$0x1] =	wrdreg $0xFFFFFFFF  }
0xc1: {  	_ =	task.clear_ibuf [dreg:s6], $0x2FFFF;
	_ =	strace $0x9FFFFFFF  }
0xc2: {  	(tm) =	ssettm $0x7FFFFFFF  }
0xc3: {  	_ =	shalt  }
tec
execute0_lowered:
.L_overlay_start_1:
0x0: {  	(tag) =	ssettag $0x1  }
0x1: {  	s0 =	rddreg [dreg:$0x0]  }
0x2: {  	s3 =	srdreg.scid;
	s2 =	rddreg [dreg:$0x1]  }
0x3: {  	s1 =	stileid.u32;
	s17 =	simm.s32 $0x12000;
	s18 =	simm.s32 $0x80  }
0x4: {  	s19 =	simm.s32 $0xA000;
	s20 =	simm.s32 $0xC000;
	s22 =	simm.s32 $0xE000  }
0x5: {  	s24 =	simm.s32 $0x10000;
	s25 =	simm.s32 $0x1;
	s28 =	simm.s32 $0x3  }
0x6: {  	s29 =	simm.s32 $0x4;
	s30 =	simm.s32 $0x0;
	s8 =	smul.u32 $0xA000, s1  }
0x7: {  	s7 =	sand.u32 $0x1, s3;
	s3 =	simm.s32 $0x0;
	s10 =	smul.u32 $0x28000, s1  }
0x8: {  	s4 =	sshll.u32 s7, $0x4;
	s5 =	smul.u32 $0xA0000, s7;
	[smem:$0x7FF] =	sst s3  }
0x9: {  	s9 =	ssub.s32 $0x2, s7;
	p0 =	seq.s32 s7, $0x0;
	s7 =	simm.s32 $0x98  }
0xa: {  	s4 =	sor.u32 s1, s4;
	_ =	strace $0x8000004D;
	s26 =	sshrl.u32 s9, $0x1  }
0xb: {  	s31 =	sshrl.u32 s10, $0x2;
	s7 =	simm.s32 @!p0 $0x8;
	s6 =	smul.u32 $0xA00, s4  }
0xc: {  	s4 =	sadd.s32 $0x2000, s0;
	s5 =	sadd.s32 s8, s5;
	s14 =	ssub.s32 s9, s26  }
0xd: {  	s8 =	sadd.s32 s8, s2;
	s12 =	sadd.s32 s31, s2;
	s13 =	sshll.u32 s7, $0x9  }
0xe: {  	s26 =	simm.s32 $0x2;
	s5 =	sshrl.u32 s5, $0x3;
	s9 =	sadd.s32 $0x2000, s12  }
0xf: {  	s10 =	sadd.s32 $0x4000, s12;
	s11 =	sadd.s32 $0x6000, s12;
	s12 =	sadd.s32 $0x8000, s12  }
0x10: {  	s15 =	sadd.s32 $0xFFFFF800, s13;
	s14 =	smax.u32 s14, $0x1;
	s6 =	sadd.s32 s6, s0  }
0x11: {  	s0 =	sadd.s32 s5, s0;
	[dreg:$0x3] =	wrdreg s15;
	s15 =	simm.s32 $0x5  }
0x12: {  	v0 =	vimm.f32 $0.0e+00;
	s5 =	sadd.s32 $0x160000, s6;
	s6 =	sadd.s32 $0x14C000, s6;
	s13 =	sadd.s32 $0x84000, s0  }
.LBB2_1:
0x13: {  	[tilespmem:s3], [sflag:$0x5] =	stream.linear.gather [hbm4b:s5+s3], $0x5000, $0x38;
	[tilespmem:$0x1E000] =	vst v63  }
0x14: {  	_ =	swait.ge [sflag:s15], $0x5000  }
0x15: {  	[sflag:s15] =	ssyncset.done $0x0  }
0x16: {  	s0 =	simm.s32 $0x5000;
	[sflag:s15] =	ssyncadd.s32 $0xFFFFB000  }
0x17: {  	[tilespmem:s0], [sflag:$0x5] =	stream.linear.gather [hbm4b:s6+s3], $0x5000, $0x38;
	[tilespmem:$0x1E000] =	vst v63  }
0x18: {  	_ =	swait.ge [sflag:s15], $0x5000  }
0x19: {  	[sflag:s15] =	ssyncset.done $0x0  }
0x1a: {  	s31 =	simm.s32 $0x100;
	s0 =	simm.s32 $0x0;
	[sflag:s15] =	ssyncadd.s32 $0xFFFFB000  }
.LBB2_2:
0x1b: {  	p0 =	sne.s32 s31, $0x7F00;
	[tilespmem:s0+$0x12030] =	vst v0;
	s1 =	smov.u32 s31;
	s31 =	sadd.s32 $0x100, s31  }
.Ltmp0:
0x1c: {  	[tilespmem:s0+$0x12020] =	vst v0;
	(pc) =	sbr.rel @p0 .LBB2_2-.Ltmp0, $3  }
0x1d: {  	[tilespmem:s0+$0x12000] =	vst v0  }
0x1e: {  	[tilespmem:s0+$0x12010] =	vst v0;
	_ =	sdelay $0x1  }
0x1f: {  	s0 =	sshra.s32 s1, $0x2  }
0x20: {  	[tilespmem:s0+$0x12030] =	vst v0  }
0x21: {  	[tilespmem:s0+$0x12020] =	vst v0  }
0x22: {  	[tilespmem:s0+$0x12000] =	vst v0  }
0x23: {  	[tilespmem:s0+$0x12010] =	vst v0  }
0x24: {  	[spmem:s8] =	stream.linear.scatter [tilespmem:s17], [sflag:$0x5], $0x2000, $0x38;
	[tilespmem:$0x1E000] =	vst v63  }
0x25: {  	_ =	swait.ge [sflag:s15], $0x2000  }
0x26: {  	[sflag:s15] =	ssyncset.done $0x0  }
0x27: {  	[sflag:s15] =	ssyncadd.s32 $0xFFFFE000  }
0x28: {  	[spmem:s9] =	stream.linear.scatter [tilespmem:s17], [sflag:$0x5], $0x2000, $0x38;
	[tilespmem:$0x1E000] =	vst v63  }
0x29: {  	_ =	swait.ge [sflag:s15], $0x2000  }
0x2a: {  	[sflag:s15] =	ssyncset.done $0x0  }
0x2b: {  	[sflag:s15] =	ssyncadd.s32 $0xFFFFE000  }
0x2c: {  	[spmem:s10] =	stream.linear.scatter [tilespmem:s17], [sflag:$0x5], $0x2000, $0x38;
	[tilespmem:$0x1E000] =	vst v63  }
0x2d: {  	_ =	swait.ge [sflag:s15], $0x2000  }
0x2e: {  	[sflag:s15] =	ssyncset.done $0x0  }
0x2f: {  	[sflag:s15] =	ssyncadd.s32 $0xFFFFE000  }
0x30: {  	[spmem:s11] =	stream.linear.scatter [tilespmem:s17], [sflag:$0x5], $0x2000, $0x38;
	[tilespmem:$0x1E000] =	vst v63  }
0x31: {  	_ =	swait.ge [sflag:s15], $0x2000  }
0x32: {  	[sflag:s15] =	ssyncset.done $0x0  }
0x33: {  	[sflag:s15] =	ssyncadd.s32 $0xFFFFE000  }
0x34: {  	[spmem:s12] =	stream.linear.scatter [tilespmem:s17], [sflag:$0x5], $0x2000, $0x38;
	[tilespmem:$0x1E000] =	vst v63  }
0x35: {  	_ =	swait.ge [sflag:s15], $0x2000  }
0x36: {  	[sflag:s15] =	ssyncset.done $0x0  }
0x37: {  	[sflag:s15] =	ssyncadd.s32 $0xFFFFE000  }
0x38: {  	s31 =	simm.s32 $0x0;
	[bflag:$0x0] =	sbarrier.arrive $0xFFFF  }
0x39: {  	[tilespmem:s19], [sflag:$0x1] =	stream.indirect.gather [hbm4b:s4+s18], $0x40, s31, s18, $0xb8;
	[tilespmem:$0x1E000] =	vst v63  }
0x3a: {  	_ = 	snop  }
0x3b: {  	[tilespmem:s20], [sflag:$0x2] =	stream.indirect.gather [hbm4b:s4+s18], $0x40, s18, s18, $0xb8;
	[tilespmem:$0x1E000] =	vst v63  }
0x3c: {  	s21 =	simm.s32 $0x100  }
0x3d: {  	[tilespmem:s22], [sflag:$0x3] =	stream.indirect.gather [hbm4b:s4+s18], $0x40, s21, s18, $0xb8;
	[tilespmem:$0x1E000] =	vst v63  }
0x3e: {  	s23 =	simm.s32 $0x180;
	s0 =	simm.s32 $0x7  }
0x3f: {  	[tilespmem:s24], [sflag:$0x4] =	stream.indirect.gather [hbm4b:s4+s18], $0x40, s23, s18, $0xb8;
	[tilespmem:$0x1E000] =	vst v63  }
.LBB2_4:
0x40: {  	_ =	swait.ge [sflag:s25], $0x2000  }
0x41: {  	s1 =	sshra.s32 s31, $0x2;
	[sflag:s25] =	ssyncset.done $0x0  }
0x42: {  	s23 =	sadd.s32 $0xFFFFFFFD, s0;
	s16 =	sadd.s32 $0x5000, s1;
	[sflag:s25] =	ssyncadd.s32 $0xFFFFE000  }
0x43: {  	[spmem:s2] =	stream.indirect.scatter.add.f32 [tilespmem:s19], [sflag:$0x5], $0x40, s16, s18, $0xb8;
	[tilespmem:$0x1E000] =	vst v63  }
0x44: {  	p0 =	sge.u32 s23, s7;
	_ =	swait.ge [sflag:s15], $0x2000  }
0x45: {  	s21 =	simm.s32 @!p0 $0x80;
	s16 =	sshra.s32 @!p0 s31, $0x2;
	[sflag:s15] =	ssyncset.done $0x0  }
0x46: {  	s23 =	simm.s32 @!p0 $0xA000;
	s16 =	sadd.s32 @!p0 $0x200, s16;
	[sflag:s15] =	ssyncadd.s32 $0xFFFFE000  }
0x47: {  	[tilespmem:s23], [sflag:$0x1] =	stream.indirect.gather @!p0 [hbm4b:s4+s21], $0x40, s16, s21, $0xb8;
	[tilespmem:$0x1E000] =	vst v63  }
0x48: {  	_ =	swait.ge [sflag:s26], $0x2000  }
0x49: {  	[sflag:s26] =	ssyncset.done $0x0  }
0x4a: {  	s21 =	sadd.s32 $0x5080, s1;
	s23 =	sadd.s32 $0xFFFFFFFE, s0;
	[sflag:s26] =	ssyncadd.s32 $0xFFFFE000  }
0x4b: {  	[spmem:s2] =	stream.indirect.scatter.add.f32 [tilespmem:s20], [sflag:$0x5], $0x40, s21, s18, $0xb8;
	[tilespmem:$0x1E000] =	vst v63  }
0x4c: {  	p0 =	sge.u32 s23, s7;
	_ =	swait.ge [sflag:s15], $0x2000  }
0x4d: {  	s16 =	sshra.s32 @!p0 s31, $0x2;
	s23 =	simm.s32 @!p0 $0xC000;
	[sflag:s15] =	ssyncset.done $0x0  }
0x4e: {  	s16 =	sadd.s32 @!p0 $0x280, s16;
	s21 =	simm.s32 @!p0 $0x80;
	[sflag:s15] =	ssyncadd.s32 $0xFFFFE000  }
0x4f: {  	[tilespmem:s23], [sflag:$0x2] =	stream.indirect.gather @!p0 [hbm4b:s4+s21], $0x40, s16, s21, $0xb8;
	[tilespmem:$0x1E000] =	vst v63  }
0x50: {  	_ =	swait.ge [sflag:s28], $0x2000  }
0x51: {  	[sflag:s28] =	ssyncset.done $0x0  }
0x52: {  	s21 =	sadd.s32 $0x5100, s1;
	s23 =	sadd.s32 $0xFFFFFFFF, s0;
	[sflag:s28] =	ssyncadd.s32 $0xFFFFE000  }
0x53: {  	[spmem:s2] =	stream.indirect.scatter.add.f32 [tilespmem:s22], [sflag:$0x5], $0x40, s21, s18, $0xb8;
	[tilespmem:$0x1E000] =	vst v63  }
0x54: {  	p0 =	sge.u32 s23, s7;
	_ =	swait.ge [sflag:s15], $0x2000  }
0x55: {  	s16 =	sshra.s32 @!p0 s31, $0x2;
	s23 =	simm.s32 @!p0 $0xE000;
	[sflag:s15] =	ssyncset.done $0x0  }
0x56: {  	s16 =	sadd.s32 @!p0 $0x300, s16;
	s21 =	simm.s32 @!p0 $0x80;
	[sflag:s15] =	ssyncadd.s32 $0xFFFFE000  }
0x57: {  	[tilespmem:s23], [sflag:$0x3] =	stream.indirect.gather @!p0 [hbm4b:s4+s21], $0x40, s16, s21, $0xb8;
	[tilespmem:$0x1E000] =	vst v63  }
0x58: {  	_ =	swait.ge [sflag:s29], $0x2000  }
0x59: {  	[sflag:s29] =	ssyncset.done $0x0  }
0x5a: {  	s1 =	sadd.s32 $0x5180, s1;
	p0 =	sge.u32 s0, s7;
	[sflag:s29] =	ssyncadd.s32 $0xFFFFE000  }
0x5b: {  	[spmem:s2] =	stream.indirect.scatter.add.f32 [tilespmem:s24], [sflag:$0x5], $0x40, s1, s18, $0xb8;
	[tilespmem:$0x1E000] =	vst v63  }
0x5c: {  	s16 =	simm.s32 @!p0 $0x80;
	s21 =	simm.s32 @!p0 $0x10000;
	_ =	swait.ge [sflag:s15], $0x2000  }
0x5d: {  	s1 =	sshra.s32 @!p0 s31, $0x2;
	s31 =	sadd.s32 $0x800, s31;
	[sflag:s15] =	ssyncset.done $0x0  }
0x5e: {  	s1 =	sadd.s32 @!p0 $0x380, s1;
	s23 =	rddreg [dreg:$0x3];
	[sflag:s15] =	ssyncadd.s32 $0xFFFFE000  }
0x5f: {  	[tilespmem:s21], [sflag:$0x4] =	stream.indirect.gather @!p0 [hbm4b:s4+s16], $0x40, s1, s16, $0xb8;
	[tilespmem:$0x1E000] =	vst v63  }
0x60: {  	p0 =	sne.s32 s23, s31  }
.Ltmp1:
0x61: {  	_ = 	snop;
	(pc) =	sbr.rel @p0 .LBB2_4-.Ltmp1, $2  }
0x62: {  	_ =	sdelay $0x2  }
0x63: {  	s0 =	sadd.s32 $0x4, s0  }
0x64: {  	_ =	swait.ge [sflag:s25], $0x2000  }
0x65: {  	s1 =	sshra.s32 s31, $0x2;
	[sflag:s25] =	ssyncset.done $0x0  }
0x66: {  	s21 =	sadd.s32 $0xFFFFFFFD, s0;
	s16 =	sadd.s32 $0x5000, s1;
	[sflag:s25] =	ssyncadd.s32 $0xFFFFE000  }
0x67: {  	[spmem:s2] =	stream.indirect.scatter.add.f32 [tilespmem:s19], [sflag:$0x5], $0x40, s16, s18, $0xb8;
	[tilespmem:$0x1E000] =	vst v63  }
0x68: {  	p0 =	sge.u32 s21, s7;
	_ =	swait.ge [sflag:s15], $0x2000  }
0x69: {  	s21 =	simm.s32 @!p0 $0x80;
	s16 =	sshra.s32 @!p0 s31, $0x2;
	[sflag:s15] =	ssyncset.done $0x0  }
0x6a: {  	s23 =	simm.s32 @!p0 $0xA000;
	s16 =	sadd.s32 @!p0 $0x200, s16;
	[sflag:s15] =	ssyncadd.s32 $0xFFFFE000  }
0x6b: {  	[tilespmem:s23], [sflag:$0x1] =	stream.indirect.gather @!p0 [hbm4b:s4+s21], $0x40, s16, s21, $0xb8;
	[tilespmem:$0x1E000] =	vst v63  }
0x6c: {  	_ =	swait.ge [sflag:s26], $0x2000  }
0x6d: {  	[sflag:s26] =	ssyncset.done $0x0  }
0x6e: {  	s23 =	sadd.s32 $0x5080, s1;
	s21 =	sadd.s32 $0xFFFFFFFE, s0;
	[sflag:s26] =	ssyncadd.s32 $0xFFFFE000  }
0x6f: {  	[spmem:s2] =	stream.indirect.scatter.add.f32 [tilespmem:s20], [sflag:$0x5], $0x40, s23, s18, $0xb8;
	[tilespmem:$0x1E000] =	vst v63  }
0x70: {  	p0 =	sge.u32 s21, s7;
	_ =	swait.ge [sflag:s15], $0x2000  }
0x71: {  	s16 =	sshra.s32 @!p0 s31, $0x2;
	s21 =	simm.s32 @!p0 $0x80;
	[sflag:s15] =	ssyncset.done $0x0  }
0x72: {  	s16 =	sadd.s32 @!p0 $0x280, s16;
	s23 =	simm.s32 @!p0 $0xC000;
	[sflag:s15] =	ssyncadd.s32 $0xFFFFE000  }
0x73: {  	[tilespmem:s23], [sflag:$0x2] =	stream.indirect.gather @!p0 [hbm4b:s4+s21], $0x40, s16, s21, $0xb8;
	[tilespmem:$0x1E000] =	vst v63  }
0x74: {  	_ =	swait.ge [sflag:s28], $0x2000  }
0x75: {  	[sflag:s28] =	ssyncset.done $0x0  }
0x76: {  	s23 =	sadd.s32 $0x5100, s1;
	s21 =	sadd.s32 $0xFFFFFFFF, s0;
	[sflag:s28] =	ssyncadd.s32 $0xFFFFE000  }
0x77: {  	[spmem:s2] =	stream.indirect.scatter.add.f32 [tilespmem:s22], [sflag:$0x5], $0x40, s23, s18, $0xb8;
	[tilespmem:$0x1E000] =	vst v63  }
0x78: {  	p0 =	sge.u32 s21, s7;
	_ =	swait.ge [sflag:s15], $0x2000  }
0x79: {  	s16 =	sshra.s32 @!p0 s31, $0x2;
	s21 =	simm.s32 @!p0 $0x80;
	[sflag:s15] =	ssyncset.done $0x0  }
0x7a: {  	s16 =	sadd.s32 @!p0 $0x300, s16;
	s23 =	simm.s32 @!p0 $0xE000;
	[sflag:s15] =	ssyncadd.s32 $0xFFFFE000  }
0x7b: {  	[tilespmem:s23], [sflag:$0x3] =	stream.indirect.gather @!p0 [hbm4b:s4+s21], $0x40, s16, s21, $0xb8;
	[tilespmem:$0x1E000] =	vst v63  }
0x7c: {  	_ =	swait.ge [sflag:s29], $0x2000  }
0x7d: {  	[sflag:s29] =	ssyncset.done $0x0  }
0x7e: {  	s30 =	sadd.s32 $0x1, s30;
	s1 =	sadd.s32 $0x5180, s1;
	[sflag:s29] =	ssyncadd.s32 $0xFFFFE000  }
0x7f: {  	[spmem:s2] =	stream.indirect.scatter.add.f32 [tilespmem:s24], [sflag:$0x5], $0x40, s1, s18, $0xb8;
	[tilespmem:$0x1E000] =	vst v63  }
0x80: {  	p0 =	sge.u32 s0, s7;
	s23 =	stileid.u32;
	_ =	swait.ge [sflag:s15], $0x2000  }
0x81: {  	s0 =	sshra.s32 @!p0 s31, $0x2;
	s16 =	simm.s32 @!p0 $0x10000;
	[sflag:s15] =	ssyncset.done $0x0  }
0x82: {  	s0 =	sadd.s32 @!p0 $0x380, s0;
	s1 =	simm.s32 @!p0 $0x80;
	[sflag:s15] =	ssyncadd.s32 $0xFFFFE000  }
0x83: {  	[tilespmem:s16], [sflag:$0x4] =	stream.indirect.gather @!p0 [hbm4b:s4+s1], $0x40, s0, s1, $0xb8;
	[tilespmem:$0x1E000] =	vst v63  }
0x84: {  	s31 =	sshrl.u32 s8, $0x3;
	s0 =	sshll.u32 s23, $0x6;
	p0 =	sne.s32 s30, s14  }
.Ltmp2:
0x85: {  	[bflag:$0x0] =	sbarrier.arrive $0xFFFF;
	s0 =	sor.u32 $0x1C05, s0;
	(pc) =	sbr.rel @p0 .LBB2_1-.Ltmp2, $4  }
0x86: {  	[hbm:s13], [sflag:s0] =	dma.local [spmem:s31], $0x1400  }
0x87: {  	_ =	swait.ge [sflag:s15], $0x1400  }
0x88: {  	[sflag:s15] =	ssyncset.done $0x0  }
0x89: {  	[sflag:s15] =	ssyncadd.s32 $0xFFFFEC00  }
0x8a: {  	_ =	sfence.sel $0x180000  }
0x8b: {  	[bflag:$0x0] =	sbarrier.arrive $0xFFFF  }
0x8c: {  	_ =	strace $0x9000004D  }
0x8d: {  	s0 =	stileid.u32;
	[bflag:$0x2] =	sbarrier.arrive $0xFFFF  }
0x8e: {  	p0 =	sne.s32 s0, $0x0;
	s0 =	rddreg [dreg:$0x2]  }
0x8f: {  	s0 =	sadd.s32 @!p0 $0x100000, s0  }
0x90: {  	[sflag:s0] =	ssyncadd.tile.s32 @!p0 $0x1;
	_ =	shalt  }
.Lfunc_end2:
_tile_overlayer_lowered:
.L_overlay_start_2:
0x91: {  	(tag) =	ssettag $0x2  }
0x92: {  	s0 =	rddreg [dreg:$0x0];
	s2 =	stileid.u32  }
0x93: {  	s1 =	rddreg [dreg:$0x1];
	p0 =	sne.s32 s2, $0x0  }
0x94: {  	s3 =	rddreg [dreg:$0x2];
	[bflag:$0x3] =	sbarrier.arrive $0xFFFF;
	s2 =	simm.s32 @!p0 $0x1C05  }
0x95: {  	[timem:s3], [sflag:s2] =	dma.local @!p0 [hbm:s0], s1  }
0x96: {  	s0 =	simm.s32 @!p0 $0x5  }
0x97: {  	_ =	swait.ge @!p0 [sflag:s0], s1  }
0x98: {  	s1 =	ssub.s32 @!p0 $0x0, s1;
	[sflag:s0] =	ssyncset.done @!p0 $0x0  }
0x99: {  	[sflag:s0] =	ssyncadd.s32 @!p0 s1  }
0x9a: {  	[bflag:$0x3] =	sbarrier.arrive $0xFFFF  }
0x9b: {  	_ =	shalt  }

// kernel: kernel.8.cloned.1.call-start
scs
__scs_entry_jumppad:
0x0: {  	(pc) =	sbr.rel $0x88, $3  }
0x1: {  	(tag) =	ssettag $0x0;
	lr =	simm.s32 $0x1  }
0x2: {  	[smem:$0x3F9B] =	sst lr;
	_ =	strace $0xD0000000  }
0x3: {  	_ = 	snop  }
0x4: {  	_ = 	snop  }
0x5: {  	_ = 	snop  }
0x6: {  	_ = 	snop  }
0x7: {  	_ = 	snop  }
__scs_overlays_trampoline_lowered:
0x8: {  	[smem:$0x3FAA] =	sst s0  }
0x9: {  	[smem:$0x3FAB] =	sst s1  }
0xa: {  	[smem:$0x3FAC] =	sst s2  }
0xb: {  	[smem:$0x3FAD] =	sst s3  }
0xc: {  	[smem:$0x3FAE] =	sst s4  }
0xd: {  	[smem:$0x3FAF] =	sst s5  }
0xe: {  	[smem:$0x3FB0] =	sst s6  }
0xf: {  	[smem:$0x3FB1] =	sst s7  }
0x10: {  	[smem:$0x3FB2] =	sst s8  }
0x11: {  	[smem:$0x3FB3] =	sst s9;
	s0 =	simm.s32 @!p0 $0x0  }
0x12: {  	s1 =	sld [smem:$0x3F99];
	s0 =	simm.s32 @p0 $0x1  }
0x13: {  	[smem:$0x3FB4] =	sst s0;
	s0 =	simm.s32 @!p1 $0x0  }
0x14: {  	s2 =	sld [smem:$0x3F98];
	s0 =	simm.s32 @p1 $0x1  }
0x15: {  	[smem:$0x3FB5] =	sst s0;
	s0 =	simm.s32 @!p2 $0x0  }
0x16: {  	s3 =	sld [smem:$0x3FDB];
	s0 =	simm.s32 @p2 $0x1  }
0x17: {  	s4 =	simm.s32 $0x1BF5;
	[smem:$0x3FB7] =	sst s0  }
0x18: {  	s0 =	sld [smem:$0x3F9A];
	_ =	swait.ge [sflag:s4], $0x0  }
0x19: {  	s7 =	sld [smem:$0x3F9B]  }
0x1a: {  	s8 =	sadd.s32 $0xFFFFE003, lr  }
0x1b: {  	s9 =	sadd.s32 $0xFFFFFEF7, lr;
	s5 =	simm.s32 $0xFFFFFFFF;
	p2 =	slt.u32 s8, $0xFFFFF086  }
0x1c: {  	p1 =	slt.u32 s9, $0xF7A;
	s5 =	simm.s32 @!p2 $0x0  }
0x1d: {  	s5 =	simm.s32 @p1 $0x1;
	p0 =	seq.s32 s7, s2  }
0x1e: {  	s7 =	smul.u32 @!p0 $0xF7A, s2;
	p2 =	seq.s32 @!p0 s5, $0x0  }
0x1f: {  	s9 =	smul.u32 $0xF7A, s1;
	s8 =	simm.s32 @!p0 $0x1BF5;
	p2 =	por !p2, p0  }
0x20: {  	[sflag:s8] =	ssyncset.s32 @!p0 $0xFFFFF086;
	s6 =	sadd.s32 @!p0 s3, s7;
	s7 =	simm.s32 @!p0 $0x108  }
0x21: {  	s3 =	sadd.s32 s3, s9;
	s6 =	sadd.s32 @!p0 $0x88, s6;
	s7 =	simm.s32 @p2 $0x1082  }
0x22: {  	[simem:s7], [sflag:s8] =	dma.local @!p0 [hbm:s6], $0xF7A  }
0x23: {  	s9 =	sor.u32 $0xD0000000, s2;
	s6 =	simm.s32 $0x108;
	_ =	swait.ge @!p0 [sflag:s8], $0x0  }
0x24: {  	s3 =	sadd.s32 $0x88, s3;
	s6 =	simm.s32 @!p1 $0x1082;
	[sflag:s4] =	ssyncset.s32 $0xFFFFF086  }
0x25: {  	[simem:s6], [sflag:s4] =	dma.local [hbm:s3], $0xF7A  }
0x26: {  	[smem:$0x3F9B] =	sst s1;
	(tag) =	ssettag s2;
	_ =	strace s9  }
0x27: {  	s1 =	sld [smem:$0x3FAB]  }
0x28: {  	s2 =	sld [smem:$0x3FAC]  }
0x29: {  	s4 =	sld [smem:$0x3FAE]  }
0x2a: {  	p0 =	seq.s32 s5, $0x0;
	s5 =	sld [smem:$0x3FAF]  }
0x2b: {  	s6 =	sld [smem:$0x3FB0]  }
0x2c: {  	s7 =	sld [smem:$0x3FB1]  }
0x2d: {  	s3 =	simm.s32 $0x108;
	s8 =	sld [smem:$0x3FB2]  }
0x2e: {  	s3 =	simm.s32 @!p0 $0x1082;
	s9 =	sld [smem:$0x3FB3]  }
0x2f: {  	lr =	sadd.s32 s0, s3;
	s0 =	sld [smem:$0x3FAA]  }
0x30: {  	s3 =	sld [smem:$0x3FAD]  }
0x31: {  	[smem:$0x3FB6] =	sst s10  }
0x32: {  	s10 =	sld [smem:$0x3FB4];
	_ =	sdelay $0x3  }
0x33: {  	p0 =	seq.s32 s10, $0x1;
	s10 =	sld [smem:$0x3FB6];
	_ =	sdelay $0x3  }
0x34: {  	[smem:$0x3FB6] =	sst s10  }
0x35: {  	s10 =	sld [smem:$0x3FB5];
	_ =	sdelay $0x3  }
0x36: {  	p1 =	seq.s32 s10, $0x1;
	s10 =	sld [smem:$0x3FB6];
	_ =	sdelay $0x3  }
0x37: {  	[smem:$0x3FB6] =	sst s10  }
0x38: {  	s10 =	sld [smem:$0x3FB7]  }
0x39: {  	_ = 	snop;
	(pc) =	sbr.ind lr, $3  }
0x3a: {  	_ = 	snop  }
0x3b: {  	_ = 	snop  }
0x3c: {  	p2 =	seq.s32 s10, $0x1;
	s10 =	sld [smem:$0x3FB6]  }
0x3d: {  	_ =	shalt  }
0x3e: {  	_ =	shalt  }
0x3f: {  	_ =	shalt  }
0x40: {  	_ =	shalt  }
0x41: {  	_ =	shalt  }
0x42: {  	_ =	shalt  }
0x43: {  	_ =	shalt  }
0x44: {  	_ =	shalt  }
0x45: {  	_ =	shalt  }
0x46: {  	_ =	shalt  }
0x47: {  	_ =	shalt  }
0x48: {  	_ =	shalt  }
0x49: {  	_ =	shalt  }
0x4a: {  	_ =	shalt  }
0x4b: {  	_ =	shalt  }
0x4c: {  	_ =	shalt  }
0x4d: {  	_ =	shalt  }
0x4e: {  	_ =	shalt  }
0x4f: {  	_ =	shalt  }
0x50: {  	_ =	shalt  }
0x51: {  	_ =	shalt  }
0x52: {  	_ =	shalt  }
0x53: {  	_ =	shalt  }
0x54: {  	_ =	shalt  }
0x55: {  	_ =	shalt  }
0x56: {  	_ =	shalt  }
0x57: {  	_ =	shalt  }
0x58: {  	_ =	shalt  }
0x59: {  	_ =	shalt  }
0x5a: {  	_ =	shalt  }
0x5b: {  	_ =	shalt  }
0x5c: {  	_ =	shalt  }
0x5d: {  	_ =	shalt  }
0x5e: {  	_ =	shalt  }
0x5f: {  	_ =	shalt  }
0x60: {  	_ =	shalt  }
0x61: {  	_ =	shalt  }
0x62: {  	_ =	shalt  }
0x63: {  	_ =	shalt  }
0x64: {  	_ =	shalt  }
0x65: {  	_ =	shalt  }
0x66: {  	_ =	shalt  }
0x67: {  	_ =	shalt  }
0x68: {  	_ =	shalt  }
0x69: {  	_ =	shalt  }
0x6a: {  	_ =	shalt  }
0x6b: {  	_ =	shalt  }
0x6c: {  	_ =	shalt  }
0x6d: {  	_ =	shalt  }
0x6e: {  	_ =	shalt  }
0x6f: {  	_ =	shalt  }
0x70: {  	_ =	shalt  }
0x71: {  	_ =	shalt  }
0x72: {  	_ =	shalt  }
0x73: {  	_ =	shalt  }
0x74: {  	_ =	shalt  }
0x75: {  	_ =	shalt  }
0x76: {  	_ =	shalt  }
0x77: {  	_ =	shalt  }
0x78: {  	_ =	shalt  }
0x79: {  	_ =	shalt  }
0x7a: {  	_ =	shalt  }
0x7b: {  	_ =	shalt  }
0x7c: {  	_ =	shalt  }
0x7d: {  	_ =	shalt  }
0x7e: {  	_ =	shalt  }
0x7f: {  	_ =	shalt  }
0x80: {  	_ =	shalt  }
0x81: {  	_ =	shalt  }
0x82: {  	_ =	shalt  }
0x83: {  	_ =	shalt  }
0x84: {  	_ =	shalt  }
0x85: {  	_ =	shalt  }
0x86: {  	_ =	shalt  }
0x87: {  	_ =	shalt  }
.Lfunc_end0:
.L_simem_size_0:
called_computation_lowered:
.L_overlay_start_0:
0x88: {  	s2 =	sld [smem:$0x3FD9]  }
0x89: {  	s3 =	sld [smem:$0x3FFE];
	_ =	sdelay $0x1  }
0x8a: {  	s1 =	srdreg.scid  }
0x8b: {  	s0 =	sand.u32 $0x1, s1  }
0x8c: {  	s17 =	sshll.u32 s0, $0xA;
	s2 =	sadd.s32 s3, s2  }
0x8d: {  	s2 =	sadd.s32 s2, s17  }
0x8e: {  	[smem:$0x3FC2] =	sst s2  }
0x8f: {  	_ = 	snop  }
0x90: {  	s2 =	sld [smem:$0x3FD0];
	(tm) =	ssettm $0x1  }
0x91: {  	s18 =	sld [smem:$0x3FFB];
	_ =	sdelay $0x3  }
0x92: {  	_ =	strace s18  }
0x93: {  	s3 =	sld [smem:$0x3FFC];
	_ =	sdelay $0x3  }
0x94: {  	_ =	strace s3  }
0x95: {  	s3 =	sld [smem:$0x3FFD];
	_ =	sdelay $0x3  }
0x96: {  	_ =	strace s3  }
0x97: {  	_ =	strace $0x8FFFFFFF  }
0x98: {  	s19 =	sld [smem:$0x3FDB];
	_ =	sdelay $0x1  }
0x99: {  	s4 =	simm.s32 $_scs_section_size  }
0x9a: {  	s5 =	simm.s32 $_size__tile_overlayer_lowered;
	s6 =	simm.s32 $_tile_overlayer_lowered  }
0x9b: {  	s22 =	simm.s32 $0x1BFF;
	s21 =	sshll.u32 s6, $0x1;
	s3 =	sadd.s32 s4, s19  }
0x9c: {  	s7 =	simm.s32 $0x0;
	s20 =	sshll.u32 s5, $0x1;
	s5 =	sadd.s32 s21, s3  }
0x9d: {  	[timem:s7], [sflag:s22] =	dma.local [hbm:s5], s20  }
0x9e: {  	_ =	swait.ge [sflag:s22], s20  }
0x9f: {  	s4 =	ssub.s32 $0x0, s20;
	[sflag:s22] =	ssyncset.done $0x0  }
0xa0: {  	[sflag:s22] =	ssyncadd.s32 s4;
	_ =	sdelay $0x1  }
0xa1: {  	s23 =	simm.s32 $0x1B8B  }
0xa2: {  	_ =	swait.ge [sflag:s23], $0x1  }
0xa3: {  	[sflag:s23] =	ssyncset.done $0x0  }
0xa4: {  	s25 =	simm.s32 $0x1B8E;
	s24 =	sld [smem:$0x3FFE];
	[sflag:s23] =	ssyncadd.s32 $0xFFFFFFFF  }
0xa5: {  	s26 =	simm.s32 $execute0_lowered;
	[smem:$0x3FD2] =	sst s25  }
0xa6: {  	s5 =	sshll.u32 s26, $0x1;
	_ =	strace $0x80000046;
	[dreg:$0x1] =	wrdreg $0xFFFFFFFF  }
0xa7: {  	s28 =	simm.s32 $_size_execute0_lowered;
	s3 =	sadd.s32 s3, s5;
	[dreg:$0x0] =	wrdreg $0x0  }
0xa8: {  	s5 =	sshll.u32 s28, $0x1;
	[dreg:$0x2] =	wrdreg s3  }
0xa9: {  	[dreg:$0x3] =	wrdreg s5  }
0xaa: {  	[dreg:$0x4] =	wrdreg $0xC0  }
0xab: {  	_ =	task [dreg:s7], $0x5FFFF  }
0xac: {  	[dreg:$0x1] =	wrdreg $0xFFFFFFFF  }
0xad: {  	[dreg:$0x0] =	wrdreg $0x60  }
0xae: {  	[dreg:$0x2] =	wrdreg s2  }
0xaf: {  	[dreg:$0x3] =	wrdreg s24  }
0xb0: {  	[dreg:$0x4] =	wrdreg $0x38000  }
0xb1: {  	[dreg:$0x5] =	wrdreg $0x9  }
0xb2: {  	_ =	task.clear_ibuf [dreg:s7], $0x6FFFF;
	_ =	strace $0x90000046  }
0xb3: {  	s29 =	simm.s32 $0x9;
	_ =	strace $0x80000048  }
0xb4: {  	_ =	swait.ge [sflag:s29], $0x1  }
0xb5: {  	[sflag:s29] =	ssyncadd.s32 $0xFFFFFFFF  }
0xb6: {  	_ =	strace $0x90000048  }
0xb7: {  	_ =	sfence  }
0xb8: {  	s30 =	sld [smem:$0x0];
	_ =	sdelay $0x2  }
0xb9: {  	s31 =	sshll.u32 s1, $0xD;
	s1 =	sshrl.u32 s1, $0x2  }
0xba: {  	s3 =	sand.u32 $0x4000, s31;
	s1 =	sadd.s32 s1, s30  }
0xbb: {  	s0 =	sor.u32 s3, s0;
	s1 =	sshll.u32 s1, $0x11  }
0xbc: {  	s0 =	sor.u32 s1, s0  }
0xbd: {  	s0 =	sadd.s32 $0x8F2B, s0  }
0xbe: {  	[sflag:s0] =	ssyncadd.remote.s32 $0x1  }
0xbf: {  	_ =	sfence.sel $0xFFFF  }
0xc0: {  	[dreg:$0x0] =	wrdreg $0xFFFFFFFF;
	(pc) =	sbr.abs _section_cstart, $3  }
0xc1: {  	[dreg:$0x1] =	wrdreg $0xFFFFFFFF  }
0xc2: {  	_ =	task.clear_ibuf [dreg:s7], $0x2FFFF;
	_ =	strace $0x9FFFFFFF  }
0xc3: {  	(tm) =	ssettm $0x7FFFFFFF  }
tec
execute0_lowered:
.L_overlay_start_1:
0x0: {  	(tag) =	ssettag $0x1  }
0x1: {  	s4 =	rddreg [dreg:$0x0]  }
0x2: {  	s5 =	rddreg [dreg:$0x1]  }
0x3: {  	s2 =	rddreg [dreg:$0x2]  }
0x4: {  	s0 =	rddreg [dreg:$0x3]  }
0x5: {  	s6 =	srdreg.scid;
	s1 =	stileid.u32;
	s3 =	simm.s32 $0x0  }
0x6: {  	s13 =	simm.s32 $0x3000;
	s14 =	simm.s32 $0x80;
	s15 =	simm.s32 $0x2800  }
0x7: {  	s18 =	simm.s32 $0x0;
	s6 =	sand.u32 $0x1, s6;
	s7 =	smul.u32 $0x2800, s1  }
0x8: {  	[smem:$0x7FF] =	sst s3;
	s10 =	smul.u32 $0xA000, s1;
	s16 =	sshll.u32 s1, $0x6  }
0x9: {  	s8 =	smul.u32 $0x28000, s6;
	_ =	strace $0x80000047;
	s9 =	sshll.u32 s6, $0x4  }
0xa: {  	s6 =	ssub.s32 $0x2, s6;
	s16 =	sor.u32 $0x1C01, s16;
	s9 =	sor.u32 s1, s9  }
0xb: {  	s29 =	sshrl.u32 s6, $0x1;
	s30 =	sshrl.u32 s10, $0x2;
	s8 =	sadd.s32 s7, s8  }
0xc: {  	s9 =	smul.u32 $0x500, s9;
	s31 =	sadd.s32 s30, s2;
	s8 =	sshrl.u32 s8, $0x3  }
0xd: {  	s12 =	ssub.s32 s6, s29;
	s6 =	sadd.s32 $0x800, s31;
	s11 =	sadd.s32 s8, s5  }
0xe: {  	s4 =	sadd.s32 s4, s9;
	s5 =	sadd.s32 s7, s2;
	s7 =	sadd.s32 $0x1000, s31  }
0xf: {  	s8 =	sadd.s32 $0x1800, s31;
	s9 =	sadd.s32 $0x2000, s31;
	s10 =	sadd.s32 $0x2000, s11  }
0x10: {  	v0 =	vimm.f32 $1.000000000e+00;
	v1 =	vimm.f32 $0.0e+00;
	s11 =	smax.u32 s12, $0x1;
	s12 =	simm.s32 $0x1;
	s17 =	sshrl.u32 s5, $0x3  }
.LBB2_1:
0x11: {  	[tilespmem:s3], [sflag:$0x1] =	stream.linear.gather [hbm4b:s4+s3], $0x2800, $0x38;
	[tilespmem:$0x6000] =	vst v63  }
0x12: {  	_ =	swait.ge [sflag:s12], $0x2800  }
0x13: {  	[sflag:s12] =	ssyncset.done $0x0  }
0x14: {  	s19 =	simm.s32 $0x40;
	s20 =	simm.s32 $0x0;
	[sflag:s12] =	ssyncadd.s32 $0xFFFFD800  }
.LBB2_2:
0x15: {  	p0 =	sne.s32 s19, $0x1FC0;
	[tilespmem:s20+$0x2800] =	vst v0;
	s21 =	smov.u32 s19;
	s19 =	sadd.s32 $0x40, s19  }
.Ltmp0:
0x16: {  	[tilespmem:s20+$0x3000] =	vst v1;
	(pc) =	sbr.rel @p0 .LBB2_2-.Ltmp0, $2  }
0x17: {  	_ =	sdelay $0x2  }
0x18: {  	s20 =	sshra.s32 s21, $0x2  }
0x19: {  	[tilespmem:s20+$0x2800] =	vst v0  }
0x1a: {  	[tilespmem:s20+$0x3000] =	vst v1  }
0x1b: {  	[spmem:s5] =	stream.linear.scatter [tilespmem:s13], [sflag:$0x1], $0x800, $0x38;
	[tilespmem:$0x6000] =	vst v63  }
0x1c: {  	_ =	swait.ge [sflag:s12], $0x800  }
0x1d: {  	[sflag:s12] =	ssyncset.done $0x0  }
0x1e: {  	[sflag:s12] =	ssyncadd.s32 $0xFFFFF800  }
0x1f: {  	[spmem:s6] =	stream.linear.scatter [tilespmem:s13], [sflag:$0x1], $0x800, $0x38;
	[tilespmem:$0x6000] =	vst v63  }
0x20: {  	_ =	swait.ge [sflag:s12], $0x800  }
0x21: {  	[sflag:s12] =	ssyncset.done $0x0  }
0x22: {  	[sflag:s12] =	ssyncadd.s32 $0xFFFFF800  }
0x23: {  	[spmem:s7] =	stream.linear.scatter [tilespmem:s13], [sflag:$0x1], $0x800, $0x38;
	[tilespmem:$0x6000] =	vst v63  }
0x24: {  	_ =	swait.ge [sflag:s12], $0x800  }
0x25: {  	[sflag:s12] =	ssyncset.done $0x0  }
0x26: {  	[sflag:s12] =	ssyncadd.s32 $0xFFFFF800  }
0x27: {  	[spmem:s8] =	stream.linear.scatter [tilespmem:s13], [sflag:$0x1], $0x800, $0x38;
	[tilespmem:$0x6000] =	vst v63  }
0x28: {  	_ =	swait.ge [sflag:s12], $0x800  }
0x29: {  	[sflag:s12] =	ssyncset.done $0x0  }
0x2a: {  	[sflag:s12] =	ssyncadd.s32 $0xFFFFF800  }
0x2b: {  	[spmem:s9] =	stream.linear.scatter [tilespmem:s13], [sflag:$0x1], $0x800, $0x38;
	[tilespmem:$0x6000] =	vst v63  }
0x2c: {  	_ =	swait.ge [sflag:s12], $0x800  }
0x2d: {  	[sflag:s12] =	ssyncset.done $0x0  }
0x2e: {  	[sflag:s12] =	ssyncadd.s32 $0xFFFFF800  }
0x2f: {  	s19 =	simm.s32 $0x0;
	[bflag:$0x0] =	sbarrier.arrive $0xFFFF  }
0x30: {  	[spmem:s2] =	stream.indirect.scatter.add.f32 [tilespmem:s15], [sflag:$0x1], $0x10, s19, s14, $0xb8;
	[tilespmem:$0x6000] =	vst v63  }
0x31: {  	_ =	swait.ge [sflag:s12], $0x800  }
0x32: {  	s19 =	simm.s32 $0x200;
	[sflag:s12] =	ssyncset.done $0x0  }
.LBB2_4:
0x33: {  	s20 =	sshra.s32 s19, $0x2;
	[sflag:s12] =	ssyncadd.s32 $0xFFFFF800;
	p0 =	sne.s32 s19, $0x9E00  }
0x34: {  	[spmem:s2] =	stream.indirect.scatter.add.f32 [tilespmem:s15], [sflag:$0x1], $0x10, s20, s14, $0xb8;
	[tilespmem:$0x6000] =	vst v63  }
.Ltmp1:
0x35: {  	_ = 	snop;
	(pc) =	sbr.rel @p0 .LBB2_4-.Ltmp1, $4  }
0x36: {  	_ = 	snop  }
0x37: {  	s19 =	sadd.s32 $0x200, s19  }
0x38: {  	_ =	swait.ge [sflag:s12], $0x800  }
0x39: {  	[sflag:s12] =	ssyncset.done $0x0  }
0x3a: {  	s18 =	sadd.s32 $0x1, s18  }
0x3b: {  	[sflag:s12] =	ssyncadd.s32 $0xFFFFF800;
	p0 =	sne.s32 s18, s11  }
.Ltmp2:
0x3c: {  	[bflag:$0x0] =	sbarrier.arrive $0xFFFF;
	(pc) =	sbr.rel @p0 .LBB2_1-.Ltmp2, $4  }
0x3d: {  	[hbm:s10], [sflag:s16] =	dma.local [spmem:s17], $0x500  }
0x3e: {  	_ =	swait.ge [sflag:s12], $0x500  }
0x3f: {  	[sflag:s12] =	ssyncset.done $0x0  }
0x40: {  	[sflag:s12] =	ssyncadd.s32 $0xFFFFFB00  }
0x41: {  	_ =	sfence.sel $0x180000  }
0x42: {  	[bflag:$0x0] =	sbarrier.arrive $0xFFFF  }
0x43: {  	p0 =	sne.s32 s1, $0x0;
	_ =	strace $0x90000047  }
0x44: {  	s0 =	sadd.s32 @!p0 $0x100000, s0;
	[bflag:$0x2] =	sbarrier.arrive $0xFFFF  }
0x45: {  	[sflag:s0] =	ssyncadd.tile.s32 @!p0 $0x1;
	_ =	shalt  }
.Lfunc_end2:
_tile_overlayer_lowered:
.L_overlay_start_2:
0x46: {  	(tag) =	ssettag $0x2  }
0x47: {  	s0 =	rddreg [dreg:$0x0];
	s2 =	stileid.u32  }
0x48: {  	s1 =	rddreg [dreg:$0x1];
	p0 =	sne.s32 s2, $0x0  }
0x49: {  	s3 =	rddreg [dreg:$0x2];
	[bflag:$0x3] =	sbarrier.arrive $0xFFFF;
	s2 =	simm.s32 @!p0 $0x1C01  }
0x4a: {  	[timem:s3], [sflag:s2] =	dma.local @!p0 [hbm:s0], s1  }
0x4b: {  	s0 =	simm.s32 @!p0 $0x1  }
0x4c: {  	_ =	swait.ge @!p0 [sflag:s0], s1  }
0x4d: {  	s1 =	ssub.s32 @!p0 $0x0, s1;
	[sflag:s0] =	ssyncset.done @!p0 $0x0  }
0x4e: {  	[sflag:s0] =	ssyncadd.s32 @!p0 s1  }
0x4f: {  	[bflag:$0x3] =	sbarrier.arrive $0xFFFF  }
0x50: {  	_ =	shalt  }

</sc_bundles>
